<compile_context>
chip_gen: v7x
topology: tpu7x:2x2x1
jax: 0.10.2.dev20260603
libtpu: 0.0.44.dev20260713+nightly
codegen_flags: <defaults>
</compile_context>

<pallas_src>
import functools

import jax
import jax.numpy as jnp
from jax import lax
from jax.experimental import pallas as pl
from jax.experimental.pallas import tpu as pltpu
from jax.experimental.pallas import tpu_sc as plsc

NUM_PARENTS = 8
CHILDREN_PER_PARENT = 16
NUM_CLASSES = NUM_PARENTS + NUM_PARENTS * CHILDREN_PER_PARENT
BATCH = 16384

NC = 2
NS = 16
L = 16
NW = NC * NS
ROWS_PER_TILE = BATCH // NW
RBLK = 128
NBLK = ROWS_PER_TILE // RBLK
NCHUNK = RBLK // L

_LN2 = 0.6931471805599453


def _vlog(x):
    ib = lax.bitcast_convert_type(x, jnp.int32)
    ex = lax.shift_right_logical(ib, 23) - 127
    mb = (ib & 0x007FFFFF) | 0x3F800000
    m = lax.bitcast_convert_type(mb, jnp.float32)
    big = m > 1.4142135
    m = jnp.where(big, m * 0.5, m)
    ef = ex.astype(jnp.float32) + jnp.where(big, 1.0, 0.0)
    z = (m - 1.0) / (m + 1.0)
    z2 = z * z
    p = 2.0 + z2 * (0.66666667 + z2 * (0.4 + z2 * (0.28571429 + z2 * 0.22222222)))
    return ef * _LN2 + z * p


def _tree_reduce(op, vs):
    vs = list(vs)
    while len(vs) > 1:
        nxt = [op(vs[i], vs[i + 1]) for i in range(0, len(vs) - 1, 2)]
        if len(vs) % 2:
            nxt.append(vs[-1])
        vs = nxt
    return vs[0]


@functools.cache
def _build_sc_kernel():
    return pl.kernel(
        _sc_hier_softmax,
        out_type=[
            jax.ShapeDtypeStruct((BATCH * NUM_CLASSES,), jnp.float32),
            jax.ShapeDtypeStruct((NW, L), jnp.float32),
        ],
        mesh=plsc.VectorSubcoreMesh(core_axis_name="c", subcore_axis_name="s",
                                    num_cores=NC, num_subcores=NS),
        compiler_params=pltpu.CompilerParams(needs_layout_passes=False),
        scratch_types=[
            pltpu.VMEM((RBLK * NUM_CLASSES,), jnp.float32),
            pltpu.VMEM((RBLK * NUM_CLASSES,), jnp.float32),
            pltpu.VMEM((RBLK * NUM_CLASSES,), jnp.float32),
            pltpu.VMEM((RBLK * NUM_CLASSES,), jnp.float32),
            pltpu.VMEM((RBLK * NUM_CLASSES,), jnp.float32),
            pltpu.VMEM((RBLK * NUM_CLASSES,), jnp.float32),
            pltpu.VMEM((NUM_PARENTS * L,), jnp.float32),
            pltpu.VMEM((L,), jnp.float32),
            pltpu.SemaphoreType.DMA,
            pltpu.SemaphoreType.DMA,
            pltpu.SemaphoreType.DMA,
            pltpu.SemaphoreType.DMA,
        ],
    )


def _sc_hier_softmax(pred_hbm, targ_hbm, out_hbm, part_hbm,
                     pred_vm0, targ_vm0, pred_vm1, targ_vm1, out_vm0, out_vm1,
                     plp_vm, acc_vm, sem0, sem1, semo0, semo1):
    wid = lax.axis_index("s") * NC + lax.axis_index("c")
    base_row = wid * ROWS_PER_TILE
    lanes = lax.iota(jnp.int32, L)
    nel = RBLK * NUM_CLASSES

    def chunk(pred_vm, targ_vm, out_vm):
        def chunk_body(ch, acc):
            rowbase = (ch * L + lanes) * NUM_CLASSES

            idxs = [rowbase + c for c in range(NUM_PARENTS)]
            pv = [plsc.load_gather(pred_vm, [idx]) for idx in idxs]
            tv = [plsc.load_gather(targ_vm, [idx]) for idx in idxs]
            m = _tree_reduce(jnp.maximum, pv)
            s_vt = _tree_reduce(jnp.add, [v * t for v, t in zip(pv, tv)])
            s_t = _tree_reduce(jnp.add, tv)
            ev = [jnp.exp(v - m) for v in pv]
            s = _tree_reduce(jnp.add, ev)
            log_z = m + _vlog(s)
            plp = [v - log_z for v in pv]
            acc = acc + (s_vt - log_z * s_t)
            rcp = 1.0 / s
            for c in range(NUM_PARENTS):
                plsc.store_scatter(out_vm, [idxs[c]], ev[c] * rcp)

            for c in range(NUM_PARENTS):
                plp_vm[pl.ds(c * L, L)] = plp[c]

            def group_body(g, acc):
                col0 = NUM_PARENTS + g * CHILDREN_PER_PARENT
                cb = rowbase + col0
                idxs = [cb + c for c in range(CHILDREN_PER_PARENT)]
                plp_g = plp_vm[pl.ds(g * L, L)]
                vs = [plsc.load_gather(pred_vm, [idx]) for idx in idxs]
                ts = [plsc.load_gather(targ_vm, [idx]) for idx in idxs]
                mg = _tree_reduce(jnp.maximum, vs)
                s_vt = _tree_reduce(jnp.add, [v * t for v, t in zip(vs, ts)])
                s_t = _tree_reduce(jnp.add, ts)
                eg = [jnp.exp(v - mg) for v in vs]
                sg = _tree_reduce(jnp.add, eg)
                base = mg + _vlog(sg) - plp_g
                acc = acc + (s_vt - base * s_t)
                pf = jnp.exp(plp_g) / sg
                for c in range(CHILDREN_PER_PARENT):
                    plsc.store_scatter(out_vm, [idxs[c]], eg[c] * pf)
                return acc

            return lax.fori_loop(0, NUM_PARENTS, group_body, acc)
        return chunk_body

    def start_in(blk, pred_vm, targ_vm, sem):
        off = (base_row + blk * RBLK) * NUM_CLASSES
        pltpu.async_copy(pred_hbm.at[pl.ds(off, nel)], pred_vm, sem)
        pltpu.async_copy(targ_hbm.at[pl.ds(off, nel)], targ_vm, sem)

    def wait_in(pred_vm, targ_vm, sem):
        pltpu.make_async_copy(pred_hbm.at[pl.ds(0, nel)], pred_vm, sem).wait()
        pltpu.make_async_copy(targ_hbm.at[pl.ds(0, nel)], targ_vm, sem).wait()

    def wait_out(ovm, osem):
        pltpu.make_async_copy(ovm, out_hbm.at[pl.ds(0, nel)], osem).wait()

    bufs = ((pred_vm0, targ_vm0, sem0), (pred_vm1, targ_vm1, sem1))
    obufs = ((out_vm0, semo0), (out_vm1, semo1))
    start_in(0, *bufs[0])
    acc = jnp.zeros((L,), jnp.float32)
    for blk in range(NBLK):
        if blk + 1 < NBLK:
            start_in(blk + 1, *bufs[(blk + 1) % 2])
        pred_vm, targ_vm, sem = bufs[blk % 2]
        ovm, osem = obufs[blk % 2]
        if blk >= 2:
            wait_out(ovm, osem)
        wait_in(pred_vm, targ_vm, sem)
        acc = lax.fori_loop(0, NCHUNK, chunk(pred_vm, targ_vm, ovm), acc)
        off = (base_row + blk * RBLK) * NUM_CLASSES
        pltpu.async_copy(ovm, out_hbm.at[pl.ds(off, nel)], osem)
    wait_out(*obufs[0])
    wait_out(*obufs[1])
    acc_vm[...] = acc
    pltpu.sync_copy(acc_vm, part_hbm.at[wid])


def kernel(pred, target, _):
    out_flat, parts = _build_sc_kernel()(pred.reshape(-1), target.reshape(-1))
    loss = -(parts.sum() / BATCH)
    return (loss, out_flat.reshape(BATCH, NUM_CLASSES))

# --- scband reference (transcript-rebuilt; emitter-appended) ---
"""Pipeline reference for scband-conditional-sofmax-83726092468743 (READ-ONLY COPY).

The authoritative reference and input builder live on the scoring server;
editing this copy changes nothing except your own understanding.
"""

import jax, jax.numpy as jnp
import numpy as np

NUM_PARENTS = 8
CHILDREN_PER_PARENT = 16
NUM_CLASSES = NUM_PARENTS + NUM_PARENTS * CHILDREN_PER_PARENT  # 136
BATCH = 16384

def _relations():
    # Mirrors get_hierarchy_relations(taxonomic_hierarchy, label_map, add_root_relation=True)
    # for the two-level taxonomy in init_kwargs: key -1 (root) -> parent class ids,
    # key = parent id -> its children's class ids.
    rel = {}
    rel[-1] = np.arange(NUM_PARENTS)
    for i in range(NUM_PARENTS):
        start = NUM_PARENTS + i * CHILDREN_PER_PARENT
        rel[i] = np.arange(start, start + CHILDREN_PER_PARENT)
    return rel

def setup_inputs(seed: int = 0):
    key = jax.random.key(seed)
    k1, k2 = jax.random.split(key)
    pred = jax.random.normal(k1, (BATCH, NUM_CLASSES), dtype=jnp.float32)
    target = jax.random.uniform(k2, (BATCH, NUM_CLASSES), dtype=jnp.float32)
    return {"pred": pred, "target": target, "_": 0}

def reference(pred, target, _):
    rel = _relations()
    p = pred
    # Pass 1: per-group log-softmax (root group over parents, one group per parent over its children)
    for key in rel:
        cols = jnp.asarray(rel[key])
        p = p.at[:, cols].set(jax.nn.log_softmax(p[:, cols], axis=1))
    # Pass 2: add parent log-prob to each child's conditional log-prob -> joint log-prob
    for key in rel:
        if key != -1:
            cols = jnp.asarray(rel[key])
            p = p.at[:, cols].set(p[:, cols] + p[:, key][:, None])
    loss = -(p * target)
    loss = loss.sum(axis=1).mean()
    pred_out = jnp.exp(p)
    return (loss, pred_out)

if __name__ == "__main__":
    import jax
    _d = setup_inputs()
    print(jax.jit(kernel)(*tuple(_d.values())))

</pallas_src>

<mosaic_0001>
#map = affine_map<(d0, d1) -> (0)>
#map1 = affine_map<(d0, d1) -> (0, 0)>
module attributes {stable_mosaic.version = 14 : i64} {
  func.func @_sc_hier_softmax(%arg0: i32, %arg1: i32, %arg2: memref<2228224xf32, #tpu.memory_space<hbm>>, %arg3: memref<2228224xf32, #tpu.memory_space<hbm>>, %arg4: memref<2228224xf32, #tpu.memory_space<hbm>>, %arg5: memref<32x16xf32, #tpu.memory_space<hbm>>, %arg6: memref<17408xf32, #tpu.memory_space<vmem>>, %arg7: memref<17408xf32, #tpu.memory_space<vmem>>, %arg8: memref<17408xf32, #tpu.memory_space<vmem>>, %arg9: memref<17408xf32, #tpu.memory_space<vmem>>, %arg10: memref<17408xf32, #tpu.memory_space<vmem>>, %arg11: memref<17408xf32, #tpu.memory_space<vmem>>, %arg12: memref<128xf32, #tpu.memory_space<vmem>>, %arg13: memref<16xf32, #tpu.memory_space<vmem>>, %arg14: memref<!tpu.dma_semaphore, #tpu.memory_space<semaphore_mem>>, %arg15: memref<!tpu.dma_semaphore, #tpu.memory_space<semaphore_mem>>, %arg16: memref<!tpu.dma_semaphore, #tpu.memory_space<semaphore_mem>>, %arg17: memref<!tpu.dma_semaphore, #tpu.memory_space<semaphore_mem>>) attributes {dimension_semantics = [#tpu.dimension_semantics<core_parallel>, #tpu.dimension_semantics<subcore_parallel>], iteration_bounds = array<i64: 2, 16>, scalar_prefetch = 0 : i64, scratch_operands = 12 : i64, tpu.core_type = #tpu.core_type<sc_vector_subcore>, window_params = [{transform_indices = #map}, {transform_indices = #map}, {transform_indices = #map}, {transform_indices = #map1}]} {
    %mul3A = arith.constant 2 : i32
    %mul3A_0 = arith.muli %arg1, %mul3A : i32
    %add3A = arith.addi %mul3A_0, %arg0 : i32
    %mul3A_1 = arith.constant 512 : i32
    %mul3A_2 = arith.muli %add3A, %mul3A_1 : i32
    %iota3A = tpu.iota {dimensions = array<i32: 0>} : vector<16xi32>
    %add3A_3 = arith.constant 0 : i32
    %add3A_4 = arith.addi %mul3A_2, %add3A_3 : i32
    %mul3A_5 = arith.constant 136 : i32
    %mul3A_6 = arith.muli %add3A_4, %mul3A_5 : i32
    %dma_start3A = tpu.memref_slice %arg2[%mul3A_6] : memref<2228224xf32, #tpu.memory_space<hbm>> -> memref<17408xf32, #tpu.memory_space<hbm>>
    %dma_start3A_7 = tpu.memref_slice %arg2[%mul3A_6] : memref<2228224xf32, #tpu.memory_space<hbm>> -> memref<17408xf32, #tpu.memory_space<hbm>>
    tpu.enqueue_dma source(%dma_start3A_7 : memref<17408xf32, #tpu.memory_space<hbm>>) target(%arg6 : memref<17408xf32, #tpu.memory_space<vmem>>) target_semaphore(%arg14 : memref<!tpu.dma_semaphore, #tpu.memory_space<semaphore_mem>>)
    %dma_start3A_8 = tpu.memref_slice %arg3[%mul3A_6] : memref<2228224xf32, #tpu.memory_space<hbm>> -> memref<17408xf32, #tpu.memory_space<hbm>>
    %dma_start3A_9 = tpu.memref_slice %arg3[%mul3A_6] : memref<2228224xf32, #tpu.memory_space<hbm>> -> memref<17408xf32, #tpu.memory_space<hbm>>
    tpu.enqueue_dma source(%dma_start3A_9 : memref<17408xf32, #tpu.memory_space<hbm>>) target(%arg7 : memref<17408xf32, #tpu.memory_space<vmem>>) target_semaphore(%arg14 : memref<!tpu.dma_semaphore, #tpu.memory_space<semaphore_mem>>)
    %broadcast_in_dim3A = arith.constant 0.000000e+00 : f32
    %broadcast_in_dim3A_10 = vector.broadcast %broadcast_in_dim3A : f32 to vector<16xf32>
    %add3A_11 = arith.constant 128 : i32
    %add3A_12 = arith.addi %mul3A_2, %add3A_11 : i32
    %mul3A_13 = arith.constant 136 : i32
    %mul3A_14 = arith.muli %add3A_12, %mul3A_13 : i32
    %dma_start3A_15 = tpu.memref_slice %arg2[%mul3A_14] : memref<2228224xf32, #tpu.memory_space<hbm>> -> memref<17408xf32, #tpu.memory_space<hbm>>
    %dma_start3A_16 = tpu.memref_slice %arg2[%mul3A_14] : memref<2228224xf32, #tpu.memory_space<hbm>> -> memref<17408xf32, #tpu.memory_space<hbm>>
    tpu.enqueue_dma source(%dma_start3A_16 : memref<17408xf32, #tpu.memory_space<hbm>>) target(%arg8 : memref<17408xf32, #tpu.memory_space<vmem>>) target_semaphore(%arg15 : memref<!tpu.dma_semaphore, #tpu.memory_space<semaphore_mem>>)
    %dma_start3A_17 = tpu.memref_slice %arg3[%mul3A_14] : memref<2228224xf32, #tpu.memory_space<hbm>> -> memref<17408xf32, #tpu.memory_space<hbm>>
    %dma_start3A_18 = tpu.memref_slice %arg3[%mul3A_14] : memref<2228224xf32, #tpu.memory_space<hbm>> -> memref<17408xf32, #tpu.memory_space<hbm>>
    tpu.enqueue_dma source(%dma_start3A_18 : memref<17408xf32, #tpu.memory_space<hbm>>) target(%arg9 : memref<17408xf32, #tpu.memory_space<vmem>>) target_semaphore(%arg15 : memref<!tpu.dma_semaphore, #tpu.memory_space<semaphore_mem>>)
    %dma_wait3A = arith.constant 0 : i32
    %dma_wait3A_19 = tpu.memref_slice %arg2[%dma_wait3A] : memref<2228224xf32, #tpu.memory_space<hbm>> -> memref<17408xf32, #tpu.memory_space<hbm>>
    %dma_wait3A_20 = arith.constant 0 : i32
    %dma_wait3A_21 = tpu.memref_slice %arg2[%dma_wait3A_20] : memref<2228224xf32, #tpu.memory_space<hbm>> -> memref<17408xf32, #tpu.memory_space<hbm>>
    tpu.wait_dma2 semaphore(%arg14 : memref<!tpu.dma_semaphore, #tpu.memory_space<semaphore_mem>>) src(%dma_wait3A_21 : memref<17408xf32, #tpu.memory_space<hbm>>) dst(%arg6 : memref<17408xf32, #tpu.memory_space<vmem>>)
    %dma_wait3A_22 = arith.constant 0 : i32
    %dma_wait3A_23 = tpu.memref_slice %arg3[%dma_wait3A_22] : memref<2228224xf32, #tpu.memory_space<hbm>> -> memref<17408xf32, #tpu.memory_space<hbm>>
    %dma_wait3A_24 = arith.constant 0 : i32
    %dma_wait3A_25 = tpu.memref_slice %arg3[%dma_wait3A_24] : memref<2228224xf32, #tpu.memory_space<hbm>> -> memref<17408xf32, #tpu.memory_space<hbm>>
    tpu.wait_dma2 semaphore(%arg14 : memref<!tpu.dma_semaphore, #tpu.memory_space<semaphore_mem>>) src(%dma_wait3A_25 : memref<17408xf32, #tpu.memory_space<hbm>>) dst(%arg7 : memref<17408xf32, #tpu.memory_space<vmem>>)
    %scan3A = arith.constant 0 : i32
    %scan3A_26 = arith.constant 8 : i32
    %scan3A_27 = arith.addi %scan3A, %scan3A_26 : i32
    %scan3A_28 = arith.constant 1 : i32
    %scan3A_29 = scf.for %scan3A_130 = %scan3A to %scan3A_27 step %scan3A_28 iter_args(%scan3A_131 = %broadcast_in_dim3A_10) -> (vector<16xf32>)  : i32 {
      %mul3A_132 = arith.constant 16 : i32
      %mul3A_133 = arith.muli %scan3A_130, %mul3A_132 : i32
      %add3A_134 = vector.broadcast %mul3A_133 : i32 to vector<16xi32>
      %add3A_135 = arith.addi %add3A_134, %iota3A : vector<16xi32>
      %mul3A_136 = arith.constant 136 : i32
      %mul3A_137 = vector.broadcast %mul3A_136 : i32 to vector<16xi32>
      %mul3A_138 = arith.muli %add3A_135, %mul3A_137 : vector<16xi32>
      %add3A_139 = arith.constant 0 : i32
      %add3A_140 = vector.broadcast %add3A_139 : i32 to vector<16xi32>
      %add3A_141 = arith.addi %mul3A_138, %add3A_140 : vector<16xi32>
      %add3A_142 = arith.constant 1 : i32
      %add3A_143 = vector.broadcast %add3A_142 : i32 to vector<16xi32>
      %add3A_144 = arith.addi %mul3A_138, %add3A_143 : vector<16xi32>
      %add3A_145 = arith.constant 2 : i32
      %add3A_146 = vector.broadcast %add3A_145 : i32 to vector<16xi32>
      %add3A_147 = arith.addi %mul3A_138, %add3A_146 : vector<16xi32>
      %add3A_148 = arith.constant 3 : i32
      %add3A_149 = vector.broadcast %add3A_148 : i32 to vector<16xi32>
      %add3A_150 = arith.addi %mul3A_138, %add3A_149 : vector<16xi32>
      %add3A_151 = arith.constant 4 : i32
      %add3A_152 = vector.broadcast %add3A_151 : i32 to vector<16xi32>
      %add3A_153 = arith.addi %mul3A_138, %add3A_152 : vector<16xi32>
      %add3A_154 = arith.constant 5 : i32
      %add3A_155 = vector.broadcast %add3A_154 : i32 to vector<16xi32>
      %add3A_156 = arith.addi %mul3A_138, %add3A_155 : vector<16xi32>
      %add3A_157 = arith.constant 6 : i32
      %add3A_158 = vector.broadcast %add3A_157 : i32 to vector<16xi32>
      %add3A_159 = arith.addi %mul3A_138, %add3A_158 : vector<16xi32>
      %add3A_160 = arith.constant 7 : i32
      %add3A_161 = vector.broadcast %add3A_160 : i32 to vector<16xi32>
      %add3A_162 = arith.addi %mul3A_138, %add3A_161 : vector<16xi32>
      %gather3A = tpu.vector_load_idx %arg6[%add3A_141] : memref<17408xf32, #tpu.memory_space<vmem>>[vector<16xi32>], vector<16xf32>,
      %gather3A_163 = tpu.vector_load_idx %arg6[%add3A_144] : memref<17408xf32, #tpu.memory_space<vmem>>[vector<16xi32>], vector<16xf32>,
      %gather3A_164 = tpu.vector_load_idx %arg6[%add3A_147] : memref<17408xf32, #tpu.memory_space<vmem>>[vector<16xi32>], vector<16xf32>,
      %gather3A_165 = tpu.vector_load_idx %arg6[%add3A_150] : memref<17408xf32, #tpu.memory_space<vmem>>[vector<16xi32>], vector<16xf32>,
      %gather3A_166 = tpu.vector_load_idx %arg6[%add3A_153] : memref<17408xf32, #tpu.memory_space<vmem>>[vector<16xi32>], vector<16xf32>,
      %gather3A_167 = tpu.vector_load_idx %arg6[%add3A_156] : memref<17408xf32, #tpu.memory_space<vmem>>[vector<16xi32>], vector<16xf32>,
      %gather3A_168 = tpu.vector_load_idx %arg6[%add3A_159] : memref<17408xf32, #tpu.memory_space<vmem>>[vector<16xi32>], vector<16xf32>,
      %gather3A_169 = tpu.vector_load_idx %arg6[%add3A_162] : memref<17408xf32, #tpu.memory_space<vmem>>[vector<16xi32>], vector<16xf32>,
      %gather3A_170 = tpu.vector_load_idx %arg7[%add3A_141] : memref<17408xf32, #tpu.memory_space<vmem>>[vector<16xi32>], vector<16xf32>,
      %gather3A_171 = tpu.vector_load_idx %arg7[%add3A_144] : memref<17408xf32, #tpu.memory_space<vmem>>[vector<16xi32>], vector<16xf32>,
      %gather3A_172 = tpu.vector_load_idx %arg7[%add3A_147] : memref<17408xf32, #tpu.memory_space<vmem>>[vector<16xi32>], vector<16xf32>,
      %gather3A_173 = tpu.vector_load_idx %arg7[%add3A_150] : memref<17408xf32, #tpu.memory_space<vmem>>[vector<16xi32>], vector<16xf32>,
      %gather3A_174 = tpu.vector_load_idx %arg7[%add3A_153] : memref<17408xf32, #tpu.memory_space<vmem>>[vector<16xi32>], vector<16xf32>,
      %gather3A_175 = tpu.vector_load_idx %arg7[%add3A_156] : memref<17408xf32, #tpu.memory_space<vmem>>[vector<16xi32>], vector<16xf32>,
      %gather3A_176 = tpu.vector_load_idx %arg7[%add3A_159] : memref<17408xf32, #tpu.memory_space<vmem>>[vector<16xi32>], vector<16xf32>,
      %gather3A_177 = tpu.vector_load_idx %arg7[%add3A_162] : memref<17408xf32, #tpu.memory_space<vmem>>[vector<16xi32>], vector<16xf32>,
      %max3A = arith.maximumf %gather3A, %gather3A_163 : vector<16xf32>
      %max3A_178 = arith.maximumf %gather3A_164, %gather3A_165 : vector<16xf32>
      %max3A_179 = arith.maximumf %gather3A_166, %gather3A_167 : vector<16xf32>
      %max3A_180 = arith.maximumf %gather3A_168, %gather3A_169 : vector<16xf32>
      %max3A_181 = arith.maximumf %max3A, %max3A_178 : vector<16xf32>
      %max3A_182 = arith.maximumf %max3A_179, %max3A_180 : vector<16xf32>
      %max3A_183 = arith.maximumf %max3A_181, %max3A_182 : vector<16xf32>
      %mul3A_184 = arith.mulf %gather3A, %gather3A_170 : vector<16xf32>
      %mul3A_185 = arith.mulf %gather3A_163, %gather3A_171 : vector<16xf32>
      %mul3A_186 = arith.mulf %gather3A_164, %gather3A_172 : vector<16xf32>
      %mul3A_187 = arith.mulf %gather3A_165, %gather3A_173 : vector<16xf32>
      %mul3A_188 = arith.mulf %gather3A_166, %gather3A_174 : vector<16xf32>
      %mul3A_189 = arith.mulf %gather3A_167, %gather3A_175 : vector<16xf32>
      %mul3A_190 = arith.mulf %gather3A_168, %gather3A_176 : vector<16xf32>
      %mul3A_191 = arith.mulf %gather3A_169, %gather3A_177 : vector<16xf32>
      %add3A_192 = arith.addf %mul3A_184, %mul3A_185 : vector<16xf32>
      %add3A_193 = arith.addf %mul3A_186, %mul3A_187 : vector<16xf32>
      %add3A_194 = arith.addf %mul3A_188, %mul3A_189 : vector<16xf32>
      %add3A_195 = arith.addf %mul3A_190, %mul3A_191 : vector<16xf32>
      %add3A_196 = arith.addf %add3A_192, %add3A_193 : vector<16xf32>
      %add3A_197 = arith.addf %add3A_194, %add3A_195 : vector<16xf32>
      %add3A_198 = arith.addf %add3A_196, %add3A_197 : vector<16xf32>
      %add3A_199 = arith.addf %gather3A_170, %gather3A_171 : vector<16xf32>
      %add3A_200 = arith.addf %gather3A_172, %gather3A_173 : vector<16xf32>
      %add3A_201 = arith.addf %gather3A_174, %gather3A_175 : vector<16xf32>
      %add3A_202 = arith.addf %gather3A_176, %gather3A_177 : vector<16xf32>
      %add3A_203 = arith.addf %add3A_199, %add3A_200 : vector<16xf32>
      %add3A_204 = arith.addf %add3A_201, %add3A_202 : vector<16xf32>
      %add3A_205 = arith.addf %add3A_203, %add3A_204 : vector<16xf32>
      %sub3A = arith.subf %gather3A, %max3A_183 : vector<16xf32>
      %exp3A = math.exp %sub3A : vector<16xf32>
      %sub3A_206 = arith.subf %gather3A_163, %max3A_183 : vector<16xf32>
      %exp3A_207 = math.exp %sub3A_206 : vector<16xf32>
      %sub3A_208 = arith.subf %gather3A_164, %max3A_183 : vector<16xf32>
      %exp3A_209 = math.exp %sub3A_208 : vector<16xf32>
      %sub3A_210 = arith.subf %gather3A_165, %max3A_183 : vector<16xf32>
      %exp3A_211 = math.exp %sub3A_210 : vector<16xf32>
      %sub3A_212 = arith.subf %gather3A_166, %max3A_183 : vector<16xf32>
      %exp3A_213 = math.exp %sub3A_212 : vector<16xf32>
      %sub3A_214 = arith.subf %gather3A_167, %max3A_183 : vector<16xf32>
      %exp3A_215 = math.exp %sub3A_214 : vector<16xf32>
      %sub3A_216 = arith.subf %gather3A_168, %max3A_183 : vector<16xf32>
      %exp3A_217 = math.exp %sub3A_216 : vector<16xf32>
      %sub3A_218 = arith.subf %gather3A_169, %max3A_183 : vector<16xf32>
      %exp3A_219 = math.exp %sub3A_218 : vector<16xf32>
      %add3A_220 = arith.addf %exp3A, %exp3A_207 : vector<16xf32>
      %add3A_221 = arith.addf %exp3A_209, %exp3A_211 : vector<16xf32>
      %add3A_222 = arith.addf %exp3A_213, %exp3A_215 : vector<16xf32>
      %add3A_223 = arith.addf %exp3A_217, %exp3A_219 : vector<16xf32>
      %add3A_224 = arith.addf %add3A_220, %add3A_221 : vector<16xf32>
      %add3A_225 = arith.addf %add3A_222, %add3A_223 : vector<16xf32>
      %add3A_226 = arith.addf %add3A_224, %add3A_225 : vector<16xf32>
      %bitcast_convert_type3A = tpu.bitcast %add3A_226 : vector<16xf32> -> vector<16xi32>
      %shift_right_logical3A = arith.constant 23 : i32
      %shift_right_logical3A_227 = vector.broadcast %shift_right_logical3A : i32 to vector<16xi32>
      %shift_right_logical3A_228 = arith.shrui %bitcast_convert_type3A, %shift_right_logical3A_227 : vector<16xi32>
      %sub3A_229 = arith.constant 127 : i32
      %sub3A_230 = vector.broadcast %sub3A_229 : i32 to vector<16xi32>
      %sub3A_231 = arith.subi %shift_right_logical3A_228, %sub3A_230 : vector<16xi32>
      %and3A = arith.constant 8388607 : i32
      %and3A_232 = vector.broadcast %and3A : i32 to vector<16xi32>
      %and3A_233 = arith.andi %bitcast_convert_type3A, %and3A_232 : vector<16xi32>
      %or3A = arith.constant 1065353216 : i32
      %or3A_234 = vector.broadcast %or3A : i32 to vector<16xi32>
      %or3A_235 = arith.ori %and3A_233, %or3A_234 : vector<16xi32>
      %bitcast_convert_type3A_236 = tpu.bitcast %or3A_235 : vector<16xi32> -> vector<16xf32>
      %gt3A = arith.constant 1.41421354 : f32
      %gt3A_237 = vector.broadcast %gt3A : f32 to vector<16xf32>
      %gt3A_238 = arith.cmpf ogt, %bitcast_convert_type3A_236, %gt3A_237 : vector<16xf32>
      %mul3A_239 = arith.constant 5.000000e-01 : f32
      %mul3A_240 = vector.broadcast %mul3A_239 : f32 to vector<16xf32>
      %mul3A_241 = arith.mulf %bitcast_convert_type3A_236, %mul3A_240 : vector<16xf32>
      %select_n3A = arith.select %gt3A_238, %mul3A_241, %bitcast_convert_type3A_236 : vector<16xi1>, vector<16xf32>
      %convert_element_type3A = arith.sitofp %sub3A_231 : vector<16xi32> to vector<16xf32>
      %jit3A = arith.constant 1.000000e+00 : f32
      %jit3A_242 = arith.constant 0.000000e+00 : f32
      %broadcast_in_dim3A_243 = vector.broadcast %jit3A : f32 to vector<16xf32>
      %broadcast_in_dim3A_244 = vector.broadcast %jit3A_242 : f32 to vector<16xf32>
      %select_n3A_245 = arith.select %gt3A_238, %broadcast_in_dim3A_243, %broadcast_in_dim3A_244 : vector<16xi1>, vector<16xf32>
      %add3A_246 = arith.addf %convert_element_type3A, %select_n3A_245 : vector<16xf32>
      %sub3A_247 = arith.constant 1.000000e+00 : f32
      %sub3A_248 = vector.broadcast %sub3A_247 : f32 to vector<16xf32>
      %sub3A_249 = arith.subf %select_n3A, %sub3A_248 : vector<16xf32>
      %add3A_250 = arith.constant 1.000000e+00 : f32
      %add3A_251 = vector.broadcast %add3A_250 : f32 to vector<16xf32>
      %add3A_252 = arith.addf %select_n3A, %add3A_251 : vector<16xf32>
      %div3A = arith.divf %sub3A_249, %add3A_252 : vector<16xf32>
      %mul3A_253 = arith.mulf %div3A, %div3A : vector<16xf32>
      %mul3A_254 = arith.constant 0.222222224 : f32
      %mul3A_255 = vector.broadcast %mul3A_254 : f32 to vector<16xf32>
      %mul3A_256 = arith.mulf %mul3A_253, %mul3A_255 : vector<16xf32>
      %add3A_257 = arith.constant 0.285714298 : f32
      %add3A_258 = vector.broadcast %add3A_257 : f32 to vector<16xf32>
      %add3A_259 = arith.addf %add3A_258, %mul3A_256 : vector<16xf32>
      %mul3A_260 = arith.mulf %mul3A_253, %add3A_259 : vector<16xf32>
      %add3A_261 = arith.constant 4.000000e-01 : f32
      %add3A_262 = vector.broadcast %add3A_261 : f32 to vector<16xf32>
      %add3A_263 = arith.addf %add3A_262, %mul3A_260 : vector<16xf32>
      %mul3A_264 = arith.mulf %mul3A_253, %add3A_263 : vector<16xf32>
      %add3A_265 = arith.constant 0.666666686 : f32
      %add3A_266 = vector.broadcast %add3A_265 : f32 to vector<16xf32>
      %add3A_267 = arith.addf %add3A_266, %mul3A_264 : vector<16xf32>
      %mul3A_268 = arith.mulf %mul3A_253, %add3A_267 : vector<16xf32>
      %add3A_269 = arith.constant 2.000000e+00 : f32
      %add3A_270 = vector.broadcast %add3A_269 : f32 to vector<16xf32>
      %add3A_271 = arith.addf %add3A_270, %mul3A_268 : vector<16xf32>
      %mul3A_272 = arith.constant 0.693147182 : f32
      %mul3A_273 = vector.broadcast %mul3A_272 : f32 to vector<16xf32>
      %mul3A_274 = arith.mulf %add3A_246, %mul3A_273 : vector<16xf32>
      %mul3A_275 = arith.mulf %div3A, %add3A_271 : vector<16xf32>
      %add3A_276 = arith.addf %mul3A_274, %mul3A_275 : vector<16xf32>
      %add3A_277 = arith.addf %max3A_183, %add3A_276 : vector<16xf32>
      %sub3A_278 = arith.subf %gather3A, %add3A_277 : vector<16xf32>
      %sub3A_279 = arith.subf %gather3A_163, %add3A_277 : vector<16xf32>
      %sub3A_280 = arith.subf %gather3A_164, %add3A_277 : vector<16xf32>
      %sub3A_281 = arith.subf %gather3A_165, %add3A_277 : vector<16xf32>
      %sub3A_282 = arith.subf %gather3A_166, %add3A_277 : vector<16xf32>
      %sub3A_283 = arith.subf %gather3A_167, %add3A_277 : vector<16xf32>
      %sub3A_284 = arith.subf %gather3A_168, %add3A_277 : vector<16xf32>
      %sub3A_285 = arith.subf %gather3A_169, %add3A_277 : vector<16xf32>
      %mul3A_286 = arith.mulf %add3A_277, %add3A_205 : vector<16xf32>
      %sub3A_287 = arith.subf %add3A_198, %mul3A_286 : vector<16xf32>
      %add3A_288 = arith.addf %scan3A_131, %sub3A_287 : vector<16xf32>
      %div3A_289 = arith.constant 1.000000e+00 : f32
      %div3A_290 = vector.broadcast %div3A_289 : f32 to vector<16xf32>
      %div3A_291 = arith.divf %div3A_290, %add3A_226 : vector<16xf32>
      %mul3A_292 = arith.mulf %exp3A, %div3A_291 : vector<16xf32>
      tpu.vector_store_idx %arg10[%add3A_141], %mul3A_292 : memref<17408xf32, #tpu.memory_space<vmem>>[vector<16xi32>], vector<16xf32>,
      %mul3A_293 = arith.mulf %exp3A_207, %div3A_291 : vector<16xf32>
      tpu.vector_store_idx %arg10[%add3A_144], %mul3A_293 : memref<17408xf32, #tpu.memory_space<vmem>>[vector<16xi32>], vector<16xf32>,
      %mul3A_294 = arith.mulf %exp3A_209, %div3A_291 : vector<16xf32>
      tpu.vector_store_idx %arg10[%add3A_147], %mul3A_294 : memref<17408xf32, #tpu.memory_space<vmem>>[vector<16xi32>], vector<16xf32>,
      %mul3A_295 = arith.mulf %exp3A_211, %div3A_291 : vector<16xf32>
      tpu.vector_store_idx %arg10[%add3A_150], %mul3A_295 : memref<17408xf32, #tpu.memory_space<vmem>>[vector<16xi32>], vector<16xf32>,
      %mul3A_296 = arith.mulf %exp3A_213, %div3A_291 : vector<16xf32>
      tpu.vector_store_idx %arg10[%add3A_153], %mul3A_296 : memref<17408xf32, #tpu.memory_space<vmem>>[vector<16xi32>], vector<16xf32>,
      %mul3A_297 = arith.mulf %exp3A_215, %div3A_291 : vector<16xf32>
      tpu.vector_store_idx %arg10[%add3A_156], %mul3A_297 : memref<17408xf32, #tpu.memory_space<vmem>>[vector<16xi32>], vector<16xf32>,
      %mul3A_298 = arith.mulf %exp3A_217, %div3A_291 : vector<16xf32>
      tpu.vector_store_idx %arg10[%add3A_159], %mul3A_298 : memref<17408xf32, #tpu.memory_space<vmem>>[vector<16xi32>], vector<16xf32>,
      %mul3A_299 = arith.mulf %exp3A_219, %div3A_291 : vector<16xf32>
      tpu.vector_store_idx %arg10[%add3A_162], %mul3A_299 : memref<17408xf32, #tpu.memory_space<vmem>>[vector<16xi32>], vector<16xf32>,
      %swap3A_300 = arith.constant 0 : index
      %swap3A_301 = tpu.vector_load %arg12[%swap3A_300] {strides = array<i32>} : memref<128xf32, #tpu.memory_space<vmem>>, vector<16xf32>,
      tpu.vector_store %arg12[%swap3A_300], %sub3A_278 {strides = array<i32>} : memref<128xf32, #tpu.memory_space<vmem>>, vector<16xf32>,
      %swap3A_302 = arith.constant 16 : index
      %swap3A_303 = tpu.vector_load %arg12[%swap3A_302] {strides = array<i32>} : memref<128xf32, #tpu.memory_space<vmem>>, vector<16xf32>,
      tpu.vector_store %arg12[%swap3A_302], %sub3A_279 {strides = array<i32>} : memref<128xf32, #tpu.memory_space<vmem>>, vector<16xf32>,
      %swap3A_304 = arith.constant 32 : index
      %swap3A_305 = tpu.vector_load %arg12[%swap3A_304] {strides = array<i32>} : memref<128xf32, #tpu.memory_space<vmem>>, vector<16xf32>,
      tpu.vector_store %arg12[%swap3A_304], %sub3A_280 {strides = array<i32>} : memref<128xf32, #tpu.memory_space<vmem>>, vector<16xf32>,
      %swap3A_306 = arith.constant 48 : index
      %swap3A_307 = tpu.vector_load %arg12[%swap3A_306] {strides = array<i32>} : memref<128xf32, #tpu.memory_space<vmem>>, vector<16xf32>,
      tpu.vector_store %arg12[%swap3A_306], %sub3A_281 {strides = array<i32>} : memref<128xf32, #tpu.memory_space<vmem>>, vector<16xf32>,
      %swap3A_308 = arith.constant 64 : index
      %swap3A_309 = tpu.vector_load %arg12[%swap3A_308] {strides = array<i32>} : memref<128xf32, #tpu.memory_space<vmem>>, vector<16xf32>,
      tpu.vector_store %arg12[%swap3A_308], %sub3A_282 {strides = array<i32>} : memref<128xf32, #tpu.memory_space<vmem>>, vector<16xf32>,
      %swap3A_310 = arith.constant 80 : index
      %swap3A_311 = tpu.vector_load %arg12[%swap3A_310] {strides = array<i32>} : memref<128xf32, #tpu.memory_space<vmem>>, vector<16xf32>,
      tpu.vector_store %arg12[%swap3A_310], %sub3A_283 {strides = array<i32>} : memref<128xf32, #tpu.memory_space<vmem>>, vector<16xf32>,
      %swap3A_312 = arith.constant 96 : index
      %swap3A_313 = tpu.vector_load %arg12[%swap3A_312] {strides = array<i32>} : memref<128xf32, #tpu.memory_space<vmem>>, vector<16xf32>,
      tpu.vector_store %arg12[%swap3A_312], %sub3A_284 {strides = array<i32>} : memref<128xf32, #tpu.memory_space<vmem>>, vector<16xf32>,
      %swap3A_314 = arith.constant 112 : index
      %swap3A_315 = tpu.vector_load %arg12[%swap3A_314] {strides = array<i32>} : memref<128xf32, #tpu.memory_space<vmem>>, vector<16xf32>,
      tpu.vector_store %arg12[%swap3A_314], %sub3A_285 {strides = array<i32>} : memref<128xf32, #tpu.memory_space<vmem>>, vector<16xf32>,
      %scan3A_316 = arith.constant 0 : i32
      %scan3A_317 = arith.constant 8 : i32
      %scan3A_318 = arith.addi %scan3A_316, %scan3A_317 : i32
      %scan3A_319 = arith.constant 1 : i32
      %scan3A_320 = scf.for %scan3A_322 = %scan3A_316 to %scan3A_318 step %scan3A_319 iter_args(%scan3A_323 = %add3A_288) -> (vector<16xf32>)  : i32 {
        %mul3A_324 = arith.constant 16 : i32
        %mul3A_325 = arith.muli %scan3A_322, %mul3A_324 : i32
        %add3A_326 = arith.constant 8 : i32
        %add3A_327 = arith.addi %add3A_326, %mul3A_325 : i32
        %add3A_328 = vector.broadcast %add3A_327 : i32 to vector<16xi32>
        %add3A_329 = arith.addi %mul3A_138, %add3A_328 : vector<16xi32>
        %add3A_330 = arith.constant 0 : i32
        %add3A_331 = vector.broadcast %add3A_330 : i32 to vector<16xi32>
        %add3A_332 = arith.addi %add3A_329, %add3A_331 : vector<16xi32>
        %add3A_333 = arith.constant 1 : i32
        %add3A_334 = vector.broadcast %add3A_333 : i32 to vector<16xi32>
        %add3A_335 = arith.addi %add3A_329, %add3A_334 : vector<16xi32>
        %add3A_336 = arith.constant 2 : i32
        %add3A_337 = vector.broadcast %add3A_336 : i32 to vector<16xi32>
        %add3A_338 = arith.addi %add3A_329, %add3A_337 : vector<16xi32>
        %add3A_339 = arith.constant 3 : i32
        %add3A_340 = vector.broadcast %add3A_339 : i32 to vector<16xi32>
        %add3A_341 = arith.addi %add3A_329, %add3A_340 : vector<16xi32>
        %add3A_342 = arith.constant 4 : i32
        %add3A_343 = vector.broadcast %add3A_342 : i32 to vector<16xi32>
        %add3A_344 = arith.addi %add3A_329, %add3A_343 : vector<16xi32>
        %add3A_345 = arith.constant 5 : i32
        %add3A_346 = vector.broadcast %add3A_345 : i32 to vector<16xi32>
        %add3A_347 = arith.addi %add3A_329, %add3A_346 : vector<16xi32>
        %add3A_348 = arith.constant 6 : i32
        %add3A_349 = vector.broadcast %add3A_348 : i32 to vector<16xi32>
        %add3A_350 = arith.addi %add3A_329, %add3A_349 : vector<16xi32>
        %add3A_351 = arith.constant 7 : i32
        %add3A_352 = vector.broadcast %add3A_351 : i32 to vector<16xi32>
        %add3A_353 = arith.addi %add3A_329, %add3A_352 : vector<16xi32>
        %add3A_354 = arith.constant 8 : i32
        %add3A_355 = vector.broadcast %add3A_354 : i32 to vector<16xi32>
        %add3A_356 = arith.addi %add3A_329, %add3A_355 : vector<16xi32>
        %add3A_357 = arith.constant 9 : i32
        %add3A_358 = vector.broadcast %add3A_357 : i32 to vector<16xi32>
        %add3A_359 = arith.addi %add3A_329, %add3A_358 : vector<16xi32>
        %add3A_360 = arith.constant 10 : i32
        %add3A_361 = vector.broadcast %add3A_360 : i32 to vector<16xi32>
        %add3A_362 = arith.addi %add3A_329, %add3A_361 : vector<16xi32>
        %add3A_363 = arith.constant 11 : i32
        %add3A_364 = vector.broadcast %add3A_363 : i32 to vector<16xi32>
        %add3A_365 = arith.addi %add3A_329, %add3A_364 : vector<16xi32>
        %add3A_366 = arith.constant 12 : i32
        %add3A_367 = vector.broadcast %add3A_366 : i32 to vector<16xi32>
        %add3A_368 = arith.addi %add3A_329, %add3A_367 : vector<16xi32>
        %add3A_369 = arith.constant 13 : i32
        %add3A_370 = vector.broadcast %add3A_369 : i32 to vector<16xi32>
        %add3A_371 = arith.addi %add3A_329, %add3A_370 : vector<16xi32>
        %add3A_372 = arith.constant 14 : i32
        %add3A_373 = vector.broadcast %add3A_372 : i32 to vector<16xi32>
        %add3A_374 = arith.addi %add3A_329, %add3A_373 : vector<16xi32>
        %add3A_375 = arith.constant 15 : i32
        %add3A_376 = vector.broadcast %add3A_375 : i32 to vector<16xi32>
        %add3A_377 = arith.addi %add3A_329, %add3A_376 : vector<16xi32>
        %mul3A_378 = arith.constant 16 : i32
        %mul3A_379 = arith.muli %scan3A_322, %mul3A_378 : i32
        %get3A = arith.index_cast %mul3A_379 : i32 to index
        %get3A_380 = tpu.vector_load %arg12[%get3A] {strides = array<i32>} : memref<128xf32, #tpu.memory_space<vmem>>, vector<16xf32>,
        %gather3A_381 = tpu.vector_load_idx %arg6[%add3A_332] : memref<17408xf32, #tpu.memory_space<vmem>>[vector<16xi32>], vector<16xf32>,
        %gather3A_382 = tpu.vector_load_idx %arg6[%add3A_335] : memref<17408xf32, #tpu.memory_space<vmem>>[vector<16xi32>], vector<16xf32>,
        %gather3A_383 = tpu.vector_load_idx %arg6[%add3A_338] : memref<17408xf32, #tpu.memory_space<vmem>>[vector<16xi32>], vector<16xf32>,
        %gather3A_384 = tpu.vector_load_idx %arg6[%add3A_341] : memref<17408xf32, #tpu.memory_space<vmem>>[vector<16xi32>], vector<16xf32>,
        %gather3A_385 = tpu.vector_load_idx %arg6[%add3A_344] : memref<17408xf32, #tpu.memory_space<vmem>>[vector<16xi32>], vector<16xf32>,
        %gather3A_386 = tpu.vector_load_idx %arg6[%add3A_347] : memref<17408xf32, #tpu.memory_space<vmem>>[vector<16xi32>], vector<16xf32>,
        %gather3A_387 = tpu.vector_load_idx %arg6[%add3A_350] : memref<17408xf32, #tpu.memory_space<vmem>>[vector<16xi32>], vector<16xf32>,
        %gather3A_388 = tpu.vector_load_idx %arg6[%add3A_353] : memref<17408xf32, #tpu.memory_space<vmem>>[vector<16xi32>], vector<16xf32>,
        %gather3A_389 = tpu.vector_load_idx %arg6[%add3A_356] : memref<17408xf32, #tpu.memory_space<vmem>>[vector<16xi32>], vector<16xf32>,
        %gather3A_390 = tpu.vector_load_idx %arg6[%add3A_359] : memref<17408xf32, #tpu.memory_space<vmem>>[vector<16xi32>], vector<16xf32>,
        %gather3A_391 = tpu.vector_load_idx %arg6[%add3A_362] : memref<17408xf32, #tpu.memory_space<vmem>>[vector<16xi32>], vector<16xf32>,
        %gather3A_392 = tpu.vector_load_idx %arg6[%add3A_365] : memref<17408xf32, #tpu.memory_space<vmem>>[vector<16xi32>], vector<16xf32>,
        %gather3A_393 = tpu.vector_load_idx %arg6[%add3A_368] : memref<17408xf32, #tpu.memory_space<vmem>>[vector<16xi32>], vector<16xf32>,
        %gather3A_394 = tpu.vector_load_idx %arg6[%add3A_371] : memref<17408xf32, #tpu.memory_space<vmem>>[vector<16xi32>], vector<16xf32>,
        %gather3A_395 = tpu.vector_load_idx %arg6[%add3A_374] : memref<17408xf32, #tpu.memory_space<vmem>>[vector<16xi32>], vector<16xf32>,
        %gather3A_396 = tpu.vector_load_idx %arg6[%add3A_377] : memref<17408xf32, #tpu.memory_space<vmem>>[vector<16xi32>], vector<16xf32>,
        %gather3A_397 = tpu.vector_load_idx %arg7[%add3A_332] : memref<17408xf32, #tpu.memory_space<vmem>>[vector<16xi32>], vector<16xf32>,
        %gather3A_398 = tpu.vector_load_idx %arg7[%add3A_335] : memref<17408xf32, #tpu.memory_space<vmem>>[vector<16xi32>], vector<16xf32>,
        %gather3A_399 = tpu.vector_load_idx %arg7[%add3A_338] : memref<17408xf32, #tpu.memory_space<vmem>>[vector<16xi32>], vector<16xf32>,
        %gather3A_400 = tpu.vector_load_idx %arg7[%add3A_341] : memref<17408xf32, #tpu.memory_space<vmem>>[vector<16xi32>], vector<16xf32>,
        %gather3A_401 = tpu.vector_load_idx %arg7[%add3A_344] : memref<17408xf32, #tpu.memory_space<vmem>>[vector<16xi32>], vector<16xf32>,
        %gather3A_402 = tpu.vector_load_idx %arg7[%add3A_347] : memref<17408xf32, #tpu.memory_space<vmem>>[vector<16xi32>], vector<16xf32>,
        %gather3A_403 = tpu.vector_load_idx %arg7[%add3A_350] : memref<17408xf32, #tpu.memory_space<vmem>>[vector<16xi32>], vector<16xf32>,
        %gather3A_404 = tpu.vector_load_idx %arg7[%add3A_353] : memref<17408xf32, #tpu.memory_space<vmem>>[vector<16xi32>], vector<16xf32>,
        %gather3A_405 = tpu.vector_load_idx %arg7[%add3A_356] : memref<17408xf32, #tpu.memory_space<vmem>>[vector<16xi32>], vector<16xf32>,
        %gather3A_406 = tpu.vector_load_idx %arg7[%add3A_359] : memref<17408xf32, #tpu.memory_space<vmem>>[vector<16xi32>], vector<16xf32>,
        %gather3A_407 = tpu.vector_load_idx %arg7[%add3A_362] : memref<17408xf32, #tpu.memory_space<vmem>>[vector<16xi32>], vector<16xf32>,
        %gather3A_408 = tpu.vector_load_idx %arg7[%add3A_365] : memref<17408xf32, #tpu.memory_space<vmem>>[vector<16xi32>], vector<16xf32>,
        %gather3A_409 = tpu.vector_load_idx %arg7[%add3A_368] : memref<17408xf32, #tpu.memory_space<vmem>>[vector<16xi32>], vector<16xf32>,
        %gather3A_410 = tpu.vector_load_idx %arg7[%add3A_371] : memref<17408xf32, #tpu.memory_space<vmem>>[vector<16xi32>], vector<16xf32>,
        %gather3A_411 = tpu.vector_load_idx %arg7[%add3A_374] : memref<17408xf32, #tpu.memory_space<vmem>>[vector<16xi32>], vector<16xf32>,
        %gather3A_412 = tpu.vector_load_idx %arg7[%add3A_377] : memref<17408xf32, #tpu.memory_space<vmem>>[vector<16xi32>], vector<16xf32>,
        %max3A_413 = arith.maximumf %gather3A_381, %gather3A_382 : vector<16xf32>
        %max3A_414 = arith.maximumf %gather3A_383, %gather3A_384 : vector<16xf32>
        %max3A_415 = arith.maximumf %gather3A_385, %gather3A_386 : vector<16xf32>
        %max3A_416 = arith.maximumf %gather3A_387, %gather3A_388 : vector<16xf32>
        %max3A_417 = arith.maximumf %gather3A_389, %gather3A_390 : vector<16xf32>
        %max3A_418 = arith.maximumf %gather3A_391, %gather3A_392 : vector<16xf32>
        %max3A_419 = arith.maximumf %gather3A_393, %gather3A_394 : vector<16xf32>
        %max3A_420 = arith.maximumf %gather3A_395, %gather3A_396 : vector<16xf32>
        %max3A_421 = arith.maximumf %max3A_413, %max3A_414 : vector<16xf32>
        %max3A_422 = arith.maximumf %max3A_415, %max3A_416 : vector<16xf32>
        %max3A_423 = arith.maximumf %max3A_417, %max3A_418 : vector<16xf32>
        %max3A_424 = arith.maximumf %max3A_419, %max3A_420 : vector<16xf32>
        %max3A_425 = arith.maximumf %max3A_421, %max3A_422 : vector<16xf32>
        %max3A_426 = arith.maximumf %max3A_423, %max3A_424 : vector<16xf32>
        %max3A_427 = arith.maximumf %max3A_425, %max3A_426 : vector<16xf32>
        %mul3A_428 = arith.mulf %gather3A_381, %gather3A_397 : vector<16xf32>
        %mul3A_429 = arith.mulf %gather3A_382, %gather3A_398 : vector<16xf32>
        %mul3A_430 = arith.mulf %gather3A_383, %gather3A_399 : vector<16xf32>
        %mul3A_431 = arith.mulf %gather3A_384, %gather3A_400 : vector<16xf32>
        %mul3A_432 = arith.mulf %gather3A_385, %gather3A_401 : vector<16xf32>
        %mul3A_433 = arith.mulf %gather3A_386, %gather3A_402 : vector<16xf32>
        %mul3A_434 = arith.mulf %gather3A_387, %gather3A_403 : vector<16xf32>
        %mul3A_435 = arith.mulf %gather3A_388, %gather3A_404 : vector<16xf32>
        %mul3A_436 = arith.mulf %gather3A_389, %gather3A_405 : vector<16xf32>
        %mul3A_437 = arith.mulf %gather3A_390, %gather3A_406 : vector<16xf32>
        %mul3A_438 = arith.mulf %gather3A_391, %gather3A_407 : vector<16xf32>
        %mul3A_439 = arith.mulf %gather3A_392, %gather3A_408 : vector<16xf32>
        %mul3A_440 = arith.mulf %gather3A_393, %gather3A_409 : vector<16xf32>
        %mul3A_441 = arith.mulf %gather3A_394, %gather3A_410 : vector<16xf32>
        %mul3A_442 = arith.mulf %gather3A_395, %gather3A_411 : vector<16xf32>
        %mul3A_443 = arith.mulf %gather3A_396, %gather3A_412 : vector<16xf32>
        %add3A_444 = arith.addf %mul3A_428, %mul3A_429 : vector<16xf32>
        %add3A_445 = arith.addf %mul3A_430, %mul3A_431 : vector<16xf32>
        %add3A_446 = arith.addf %mul3A_432, %mul3A_433 : vector<16xf32>
        %add3A_447 = arith.addf %mul3A_434, %mul3A_435 : vector<16xf32>
        %add3A_448 = arith.addf %mul3A_436, %mul3A_437 : vector<16xf32>
        %add3A_449 = arith.addf %mul3A_438, %mul3A_439 : vector<16xf32>
        %add3A_450 = arith.addf %mul3A_440, %mul3A_441 : vector<16xf32>
        %add3A_451 = arith.addf %mul3A_442, %mul3A_443 : vector<16xf32>
        %add3A_452 = arith.addf %add3A_444, %add3A_445 : vector<16xf32>
        %add3A_453 = arith.addf %add3A_446, %add3A_447 : vector<16xf32>
        %add3A_454 = arith.addf %add3A_448, %add3A_449 : vector<16xf32>
        %add3A_455 = arith.addf %add3A_450, %add3A_451 : vector<16xf32>
        %add3A_456 = arith.addf %add3A_452, %add3A_453 : vector<16xf32>
        %add3A_457 = arith.addf %add3A_454, %add3A_455 : vector<16xf32>
        %add3A_458 = arith.addf %add3A_456, %add3A_457 : vector<16xf32>
        %add3A_459 = arith.addf %gather3A_397, %gather3A_398 : vector<16xf32>
        %add3A_460 = arith.addf %gather3A_399, %gather3A_400 : vector<16xf32>
        %add3A_461 = arith.addf %gather3A_401, %gather3A_402 : vector<16xf32>
        %add3A_462 = arith.addf %gather3A_403, %gather3A_404 : vector<16xf32>
        %add3A_463 = arith.addf %gather3A_405, %gather3A_406 : vector<16xf32>
        %add3A_464 = arith.addf %gather3A_407, %gather3A_408 : vector<16xf32>
        %add3A_465 = arith.addf %gather3A_409, %gather3A_410 : vector<16xf32>
        %add3A_466 = arith.addf %gather3A_411, %gather3A_412 : vector<16xf32>
        %add3A_467 = arith.addf %add3A_459, %add3A_460 : vector<16xf32>
        %add3A_468 = arith.addf %add3A_461, %add3A_462 : vector<16xf32>
        %add3A_469 = arith.addf %add3A_463, %add3A_464 : vector<16xf32>
        %add3A_470 = arith.addf %add3A_465, %add3A_466 : vector<16xf32>
        %add3A_471 = arith.addf %add3A_467, %add3A_468 : vector<16xf32>
        %add3A_472 = arith.addf %add3A_469, %add3A_470 : vector<16xf32>
        %add3A_473 = arith.addf %add3A_471, %add3A_472 : vector<16xf32>
        %sub3A_474 = arith.subf %gather3A_381, %max3A_427 : vector<16xf32>
        %exp3A_475 = math.exp %sub3A_474 : vector<16xf32>
        %sub3A_476 = arith.subf %gather3A_382, %max3A_427 : vector<16xf32>
        %exp3A_477 = math.exp %sub3A_476 : vector<16xf32>
        %sub3A_478 = arith.subf %gather3A_383, %max3A_427 : vector<16xf32>
        %exp3A_479 = math.exp %sub3A_478 : vector<16xf32>
        %sub3A_480 = arith.subf %gather3A_384, %max3A_427 : vector<16xf32>
        %exp3A_481 = math.exp %sub3A_480 : vector<16xf32>
        %sub3A_482 = arith.subf %gather3A_385, %max3A_427 : vector<16xf32>
        %exp3A_483 = math.exp %sub3A_482 : vector<16xf32>
        %sub3A_484 = arith.subf %gather3A_386, %max3A_427 : vector<16xf32>
        %exp3A_485 = math.exp %sub3A_484 : vector<16xf32>
        %sub3A_486 = arith.subf %gather3A_387, %max3A_427 : vector<16xf32>
        %exp3A_487 = math.exp %sub3A_486 : vector<16xf32>
        %sub3A_488 = arith.subf %gather3A_388, %max3A_427 : vector<16xf32>
        %exp3A_489 = math.exp %sub3A_488 : vector<16xf32>
        %sub3A_490 = arith.subf %gather3A_389, %max3A_427 : vector<16xf32>
        %exp3A_491 = math.exp %sub3A_490 : vector<16xf32>
        %sub3A_492 = arith.subf %gather3A_390, %max3A_427 : vector<16xf32>
        %exp3A_493 = math.exp %sub3A_492 : vector<16xf32>
        %sub3A_494 = arith.subf %gather3A_391, %max3A_427 : vector<16xf32>
        %exp3A_495 = math.exp %sub3A_494 : vector<16xf32>
        %sub3A_496 = arith.subf %gather3A_392, %max3A_427 : vector<16xf32>
        %exp3A_497 = math.exp %sub3A_496 : vector<16xf32>
        %sub3A_498 = arith.subf %gather3A_393, %max3A_427 : vector<16xf32>
        %exp3A_499 = math.exp %sub3A_498 : vector<16xf32>
        %sub3A_500 = arith.subf %gather3A_394, %max3A_427 : vector<16xf32>
        %exp3A_501 = math.exp %sub3A_500 : vector<16xf32>
        %sub3A_502 = arith.subf %gather3A_395, %max3A_427 : vector<16xf32>
        %exp3A_503 = math.exp %sub3A_502 : vector<16xf32>
        %sub3A_504 = arith.subf %gather3A_396, %max3A_427 : vector<16xf32>
        %exp3A_505 = math.exp %sub3A_504 : vector<16xf32>
        %add3A_506 = arith.addf %exp3A_475, %exp3A_477 : vector<16xf32>
        %add3A_507 = arith.addf %exp3A_479, %exp3A_481 : vector<16xf32>
        %add3A_508 = arith.addf %exp3A_483, %exp3A_485 : vector<16xf32>
        %add3A_509 = arith.addf %exp3A_487, %exp3A_489 : vector<16xf32>
        %add3A_510 = arith.addf %exp3A_491, %exp3A_493 : vector<16xf32>
        %add3A_511 = arith.addf %exp3A_495, %exp3A_497 : vector<16xf32>
        %add3A_512 = arith.addf %exp3A_499, %exp3A_501 : vector<16xf32>
        %add3A_513 = arith.addf %exp3A_503, %exp3A_505 : vector<16xf32>
        %add3A_514 = arith.addf %add3A_506, %add3A_507 : vector<16xf32>
        %add3A_515 = arith.addf %add3A_508, %add3A_509 : vector<16xf32>
        %add3A_516 = arith.addf %add3A_510, %add3A_511 : vector<16xf32>
        %add3A_517 = arith.addf %add3A_512, %add3A_513 : vector<16xf32>
        %add3A_518 = arith.addf %add3A_514, %add3A_515 : vector<16xf32>
        %add3A_519 = arith.addf %add3A_516, %add3A_517 : vector<16xf32>
        %add3A_520 = arith.addf %add3A_518, %add3A_519 : vector<16xf32>
        %bitcast_convert_type3A_521 = tpu.bitcast %add3A_520 : vector<16xf32> -> vector<16xi32>
        %shift_right_logical3A_522 = arith.constant 23 : i32
        %shift_right_logical3A_523 = vector.broadcast %shift_right_logical3A_522 : i32 to vector<16xi32>
        %shift_right_logical3A_524 = arith.shrui %bitcast_convert_type3A_521, %shift_right_logical3A_523 : vector<16xi32>
        %sub3A_525 = arith.constant 127 : i32
        %sub3A_526 = vector.broadcast %sub3A_525 : i32 to vector<16xi32>
        %sub3A_527 = arith.subi %shift_right_logical3A_524, %sub3A_526 : vector<16xi32>
        %and3A_528 = arith.constant 8388607 : i32
        %and3A_529 = vector.broadcast %and3A_528 : i32 to vector<16xi32>
        %and3A_530 = arith.andi %bitcast_convert_type3A_521, %and3A_529 : vector<16xi32>
        %or3A_531 = arith.constant 1065353216 : i32
        %or3A_532 = vector.broadcast %or3A_531 : i32 to vector<16xi32>
        %or3A_533 = arith.ori %and3A_530, %or3A_532 : vector<16xi32>
        %bitcast_convert_type3A_534 = tpu.bitcast %or3A_533 : vector<16xi32> -> vector<16xf32>
        %gt3A_535 = arith.constant 1.41421354 : f32
        %gt3A_536 = vector.broadcast %gt3A_535 : f32 to vector<16xf32>
        %gt3A_537 = arith.cmpf ogt, %bitcast_convert_type3A_534, %gt3A_536 : vector<16xf32>
        %mul3A_538 = arith.constant 5.000000e-01 : f32
        %mul3A_539 = vector.broadcast %mul3A_538 : f32 to vector<16xf32>
        %mul3A_540 = arith.mulf %bitcast_convert_type3A_534, %mul3A_539 : vector<16xf32>
        %select_n3A_541 = arith.select %gt3A_537, %mul3A_540, %bitcast_convert_type3A_534 : vector<16xi1>, vector<16xf32>
        %convert_element_type3A_542 = arith.sitofp %sub3A_527 : vector<16xi32> to vector<16xf32>
        %jit3A_543 = arith.constant 1.000000e+00 : f32
        %jit3A_544 = arith.constant 0.000000e+00 : f32
        %broadcast_in_dim3A_545 = vector.broadcast %jit3A_543 : f32 to vector<16xf32>
        %broadcast_in_dim3A_546 = vector.broadcast %jit3A_544 : f32 to vector<16xf32>
        %select_n3A_547 = arith.select %gt3A_537, %broadcast_in_dim3A_545, %broadcast_in_dim3A_546 : vector<16xi1>, vector<16xf32>
        %add3A_548 = arith.addf %convert_element_type3A_542, %select_n3A_547 : vector<16xf32>
        %sub3A_549 = arith.constant 1.000000e+00 : f32
        %sub3A_550 = vector.broadcast %sub3A_549 : f32 to vector<16xf32>
        %sub3A_551 = arith.subf %select_n3A_541, %sub3A_550 : vector<16xf32>
        %add3A_552 = arith.constant 1.000000e+00 : f32
        %add3A_553 = vector.broadcast %add3A_552 : f32 to vector<16xf32>
        %add3A_554 = arith.addf %select_n3A_541, %add3A_553 : vector<16xf32>
        %div3A_555 = arith.divf %sub3A_551, %add3A_554 : vector<16xf32>
        %mul3A_556 = arith.mulf %div3A_555, %div3A_555 : vector<16xf32>
        %mul3A_557 = arith.constant 0.222222224 : f32
        %mul3A_558 = vector.broadcast %mul3A_557 : f32 to vector<16xf32>
        %mul3A_559 = arith.mulf %mul3A_556, %mul3A_558 : vector<16xf32>
        %add3A_560 = arith.constant 0.285714298 : f32
        %add3A_561 = vector.broadcast %add3A_560 : f32 to vector<16xf32>
        %add3A_562 = arith.addf %add3A_561, %mul3A_559 : vector<16xf32>
        %mul3A_563 = arith.mulf %mul3A_556, %add3A_562 : vector<16xf32>
        %add3A_564 = arith.constant 4.000000e-01 : f32
        %add3A_565 = vector.broadcast %add3A_564 : f32 to vector<16xf32>
        %add3A_566 = arith.addf %add3A_565, %mul3A_563 : vector<16xf32>
        %mul3A_567 = arith.mulf %mul3A_556, %add3A_566 : vector<16xf32>
        %add3A_568 = arith.constant 0.666666686 : f32
        %add3A_569 = vector.broadcast %add3A_568 : f32 to vector<16xf32>
        %add3A_570 = arith.addf %add3A_569, %mul3A_567 : vector<16xf32>
        %mul3A_571 = arith.mulf %mul3A_556, %add3A_570 : vector<16xf32>
        %add3A_572 = arith.constant 2.000000e+00 : f32
        %add3A_573 = vector.broadcast %add3A_572 : f32 to vector<16xf32>
        %add3A_574 = arith.addf %add3A_573, %mul3A_571 : vector<16xf32>
        %mul3A_575 = arith.constant 0.693147182 : f32
        %mul3A_576 = vector.broadcast %mul3A_575 : f32 to vector<16xf32>
        %mul3A_577 = arith.mulf %add3A_548, %mul3A_576 : vector<16xf32>
        %mul3A_578 = arith.mulf %div3A_555, %add3A_574 : vector<16xf32>
        %add3A_579 = arith.addf %mul3A_577, %mul3A_578 : vector<16xf32>
        %add3A_580 = arith.addf %max3A_427, %add3A_579 : vector<16xf32>
        %sub3A_581 = arith.subf %add3A_580, %get3A_380 : vector<16xf32>
        %mul3A_582 = arith.mulf %sub3A_581, %add3A_473 : vector<16xf32>
        %sub3A_583 = arith.subf %add3A_458, %mul3A_582 : vector<16xf32>
        %add3A_584 = arith.addf %scan3A_323, %sub3A_583 : vector<16xf32>
        %exp3A_585 = math.exp %get3A_380 : vector<16xf32>
        %div3A_586 = arith.divf %exp3A_585, %add3A_520 : vector<16xf32>
        %mul3A_587 = arith.mulf %exp3A_475, %div3A_586 : vector<16xf32>
        tpu.vector_store_idx %arg10[%add3A_332], %mul3A_587 : memref<17408xf32, #tpu.memory_space<vmem>>[vector<16xi32>], vector<16xf32>,
        %mul3A_588 = arith.mulf %exp3A_477, %div3A_586 : vector<16xf32>
        tpu.vector_store_idx %arg10[%add3A_335], %mul3A_588 : memref<17408xf32, #tpu.memory_space<vmem>>[vector<16xi32>], vector<16xf32>,
        %mul3A_589 = arith.mulf %exp3A_479, %div3A_586 : vector<16xf32>
        tpu.vector_store_idx %arg10[%add3A_338], %mul3A_589 : memref<17408xf32, #tpu.memory_space<vmem>>[vector<16xi32>], vector<16xf32>,
        %mul3A_590 = arith.mulf %exp3A_481, %div3A_586 : vector<16xf32>
        tpu.vector_store_idx %arg10[%add3A_341], %mul3A_590 : memref<17408xf32, #tpu.memory_space<vmem>>[vector<16xi32>], vector<16xf32>,
        %mul3A_591 = arith.mulf %exp3A_483, %div3A_586 : vector<16xf32>
        tpu.vector_store_idx %arg10[%add3A_344], %mul3A_591 : memref<17408xf32, #tpu.memory_space<vmem>>[vector<16xi32>], vector<16xf32>,
        %mul3A_592 = arith.mulf %exp3A_485, %div3A_586 : vector<16xf32>
        tpu.vector_store_idx %arg10[%add3A_347], %mul3A_592 : memref<17408xf32, #tpu.memory_space<vmem>>[vector<16xi32>], vector<16xf32>,
        %mul3A_593 = arith.mulf %exp3A_487, %div3A_586 : vector<16xf32>
        tpu.vector_store_idx %arg10[%add3A_350], %mul3A_593 : memref<17408xf32, #tpu.memory_space<vmem>>[vector<16xi32>], vector<16xf32>,
        %mul3A_594 = arith.mulf %exp3A_489, %div3A_586 : vector<16xf32>
        tpu.vector_store_idx %arg10[%add3A_353], %mul3A_594 : memref<17408xf32, #tpu.memory_space<vmem>>[vector<16xi32>], vector<16xf32>,
        %mul3A_595 = arith.mulf %exp3A_491, %div3A_586 : vector<16xf32>
        tpu.vector_store_idx %arg10[%add3A_356], %mul3A_595 : memref<17408xf32, #tpu.memory_space<vmem>>[vector<16xi32>], vector<16xf32>,
        %mul3A_596 = arith.mulf %exp3A_493, %div3A_586 : vector<16xf32>
        tpu.vector_store_idx %arg10[%add3A_359], %mul3A_596 : memref<17408xf32, #tpu.memory_space<vmem>>[vector<16xi32>], vector<16xf32>,
        %mul3A_597 = arith.mulf %exp3A_495, %div3A_586 : vector<16xf32>
        tpu.vector_store_idx %arg10[%add3A_362], %mul3A_597 : memref<17408xf32, #tpu.memory_space<vmem>>[vector<16xi32>], vector<16xf32>,
        %mul3A_598 = arith.mulf %exp3A_497, %div3A_586 : vector<16xf32>
        tpu.vector_store_idx %arg10[%add3A_365], %mul3A_598 : memref<17408xf32, #tpu.memory_space<vmem>>[vector<16xi32>], vector<16xf32>,
        %mul3A_599 = arith.mulf %exp3A_499, %div3A_586 : vector<16xf32>
        tpu.vector_store_idx %arg10[%add3A_368], %mul3A_599 : memref<17408xf32, #tpu.memory_space<vmem>>[vector<16xi32>], vector<16xf32>,
        %mul3A_600 = arith.mulf %exp3A_501, %div3A_586 : vector<16xf32>
        tpu.vector_store_idx %arg10[%add3A_371], %mul3A_600 : memref<17408xf32, #tpu.memory_space<vmem>>[vector<16xi32>], vector<16xf32>,
        %mul3A_601 = arith.mulf %exp3A_503, %div3A_586 : vector<16xf32>
        tpu.vector_store_idx %arg10[%add3A_374], %mul3A_601 : memref<17408xf32, #tpu.memory_space<vmem>>[vector<16xi32>], vector<16xf32>,
        %mul3A_602 = arith.mulf %exp3A_505, %div3A_586 : vector<16xf32>
        tpu.vector_store_idx %arg10[%add3A_377], %mul3A_602 : memref<17408xf32, #tpu.memory_space<vmem>>[vector<16xi32>], vector<16xf32>,
        scf.yield %add3A_584 : vector<16xf32>
      }
      %scan3A_321 = arith.constant 8 : i32
      scf.yield %scan3A_320 : vector<16xf32>
    }
    %scan3A_30 = arith.constant 8 : i32
    %add3A_31 = arith.constant 0 : i32
    %add3A_32 = arith.addi %mul3A_2, %add3A_31 : i32
    %mul3A_33 = arith.constant 136 : i32
    %mul3A_34 = arith.muli %add3A_32, %mul3A_33 : i32
    %dma_start3A_35 = tpu.memref_slice %arg4[%mul3A_34] : memref<2228224xf32, #tpu.memory_space<hbm>> -> memref<17408xf32, #tpu.memory_space<hbm>>
    %dma_start3A_36 = tpu.memref_slice %arg4[%mul3A_34] : memref<2228224xf32, #tpu.memory_space<hbm>> -> memref<17408xf32, #tpu.memory_space<hbm>>
    tpu.enqueue_dma source(%arg10 : memref<17408xf32, #tpu.memory_space<vmem>>) target(%dma_start3A_36 : memref<17408xf32, #tpu.memory_space<hbm>>) target_semaphore(%arg16 : memref<!tpu.dma_semaphore, #tpu.memory_space<semaphore_mem>>)
    %add3A_37 = arith.constant 256 : i32
    %add3A_38 = arith.addi %mul3A_2, %add3A_37 : i32
    %mul3A_39 = arith.constant 136 : i32
    %mul3A_40 = arith.muli %add3A_38, %mul3A_39 : i32
    %dma_start3A_41 = tpu.memref_slice %arg2[%mul3A_40] : memref<2228224xf32, #tpu.memory_space<hbm>> -> memref<17408xf32, #tpu.memory_space<hbm>>
    %dma_start3A_42 = tpu.memref_slice %arg2[%mul3A_40] : memref<2228224xf32, #tpu.memory_space<hbm>> -> memref<17408xf32, #tpu.memory_space<hbm>>
    tpu.enqueue_dma source(%dma_start3A_42 : memref<17408xf32, #tpu.memory_space<hbm>>) target(%arg6 : memref<17408xf32, #tpu.memory_space<vmem>>) target_semaphore(%arg14 : memref<!tpu.dma_semaphore, #tpu.memory_space<semaphore_mem>>)
    %dma_start3A_43 = tpu.memref_slice %arg3[%mul3A_40] : memref<2228224xf32, #tpu.memory_space<hbm>> -> memref<17408xf32, #tpu.memory_space<hbm>>
    %dma_start3A_44 = tpu.memref_slice %arg3[%mul3A_40] : memref<2228224xf32, #tpu.memory_space<hbm>> -> memref<17408xf32, #tpu.memory_space<hbm>>
    tpu.enqueue_dma source(%dma_start3A_44 : memref<17408xf32, #tpu.memory_space<hbm>>) target(%arg7 : memref<17408xf32, #tpu.memory_space<vmem>>) target_semaphore(%arg14 : memref<!tpu.dma_semaphore, #tpu.memory_space<semaphore_mem>>)
    %dma_wait3A_45 = arith.constant 0 : i32
    %dma_wait3A_46 = tpu.memref_slice %arg2[%dma_wait3A_45] : memref<2228224xf32, #tpu.memory_space<hbm>> -> memref<17408xf32, #tpu.memory_space<hbm>>
    %dma_wait3A_47 = arith.constant 0 : i32
    %dma_wait3A_48 = tpu.memref_slice %arg2[%dma_wait3A_47] : memref<2228224xf32, #tpu.memory_space<hbm>> -> memref<17408xf32, #tpu.memory_space<hbm>>
    tpu.wait_dma2 semaphore(%arg15 : memref<!tpu.dma_semaphore, #tpu.memory_space<semaphore_mem>>) src(%dma_wait3A_48 : memref<17408xf32, #tpu.memory_space<hbm>>) dst(%arg8 : memref<17408xf32, #tpu.memory_space<vmem>>)
    %dma_wait3A_49 = arith.constant 0 : i32
    %dma_wait3A_50 = tpu.memref_slice %arg3[%dma_wait3A_49] : memref<2228224xf32, #tpu.memory_space<hbm>> -> memref<17408xf32, #tpu.memory_space<hbm>>
    %dma_wait3A_51 = arith.constant 0 : i32
    %dma_wait3A_52 = tpu.memref_slice %arg3[%dma_wait3A_51] : memref<2228224xf32, #tpu.memory_space<hbm>> -> memref<17408xf32, #tpu.memory_space<hbm>>
    tpu.wait_dma2 semaphore(%arg15 : memref<!tpu.dma_semaphore, #tpu.memory_space<semaphore_mem>>) src(%dma_wait3A_52 : memref<17408xf32, #tpu.memory_space<hbm>>) dst(%arg9 : memref<17408xf32, #tpu.memory_space<vmem>>)
    %scan3A_53 = arith.constant 0 : i32
    %scan3A_54 = arith.constant 8 : i32
    %scan3A_55 = arith.addi %scan3A_53, %scan3A_54 : i32
    %scan3A_56 = arith.constant 1 : i32
    %scan3A_57 = scf.for %scan3A_130 = %scan3A_53 to %scan3A_55 step %scan3A_56 iter_args(%scan3A_131 = %scan3A_29) -> (vector<16xf32>)  : i32 {
      %mul3A_132 = arith.constant 16 : i32
      %mul3A_133 = arith.muli %scan3A_130, %mul3A_132 : i32
      %add3A_134 = vector.broadcast %mul3A_133 : i32 to vector<16xi32>
      %add3A_135 = arith.addi %add3A_134, %iota3A : vector<16xi32>
      %mul3A_136 = arith.constant 136 : i32
      %mul3A_137 = vector.broadcast %mul3A_136 : i32 to vector<16xi32>
      %mul3A_138 = arith.muli %add3A_135, %mul3A_137 : vector<16xi32>
      %add3A_139 = arith.constant 0 : i32
      %add3A_140 = vector.broadcast %add3A_139 : i32 to vector<16xi32>
      %add3A_141 = arith.addi %mul3A_138, %add3A_140 : vector<16xi32>
      %add3A_142 = arith.constant 1 : i32
      %add3A_143 = vector.broadcast %add3A_142 : i32 to vector<16xi32>
      %add3A_144 = arith.addi %mul3A_138, %add3A_143 : vector<16xi32>
      %add3A_145 = arith.constant 2 : i32
      %add3A_146 = vector.broadcast %add3A_145 : i32 to vector<16xi32>
      %add3A_147 = arith.addi %mul3A_138, %add3A_146 : vector<16xi32>
      %add3A_148 = arith.constant 3 : i32
      %add3A_149 = vector.broadcast %add3A_148 : i32 to vector<16xi32>
      %add3A_150 = arith.addi %mul3A_138, %add3A_149 : vector<16xi32>
      %add3A_151 = arith.constant 4 : i32
      %add3A_152 = vector.broadcast %add3A_151 : i32 to vector<16xi32>
      %add3A_153 = arith.addi %mul3A_138, %add3A_152 : vector<16xi32>
      %add3A_154 = arith.constant 5 : i32
      %add3A_155 = vector.broadcast %add3A_154 : i32 to vector<16xi32>
      %add3A_156 = arith.addi %mul3A_138, %add3A_155 : vector<16xi32>
      %add3A_157 = arith.constant 6 : i32
      %add3A_158 = vector.broadcast %add3A_157 : i32 to vector<16xi32>
      %add3A_159 = arith.addi %mul3A_138, %add3A_158 : vector<16xi32>
      %add3A_160 = arith.constant 7 : i32
      %add3A_161 = vector.broadcast %add3A_160 : i32 to vector<16xi32>
      %add3A_162 = arith.addi %mul3A_138, %add3A_161 : vector<16xi32>
      %gather3A = tpu.vector_load_idx %arg8[%add3A_141] : memref<17408xf32, #tpu.memory_space<vmem>>[vector<16xi32>], vector<16xf32>,
      %gather3A_163 = tpu.vector_load_idx %arg8[%add3A_144] : memref<17408xf32, #tpu.memory_space<vmem>>[vector<16xi32>], vector<16xf32>,
      %gather3A_164 = tpu.vector_load_idx %arg8[%add3A_147] : memref<17408xf32, #tpu.memory_space<vmem>>[vector<16xi32>], vector<16xf32>,
      %gather3A_165 = tpu.vector_load_idx %arg8[%add3A_150] : memref<17408xf32, #tpu.memory_space<vmem>>[vector<16xi32>], vector<16xf32>,
      %gather3A_166 = tpu.vector_load_idx %arg8[%add3A_153] : memref<17408xf32, #tpu.memory_space<vmem>>[vector<16xi32>], vector<16xf32>,
      %gather3A_167 = tpu.vector_load_idx %arg8[%add3A_156] : memref<17408xf32, #tpu.memory_space<vmem>>[vector<16xi32>], vector<16xf32>,
      %gather3A_168 = tpu.vector_load_idx %arg8[%add3A_159] : memref<17408xf32, #tpu.memory_space<vmem>>[vector<16xi32>], vector<16xf32>,
      %gather3A_169 = tpu.vector_load_idx %arg8[%add3A_162] : memref<17408xf32, #tpu.memory_space<vmem>>[vector<16xi32>], vector<16xf32>,
      %gather3A_170 = tpu.vector_load_idx %arg9[%add3A_141] : memref<17408xf32, #tpu.memory_space<vmem>>[vector<16xi32>], vector<16xf32>,
      %gather3A_171 = tpu.vector_load_idx %arg9[%add3A_144] : memref<17408xf32, #tpu.memory_space<vmem>>[vector<16xi32>], vector<16xf32>,
      %gather3A_172 = tpu.vector_load_idx %arg9[%add3A_147] : memref<17408xf32, #tpu.memory_space<vmem>>[vector<16xi32>], vector<16xf32>,
      %gather3A_173 = tpu.vector_load_idx %arg9[%add3A_150] : memref<17408xf32, #tpu.memory_space<vmem>>[vector<16xi32>], vector<16xf32>,
      %gather3A_174 = tpu.vector_load_idx %arg9[%add3A_153] : memref<17408xf32, #tpu.memory_space<vmem>>[vector<16xi32>], vector<16xf32>,
      %gather3A_175 = tpu.vector_load_idx %arg9[%add3A_156] : memref<17408xf32, #tpu.memory_space<vmem>>[vector<16xi32>], vector<16xf32>,
      %gather3A_176 = tpu.vector_load_idx %arg9[%add3A_159] : memref<17408xf32, #tpu.memory_space<vmem>>[vector<16xi32>], vector<16xf32>,
      %gather3A_177 = tpu.vector_load_idx %arg9[%add3A_162] : memref<17408xf32, #tpu.memory_space<vmem>>[vector<16xi32>], vector<16xf32>,
      %max3A = arith.maximumf %gather3A, %gather3A_163 : vector<16xf32>
      %max3A_178 = arith.maximumf %gather3A_164, %gather3A_165 : vector<16xf32>
      %max3A_179 = arith.maximumf %gather3A_166, %gather3A_167 : vector<16xf32>
      %max3A_180 = arith.maximumf %gather3A_168, %gather3A_169 : vector<16xf32>
      %max3A_181 = arith.maximumf %max3A, %max3A_178 : vector<16xf32>
      %max3A_182 = arith.maximumf %max3A_179, %max3A_180 : vector<16xf32>
      %max3A_183 = arith.maximumf %max3A_181, %max3A_182 : vector<16xf32>
      %mul3A_184 = arith.mulf %gather3A, %gather3A_170 : vector<16xf32>
      %mul3A_185 = arith.mulf %gather3A_163, %gather3A_171 : vector<16xf32>
      %mul3A_186 = arith.mulf %gather3A_164, %gather3A_172 : vector<16xf32>
      %mul3A_187 = arith.mulf %gather3A_165, %gather3A_173 : vector<16xf32>
      %mul3A_188 = arith.mulf %gather3A_166, %gather3A_174 : vector<16xf32>
      %mul3A_189 = arith.mulf %gather3A_167, %gather3A_175 : vector<16xf32>
      %mul3A_190 = arith.mulf %gather3A_168, %gather3A_176 : vector<16xf32>
      %mul3A_191 = arith.mulf %gather3A_169, %gather3A_177 : vector<16xf32>
      %add3A_192 = arith.addf %mul3A_184, %mul3A_185 : vector<16xf32>
      %add3A_193 = arith.addf %mul3A_186, %mul3A_187 : vector<16xf32>
      %add3A_194 = arith.addf %mul3A_188, %mul3A_189 : vector<16xf32>
      %add3A_195 = arith.addf %mul3A_190, %mul3A_191 : vector<16xf32>
      %add3A_196 = arith.addf %add3A_192, %add3A_193 : vector<16xf32>
      %add3A_197 = arith.addf %add3A_194, %add3A_195 : vector<16xf32>
      %add3A_198 = arith.addf %add3A_196, %add3A_197 : vector<16xf32>
      %add3A_199 = arith.addf %gather3A_170, %gather3A_171 : vector<16xf32>
      %add3A_200 = arith.addf %gather3A_172, %gather3A_173 : vector<16xf32>
      %add3A_201 = arith.addf %gather3A_174, %gather3A_175 : vector<16xf32>
      %add3A_202 = arith.addf %gather3A_176, %gather3A_177 : vector<16xf32>
      %add3A_203 = arith.addf %add3A_199, %add3A_200 : vector<16xf32>
      %add3A_204 = arith.addf %add3A_201, %add3A_202 : vector<16xf32>
      %add3A_205 = arith.addf %add3A_203, %add3A_204 : vector<16xf32>
      %sub3A = arith.subf %gather3A, %max3A_183 : vector<16xf32>
      %exp3A = math.exp %sub3A : vector<16xf32>
      %sub3A_206 = arith.subf %gather3A_163, %max3A_183 : vector<16xf32>
      %exp3A_207 = math.exp %sub3A_206 : vector<16xf32>
      %sub3A_208 = arith.subf %gather3A_164, %max3A_183 : vector<16xf32>
      %exp3A_209 = math.exp %sub3A_208 : vector<16xf32>
      %sub3A_210 = arith.subf %gather3A_165, %max3A_183 : vector<16xf32>
      %exp3A_211 = math.exp %sub3A_210 : vector<16xf32>
      %sub3A_212 = arith.subf %gather3A_166, %max3A_183 : vector<16xf32>
      %exp3A_213 = math.exp %sub3A_212 : vector<16xf32>
      %sub3A_214 = arith.subf %gather3A_167, %max3A_183 : vector<16xf32>
      %exp3A_215 = math.exp %sub3A_214 : vector<16xf32>
      %sub3A_216 = arith.subf %gather3A_168, %max3A_183 : vector<16xf32>
      %exp3A_217 = math.exp %sub3A_216 : vector<16xf32>
      %sub3A_218 = arith.subf %gather3A_169, %max3A_183 : vector<16xf32>
      %exp3A_219 = math.exp %sub3A_218 : vector<16xf32>
      %add3A_220 = arith.addf %exp3A, %exp3A_207 : vector<16xf32>
      %add3A_221 = arith.addf %exp3A_209, %exp3A_211 : vector<16xf32>
      %add3A_222 = arith.addf %exp3A_213, %exp3A_215 : vector<16xf32>
      %add3A_223 = arith.addf %exp3A_217, %exp3A_219 : vector<16xf32>
      %add3A_224 = arith.addf %add3A_220, %add3A_221 : vector<16xf32>
      %add3A_225 = arith.addf %add3A_222, %add3A_223 : vector<16xf32>
      %add3A_226 = arith.addf %add3A_224, %add3A_225 : vector<16xf32>
      %bitcast_convert_type3A = tpu.bitcast %add3A_226 : vector<16xf32> -> vector<16xi32>
      %shift_right_logical3A = arith.constant 23 : i32
      %shift_right_logical3A_227 = vector.broadcast %shift_right_logical3A : i32 to vector<16xi32>
      %shift_right_logical3A_228 = arith.shrui %bitcast_convert_type3A, %shift_right_logical3A_227 : vector<16xi32>
      %sub3A_229 = arith.constant 127 : i32
      %sub3A_230 = vector.broadcast %sub3A_229 : i32 to vector<16xi32>
      %sub3A_231 = arith.subi %shift_right_logical3A_228, %sub3A_230 : vector<16xi32>
      %and3A = arith.constant 8388607 : i32
      %and3A_232 = vector.broadcast %and3A : i32 to vector<16xi32>
      %and3A_233 = arith.andi %bitcast_convert_type3A, %and3A_232 : vector<16xi32>
      %or3A = arith.constant 1065353216 : i32
      %or3A_234 = vector.broadcast %or3A : i32 to vector<16xi32>
      %or3A_235 = arith.ori %and3A_233, %or3A_234 : vector<16xi32>
      %bitcast_convert_type3A_236 = tpu.bitcast %or3A_235 : vector<16xi32> -> vector<16xf32>
      %gt3A = arith.constant 1.41421354 : f32
      %gt3A_237 = vector.broadcast %gt3A : f32 to vector<16xf32>
      %gt3A_238 = arith.cmpf ogt, %bitcast_convert_type3A_236, %gt3A_237 : vector<16xf32>
      %mul3A_239 = arith.constant 5.000000e-01 : f32
      %mul3A_240 = vector.broadcast %mul3A_239 : f32 to vector<16xf32>
      %mul3A_241 = arith.mulf %bitcast_convert_type3A_236, %mul3A_240 : vector<16xf32>
      %select_n3A = arith.select %gt3A_238, %mul3A_241, %bitcast_convert_type3A_236 : vector<16xi1>, vector<16xf32>
      %convert_element_type3A = arith.sitofp %sub3A_231 : vector<16xi32> to vector<16xf32>
      %jit3A = arith.constant 1.000000e+00 : f32
      %jit3A_242 = arith.constant 0.000000e+00 : f32
      %broadcast_in_dim3A_243 = vector.broadcast %jit3A : f32 to vector<16xf32>
      %broadcast_in_dim3A_244 = vector.broadcast %jit3A_242 : f32 to vector<16xf32>
      %select_n3A_245 = arith.select %gt3A_238, %broadcast_in_dim3A_243, %broadcast_in_dim3A_244 : vector<16xi1>, vector<16xf32>
      %add3A_246 = arith.addf %convert_element_type3A, %select_n3A_245 : vector<16xf32>
      %sub3A_247 = arith.constant 1.000000e+00 : f32
      %sub3A_248 = vector.broadcast %sub3A_247 : f32 to vector<16xf32>
      %sub3A_249 = arith.subf %select_n3A, %sub3A_248 : vector<16xf32>
      %add3A_250 = arith.constant 1.000000e+00 : f32
      %add3A_251 = vector.broadcast %add3A_250 : f32 to vector<16xf32>
      %add3A_252 = arith.addf %select_n3A, %add3A_251 : vector<16xf32>
      %div3A = arith.divf %sub3A_249, %add3A_252 : vector<16xf32>
      %mul3A_253 = arith.mulf %div3A, %div3A : vector<16xf32>
      %mul3A_254 = arith.constant 0.222222224 : f32
      %mul3A_255 = vector.broadcast %mul3A_254 : f32 to vector<16xf32>
      %mul3A_256 = arith.mulf %mul3A_253, %mul3A_255 : vector<16xf32>
      %add3A_257 = arith.constant 0.285714298 : f32
      %add3A_258 = vector.broadcast %add3A_257 : f32 to vector<16xf32>
      %add3A_259 = arith.addf %add3A_258, %mul3A_256 : vector<16xf32>
      %mul3A_260 = arith.mulf %mul3A_253, %add3A_259 : vector<16xf32>
      %add3A_261 = arith.constant 4.000000e-01 : f32
      %add3A_262 = vector.broadcast %add3A_261 : f32 to vector<16xf32>
      %add3A_263 = arith.addf %add3A_262, %mul3A_260 : vector<16xf32>
      %mul3A_264 = arith.mulf %mul3A_253, %add3A_263 : vector<16xf32>
      %add3A_265 = arith.constant 0.666666686 : f32
      %add3A_266 = vector.broadcast %add3A_265 : f32 to vector<16xf32>
      %add3A_267 = arith.addf %add3A_266, %mul3A_264 : vector<16xf32>
      %mul3A_268 = arith.mulf %mul3A_253, %add3A_267 : vector<16xf32>
      %add3A_269 = arith.constant 2.000000e+00 : f32
      %add3A_270 = vector.broadcast %add3A_269 : f32 to vector<16xf32>
      %add3A_271 = arith.addf %add3A_270, %mul3A_268 : vector<16xf32>
      %mul3A_272 = arith.constant 0.693147182 : f32
      %mul3A_273 = vector.broadcast %mul3A_272 : f32 to vector<16xf32>
      %mul3A_274 = arith.mulf %add3A_246, %mul3A_273 : vector<16xf32>
      %mul3A_275 = arith.mulf %div3A, %add3A_271 : vector<16xf32>
      %add3A_276 = arith.addf %mul3A_274, %mul3A_275 : vector<16xf32>
      %add3A_277 = arith.addf %max3A_183, %add3A_276 : vector<16xf32>
      %sub3A_278 = arith.subf %gather3A, %add3A_277 : vector<16xf32>
      %sub3A_279 = arith.subf %gather3A_163, %add3A_277 : vector<16xf32>
      %sub3A_280 = arith.subf %gather3A_164, %add3A_277 : vector<16xf32>
      %sub3A_281 = arith.subf %gather3A_165, %add3A_277 : vector<16xf32>
      %sub3A_282 = arith.subf %gather3A_166, %add3A_277 : vector<16xf32>
      %sub3A_283 = arith.subf %gather3A_167, %add3A_277 : vector<16xf32>
      %sub3A_284 = arith.subf %gather3A_168, %add3A_277 : vector<16xf32>
      %sub3A_285 = arith.subf %gather3A_169, %add3A_277 : vector<16xf32>
      %mul3A_286 = arith.mulf %add3A_277, %add3A_205 : vector<16xf32>
      %sub3A_287 = arith.subf %add3A_198, %mul3A_286 : vector<16xf32>
      %add3A_288 = arith.addf %scan3A_131, %sub3A_287 : vector<16xf32>
      %div3A_289 = arith.constant 1.000000e+00 : f32
      %div3A_290 = vector.broadcast %div3A_289 : f32 to vector<16xf32>
      %div3A_291 = arith.divf %div3A_290, %add3A_226 : vector<16xf32>
      %mul3A_292 = arith.mulf %exp3A, %div3A_291 : vector<16xf32>
      tpu.vector_store_idx %arg11[%add3A_141], %mul3A_292 : memref<17408xf32, #tpu.memory_space<vmem>>[vector<16xi32>], vector<16xf32>,
      %mul3A_293 = arith.mulf %exp3A_207, %div3A_291 : vector<16xf32>
      tpu.vector_store_idx %arg11[%add3A_144], %mul3A_293 : memref<17408xf32, #tpu.memory_space<vmem>>[vector<16xi32>], vector<16xf32>,
      %mul3A_294 = arith.mulf %exp3A_209, %div3A_291 : vector<16xf32>
      tpu.vector_store_idx %arg11[%add3A_147], %mul3A_294 : memref<17408xf32, #tpu.memory_space<vmem>>[vector<16xi32>], vector<16xf32>,
      %mul3A_295 = arith.mulf %exp3A_211, %div3A_291 : vector<16xf32>
      tpu.vector_store_idx %arg11[%add3A_150], %mul3A_295 : memref<17408xf32, #tpu.memory_space<vmem>>[vector<16xi32>], vector<16xf32>,
      %mul3A_296 = arith.mulf %exp3A_213, %div3A_291 : vector<16xf32>
      tpu.vector_store_idx %arg11[%add3A_153], %mul3A_296 : memref<17408xf32, #tpu.memory_space<vmem>>[vector<16xi32>], vector<16xf32>,
      %mul3A_297 = arith.mulf %exp3A_215, %div3A_291 : vector<16xf32>
      tpu.vector_store_idx %arg11[%add3A_156], %mul3A_297 : memref<17408xf32, #tpu.memory_space<vmem>>[vector<16xi32>], vector<16xf32>,
      %mul3A_298 = arith.mulf %exp3A_217, %div3A_291 : vector<16xf32>
      tpu.vector_store_idx %arg11[%add3A_159], %mul3A_298 : memref<17408xf32, #tpu.memory_space<vmem>>[vector<16xi32>], vector<16xf32>,
      %mul3A_299 = arith.mulf %exp3A_219, %div3A_291 : vector<16xf32>
      tpu.vector_store_idx %arg11[%add3A_162], %mul3A_299 : memref<17408xf32, #tpu.memory_space<vmem>>[vector<16xi32>], vector<16xf32>,
      %swap3A_300 = arith.constant 0 : index
      %swap3A_301 = tpu.vector_load %arg12[%swap3A_300] {strides = array<i32>} : memref<128xf32, #tpu.memory_space<vmem>>, vector<16xf32>,
      tpu.vector_store %arg12[%swap3A_300], %sub3A_278 {strides = array<i32>} : memref<128xf32, #tpu.memory_space<vmem>>, vector<16xf32>,
      %swap3A_302 = arith.constant 16 : index
      %swap3A_303 = tpu.vector_load %arg12[%swap3A_302] {strides = array<i32>} : memref<128xf32, #tpu.memory_space<vmem>>, vector<16xf32>,
      tpu.vector_store %arg12[%swap3A_302], %sub3A_279 {strides = array<i32>} : memref<128xf32, #tpu.memory_space<vmem>>, vector<16xf32>,
      %swap3A_304 = arith.constant 32 : index
      %swap3A_305 = tpu.vector_load %arg12[%swap3A_304] {strides = array<i32>} : memref<128xf32, #tpu.memory_space<vmem>>, vector<16xf32>,
      tpu.vector_store %arg12[%swap3A_304], %sub3A_280 {strides = array<i32>} : memref<128xf32, #tpu.memory_space<vmem>>, vector<16xf32>,
      %swap3A_306 = arith.constant 48 : index
      %swap3A_307 = tpu.vector_load %arg12[%swap3A_306] {strides = array<i32>} : memref<128xf32, #tpu.memory_space<vmem>>, vector<16xf32>,
      tpu.vector_store %arg12[%swap3A_306], %sub3A_281 {strides = array<i32>} : memref<128xf32, #tpu.memory_space<vmem>>, vector<16xf32>,
      %swap3A_308 = arith.constant 64 : index
      %swap3A_309 = tpu.vector_load %arg12[%swap3A_308] {strides = array<i32>} : memref<128xf32, #tpu.memory_space<vmem>>, vector<16xf32>,
      tpu.vector_store %arg12[%swap3A_308], %sub3A_282 {strides = array<i32>} : memref<128xf32, #tpu.memory_space<vmem>>, vector<16xf32>,
      %swap3A_310 = arith.constant 80 : index
      %swap3A_311 = tpu.vector_load %arg12[%swap3A_310] {strides = array<i32>} : memref<128xf32, #tpu.memory_space<vmem>>, vector<16xf32>,
      tpu.vector_store %arg12[%swap3A_310], %sub3A_283 {strides = array<i32>} : memref<128xf32, #tpu.memory_space<vmem>>, vector<16xf32>,
      %swap3A_312 = arith.constant 96 : index
      %swap3A_313 = tpu.vector_load %arg12[%swap3A_312] {strides = array<i32>} : memref<128xf32, #tpu.memory_space<vmem>>, vector<16xf32>,
      tpu.vector_store %arg12[%swap3A_312], %sub3A_284 {strides = array<i32>} : memref<128xf32, #tpu.memory_space<vmem>>, vector<16xf32>,
      %swap3A_314 = arith.constant 112 : index
      %swap3A_315 = tpu.vector_load %arg12[%swap3A_314] {strides = array<i32>} : memref<128xf32, #tpu.memory_space<vmem>>, vector<16xf32>,
      tpu.vector_store %arg12[%swap3A_314], %sub3A_285 {strides = array<i32>} : memref<128xf32, #tpu.memory_space<vmem>>, vector<16xf32>,
      %scan3A_316 = arith.constant 0 : i32
      %scan3A_317 = arith.constant 8 : i32
      %scan3A_318 = arith.addi %scan3A_316, %scan3A_317 : i32
      %scan3A_319 = arith.constant 1 : i32
      %scan3A_320 = scf.for %scan3A_322 = %scan3A_316 to %scan3A_318 step %scan3A_319 iter_args(%scan3A_323 = %add3A_288) -> (vector<16xf32>)  : i32 {
        %mul3A_324 = arith.constant 16 : i32
        %mul3A_325 = arith.muli %scan3A_322, %mul3A_324 : i32
        %add3A_326 = arith.constant 8 : i32
        %add3A_327 = arith.addi %add3A_326, %mul3A_325 : i32
        %add3A_328 = vector.broadcast %add3A_327 : i32 to vector<16xi32>
        %add3A_329 = arith.addi %mul3A_138, %add3A_328 : vector<16xi32>
        %add3A_330 = arith.constant 0 : i32
        %add3A_331 = vector.broadcast %add3A_330 : i32 to vector<16xi32>
        %add3A_332 = arith.addi %add3A_329, %add3A_331 : vector<16xi32>
        %add3A_333 = arith.constant 1 : i32
        %add3A_334 = vector.broadcast %add3A_333 : i32 to vector<16xi32>
        %add3A_335 = arith.addi %add3A_329, %add3A_334 : vector<16xi32>
        %add3A_336 = arith.constant 2 : i32
        %add3A_337 = vector.broadcast %add3A_336 : i32 to vector<16xi32>
        %add3A_338 = arith.addi %add3A_329, %add3A_337 : vector<16xi32>
        %add3A_339 = arith.constant 3 : i32
        %add3A_340 = vector.broadcast %add3A_339 : i32 to vector<16xi32>
        %add3A_341 = arith.addi %add3A_329, %add3A_340 : vector<16xi32>
        %add3A_342 = arith.constant 4 : i32
        %add3A_343 = vector.broadcast %add3A_342 : i32 to vector<16xi32>
        %add3A_344 = arith.addi %add3A_329, %add3A_343 : vector<16xi32>
        %add3A_345 = arith.constant 5 : i32
        %add3A_346 = vector.broadcast %add3A_345 : i32 to vector<16xi32>
        %add3A_347 = arith.addi %add3A_329, %add3A_346 : vector<16xi32>
        %add3A_348 = arith.constant 6 : i32
        %add3A_349 = vector.broadcast %add3A_348 : i32 to vector<16xi32>
        %add3A_350 = arith.addi %add3A_329, %add3A_349 : vector<16xi32>
        %add3A_351 = arith.constant 7 : i32
        %add3A_352 = vector.broadcast %add3A_351 : i32 to vector<16xi32>
        %add3A_353 = arith.addi %add3A_329, %add3A_352 : vector<16xi32>
        %add3A_354 = arith.constant 8 : i32
        %add3A_355 = vector.broadcast %add3A_354 : i32 to vector<16xi32>
        %add3A_356 = arith.addi %add3A_329, %add3A_355 : vector<16xi32>
        %add3A_357 = arith.constant 9 : i32
        %add3A_358 = vector.broadcast %add3A_357 : i32 to vector<16xi32>
        %add3A_359 = arith.addi %add3A_329, %add3A_358 : vector<16xi32>
        %add3A_360 = arith.constant 10 : i32
        %add3A_361 = vector.broadcast %add3A_360 : i32 to vector<16xi32>
        %add3A_362 = arith.addi %add3A_329, %add3A_361 : vector<16xi32>
        %add3A_363 = arith.constant 11 : i32
        %add3A_364 = vector.broadcast %add3A_363 : i32 to vector<16xi32>
        %add3A_365 = arith.addi %add3A_329, %add3A_364 : vector<16xi32>
        %add3A_366 = arith.constant 12 : i32
        %add3A_367 = vector.broadcast %add3A_366 : i32 to vector<16xi32>
        %add3A_368 = arith.addi %add3A_329, %add3A_367 : vector<16xi32>
        %add3A_369 = arith.constant 13 : i32
        %add3A_370 = vector.broadcast %add3A_369 : i32 to vector<16xi32>
        %add3A_371 = arith.addi %add3A_329, %add3A_370 : vector<16xi32>
        %add3A_372 = arith.constant 14 : i32
        %add3A_373 = vector.broadcast %add3A_372 : i32 to vector<16xi32>
        %add3A_374 = arith.addi %add3A_329, %add3A_373 : vector<16xi32>
        %add3A_375 = arith.constant 15 : i32
        %add3A_376 = vector.broadcast %add3A_375 : i32 to vector<16xi32>
        %add3A_377 = arith.addi %add3A_329, %add3A_376 : vector<16xi32>
        %mul3A_378 = arith.constant 16 : i32
        %mul3A_379 = arith.muli %scan3A_322, %mul3A_378 : i32
        %get3A = arith.index_cast %mul3A_379 : i32 to index
        %get3A_380 = tpu.vector_load %arg12[%get3A] {strides = array<i32>} : memref<128xf32, #tpu.memory_space<vmem>>, vector<16xf32>,
        %gather3A_381 = tpu.vector_load_idx %arg8[%add3A_332] : memref<17408xf32, #tpu.memory_space<vmem>>[vector<16xi32>], vector<16xf32>,
        %gather3A_382 = tpu.vector_load_idx %arg8[%add3A_335] : memref<17408xf32, #tpu.memory_space<vmem>>[vector<16xi32>], vector<16xf32>,
        %gather3A_383 = tpu.vector_load_idx %arg8[%add3A_338] : memref<17408xf32, #tpu.memory_space<vmem>>[vector<16xi32>], vector<16xf32>,
        %gather3A_384 = tpu.vector_load_idx %arg8[%add3A_341] : memref<17408xf32, #tpu.memory_space<vmem>>[vector<16xi32>], vector<16xf32>,
        %gather3A_385 = tpu.vector_load_idx %arg8[%add3A_344] : memref<17408xf32, #tpu.memory_space<vmem>>[vector<16xi32>], vector<16xf32>,
        %gather3A_386 = tpu.vector_load_idx %arg8[%add3A_347] : memref<17408xf32, #tpu.memory_space<vmem>>[vector<16xi32>], vector<16xf32>,
        %gather3A_387 = tpu.vector_load_idx %arg8[%add3A_350] : memref<17408xf32, #tpu.memory_space<vmem>>[vector<16xi32>], vector<16xf32>,
        %gather3A_388 = tpu.vector_load_idx %arg8[%add3A_353] : memref<17408xf32, #tpu.memory_space<vmem>>[vector<16xi32>], vector<16xf32>,
        %gather3A_389 = tpu.vector_load_idx %arg8[%add3A_356] : memref<17408xf32, #tpu.memory_space<vmem>>[vector<16xi32>], vector<16xf32>,
        %gather3A_390 = tpu.vector_load_idx %arg8[%add3A_359] : memref<17408xf32, #tpu.memory_space<vmem>>[vector<16xi32>], vector<16xf32>,
        %gather3A_391 = tpu.vector_load_idx %arg8[%add3A_362] : memref<17408xf32, #tpu.memory_space<vmem>>[vector<16xi32>], vector<16xf32>,
        %gather3A_392 = tpu.vector_load_idx %arg8[%add3A_365] : memref<17408xf32, #tpu.memory_space<vmem>>[vector<16xi32>], vector<16xf32>,
        %gather3A_393 = tpu.vector_load_idx %arg8[%add3A_368] : memref<17408xf32, #tpu.memory_space<vmem>>[vector<16xi32>], vector<16xf32>,
        %gather3A_394 = tpu.vector_load_idx %arg8[%add3A_371] : memref<17408xf32, #tpu.memory_space<vmem>>[vector<16xi32>], vector<16xf32>,
        %gather3A_395 = tpu.vector_load_idx %arg8[%add3A_374] : memref<17408xf32, #tpu.memory_space<vmem>>[vector<16xi32>], vector<16xf32>,
        %gather3A_396 = tpu.vector_load_idx %arg8[%add3A_377] : memref<17408xf32, #tpu.memory_space<vmem>>[vector<16xi32>], vector<16xf32>,
        %gather3A_397 = tpu.vector_load_idx %arg9[%add3A_332] : memref<17408xf32, #tpu.memory_space<vmem>>[vector<16xi32>], vector<16xf32>,
        %gather3A_398 = tpu.vector_load_idx %arg9[%add3A_335] : memref<17408xf32, #tpu.memory_space<vmem>>[vector<16xi32>], vector<16xf32>,
        %gather3A_399 = tpu.vector_load_idx %arg9[%add3A_338] : memref<17408xf32, #tpu.memory_space<vmem>>[vector<16xi32>], vector<16xf32>,
        %gather3A_400 = tpu.vector_load_idx %arg9[%add3A_341] : memref<17408xf32, #tpu.memory_space<vmem>>[vector<16xi32>], vector<16xf32>,
        %gather3A_401 = tpu.vector_load_idx %arg9[%add3A_344] : memref<17408xf32, #tpu.memory_space<vmem>>[vector<16xi32>], vector<16xf32>,
        %gather3A_402 = tpu.vector_load_idx %arg9[%add3A_347] : memref<17408xf32, #tpu.memory_space<vmem>>[vector<16xi32>], vector<16xf32>,
        %gather3A_403 = tpu.vector_load_idx %arg9[%add3A_350] : memref<17408xf32, #tpu.memory_space<vmem>>[vector<16xi32>], vector<16xf32>,
        %gather3A_404 = tpu.vector_load_idx %arg9[%add3A_353] : memref<17408xf32, #tpu.memory_space<vmem>>[vector<16xi32>], vector<16xf32>,
        %gather3A_405 = tpu.vector_load_idx %arg9[%add3A_356] : memref<17408xf32, #tpu.memory_space<vmem>>[vector<16xi32>], vector<16xf32>,
        %gather3A_406 = tpu.vector_load_idx %arg9[%add3A_359] : memref<17408xf32, #tpu.memory_space<vmem>>[vector<16xi32>], vector<16xf32>,
        %gather3A_407 = tpu.vector_load_idx %arg9[%add3A_362] : memref<17408xf32, #tpu.memory_space<vmem>>[vector<16xi32>], vector<16xf32>,
        %gather3A_408 = tpu.vector_load_idx %arg9[%add3A_365] : memref<17408xf32, #tpu.memory_space<vmem>>[vector<16xi32>], vector<16xf32>,
        %gather3A_409 = tpu.vector_load_idx %arg9[%add3A_368] : memref<17408xf32, #tpu.memory_space<vmem>>[vector<16xi32>], vector<16xf32>,
        %gather3A_410 = tpu.vector_load_idx %arg9[%add3A_371] : memref<17408xf32, #tpu.memory_space<vmem>>[vector<16xi32>], vector<16xf32>,
        %gather3A_411 = tpu.vector_load_idx %arg9[%add3A_374] : memref<17408xf32, #tpu.memory_space<vmem>>[vector<16xi32>], vector<16xf32>,
        %gather3A_412 = tpu.vector_load_idx %arg9[%add3A_377] : memref<17408xf32, #tpu.memory_space<vmem>>[vector<16xi32>], vector<16xf32>,
        %max3A_413 = arith.maximumf %gather3A_381, %gather3A_382 : vector<16xf32>
        %max3A_414 = arith.maximumf %gather3A_383, %gather3A_384 : vector<16xf32>
        %max3A_415 = arith.maximumf %gather3A_385, %gather3A_386 : vector<16xf32>
        %max3A_416 = arith.maximumf %gather3A_387, %gather3A_388 : vector<16xf32>
        %max3A_417 = arith.maximumf %gather3A_389, %gather3A_390 : vector<16xf32>
        %max3A_418 = arith.maximumf %gather3A_391, %gather3A_392 : vector<16xf32>
        %max3A_419 = arith.maximumf %gather3A_393, %gather3A_394 : vector<16xf32>
        %max3A_420 = arith.maximumf %gather3A_395, %gather3A_396 : vector<16xf32>
        %max3A_421 = arith.maximumf %max3A_413, %max3A_414 : vector<16xf32>
        %max3A_422 = arith.maximumf %max3A_415, %max3A_416 : vector<16xf32>
        %max3A_423 = arith.maximumf %max3A_417, %max3A_418 : vector<16xf32>
        %max3A_424 = arith.maximumf %max3A_419, %max3A_420 : vector<16xf32>
        %max3A_425 = arith.maximumf %max3A_421, %max3A_422 : vector<16xf32>
        %max3A_426 = arith.maximumf %max3A_423, %max3A_424 : vector<16xf32>
        %max3A_427 = arith.maximumf %max3A_425, %max3A_426 : vector<16xf32>
        %mul3A_428 = arith.mulf %gather3A_381, %gather3A_397 : vector<16xf32>
        %mul3A_429 = arith.mulf %gather3A_382, %gather3A_398 : vector<16xf32>
        %mul3A_430 = arith.mulf %gather3A_383, %gather3A_399 : vector<16xf32>
        %mul3A_431 = arith.mulf %gather3A_384, %gather3A_400 : vector<16xf32>
        %mul3A_432 = arith.mulf %gather3A_385, %gather3A_401 : vector<16xf32>
        %mul3A_433 = arith.mulf %gather3A_386, %gather3A_402 : vector<16xf32>
        %mul3A_434 = arith.mulf %gather3A_387, %gather3A_403 : vector<16xf32>
        %mul3A_435 = arith.mulf %gather3A_388, %gather3A_404 : vector<16xf32>
        %mul3A_436 = arith.mulf %gather3A_389, %gather3A_405 : vector<16xf32>
        %mul3A_437 = arith.mulf %gather3A_390, %gather3A_406 : vector<16xf32>
        %mul3A_438 = arith.mulf %gather3A_391, %gather3A_407 : vector<16xf32>
        %mul3A_439 = arith.mulf %gather3A_392, %gather3A_408 : vector<16xf32>
        %mul3A_440 = arith.mulf %gather3A_393, %gather3A_409 : vector<16xf32>
        %mul3A_441 = arith.mulf %gather3A_394, %gather3A_410 : vector<16xf32>
        %mul3A_442 = arith.mulf %gather3A_395, %gather3A_411 : vector<16xf32>
        %mul3A_443 = arith.mulf %gather3A_396, %gather3A_412 : vector<16xf32>
        %add3A_444 = arith.addf %mul3A_428, %mul3A_429 : vector<16xf32>
        %add3A_445 = arith.addf %mul3A_430, %mul3A_431 : vector<16xf32>
        %add3A_446 = arith.addf %mul3A_432, %mul3A_433 : vector<16xf32>
        %add3A_447 = arith.addf %mul3A_434, %mul3A_435 : vector<16xf32>
        %add3A_448 = arith.addf %mul3A_436, %mul3A_437 : vector<16xf32>
        %add3A_449 = arith.addf %mul3A_438, %mul3A_439 : vector<16xf32>
        %add3A_450 = arith.addf %mul3A_440, %mul3A_441 : vector<16xf32>
        %add3A_451 = arith.addf %mul3A_442, %mul3A_443 : vector<16xf32>
        %add3A_452 = arith.addf %add3A_444, %add3A_445 : vector<16xf32>
        %add3A_453 = arith.addf %add3A_446, %add3A_447 : vector<16xf32>
        %add3A_454 = arith.addf %add3A_448, %add3A_449 : vector<16xf32>
        %add3A_455 = arith.addf %add3A_450, %add3A_451 : vector<16xf32>
        %add3A_456 = arith.addf %add3A_452, %add3A_453 : vector<16xf32>
        %add3A_457 = arith.addf %add3A_454, %add3A_455 : vector<16xf32>
        %add3A_458 = arith.addf %add3A_456, %add3A_457 : vector<16xf32>
        %add3A_459 = arith.addf %gather3A_397, %gather3A_398 : vector<16xf32>
        %add3A_460 = arith.addf %gather3A_399, %gather3A_400 : vector<16xf32>
        %add3A_461 = arith.addf %gather3A_401, %gather3A_402 : vector<16xf32>
        %add3A_462 = arith.addf %gather3A_403, %gather3A_404 : vector<16xf32>
        %add3A_463 = arith.addf %gather3A_405, %gather3A_406 : vector<16xf32>
        %add3A_464 = arith.addf %gather3A_407, %gather3A_408 : vector<16xf32>
        %add3A_465 = arith.addf %gather3A_409, %gather3A_410 : vector<16xf32>
        %add3A_466 = arith.addf %gather3A_411, %gather3A_412 : vector<16xf32>
        %add3A_467 = arith.addf %add3A_459, %add3A_460 : vector<16xf32>
        %add3A_468 = arith.addf %add3A_461, %add3A_462 : vector<16xf32>
        %add3A_469 = arith.addf %add3A_463, %add3A_464 : vector<16xf32>
        %add3A_470 = arith.addf %add3A_465, %add3A_466 : vector<16xf32>
        %add3A_471 = arith.addf %add3A_467, %add3A_468 : vector<16xf32>
        %add3A_472 = arith.addf %add3A_469, %add3A_470 : vector<16xf32>
        %add3A_473 = arith.addf %add3A_471, %add3A_472 : vector<16xf32>
        %sub3A_474 = arith.subf %gather3A_381, %max3A_427 : vector<16xf32>
        %exp3A_475 = math.exp %sub3A_474 : vector<16xf32>
        %sub3A_476 = arith.subf %gather3A_382, %max3A_427 : vector<16xf32>
        %exp3A_477 = math.exp %sub3A_476 : vector<16xf32>
        %sub3A_478 = arith.subf %gather3A_383, %max3A_427 : vector<16xf32>
        %exp3A_479 = math.exp %sub3A_478 : vector<16xf32>
        %sub3A_480 = arith.subf %gather3A_384, %max3A_427 : vector<16xf32>
        %exp3A_481 = math.exp %sub3A_480 : vector<16xf32>
        %sub3A_482 = arith.subf %gather3A_385, %max3A_427 : vector<16xf32>
        %exp3A_483 = math.exp %sub3A_482 : vector<16xf32>
        %sub3A_484 = arith.subf %gather3A_386, %max3A_427 : vector<16xf32>
        %exp3A_485 = math.exp %sub3A_484 : vector<16xf32>
        %sub3A_486 = arith.subf %gather3A_387, %max3A_427 : vector<16xf32>
        %exp3A_487 = math.exp %sub3A_486 : vector<16xf32>
        %sub3A_488 = arith.subf %gather3A_388, %max3A_427 : vector<16xf32>
        %exp3A_489 = math.exp %sub3A_488 : vector<16xf32>
        %sub3A_490 = arith.subf %gather3A_389, %max3A_427 : vector<16xf32>
        %exp3A_491 = math.exp %sub3A_490 : vector<16xf32>
        %sub3A_492 = arith.subf %gather3A_390, %max3A_427 : vector<16xf32>
        %exp3A_493 = math.exp %sub3A_492 : vector<16xf32>
        %sub3A_494 = arith.subf %gather3A_391, %max3A_427 : vector<16xf32>
        %exp3A_495 = math.exp %sub3A_494 : vector<16xf32>
        %sub3A_496 = arith.subf %gather3A_392, %max3A_427 : vector<16xf32>
        %exp3A_497 = math.exp %sub3A_496 : vector<16xf32>
        %sub3A_498 = arith.subf %gather3A_393, %max3A_427 : vector<16xf32>
        %exp3A_499 = math.exp %sub3A_498 : vector<16xf32>
        %sub3A_500 = arith.subf %gather3A_394, %max3A_427 : vector<16xf32>
        %exp3A_501 = math.exp %sub3A_500 : vector<16xf32>
        %sub3A_502 = arith.subf %gather3A_395, %max3A_427 : vector<16xf32>
        %exp3A_503 = math.exp %sub3A_502 : vector<16xf32>
        %sub3A_504 = arith.subf %gather3A_396, %max3A_427 : vector<16xf32>
        %exp3A_505 = math.exp %sub3A_504 : vector<16xf32>
        %add3A_506 = arith.addf %exp3A_475, %exp3A_477 : vector<16xf32>
        %add3A_507 = arith.addf %exp3A_479, %exp3A_481 : vector<16xf32>
        %add3A_508 = arith.addf %exp3A_483, %exp3A_485 : vector<16xf32>
        %add3A_509 = arith.addf %exp3A_487, %exp3A_489 : vector<16xf32>
        %add3A_510 = arith.addf %exp3A_491, %exp3A_493 : vector<16xf32>
        %add3A_511 = arith.addf %exp3A_495, %exp3A_497 : vector<16xf32>
        %add3A_512 = arith.addf %exp3A_499, %exp3A_501 : vector<16xf32>
        %add3A_513 = arith.addf %exp3A_503, %exp3A_505 : vector<16xf32>
        %add3A_514 = arith.addf %add3A_506, %add3A_507 : vector<16xf32>
        %add3A_515 = arith.addf %add3A_508, %add3A_509 : vector<16xf32>
        %add3A_516 = arith.addf %add3A_510, %add3A_511 : vector<16xf32>
        %add3A_517 = arith.addf %add3A_512, %add3A_513 : vector<16xf32>
        %add3A_518 = arith.addf %add3A_514, %add3A_515 : vector<16xf32>
        %add3A_519 = arith.addf %add3A_516, %add3A_517 : vector<16xf32>
        %add3A_520 = arith.addf %add3A_518, %add3A_519 : vector<16xf32>
        %bitcast_convert_type3A_521 = tpu.bitcast %add3A_520 : vector<16xf32> -> vector<16xi32>
        %shift_right_logical3A_522 = arith.constant 23 : i32
        %shift_right_logical3A_523 = vector.broadcast %shift_right_logical3A_522 : i32 to vector<16xi32>
        %shift_right_logical3A_524 = arith.shrui %bitcast_convert_type3A_521, %shift_right_logical3A_523 : vector<16xi32>
        %sub3A_525 = arith.constant 127 : i32
        %sub3A_526 = vector.broadcast %sub3A_525 : i32 to vector<16xi32>
        %sub3A_527 = arith.subi %shift_right_logical3A_524, %sub3A_526 : vector<16xi32>
        %and3A_528 = arith.constant 8388607 : i32
        %and3A_529 = vector.broadcast %and3A_528 : i32 to vector<16xi32>
        %and3A_530 = arith.andi %bitcast_convert_type3A_521, %and3A_529 : vector<16xi32>
        %or3A_531 = arith.constant 1065353216 : i32
        %or3A_532 = vector.broadcast %or3A_531 : i32 to vector<16xi32>
        %or3A_533 = arith.ori %and3A_530, %or3A_532 : vector<16xi32>
        %bitcast_convert_type3A_534 = tpu.bitcast %or3A_533 : vector<16xi32> -> vector<16xf32>
        %gt3A_535 = arith.constant 1.41421354 : f32
        %gt3A_536 = vector.broadcast %gt3A_535 : f32 to vector<16xf32>
        %gt3A_537 = arith.cmpf ogt, %bitcast_convert_type3A_534, %gt3A_536 : vector<16xf32>
        %mul3A_538 = arith.constant 5.000000e-01 : f32
        %mul3A_539 = vector.broadcast %mul3A_538 : f32 to vector<16xf32>
        %mul3A_540 = arith.mulf %bitcast_convert_type3A_534, %mul3A_539 : vector<16xf32>
        %select_n3A_541 = arith.select %gt3A_537, %mul3A_540, %bitcast_convert_type3A_534 : vector<16xi1>, vector<16xf32>
        %convert_element_type3A_542 = arith.sitofp %sub3A_527 : vector<16xi32> to vector<16xf32>
        %jit3A_543 = arith.constant 1.000000e+00 : f32
        %jit3A_544 = arith.constant 0.000000e+00 : f32
        %broadcast_in_dim3A_545 = vector.broadcast %jit3A_543 : f32 to vector<16xf32>
        %broadcast_in_dim3A_546 = vector.broadcast %jit3A_544 : f32 to vector<16xf32>
        %select_n3A_547 = arith.select %gt3A_537, %broadcast_in_dim3A_545, %broadcast_in_dim3A_546 : vector<16xi1>, vector<16xf32>
        %add3A_548 = arith.addf %convert_element_type3A_542, %select_n3A_547 : vector<16xf32>
        %sub3A_549 = arith.constant 1.000000e+00 : f32
        %sub3A_550 = vector.broadcast %sub3A_549 : f32 to vector<16xf32>
        %sub3A_551 = arith.subf %select_n3A_541, %sub3A_550 : vector<16xf32>
        %add3A_552 = arith.constant 1.000000e+00 : f32
        %add3A_553 = vector.broadcast %add3A_552 : f32 to vector<16xf32>
        %add3A_554 = arith.addf %select_n3A_541, %add3A_553 : vector<16xf32>
        %div3A_555 = arith.divf %sub3A_551, %add3A_554 : vector<16xf32>
        %mul3A_556 = arith.mulf %div3A_555, %div3A_555 : vector<16xf32>
        %mul3A_557 = arith.constant 0.222222224 : f32
        %mul3A_558 = vector.broadcast %mul3A_557 : f32 to vector<16xf32>
        %mul3A_559 = arith.mulf %mul3A_556, %mul3A_558 : vector<16xf32>
        %add3A_560 = arith.constant 0.285714298 : f32
        %add3A_561 = vector.broadcast %add3A_560 : f32 to vector<16xf32>
        %add3A_562 = arith.addf %add3A_561, %mul3A_559 : vector<16xf32>
        %mul3A_563 = arith.mulf %mul3A_556, %add3A_562 : vector<16xf32>
        %add3A_564 = arith.constant 4.000000e-01 : f32
        %add3A_565 = vector.broadcast %add3A_564 : f32 to vector<16xf32>
        %add3A_566 = arith.addf %add3A_565, %mul3A_563 : vector<16xf32>
        %mul3A_567 = arith.mulf %mul3A_556, %add3A_566 : vector<16xf32>
        %add3A_568 = arith.constant 0.666666686 : f32
        %add3A_569 = vector.broadcast %add3A_568 : f32 to vector<16xf32>
        %add3A_570 = arith.addf %add3A_569, %mul3A_567 : vector<16xf32>
        %mul3A_571 = arith.mulf %mul3A_556, %add3A_570 : vector<16xf32>
        %add3A_572 = arith.constant 2.000000e+00 : f32
        %add3A_573 = vector.broadcast %add3A_572 : f32 to vector<16xf32>
        %add3A_574 = arith.addf %add3A_573, %mul3A_571 : vector<16xf32>
        %mul3A_575 = arith.constant 0.693147182 : f32
        %mul3A_576 = vector.broadcast %mul3A_575 : f32 to vector<16xf32>
        %mul3A_577 = arith.mulf %add3A_548, %mul3A_576 : vector<16xf32>
        %mul3A_578 = arith.mulf %div3A_555, %add3A_574 : vector<16xf32>
        %add3A_579 = arith.addf %mul3A_577, %mul3A_578 : vector<16xf32>
        %add3A_580 = arith.addf %max3A_427, %add3A_579 : vector<16xf32>
        %sub3A_581 = arith.subf %add3A_580, %get3A_380 : vector<16xf32>
        %mul3A_582 = arith.mulf %sub3A_581, %add3A_473 : vector<16xf32>
        %sub3A_583 = arith.subf %add3A_458, %mul3A_582 : vector<16xf32>
        %add3A_584 = arith.addf %scan3A_323, %sub3A_583 : vector<16xf32>
        %exp3A_585 = math.exp %get3A_380 : vector<16xf32>
        %div3A_586 = arith.divf %exp3A_585, %add3A_520 : vector<16xf32>
        %mul3A_587 = arith.mulf %exp3A_475, %div3A_586 : vector<16xf32>
        tpu.vector_store_idx %arg11[%add3A_332], %mul3A_587 : memref<17408xf32, #tpu.memory_space<vmem>>[vector<16xi32>], vector<16xf32>,
        %mul3A_588 = arith.mulf %exp3A_477, %div3A_586 : vector<16xf32>
        tpu.vector_store_idx %arg11[%add3A_335], %mul3A_588 : memref<17408xf32, #tpu.memory_space<vmem>>[vector<16xi32>], vector<16xf32>,
        %mul3A_589 = arith.mulf %exp3A_479, %div3A_586 : vector<16xf32>
        tpu.vector_store_idx %arg11[%add3A_338], %mul3A_589 : memref<17408xf32, #tpu.memory_space<vmem>>[vector<16xi32>], vector<16xf32>,
        %mul3A_590 = arith.mulf %exp3A_481, %div3A_586 : vector<16xf32>
        tpu.vector_store_idx %arg11[%add3A_341], %mul3A_590 : memref<17408xf32, #tpu.memory_space<vmem>>[vector<16xi32>], vector<16xf32>,
        %mul3A_591 = arith.mulf %exp3A_483, %div3A_586 : vector<16xf32>
        tpu.vector_store_idx %arg11[%add3A_344], %mul3A_591 : memref<17408xf32, #tpu.memory_space<vmem>>[vector<16xi32>], vector<16xf32>,
        %mul3A_592 = arith.mulf %exp3A_485, %div3A_586 : vector<16xf32>
        tpu.vector_store_idx %arg11[%add3A_347], %mul3A_592 : memref<17408xf32, #tpu.memory_space<vmem>>[vector<16xi32>], vector<16xf32>,
        %mul3A_593 = arith.mulf %exp3A_487, %div3A_586 : vector<16xf32>
        tpu.vector_store_idx %arg11[%add3A_350], %mul3A_593 : memref<17408xf32, #tpu.memory_space<vmem>>[vector<16xi32>], vector<16xf32>,
        %mul3A_594 = arith.mulf %exp3A_489, %div3A_586 : vector<16xf32>
        tpu.vector_store_idx %arg11[%add3A_353], %mul3A_594 : memref<17408xf32, #tpu.memory_space<vmem>>[vector<16xi32>], vector<16xf32>,
        %mul3A_595 = arith.mulf %exp3A_491, %div3A_586 : vector<16xf32>
        tpu.vector_store_idx %arg11[%add3A_356], %mul3A_595 : memref<17408xf32, #tpu.memory_space<vmem>>[vector<16xi32>], vector<16xf32>,
        %mul3A_596 = arith.mulf %exp3A_493, %div3A_586 : vector<16xf32>
        tpu.vector_store_idx %arg11[%add3A_359], %mul3A_596 : memref<17408xf32, #tpu.memory_space<vmem>>[vector<16xi32>], vector<16xf32>,
        %mul3A_597 = arith.mulf %exp3A_495, %div3A_586 : vector<16xf32>
        tpu.vector_store_idx %arg11[%add3A_362], %mul3A_597 : memref<17408xf32, #tpu.memory_space<vmem>>[vector<16xi32>], vector<16xf32>,
        %mul3A_598 = arith.mulf %exp3A_497, %div3A_586 : vector<16xf32>
        tpu.vector_store_idx %arg11[%add3A_365], %mul3A_598 : memref<17408xf32, #tpu.memory_space<vmem>>[vector<16xi32>], vector<16xf32>,
        %mul3A_599 = arith.mulf %exp3A_499, %div3A_586 : vector<16xf32>
        tpu.vector_store_idx %arg11[%add3A_368], %mul3A_599 : memref<17408xf32, #tpu.memory_space<vmem>>[vector<16xi32>], vector<16xf32>,
        %mul3A_600 = arith.mulf %exp3A_501, %div3A_586 : vector<16xf32>
        tpu.vector_store_idx %arg11[%add3A_371], %mul3A_600 : memref<17408xf32, #tpu.memory_space<vmem>>[vector<16xi32>], vector<16xf32>,
        %mul3A_601 = arith.mulf %exp3A_503, %div3A_586 : vector<16xf32>
        tpu.vector_store_idx %arg11[%add3A_374], %mul3A_601 : memref<17408xf32, #tpu.memory_space<vmem>>[vector<16xi32>], vector<16xf32>,
        %mul3A_602 = arith.mulf %exp3A_505, %div3A_586 : vector<16xf32>
        tpu.vector_store_idx %arg11[%add3A_377], %mul3A_602 : memref<17408xf32, #tpu.memory_space<vmem>>[vector<16xi32>], vector<16xf32>,
        scf.yield %add3A_584 : vector<16xf32>
      }
      %scan3A_321 = arith.constant 8 : i32
      scf.yield %scan3A_320 : vector<16xf32>
    }
    %scan3A_58 = arith.constant 8 : i32
    %add3A_59 = arith.constant 128 : i32
    %add3A_60 = arith.addi %mul3A_2, %add3A_59 : i32
    %mul3A_61 = arith.constant 136 : i32
    %mul3A_62 = arith.muli %add3A_60, %mul3A_61 : i32
    %dma_start3A_63 = tpu.memref_slice %arg4[%mul3A_62] : memref<2228224xf32, #tpu.memory_space<hbm>> -> memref<17408xf32, #tpu.memory_space<hbm>>
    %dma_start3A_64 = tpu.memref_slice %arg4[%mul3A_62] : memref<2228224xf32, #tpu.memory_space<hbm>> -> memref<17408xf32, #tpu.memory_space<hbm>>
    tpu.enqueue_dma source(%arg11 : memref<17408xf32, #tpu.memory_space<vmem>>) target(%dma_start3A_64 : memref<17408xf32, #tpu.memory_space<hbm>>) target_semaphore(%arg17 : memref<!tpu.dma_semaphore, #tpu.memory_space<semaphore_mem>>)
    %add3A_65 = arith.constant 384 : i32
    %add3A_66 = arith.addi %mul3A_2, %add3A_65 : i32
    %mul3A_67 = arith.constant 136 : i32
    %mul3A_68 = arith.muli %add3A_66, %mul3A_67 : i32
    %dma_start3A_69 = tpu.memref_slice %arg2[%mul3A_68] : memref<2228224xf32, #tpu.memory_space<hbm>> -> memref<17408xf32, #tpu.memory_space<hbm>>
    %dma_start3A_70 = tpu.memref_slice %arg2[%mul3A_68] : memref<2228224xf32, #tpu.memory_space<hbm>> -> memref<17408xf32, #tpu.memory_space<hbm>>
    tpu.enqueue_dma source(%dma_start3A_70 : memref<17408xf32, #tpu.memory_space<hbm>>) target(%arg8 : memref<17408xf32, #tpu.memory_space<vmem>>) target_semaphore(%arg15 : memref<!tpu.dma_semaphore, #tpu.memory_space<semaphore_mem>>)
    %dma_start3A_71 = tpu.memref_slice %arg3[%mul3A_68] : memref<2228224xf32, #tpu.memory_space<hbm>> -> memref<17408xf32, #tpu.memory_space<hbm>>
    %dma_start3A_72 = tpu.memref_slice %arg3[%mul3A_68] : memref<2228224xf32, #tpu.memory_space<hbm>> -> memref<17408xf32, #tpu.memory_space<hbm>>
    tpu.enqueue_dma source(%dma_start3A_72 : memref<17408xf32, #tpu.memory_space<hbm>>) target(%arg9 : memref<17408xf32, #tpu.memory_space<vmem>>) target_semaphore(%arg15 : memref<!tpu.dma_semaphore, #tpu.memory_space<semaphore_mem>>)
    %dma_wait3A_73 = arith.constant 0 : i32
    %dma_wait3A_74 = tpu.memref_slice %arg4[%dma_wait3A_73] : memref<2228224xf32, #tpu.memory_space<hbm>> -> memref<17408xf32, #tpu.memory_space<hbm>>
    %dma_wait3A_75 = arith.constant 0 : i32
    %dma_wait3A_76 = tpu.memref_slice %arg4[%dma_wait3A_75] : memref<2228224xf32, #tpu.memory_space<hbm>> -> memref<17408xf32, #tpu.memory_space<hbm>>
    tpu.wait_dma2 semaphore(%arg16 : memref<!tpu.dma_semaphore, #tpu.memory_space<semaphore_mem>>) src(%arg10 : memref<17408xf32, #tpu.memory_space<vmem>>) dst(%dma_wait3A_76 : memref<17408xf32, #tpu.memory_space<hbm>>)
    %dma_wait3A_77 = arith.constant 0 : i32
    %dma_wait3A_78 = tpu.memref_slice %arg2[%dma_wait3A_77] : memref<2228224xf32, #tpu.memory_space<hbm>> -> memref<17408xf32, #tpu.memory_space<hbm>>
    %dma_wait3A_79 = arith.constant 0 : i32
    %dma_wait3A_80 = tpu.memref_slice %arg2[%dma_wait3A_79] : memref<2228224xf32, #tpu.memory_space<hbm>> -> memref<17408xf32, #tpu.memory_space<hbm>>
    tpu.wait_dma2 semaphore(%arg14 : memref<!tpu.dma_semaphore, #tpu.memory_space<semaphore_mem>>) src(%dma_wait3A_80 : memref<17408xf32, #tpu.memory_space<hbm>>) dst(%arg6 : memref<17408xf32, #tpu.memory_space<vmem>>)
    %dma_wait3A_81 = arith.constant 0 : i32
    %dma_wait3A_82 = tpu.memref_slice %arg3[%dma_wait3A_81] : memref<2228224xf32, #tpu.memory_space<hbm>> -> memref<17408xf32, #tpu.memory_space<hbm>>
    %dma_wait3A_83 = arith.constant 0 : i32
    %dma_wait3A_84 = tpu.memref_slice %arg3[%dma_wait3A_83] : memref<2228224xf32, #tpu.memory_space<hbm>> -> memref<17408xf32, #tpu.memory_space<hbm>>
    tpu.wait_dma2 semaphore(%arg14 : memref<!tpu.dma_semaphore, #tpu.memory_space<semaphore_mem>>) src(%dma_wait3A_84 : memref<17408xf32, #tpu.memory_space<hbm>>) dst(%arg7 : memref<17408xf32, #tpu.memory_space<vmem>>)
    %scan3A_85 = arith.constant 0 : i32
    %scan3A_86 = arith.constant 8 : i32
    %scan3A_87 = arith.addi %scan3A_85, %scan3A_86 : i32
    %scan3A_88 = arith.constant 1 : i32
    %scan3A_89 = scf.for %scan3A_130 = %scan3A_85 to %scan3A_87 step %scan3A_88 iter_args(%scan3A_131 = %scan3A_57) -> (vector<16xf32>)  : i32 {
      %mul3A_132 = arith.constant 16 : i32
      %mul3A_133 = arith.muli %scan3A_130, %mul3A_132 : i32
      %add3A_134 = vector.broadcast %mul3A_133 : i32 to vector<16xi32>
      %add3A_135 = arith.addi %add3A_134, %iota3A : vector<16xi32>
      %mul3A_136 = arith.constant 136 : i32
      %mul3A_137 = vector.broadcast %mul3A_136 : i32 to vector<16xi32>
      %mul3A_138 = arith.muli %add3A_135, %mul3A_137 : vector<16xi32>
      %add3A_139 = arith.constant 0 : i32
      %add3A_140 = vector.broadcast %add3A_139 : i32 to vector<16xi32>
      %add3A_141 = arith.addi %mul3A_138, %add3A_140 : vector<16xi32>
      %add3A_142 = arith.constant 1 : i32
      %add3A_143 = vector.broadcast %add3A_142 : i32 to vector<16xi32>
      %add3A_144 = arith.addi %mul3A_138, %add3A_143 : vector<16xi32>
      %add3A_145 = arith.constant 2 : i32
      %add3A_146 = vector.broadcast %add3A_145 : i32 to vector<16xi32>
      %add3A_147 = arith.addi %mul3A_138, %add3A_146 : vector<16xi32>
      %add3A_148 = arith.constant 3 : i32
      %add3A_149 = vector.broadcast %add3A_148 : i32 to vector<16xi32>
      %add3A_150 = arith.addi %mul3A_138, %add3A_149 : vector<16xi32>
      %add3A_151 = arith.constant 4 : i32
      %add3A_152 = vector.broadcast %add3A_151 : i32 to vector<16xi32>
      %add3A_153 = arith.addi %mul3A_138, %add3A_152 : vector<16xi32>
      %add3A_154 = arith.constant 5 : i32
      %add3A_155 = vector.broadcast %add3A_154 : i32 to vector<16xi32>
      %add3A_156 = arith.addi %mul3A_138, %add3A_155 : vector<16xi32>
      %add3A_157 = arith.constant 6 : i32
      %add3A_158 = vector.broadcast %add3A_157 : i32 to vector<16xi32>
      %add3A_159 = arith.addi %mul3A_138, %add3A_158 : vector<16xi32>
      %add3A_160 = arith.constant 7 : i32
      %add3A_161 = vector.broadcast %add3A_160 : i32 to vector<16xi32>
      %add3A_162 = arith.addi %mul3A_138, %add3A_161 : vector<16xi32>
      %gather3A = tpu.vector_load_idx %arg6[%add3A_141] : memref<17408xf32, #tpu.memory_space<vmem>>[vector<16xi32>], vector<16xf32>,
      %gather3A_163 = tpu.vector_load_idx %arg6[%add3A_144] : memref<17408xf32, #tpu.memory_space<vmem>>[vector<16xi32>], vector<16xf32>,
      %gather3A_164 = tpu.vector_load_idx %arg6[%add3A_147] : memref<17408xf32, #tpu.memory_space<vmem>>[vector<16xi32>], vector<16xf32>,
      %gather3A_165 = tpu.vector_load_idx %arg6[%add3A_150] : memref<17408xf32, #tpu.memory_space<vmem>>[vector<16xi32>], vector<16xf32>,
      %gather3A_166 = tpu.vector_load_idx %arg6[%add3A_153] : memref<17408xf32, #tpu.memory_space<vmem>>[vector<16xi32>], vector<16xf32>,
      %gather3A_167 = tpu.vector_load_idx %arg6[%add3A_156] : memref<17408xf32, #tpu.memory_space<vmem>>[vector<16xi32>], vector<16xf32>,
      %gather3A_168 = tpu.vector_load_idx %arg6[%add3A_159] : memref<17408xf32, #tpu.memory_space<vmem>>[vector<16xi32>], vector<16xf32>,
      %gather3A_169 = tpu.vector_load_idx %arg6[%add3A_162] : memref<17408xf32, #tpu.memory_space<vmem>>[vector<16xi32>], vector<16xf32>,
      %gather3A_170 = tpu.vector_load_idx %arg7[%add3A_141] : memref<17408xf32, #tpu.memory_space<vmem>>[vector<16xi32>], vector<16xf32>,
      %gather3A_171 = tpu.vector_load_idx %arg7[%add3A_144] : memref<17408xf32, #tpu.memory_space<vmem>>[vector<16xi32>], vector<16xf32>,
      %gather3A_172 = tpu.vector_load_idx %arg7[%add3A_147] : memref<17408xf32, #tpu.memory_space<vmem>>[vector<16xi32>], vector<16xf32>,
      %gather3A_173 = tpu.vector_load_idx %arg7[%add3A_150] : memref<17408xf32, #tpu.memory_space<vmem>>[vector<16xi32>], vector<16xf32>,
      %gather3A_174 = tpu.vector_load_idx %arg7[%add3A_153] : memref<17408xf32, #tpu.memory_space<vmem>>[vector<16xi32>], vector<16xf32>,
      %gather3A_175 = tpu.vector_load_idx %arg7[%add3A_156] : memref<17408xf32, #tpu.memory_space<vmem>>[vector<16xi32>], vector<16xf32>,
      %gather3A_176 = tpu.vector_load_idx %arg7[%add3A_159] : memref<17408xf32, #tpu.memory_space<vmem>>[vector<16xi32>], vector<16xf32>,
      %gather3A_177 = tpu.vector_load_idx %arg7[%add3A_162] : memref<17408xf32, #tpu.memory_space<vmem>>[vector<16xi32>], vector<16xf32>,
      %max3A = arith.maximumf %gather3A, %gather3A_163 : vector<16xf32>
      %max3A_178 = arith.maximumf %gather3A_164, %gather3A_165 : vector<16xf32>
      %max3A_179 = arith.maximumf %gather3A_166, %gather3A_167 : vector<16xf32>
      %max3A_180 = arith.maximumf %gather3A_168, %gather3A_169 : vector<16xf32>
      %max3A_181 = arith.maximumf %max3A, %max3A_178 : vector<16xf32>
      %max3A_182 = arith.maximumf %max3A_179, %max3A_180 : vector<16xf32>
      %max3A_183 = arith.maximumf %max3A_181, %max3A_182 : vector<16xf32>
      %mul3A_184 = arith.mulf %gather3A, %gather3A_170 : vector<16xf32>
      %mul3A_185 = arith.mulf %gather3A_163, %gather3A_171 : vector<16xf32>
      %mul3A_186 = arith.mulf %gather3A_164, %gather3A_172 : vector<16xf32>
      %mul3A_187 = arith.mulf %gather3A_165, %gather3A_173 : vector<16xf32>
      %mul3A_188 = arith.mulf %gather3A_166, %gather3A_174 : vector<16xf32>
      %mul3A_189 = arith.mulf %gather3A_167, %gather3A_175 : vector<16xf32>
      %mul3A_190 = arith.mulf %gather3A_168, %gather3A_176 : vector<16xf32>
      %mul3A_191 = arith.mulf %gather3A_169, %gather3A_177 : vector<16xf32>
      %add3A_192 = arith.addf %mul3A_184, %mul3A_185 : vector<16xf32>
      %add3A_193 = arith.addf %mul3A_186, %mul3A_187 : vector<16xf32>
      %add3A_194 = arith.addf %mul3A_188, %mul3A_189 : vector<16xf32>
      %add3A_195 = arith.addf %mul3A_190, %mul3A_191 : vector<16xf32>
      %add3A_196 = arith.addf %add3A_192, %add3A_193 : vector<16xf32>
      %add3A_197 = arith.addf %add3A_194, %add3A_195 : vector<16xf32>
      %add3A_198 = arith.addf %add3A_196, %add3A_197 : vector<16xf32>
      %add3A_199 = arith.addf %gather3A_170, %gather3A_171 : vector<16xf32>
      %add3A_200 = arith.addf %gather3A_172, %gather3A_173 : vector<16xf32>
      %add3A_201 = arith.addf %gather3A_174, %gather3A_175 : vector<16xf32>
      %add3A_202 = arith.addf %gather3A_176, %gather3A_177 : vector<16xf32>
      %add3A_203 = arith.addf %add3A_199, %add3A_200 : vector<16xf32>
      %add3A_204 = arith.addf %add3A_201, %add3A_202 : vector<16xf32>
      %add3A_205 = arith.addf %add3A_203, %add3A_204 : vector<16xf32>
      %sub3A = arith.subf %gather3A, %max3A_183 : vector<16xf32>
      %exp3A = math.exp %sub3A : vector<16xf32>
      %sub3A_206 = arith.subf %gather3A_163, %max3A_183 : vector<16xf32>
      %exp3A_207 = math.exp %sub3A_206 : vector<16xf32>
      %sub3A_208 = arith.subf %gather3A_164, %max3A_183 : vector<16xf32>
      %exp3A_209 = math.exp %sub3A_208 : vector<16xf32>
      %sub3A_210 = arith.subf %gather3A_165, %max3A_183 : vector<16xf32>
      %exp3A_211 = math.exp %sub3A_210 : vector<16xf32>
      %sub3A_212 = arith.subf %gather3A_166, %max3A_183 : vector<16xf32>
      %exp3A_213 = math.exp %sub3A_212 : vector<16xf32>
      %sub3A_214 = arith.subf %gather3A_167, %max3A_183 : vector<16xf32>
      %exp3A_215 = math.exp %sub3A_214 : vector<16xf32>
      %sub3A_216 = arith.subf %gather3A_168, %max3A_183 : vector<16xf32>
      %exp3A_217 = math.exp %sub3A_216 : vector<16xf32>
      %sub3A_218 = arith.subf %gather3A_169, %max3A_183 : vector<16xf32>
      %exp3A_219 = math.exp %sub3A_218 : vector<16xf32>
      %add3A_220 = arith.addf %exp3A, %exp3A_207 : vector<16xf32>
      %add3A_221 = arith.addf %exp3A_209, %exp3A_211 : vector<16xf32>
      %add3A_222 = arith.addf %exp3A_213, %exp3A_215 : vector<16xf32>
      %add3A_223 = arith.addf %exp3A_217, %exp3A_219 : vector<16xf32>
      %add3A_224 = arith.addf %add3A_220, %add3A_221 : vector<16xf32>
      %add3A_225 = arith.addf %add3A_222, %add3A_223 : vector<16xf32>
      %add3A_226 = arith.addf %add3A_224, %add3A_225 : vector<16xf32>
      %bitcast_convert_type3A = tpu.bitcast %add3A_226 : vector<16xf32> -> vector<16xi32>
      %shift_right_logical3A = arith.constant 23 : i32
      %shift_right_logical3A_227 = vector.broadcast %shift_right_logical3A : i32 to vector<16xi32>
      %shift_right_logical3A_228 = arith.shrui %bitcast_convert_type3A, %shift_right_logical3A_227 : vector<16xi32>
      %sub3A_229 = arith.constant 127 : i32
      %sub3A_230 = vector.broadcast %sub3A_229 : i32 to vector<16xi32>
      %sub3A_231 = arith.subi %shift_right_logical3A_228, %sub3A_230 : vector<16xi32>
      %and3A = arith.constant 8388607 : i32
      %and3A_232 = vector.broadcast %and3A : i32 to vector<16xi32>
      %and3A_233 = arith.andi %bitcast_convert_type3A, %and3A_232 : vector<16xi32>
      %or3A = arith.constant 1065353216 : i32
      %or3A_234 = vector.broadcast %or3A : i32 to vector<16xi32>
      %or3A_235 = arith.ori %and3A_233, %or3A_234 : vector<16xi32>
      %bitcast_convert_type3A_236 = tpu.bitcast %or3A_235 : vector<16xi32> -> vector<16xf32>
      %gt3A = arith.constant 1.41421354 : f32
      %gt3A_237 = vector.broadcast %gt3A : f32 to vector<16xf32>
      %gt3A_238 = arith.cmpf ogt, %bitcast_convert_type3A_236, %gt3A_237 : vector<16xf32>
      %mul3A_239 = arith.constant 5.000000e-01 : f32
      %mul3A_240 = vector.broadcast %mul3A_239 : f32 to vector<16xf32>
      %mul3A_241 = arith.mulf %bitcast_convert_type3A_236, %mul3A_240 : vector<16xf32>
      %select_n3A = arith.select %gt3A_238, %mul3A_241, %bitcast_convert_type3A_236 : vector<16xi1>, vector<16xf32>
      %convert_element_type3A = arith.sitofp %sub3A_231 : vector<16xi32> to vector<16xf32>
      %jit3A = arith.constant 1.000000e+00 : f32
      %jit3A_242 = arith.constant 0.000000e+00 : f32
      %broadcast_in_dim3A_243 = vector.broadcast %jit3A : f32 to vector<16xf32>
      %broadcast_in_dim3A_244 = vector.broadcast %jit3A_242 : f32 to vector<16xf32>
      %select_n3A_245 = arith.select %gt3A_238, %broadcast_in_dim3A_243, %broadcast_in_dim3A_244 : vector<16xi1>, vector<16xf32>
      %add3A_246 = arith.addf %convert_element_type3A, %select_n3A_245 : vector<16xf32>
      %sub3A_247 = arith.constant 1.000000e+00 : f32
      %sub3A_248 = vector.broadcast %sub3A_247 : f32 to vector<16xf32>
      %sub3A_249 = arith.subf %select_n3A, %sub3A_248 : vector<16xf32>
      %add3A_250 = arith.constant 1.000000e+00 : f32
      %add3A_251 = vector.broadcast %add3A_250 : f32 to vector<16xf32>
      %add3A_252 = arith.addf %select_n3A, %add3A_251 : vector<16xf32>
      %div3A = arith.divf %sub3A_249, %add3A_252 : vector<16xf32>
      %mul3A_253 = arith.mulf %div3A, %div3A : vector<16xf32>
      %mul3A_254 = arith.constant 0.222222224 : f32
      %mul3A_255 = vector.broadcast %mul3A_254 : f32 to vector<16xf32>
      %mul3A_256 = arith.mulf %mul3A_253, %mul3A_255 : vector<16xf32>
      %add3A_257 = arith.constant 0.285714298 : f32
      %add3A_258 = vector.broadcast %add3A_257 : f32 to vector<16xf32>
      %add3A_259 = arith.addf %add3A_258, %mul3A_256 : vector<16xf32>
      %mul3A_260 = arith.mulf %mul3A_253, %add3A_259 : vector<16xf32>
      %add3A_261 = arith.constant 4.000000e-01 : f32
      %add3A_262 = vector.broadcast %add3A_261 : f32 to vector<16xf32>
      %add3A_263 = arith.addf %add3A_262, %mul3A_260 : vector<16xf32>
      %mul3A_264 = arith.mulf %mul3A_253, %add3A_263 : vector<16xf32>
      %add3A_265 = arith.constant 0.666666686 : f32
      %add3A_266 = vector.broadcast %add3A_265 : f32 to vector<16xf32>
      %add3A_267 = arith.addf %add3A_266, %mul3A_264 : vector<16xf32>
      %mul3A_268 = arith.mulf %mul3A_253, %add3A_267 : vector<16xf32>
      %add3A_269 = arith.constant 2.000000e+00 : f32
      %add3A_270 = vector.broadcast %add3A_269 : f32 to vector<16xf32>
      %add3A_271 = arith.addf %add3A_270, %mul3A_268 : vector<16xf32>
      %mul3A_272 = arith.constant 0.693147182 : f32
      %mul3A_273 = vector.broadcast %mul3A_272 : f32 to vector<16xf32>
      %mul3A_274 = arith.mulf %add3A_246, %mul3A_273 : vector<16xf32>
      %mul3A_275 = arith.mulf %div3A, %add3A_271 : vector<16xf32>
      %add3A_276 = arith.addf %mul3A_274, %mul3A_275 : vector<16xf32>
      %add3A_277 = arith.addf %max3A_183, %add3A_276 : vector<16xf32>
      %sub3A_278 = arith.subf %gather3A, %add3A_277 : vector<16xf32>
      %sub3A_279 = arith.subf %gather3A_163, %add3A_277 : vector<16xf32>
      %sub3A_280 = arith.subf %gather3A_164, %add3A_277 : vector<16xf32>
      %sub3A_281 = arith.subf %gather3A_165, %add3A_277 : vector<16xf32>
      %sub3A_282 = arith.subf %gather3A_166, %add3A_277 : vector<16xf32>
      %sub3A_283 = arith.subf %gather3A_167, %add3A_277 : vector<16xf32>
      %sub3A_284 = arith.subf %gather3A_168, %add3A_277 : vector<16xf32>
      %sub3A_285 = arith.subf %gather3A_169, %add3A_277 : vector<16xf32>
      %mul3A_286 = arith.mulf %add3A_277, %add3A_205 : vector<16xf32>
      %sub3A_287 = arith.subf %add3A_198, %mul3A_286 : vector<16xf32>
      %add3A_288 = arith.addf %scan3A_131, %sub3A_287 : vector<16xf32>
      %div3A_289 = arith.constant 1.000000e+00 : f32
      %div3A_290 = vector.broadcast %div3A_289 : f32 to vector<16xf32>
      %div3A_291 = arith.divf %div3A_290, %add3A_226 : vector<16xf32>
      %mul3A_292 = arith.mulf %exp3A, %div3A_291 : vector<16xf32>
      tpu.vector_store_idx %arg10[%add3A_141], %mul3A_292 : memref<17408xf32, #tpu.memory_space<vmem>>[vector<16xi32>], vector<16xf32>,
      %mul3A_293 = arith.mulf %exp3A_207, %div3A_291 : vector<16xf32>
      tpu.vector_store_idx %arg10[%add3A_144], %mul3A_293 : memref<17408xf32, #tpu.memory_space<vmem>>[vector<16xi32>], vector<16xf32>,
      %mul3A_294 = arith.mulf %exp3A_209, %div3A_291 : vector<16xf32>
      tpu.vector_store_idx %arg10[%add3A_147], %mul3A_294 : memref<17408xf32, #tpu.memory_space<vmem>>[vector<16xi32>], vector<16xf32>,
      %mul3A_295 = arith.mulf %exp3A_211, %div3A_291 : vector<16xf32>
      tpu.vector_store_idx %arg10[%add3A_150], %mul3A_295 : memref<17408xf32, #tpu.memory_space<vmem>>[vector<16xi32>], vector<16xf32>,
      %mul3A_296 = arith.mulf %exp3A_213, %div3A_291 : vector<16xf32>
      tpu.vector_store_idx %arg10[%add3A_153], %mul3A_296 : memref<17408xf32, #tpu.memory_space<vmem>>[vector<16xi32>], vector<16xf32>,
      %mul3A_297 = arith.mulf %exp3A_215, %div3A_291 : vector<16xf32>
      tpu.vector_store_idx %arg10[%add3A_156], %mul3A_297 : memref<17408xf32, #tpu.memory_space<vmem>>[vector<16xi32>], vector<16xf32>,
      %mul3A_298 = arith.mulf %exp3A_217, %div3A_291 : vector<16xf32>
      tpu.vector_store_idx %arg10[%add3A_159], %mul3A_298 : memref<17408xf32, #tpu.memory_space<vmem>>[vector<16xi32>], vector<16xf32>,
      %mul3A_299 = arith.mulf %exp3A_219, %div3A_291 : vector<16xf32>
      tpu.vector_store_idx %arg10[%add3A_162], %mul3A_299 : memref<17408xf32, #tpu.memory_space<vmem>>[vector<16xi32>], vector<16xf32>,
      %swap3A_300 = arith.constant 0 : index
      %swap3A_301 = tpu.vector_load %arg12[%swap3A_300] {strides = array<i32>} : memref<128xf32, #tpu.memory_space<vmem>>, vector<16xf32>,
      tpu.vector_store %arg12[%swap3A_300], %sub3A_278 {strides = array<i32>} : memref<128xf32, #tpu.memory_space<vmem>>, vector<16xf32>,
      %swap3A_302 = arith.constant 16 : index
      %swap3A_303 = tpu.vector_load %arg12[%swap3A_302] {strides = array<i32>} : memref<128xf32, #tpu.memory_space<vmem>>, vector<16xf32>,
      tpu.vector_store %arg12[%swap3A_302], %sub3A_279 {strides = array<i32>} : memref<128xf32, #tpu.memory_space<vmem>>, vector<16xf32>,
      %swap3A_304 = arith.constant 32 : index
      %swap3A_305 = tpu.vector_load %arg12[%swap3A_304] {strides = array<i32>} : memref<128xf32, #tpu.memory_space<vmem>>, vector<16xf32>,
      tpu.vector_store %arg12[%swap3A_304], %sub3A_280 {strides = array<i32>} : memref<128xf32, #tpu.memory_space<vmem>>, vector<16xf32>,
      %swap3A_306 = arith.constant 48 : index
      %swap3A_307 = tpu.vector_load %arg12[%swap3A_306] {strides = array<i32>} : memref<128xf32, #tpu.memory_space<vmem>>, vector<16xf32>,
      tpu.vector_store %arg12[%swap3A_306], %sub3A_281 {strides = array<i32>} : memref<128xf32, #tpu.memory_space<vmem>>, vector<16xf32>,
      %swap3A_308 = arith.constant 64 : index
      %swap3A_309 = tpu.vector_load %arg12[%swap3A_308] {strides = array<i32>} : memref<128xf32, #tpu.memory_space<vmem>>, vector<16xf32>,
      tpu.vector_store %arg12[%swap3A_308], %sub3A_282 {strides = array<i32>} : memref<128xf32, #tpu.memory_space<vmem>>, vector<16xf32>,
      %swap3A_310 = arith.constant 80 : index
      %swap3A_311 = tpu.vector_load %arg12[%swap3A_310] {strides = array<i32>} : memref<128xf32, #tpu.memory_space<vmem>>, vector<16xf32>,
      tpu.vector_store %arg12[%swap3A_310], %sub3A_283 {strides = array<i32>} : memref<128xf32, #tpu.memory_space<vmem>>, vector<16xf32>,
      %swap3A_312 = arith.constant 96 : index
      %swap3A_313 = tpu.vector_load %arg12[%swap3A_312] {strides = array<i32>} : memref<128xf32, #tpu.memory_space<vmem>>, vector<16xf32>,
      tpu.vector_store %arg12[%swap3A_312], %sub3A_284 {strides = array<i32>} : memref<128xf32, #tpu.memory_space<vmem>>, vector<16xf32>,
      %swap3A_314 = arith.constant 112 : index
      %swap3A_315 = tpu.vector_load %arg12[%swap3A_314] {strides = array<i32>} : memref<128xf32, #tpu.memory_space<vmem>>, vector<16xf32>,
      tpu.vector_store %arg12[%swap3A_314], %sub3A_285 {strides = array<i32>} : memref<128xf32, #tpu.memory_space<vmem>>, vector<16xf32>,
      %scan3A_316 = arith.constant 0 : i32
      %scan3A_317 = arith.constant 8 : i32
      %scan3A_318 = arith.addi %scan3A_316, %scan3A_317 : i32
      %scan3A_319 = arith.constant 1 : i32
      %scan3A_320 = scf.for %scan3A_322 = %scan3A_316 to %scan3A_318 step %scan3A_319 iter_args(%scan3A_323 = %add3A_288) -> (vector<16xf32>)  : i32 {
        %mul3A_324 = arith.constant 16 : i32
        %mul3A_325 = arith.muli %scan3A_322, %mul3A_324 : i32
        %add3A_326 = arith.constant 8 : i32
        %add3A_327 = arith.addi %add3A_326, %mul3A_325 : i32
        %add3A_328 = vector.broadcast %add3A_327 : i32 to vector<16xi32>
        %add3A_329 = arith.addi %mul3A_138, %add3A_328 : vector<16xi32>
        %add3A_330 = arith.constant 0 : i32
        %add3A_331 = vector.broadcast %add3A_330 : i32 to vector<16xi32>
        %add3A_332 = arith.addi %add3A_329, %add3A_331 : vector<16xi32>
        %add3A_333 = arith.constant 1 : i32
        %add3A_334 = vector.broadcast %add3A_333 : i32 to vector<16xi32>
        %add3A_335 = arith.addi %add3A_329, %add3A_334 : vector<16xi32>
        %add3A_336 = arith.constant 2 : i32
        %add3A_337 = vector.broadcast %add3A_336 : i32 to vector<16xi32>
        %add3A_338 = arith.addi %add3A_329, %add3A_337 : vector<16xi32>
        %add3A_339 = arith.constant 3 : i32
        %add3A_340 = vector.broadcast %add3A_339 : i32 to vector<16xi32>
        %add3A_341 = arith.addi %add3A_329, %add3A_340 : vector<16xi32>
        %add3A_342 = arith.constant 4 : i32
        %add3A_343 = vector.broadcast %add3A_342 : i32 to vector<16xi32>
        %add3A_344 = arith.addi %add3A_329, %add3A_343 : vector<16xi32>
        %add3A_345 = arith.constant 5 : i32
        %add3A_346 = vector.broadcast %add3A_345 : i32 to vector<16xi32>
        %add3A_347 = arith.addi %add3A_329, %add3A_346 : vector<16xi32>
        %add3A_348 = arith.constant 6 : i32
        %add3A_349 = vector.broadcast %add3A_348 : i32 to vector<16xi32>
        %add3A_350 = arith.addi %add3A_329, %add3A_349 : vector<16xi32>
        %add3A_351 = arith.constant 7 : i32
        %add3A_352 = vector.broadcast %add3A_351 : i32 to vector<16xi32>
        %add3A_353 = arith.addi %add3A_329, %add3A_352 : vector<16xi32>
        %add3A_354 = arith.constant 8 : i32
        %add3A_355 = vector.broadcast %add3A_354 : i32 to vector<16xi32>
        %add3A_356 = arith.addi %add3A_329, %add3A_355 : vector<16xi32>
        %add3A_357 = arith.constant 9 : i32
        %add3A_358 = vector.broadcast %add3A_357 : i32 to vector<16xi32>
        %add3A_359 = arith.addi %add3A_329, %add3A_358 : vector<16xi32>
        %add3A_360 = arith.constant 10 : i32
        %add3A_361 = vector.broadcast %add3A_360 : i32 to vector<16xi32>
        %add3A_362 = arith.addi %add3A_329, %add3A_361 : vector<16xi32>
        %add3A_363 = arith.constant 11 : i32
        %add3A_364 = vector.broadcast %add3A_363 : i32 to vector<16xi32>
        %add3A_365 = arith.addi %add3A_329, %add3A_364 : vector<16xi32>
        %add3A_366 = arith.constant 12 : i32
        %add3A_367 = vector.broadcast %add3A_366 : i32 to vector<16xi32>
        %add3A_368 = arith.addi %add3A_329, %add3A_367 : vector<16xi32>
        %add3A_369 = arith.constant 13 : i32
        %add3A_370 = vector.broadcast %add3A_369 : i32 to vector<16xi32>
        %add3A_371 = arith.addi %add3A_329, %add3A_370 : vector<16xi32>
        %add3A_372 = arith.constant 14 : i32
        %add3A_373 = vector.broadcast %add3A_372 : i32 to vector<16xi32>
        %add3A_374 = arith.addi %add3A_329, %add3A_373 : vector<16xi32>
        %add3A_375 = arith.constant 15 : i32
        %add3A_376 = vector.broadcast %add3A_375 : i32 to vector<16xi32>
        %add3A_377 = arith.addi %add3A_329, %add3A_376 : vector<16xi32>
        %mul3A_378 = arith.constant 16 : i32
        %mul3A_379 = arith.muli %scan3A_322, %mul3A_378 : i32
        %get3A = arith.index_cast %mul3A_379 : i32 to index
        %get3A_380 = tpu.vector_load %arg12[%get3A] {strides = array<i32>} : memref<128xf32, #tpu.memory_space<vmem>>, vector<16xf32>,
        %gather3A_381 = tpu.vector_load_idx %arg6[%add3A_332] : memref<17408xf32, #tpu.memory_space<vmem>>[vector<16xi32>], vector<16xf32>,
        %gather3A_382 = tpu.vector_load_idx %arg6[%add3A_335] : memref<17408xf32, #tpu.memory_space<vmem>>[vector<16xi32>], vector<16xf32>,
        %gather3A_383 = tpu.vector_load_idx %arg6[%add3A_338] : memref<17408xf32, #tpu.memory_space<vmem>>[vector<16xi32>], vector<16xf32>,
        %gather3A_384 = tpu.vector_load_idx %arg6[%add3A_341] : memref<17408xf32, #tpu.memory_space<vmem>>[vector<16xi32>], vector<16xf32>,
        %gather3A_385 = tpu.vector_load_idx %arg6[%add3A_344] : memref<17408xf32, #tpu.memory_space<vmem>>[vector<16xi32>], vector<16xf32>,
        %gather3A_386 = tpu.vector_load_idx %arg6[%add3A_347] : memref<17408xf32, #tpu.memory_space<vmem>>[vector<16xi32>], vector<16xf32>,
        %gather3A_387 = tpu.vector_load_idx %arg6[%add3A_350] : memref<17408xf32, #tpu.memory_space<vmem>>[vector<16xi32>], vector<16xf32>,
        %gather3A_388 = tpu.vector_load_idx %arg6[%add3A_353] : memref<17408xf32, #tpu.memory_space<vmem>>[vector<16xi32>], vector<16xf32>,
        %gather3A_389 = tpu.vector_load_idx %arg6[%add3A_356] : memref<17408xf32, #tpu.memory_space<vmem>>[vector<16xi32>], vector<16xf32>,
        %gather3A_390 = tpu.vector_load_idx %arg6[%add3A_359] : memref<17408xf32, #tpu.memory_space<vmem>>[vector<16xi32>], vector<16xf32>,
        %gather3A_391 = tpu.vector_load_idx %arg6[%add3A_362] : memref<17408xf32, #tpu.memory_space<vmem>>[vector<16xi32>], vector<16xf32>,
        %gather3A_392 = tpu.vector_load_idx %arg6[%add3A_365] : memref<17408xf32, #tpu.memory_space<vmem>>[vector<16xi32>], vector<16xf32>,
        %gather3A_393 = tpu.vector_load_idx %arg6[%add3A_368] : memref<17408xf32, #tpu.memory_space<vmem>>[vector<16xi32>], vector<16xf32>,
        %gather3A_394 = tpu.vector_load_idx %arg6[%add3A_371] : memref<17408xf32, #tpu.memory_space<vmem>>[vector<16xi32>], vector<16xf32>,
        %gather3A_395 = tpu.vector_load_idx %arg6[%add3A_374] : memref<17408xf32, #tpu.memory_space<vmem>>[vector<16xi32>], vector<16xf32>,
        %gather3A_396 = tpu.vector_load_idx %arg6[%add3A_377] : memref<17408xf32, #tpu.memory_space<vmem>>[vector<16xi32>], vector<16xf32>,
        %gather3A_397 = tpu.vector_load_idx %arg7[%add3A_332] : memref<17408xf32, #tpu.memory_space<vmem>>[vector<16xi32>], vector<16xf32>,
        %gather3A_398 = tpu.vector_load_idx %arg7[%add3A_335] : memref<17408xf32, #tpu.memory_space<vmem>>[vector<16xi32>], vector<16xf32>,
        %gather3A_399 = tpu.vector_load_idx %arg7[%add3A_338] : memref<17408xf32, #tpu.memory_space<vmem>>[vector<16xi32>], vector<16xf32>,
        %gather3A_400 = tpu.vector_load_idx %arg7[%add3A_341] : memref<17408xf32, #tpu.memory_space<vmem>>[vector<16xi32>], vector<16xf32>,
        %gather3A_401 = tpu.vector_load_idx %arg7[%add3A_344] : memref<17408xf32, #tpu.memory_space<vmem>>[vector<16xi32>], vector<16xf32>,
        %gather3A_402 = tpu.vector_load_idx %arg7[%add3A_347] : memref<17408xf32, #tpu.memory_space<vmem>>[vector<16xi32>], vector<16xf32>,
        %gather3A_403 = tpu.vector_load_idx %arg7[%add3A_350] : memref<17408xf32, #tpu.memory_space<vmem>>[vector<16xi32>], vector<16xf32>,
        %gather3A_404 = tpu.vector_load_idx %arg7[%add3A_353] : memref<17408xf32, #tpu.memory_space<vmem>>[vector<16xi32>], vector<16xf32>,
        %gather3A_405 = tpu.vector_load_idx %arg7[%add3A_356] : memref<17408xf32, #tpu.memory_space<vmem>>[vector<16xi32>], vector<16xf32>,
        %gather3A_406 = tpu.vector_load_idx %arg7[%add3A_359] : memref<17408xf32, #tpu.memory_space<vmem>>[vector<16xi32>], vector<16xf32>,
        %gather3A_407 = tpu.vector_load_idx %arg7[%add3A_362] : memref<17408xf32, #tpu.memory_space<vmem>>[vector<16xi32>], vector<16xf32>,
        %gather3A_408 = tpu.vector_load_idx %arg7[%add3A_365] : memref<17408xf32, #tpu.memory_space<vmem>>[vector<16xi32>], vector<16xf32>,
        %gather3A_409 = tpu.vector_load_idx %arg7[%add3A_368] : memref<17408xf32, #tpu.memory_space<vmem>>[vector<16xi32>], vector<16xf32>,
        %gather3A_410 = tpu.vector_load_idx %arg7[%add3A_371] : memref<17408xf32, #tpu.memory_space<vmem>>[vector<16xi32>], vector<16xf32>,
        %gather3A_411 = tpu.vector_load_idx %arg7[%add3A_374] : memref<17408xf32, #tpu.memory_space<vmem>>[vector<16xi32>], vector<16xf32>,
        %gather3A_412 = tpu.vector_load_idx %arg7[%add3A_377] : memref<17408xf32, #tpu.memory_space<vmem>>[vector<16xi32>], vector<16xf32>,
        %max3A_413 = arith.maximumf %gather3A_381, %gather3A_382 : vector<16xf32>
        %max3A_414 = arith.maximumf %gather3A_383, %gather3A_384 : vector<16xf32>
        %max3A_415 = arith.maximumf %gather3A_385, %gather3A_386 : vector<16xf32>
        %max3A_416 = arith.maximumf %gather3A_387, %gather3A_388 : vector<16xf32>
        %max3A_417 = arith.maximumf %gather3A_389, %gather3A_390 : vector<16xf32>
        %max3A_418 = arith.maximumf %gather3A_391, %gather3A_392 : vector<16xf32>
        %max3A_419 = arith.maximumf %gather3A_393, %gather3A_394 : vector<16xf32>
        %max3A_420 = arith.maximumf %gather3A_395, %gather3A_396 : vector<16xf32>
        %max3A_421 = arith.maximumf %max3A_413, %max3A_414 : vector<16xf32>
        %max3A_422 = arith.maximumf %max3A_415, %max3A_416 : vector<16xf32>
        %max3A_423 = arith.maximumf %max3A_417, %max3A_418 : vector<16xf32>
        %max3A_424 = arith.maximumf %max3A_419, %max3A_420 : vector<16xf32>
        %max3A_425 = arith.maximumf %max3A_421, %max3A_422 : vector<16xf32>
        %max3A_426 = arith.maximumf %max3A_423, %max3A_424 : vector<16xf32>
        %max3A_427 = arith.maximumf %max3A_425, %max3A_426 : vector<16xf32>
        %mul3A_428 = arith.mulf %gather3A_381, %gather3A_397 : vector<16xf32>
        %mul3A_429 = arith.mulf %gather3A_382, %gather3A_398 : vector<16xf32>
        %mul3A_430 = arith.mulf %gather3A_383, %gather3A_399 : vector<16xf32>
        %mul3A_431 = arith.mulf %gather3A_384, %gather3A_400 : vector<16xf32>
        %mul3A_432 = arith.mulf %gather3A_385, %gather3A_401 : vector<16xf32>
        %mul3A_433 = arith.mulf %gather3A_386, %gather3A_402 : vector<16xf32>
        %mul3A_434 = arith.mulf %gather3A_387, %gather3A_403 : vector<16xf32>
        %mul3A_435 = arith.mulf %gather3A_388, %gather3A_404 : vector<16xf32>
        %mul3A_436 = arith.mulf %gather3A_389, %gather3A_405 : vector<16xf32>
        %mul3A_437 = arith.mulf %gather3A_390, %gather3A_406 : vector<16xf32>
        %mul3A_438 = arith.mulf %gather3A_391, %gather3A_407 : vector<16xf32>
        %mul3A_439 = arith.mulf %gather3A_392, %gather3A_408 : vector<16xf32>
        %mul3A_440 = arith.mulf %gather3A_393, %gather3A_409 : vector<16xf32>
        %mul3A_441 = arith.mulf %gather3A_394, %gather3A_410 : vector<16xf32>
        %mul3A_442 = arith.mulf %gather3A_395, %gather3A_411 : vector<16xf32>
        %mul3A_443 = arith.mulf %gather3A_396, %gather3A_412 : vector<16xf32>
        %add3A_444 = arith.addf %mul3A_428, %mul3A_429 : vector<16xf32>
        %add3A_445 = arith.addf %mul3A_430, %mul3A_431 : vector<16xf32>
        %add3A_446 = arith.addf %mul3A_432, %mul3A_433 : vector<16xf32>
        %add3A_447 = arith.addf %mul3A_434, %mul3A_435 : vector<16xf32>
        %add3A_448 = arith.addf %mul3A_436, %mul3A_437 : vector<16xf32>
        %add3A_449 = arith.addf %mul3A_438, %mul3A_439 : vector<16xf32>
        %add3A_450 = arith.addf %mul3A_440, %mul3A_441 : vector<16xf32>
        %add3A_451 = arith.addf %mul3A_442, %mul3A_443 : vector<16xf32>
        %add3A_452 = arith.addf %add3A_444, %add3A_445 : vector<16xf32>
        %add3A_453 = arith.addf %add3A_446, %add3A_447 : vector<16xf32>
        %add3A_454 = arith.addf %add3A_448, %add3A_449 : vector<16xf32>
        %add3A_455 = arith.addf %add3A_450, %add3A_451 : vector<16xf32>
        %add3A_456 = arith.addf %add3A_452, %add3A_453 : vector<16xf32>
        %add3A_457 = arith.addf %add3A_454, %add3A_455 : vector<16xf32>
        %add3A_458 = arith.addf %add3A_456, %add3A_457 : vector<16xf32>
        %add3A_459 = arith.addf %gather3A_397, %gather3A_398 : vector<16xf32>
        %add3A_460 = arith.addf %gather3A_399, %gather3A_400 : vector<16xf32>
        %add3A_461 = arith.addf %gather3A_401, %gather3A_402 : vector<16xf32>
        %add3A_462 = arith.addf %gather3A_403, %gather3A_404 : vector<16xf32>
        %add3A_463 = arith.addf %gather3A_405, %gather3A_406 : vector<16xf32>
        %add3A_464 = arith.addf %gather3A_407, %gather3A_408 : vector<16xf32>
        %add3A_465 = arith.addf %gather3A_409, %gather3A_410 : vector<16xf32>
        %add3A_466 = arith.addf %gather3A_411, %gather3A_412 : vector<16xf32>
        %add3A_467 = arith.addf %add3A_459, %add3A_460 : vector<16xf32>
        %add3A_468 = arith.addf %add3A_461, %add3A_462 : vector<16xf32>
        %add3A_469 = arith.addf %add3A_463, %add3A_464 : vector<16xf32>
        %add3A_470 = arith.addf %add3A_465, %add3A_466 : vector<16xf32>
        %add3A_471 = arith.addf %add3A_467, %add3A_468 : vector<16xf32>
        %add3A_472 = arith.addf %add3A_469, %add3A_470 : vector<16xf32>
        %add3A_473 = arith.addf %add3A_471, %add3A_472 : vector<16xf32>
        %sub3A_474 = arith.subf %gather3A_381, %max3A_427 : vector<16xf32>
        %exp3A_475 = math.exp %sub3A_474 : vector<16xf32>
        %sub3A_476 = arith.subf %gather3A_382, %max3A_427 : vector<16xf32>
        %exp3A_477 = math.exp %sub3A_476 : vector<16xf32>
        %sub3A_478 = arith.subf %gather3A_383, %max3A_427 : vector<16xf32>
        %exp3A_479 = math.exp %sub3A_478 : vector<16xf32>
        %sub3A_480 = arith.subf %gather3A_384, %max3A_427 : vector<16xf32>
        %exp3A_481 = math.exp %sub3A_480 : vector<16xf32>
        %sub3A_482 = arith.subf %gather3A_385, %max3A_427 : vector<16xf32>
        %exp3A_483 = math.exp %sub3A_482 : vector<16xf32>
        %sub3A_484 = arith.subf %gather3A_386, %max3A_427 : vector<16xf32>
        %exp3A_485 = math.exp %sub3A_484 : vector<16xf32>
        %sub3A_486 = arith.subf %gather3A_387, %max3A_427 : vector<16xf32>
        %exp3A_487 = math.exp %sub3A_486 : vector<16xf32>
        %sub3A_488 = arith.subf %gather3A_388, %max3A_427 : vector<16xf32>
        %exp3A_489 = math.exp %sub3A_488 : vector<16xf32>
        %sub3A_490 = arith.subf %gather3A_389, %max3A_427 : vector<16xf32>
        %exp3A_491 = math.exp %sub3A_490 : vector<16xf32>
        %sub3A_492 = arith.subf %gather3A_390, %max3A_427 : vector<16xf32>
        %exp3A_493 = math.exp %sub3A_492 : vector<16xf32>
        %sub3A_494 = arith.subf %gather3A_391, %max3A_427 : vector<16xf32>
        %exp3A_495 = math.exp %sub3A_494 : vector<16xf32>
        %sub3A_496 = arith.subf %gather3A_392, %max3A_427 : vector<16xf32>
        %exp3A_497 = math.exp %sub3A_496 : vector<16xf32>
        %sub3A_498 = arith.subf %gather3A_393, %max3A_427 : vector<16xf32>
        %exp3A_499 = math.exp %sub3A_498 : vector<16xf32>
        %sub3A_500 = arith.subf %gather3A_394, %max3A_427 : vector<16xf32>
        %exp3A_501 = math.exp %sub3A_500 : vector<16xf32>
        %sub3A_502 = arith.subf %gather3A_395, %max3A_427 : vector<16xf32>
        %exp3A_503 = math.exp %sub3A_502 : vector<16xf32>
        %sub3A_504 = arith.subf %gather3A_396, %max3A_427 : vector<16xf32>
        %exp3A_505 = math.exp %sub3A_504 : vector<16xf32>
        %add3A_506 = arith.addf %exp3A_475, %exp3A_477 : vector<16xf32>
        %add3A_507 = arith.addf %exp3A_479, %exp3A_481 : vector<16xf32>
        %add3A_508 = arith.addf %exp3A_483, %exp3A_485 : vector<16xf32>
        %add3A_509 = arith.addf %exp3A_487, %exp3A_489 : vector<16xf32>
        %add3A_510 = arith.addf %exp3A_491, %exp3A_493 : vector<16xf32>
        %add3A_511 = arith.addf %exp3A_495, %exp3A_497 : vector<16xf32>
        %add3A_512 = arith.addf %exp3A_499, %exp3A_501 : vector<16xf32>
        %add3A_513 = arith.addf %exp3A_503, %exp3A_505 : vector<16xf32>
        %add3A_514 = arith.addf %add3A_506, %add3A_507 : vector<16xf32>
        %add3A_515 = arith.addf %add3A_508, %add3A_509 : vector<16xf32>
        %add3A_516 = arith.addf %add3A_510, %add3A_511 : vector<16xf32>
        %add3A_517 = arith.addf %add3A_512, %add3A_513 : vector<16xf32>
        %add3A_518 = arith.addf %add3A_514, %add3A_515 : vector<16xf32>
        %add3A_519 = arith.addf %add3A_516, %add3A_517 : vector<16xf32>
        %add3A_520 = arith.addf %add3A_518, %add3A_519 : vector<16xf32>
        %bitcast_convert_type3A_521 = tpu.bitcast %add3A_520 : vector<16xf32> -> vector<16xi32>
        %shift_right_logical3A_522 = arith.constant 23 : i32
        %shift_right_logical3A_523 = vector.broadcast %shift_right_logical3A_522 : i32 to vector<16xi32>
        %shift_right_logical3A_524 = arith.shrui %bitcast_convert_type3A_521, %shift_right_logical3A_523 : vector<16xi32>
        %sub3A_525 = arith.constant 127 : i32
        %sub3A_526 = vector.broadcast %sub3A_525 : i32 to vector<16xi32>
        %sub3A_527 = arith.subi %shift_right_logical3A_524, %sub3A_526 : vector<16xi32>
        %and3A_528 = arith.constant 8388607 : i32
        %and3A_529 = vector.broadcast %and3A_528 : i32 to vector<16xi32>
        %and3A_530 = arith.andi %bitcast_convert_type3A_521, %and3A_529 : vector<16xi32>
        %or3A_531 = arith.constant 1065353216 : i32
        %or3A_532 = vector.broadcast %or3A_531 : i32 to vector<16xi32>
        %or3A_533 = arith.ori %and3A_530, %or3A_532 : vector<16xi32>
        %bitcast_convert_type3A_534 = tpu.bitcast %or3A_533 : vector<16xi32> -> vector<16xf32>
        %gt3A_535 = arith.constant 1.41421354 : f32
        %gt3A_536 = vector.broadcast %gt3A_535 : f32 to vector<16xf32>
        %gt3A_537 = arith.cmpf ogt, %bitcast_convert_type3A_534, %gt3A_536 : vector<16xf32>
        %mul3A_538 = arith.constant 5.000000e-01 : f32
        %mul3A_539 = vector.broadcast %mul3A_538 : f32 to vector<16xf32>
        %mul3A_540 = arith.mulf %bitcast_convert_type3A_534, %mul3A_539 : vector<16xf32>
        %select_n3A_541 = arith.select %gt3A_537, %mul3A_540, %bitcast_convert_type3A_534 : vector<16xi1>, vector<16xf32>
        %convert_element_type3A_542 = arith.sitofp %sub3A_527 : vector<16xi32> to vector<16xf32>
        %jit3A_543 = arith.constant 1.000000e+00 : f32
        %jit3A_544 = arith.constant 0.000000e+00 : f32
        %broadcast_in_dim3A_545 = vector.broadcast %jit3A_543 : f32 to vector<16xf32>
        %broadcast_in_dim3A_546 = vector.broadcast %jit3A_544 : f32 to vector<16xf32>
        %select_n3A_547 = arith.select %gt3A_537, %broadcast_in_dim3A_545, %broadcast_in_dim3A_546 : vector<16xi1>, vector<16xf32>
        %add3A_548 = arith.addf %convert_element_type3A_542, %select_n3A_547 : vector<16xf32>
        %sub3A_549 = arith.constant 1.000000e+00 : f32
        %sub3A_550 = vector.broadcast %sub3A_549 : f32 to vector<16xf32>
        %sub3A_551 = arith.subf %select_n3A_541, %sub3A_550 : vector<16xf32>
        %add3A_552 = arith.constant 1.000000e+00 : f32
        %add3A_553 = vector.broadcast %add3A_552 : f32 to vector<16xf32>
        %add3A_554 = arith.addf %select_n3A_541, %add3A_553 : vector<16xf32>
        %div3A_555 = arith.divf %sub3A_551, %add3A_554 : vector<16xf32>
        %mul3A_556 = arith.mulf %div3A_555, %div3A_555 : vector<16xf32>
        %mul3A_557 = arith.constant 0.222222224 : f32
        %mul3A_558 = vector.broadcast %mul3A_557 : f32 to vector<16xf32>
        %mul3A_559 = arith.mulf %mul3A_556, %mul3A_558 : vector<16xf32>
        %add3A_560 = arith.constant 0.285714298 : f32
        %add3A_561 = vector.broadcast %add3A_560 : f32 to vector<16xf32>
        %add3A_562 = arith.addf %add3A_561, %mul3A_559 : vector<16xf32>
        %mul3A_563 = arith.mulf %mul3A_556, %add3A_562 : vector<16xf32>
        %add3A_564 = arith.constant 4.000000e-01 : f32
        %add3A_565 = vector.broadcast %add3A_564 : f32 to vector<16xf32>
        %add3A_566 = arith.addf %add3A_565, %mul3A_563 : vector<16xf32>
        %mul3A_567 = arith.mulf %mul3A_556, %add3A_566 : vector<16xf32>
        %add3A_568 = arith.constant 0.666666686 : f32
        %add3A_569 = vector.broadcast %add3A_568 : f32 to vector<16xf32>
        %add3A_570 = arith.addf %add3A_569, %mul3A_567 : vector<16xf32>
        %mul3A_571 = arith.mulf %mul3A_556, %add3A_570 : vector<16xf32>
        %add3A_572 = arith.constant 2.000000e+00 : f32
        %add3A_573 = vector.broadcast %add3A_572 : f32 to vector<16xf32>
        %add3A_574 = arith.addf %add3A_573, %mul3A_571 : vector<16xf32>
        %mul3A_575 = arith.constant 0.693147182 : f32
        %mul3A_576 = vector.broadcast %mul3A_575 : f32 to vector<16xf32>
        %mul3A_577 = arith.mulf %add3A_548, %mul3A_576 : vector<16xf32>
        %mul3A_578 = arith.mulf %div3A_555, %add3A_574 : vector<16xf32>
        %add3A_579 = arith.addf %mul3A_577, %mul3A_578 : vector<16xf32>
        %add3A_580 = arith.addf %max3A_427, %add3A_579 : vector<16xf32>
        %sub3A_581 = arith.subf %add3A_580, %get3A_380 : vector<16xf32>
        %mul3A_582 = arith.mulf %sub3A_581, %add3A_473 : vector<16xf32>
        %sub3A_583 = arith.subf %add3A_458, %mul3A_582 : vector<16xf32>
        %add3A_584 = arith.addf %scan3A_323, %sub3A_583 : vector<16xf32>
        %exp3A_585 = math.exp %get3A_380 : vector<16xf32>
        %div3A_586 = arith.divf %exp3A_585, %add3A_520 : vector<16xf32>
        %mul3A_587 = arith.mulf %exp3A_475, %div3A_586 : vector<16xf32>
        tpu.vector_store_idx %arg10[%add3A_332], %mul3A_587 : memref<17408xf32, #tpu.memory_space<vmem>>[vector<16xi32>], vector<16xf32>,
        %mul3A_588 = arith.mulf %exp3A_477, %div3A_586 : vector<16xf32>
        tpu.vector_store_idx %arg10[%add3A_335], %mul3A_588 : memref<17408xf32, #tpu.memory_space<vmem>>[vector<16xi32>], vector<16xf32>,
        %mul3A_589 = arith.mulf %exp3A_479, %div3A_586 : vector<16xf32>
        tpu.vector_store_idx %arg10[%add3A_338], %mul3A_589 : memref<17408xf32, #tpu.memory_space<vmem>>[vector<16xi32>], vector<16xf32>,
        %mul3A_590 = arith.mulf %exp3A_481, %div3A_586 : vector<16xf32>
        tpu.vector_store_idx %arg10[%add3A_341], %mul3A_590 : memref<17408xf32, #tpu.memory_space<vmem>>[vector<16xi32>], vector<16xf32>,
        %mul3A_591 = arith.mulf %exp3A_483, %div3A_586 : vector<16xf32>
        tpu.vector_store_idx %arg10[%add3A_344], %mul3A_591 : memref<17408xf32, #tpu.memory_space<vmem>>[vector<16xi32>], vector<16xf32>,
        %mul3A_592 = arith.mulf %exp3A_485, %div3A_586 : vector<16xf32>
        tpu.vector_store_idx %arg10[%add3A_347], %mul3A_592 : memref<17408xf32, #tpu.memory_space<vmem>>[vector<16xi32>], vector<16xf32>,
        %mul3A_593 = arith.mulf %exp3A_487, %div3A_586 : vector<16xf32>
        tpu.vector_store_idx %arg10[%add3A_350], %mul3A_593 : memref<17408xf32, #tpu.memory_space<vmem>>[vector<16xi32>], vector<16xf32>,
        %mul3A_594 = arith.mulf %exp3A_489, %div3A_586 : vector<16xf32>
        tpu.vector_store_idx %arg10[%add3A_353], %mul3A_594 : memref<17408xf32, #tpu.memory_space<vmem>>[vector<16xi32>], vector<16xf32>,
        %mul3A_595 = arith.mulf %exp3A_491, %div3A_586 : vector<16xf32>
        tpu.vector_store_idx %arg10[%add3A_356], %mul3A_595 : memref<17408xf32, #tpu.memory_space<vmem>>[vector<16xi32>], vector<16xf32>,
        %mul3A_596 = arith.mulf %exp3A_493, %div3A_586 : vector<16xf32>
        tpu.vector_store_idx %arg10[%add3A_359], %mul3A_596 : memref<17408xf32, #tpu.memory_space<vmem>>[vector<16xi32>], vector<16xf32>,
        %mul3A_597 = arith.mulf %exp3A_495, %div3A_586 : vector<16xf32>
        tpu.vector_store_idx %arg10[%add3A_362], %mul3A_597 : memref<17408xf32, #tpu.memory_space<vmem>>[vector<16xi32>], vector<16xf32>,
        %mul3A_598 = arith.mulf %exp3A_497, %div3A_586 : vector<16xf32>
        tpu.vector_store_idx %arg10[%add3A_365], %mul3A_598 : memref<17408xf32, #tpu.memory_space<vmem>>[vector<16xi32>], vector<16xf32>,
        %mul3A_599 = arith.mulf %exp3A_499, %div3A_586 : vector<16xf32>
        tpu.vector_store_idx %arg10[%add3A_368], %mul3A_599 : memref<17408xf32, #tpu.memory_space<vmem>>[vector<16xi32>], vector<16xf32>,
        %mul3A_600 = arith.mulf %exp3A_501, %div3A_586 : vector<16xf32>
        tpu.vector_store_idx %arg10[%add3A_371], %mul3A_600 : memref<17408xf32, #tpu.memory_space<vmem>>[vector<16xi32>], vector<16xf32>,
        %mul3A_601 = arith.mulf %exp3A_503, %div3A_586 : vector<16xf32>
        tpu.vector_store_idx %arg10[%add3A_374], %mul3A_601 : memref<17408xf32, #tpu.memory_space<vmem>>[vector<16xi32>], vector<16xf32>,
        %mul3A_602 = arith.mulf %exp3A_505, %div3A_586 : vector<16xf32>
        tpu.vector_store_idx %arg10[%add3A_377], %mul3A_602 : memref<17408xf32, #tpu.memory_space<vmem>>[vector<16xi32>], vector<16xf32>,
        scf.yield %add3A_584 : vector<16xf32>
      }
      %scan3A_321 = arith.constant 8 : i32
      scf.yield %scan3A_320 : vector<16xf32>
    }
    %scan3A_90 = arith.constant 8 : i32
    %add3A_91 = arith.constant 256 : i32
    %add3A_92 = arith.addi %mul3A_2, %add3A_91 : i32
    %mul3A_93 = arith.constant 136 : i32
    %mul3A_94 = arith.muli %add3A_92, %mul3A_93 : i32
    %dma_start3A_95 = tpu.memref_slice %arg4[%mul3A_94] : memref<2228224xf32, #tpu.memory_space<hbm>> -> memref<17408xf32, #tpu.memory_space<hbm>>
    %dma_start3A_96 = tpu.memref_slice %arg4[%mul3A_94] : memref<2228224xf32, #tpu.memory_space<hbm>> -> memref<17408xf32, #tpu.memory_space<hbm>>
    tpu.enqueue_dma source(%arg10 : memref<17408xf32, #tpu.memory_space<vmem>>) target(%dma_start3A_96 : memref<17408xf32, #tpu.memory_space<hbm>>) target_semaphore(%arg16 : memref<!tpu.dma_semaphore, #tpu.memory_space<semaphore_mem>>)
    %dma_wait3A_97 = arith.constant 0 : i32
    %dma_wait3A_98 = tpu.memref_slice %arg4[%dma_wait3A_97] : memref<2228224xf32, #tpu.memory_space<hbm>> -> memref<17408xf32, #tpu.memory_space<hbm>>
    %dma_wait3A_99 = arith.constant 0 : i32
    %dma_wait3A_100 = tpu.memref_slice %arg4[%dma_wait3A_99] : memref<2228224xf32, #tpu.memory_space<hbm>> -> memref<17408xf32, #tpu.memory_space<hbm>>
    tpu.wait_dma2 semaphore(%arg17 : memref<!tpu.dma_semaphore, #tpu.memory_space<semaphore_mem>>) src(%arg11 : memref<17408xf32, #tpu.memory_space<vmem>>) dst(%dma_wait3A_100 : memref<17408xf32, #tpu.memory_space<hbm>>)
    %dma_wait3A_101 = arith.constant 0 : i32
    %dma_wait3A_102 = tpu.memref_slice %arg2[%dma_wait3A_101] : memref<2228224xf32, #tpu.memory_space<hbm>> -> memref<17408xf32, #tpu.memory_space<hbm>>
    %dma_wait3A_103 = arith.constant 0 : i32
    %dma_wait3A_104 = tpu.memref_slice %arg2[%dma_wait3A_103] : memref<2228224xf32, #tpu.memory_space<hbm>> -> memref<17408xf32, #tpu.memory_space<hbm>>
    tpu.wait_dma2 semaphore(%arg15 : memref<!tpu.dma_semaphore, #tpu.memory_space<semaphore_mem>>) src(%dma_wait3A_104 : memref<17408xf32, #tpu.memory_space<hbm>>) dst(%arg8 : memref<17408xf32, #tpu.memory_space<vmem>>)
    %dma_wait3A_105 = arith.constant 0 : i32
    %dma_wait3A_106 = tpu.memref_slice %arg3[%dma_wait3A_105] : memref<2228224xf32, #tpu.memory_space<hbm>> -> memref<17408xf32, #tpu.memory_space<hbm>>
    %dma_wait3A_107 = arith.constant 0 : i32
    %dma_wait3A_108 = tpu.memref_slice %arg3[%dma_wait3A_107] : memref<2228224xf32, #tpu.memory_space<hbm>> -> memref<17408xf32, #tpu.memory_space<hbm>>
    tpu.wait_dma2 semaphore(%arg15 : memref<!tpu.dma_semaphore, #tpu.memory_space<semaphore_mem>>) src(%dma_wait3A_108 : memref<17408xf32, #tpu.memory_space<hbm>>) dst(%arg9 : memref<17408xf32, #tpu.memory_space<vmem>>)
    %scan3A_109 = arith.constant 0 : i32
    %scan3A_110 = arith.constant 8 : i32
    %scan3A_111 = arith.addi %scan3A_109, %scan3A_110 : i32
    %scan3A_112 = arith.constant 1 : i32
    %scan3A_113 = scf.for %scan3A_130 = %scan3A_109 to %scan3A_111 step %scan3A_112 iter_args(%scan3A_131 = %scan3A_89) -> (vector<16xf32>)  : i32 {
      %mul3A_132 = arith.constant 16 : i32
      %mul3A_133 = arith.muli %scan3A_130, %mul3A_132 : i32
      %add3A_134 = vector.broadcast %mul3A_133 : i32 to vector<16xi32>
      %add3A_135 = arith.addi %add3A_134, %iota3A : vector<16xi32>
      %mul3A_136 = arith.constant 136 : i32
      %mul3A_137 = vector.broadcast %mul3A_136 : i32 to vector<16xi32>
      %mul3A_138 = arith.muli %add3A_135, %mul3A_137 : vector<16xi32>
      %add3A_139 = arith.constant 0 : i32
      %add3A_140 = vector.broadcast %add3A_139 : i32 to vector<16xi32>
      %add3A_141 = arith.addi %mul3A_138, %add3A_140 : vector<16xi32>
      %add3A_142 = arith.constant 1 : i32
      %add3A_143 = vector.broadcast %add3A_142 : i32 to vector<16xi32>
      %add3A_144 = arith.addi %mul3A_138, %add3A_143 : vector<16xi32>
      %add3A_145 = arith.constant 2 : i32
      %add3A_146 = vector.broadcast %add3A_145 : i32 to vector<16xi32>
      %add3A_147 = arith.addi %mul3A_138, %add3A_146 : vector<16xi32>
      %add3A_148 = arith.constant 3 : i32
      %add3A_149 = vector.broadcast %add3A_148 : i32 to vector<16xi32>
      %add3A_150 = arith.addi %mul3A_138, %add3A_149 : vector<16xi32>
      %add3A_151 = arith.constant 4 : i32
      %add3A_152 = vector.broadcast %add3A_151 : i32 to vector<16xi32>
      %add3A_153 = arith.addi %mul3A_138, %add3A_152 : vector<16xi32>
      %add3A_154 = arith.constant 5 : i32
      %add3A_155 = vector.broadcast %add3A_154 : i32 to vector<16xi32>
      %add3A_156 = arith.addi %mul3A_138, %add3A_155 : vector<16xi32>
      %add3A_157 = arith.constant 6 : i32
      %add3A_158 = vector.broadcast %add3A_157 : i32 to vector<16xi32>
      %add3A_159 = arith.addi %mul3A_138, %add3A_158 : vector<16xi32>
      %add3A_160 = arith.constant 7 : i32
      %add3A_161 = vector.broadcast %add3A_160 : i32 to vector<16xi32>
      %add3A_162 = arith.addi %mul3A_138, %add3A_161 : vector<16xi32>
      %gather3A = tpu.vector_load_idx %arg8[%add3A_141] : memref<17408xf32, #tpu.memory_space<vmem>>[vector<16xi32>], vector<16xf32>,
      %gather3A_163 = tpu.vector_load_idx %arg8[%add3A_144] : memref<17408xf32, #tpu.memory_space<vmem>>[vector<16xi32>], vector<16xf32>,
      %gather3A_164 = tpu.vector_load_idx %arg8[%add3A_147] : memref<17408xf32, #tpu.memory_space<vmem>>[vector<16xi32>], vector<16xf32>,
      %gather3A_165 = tpu.vector_load_idx %arg8[%add3A_150] : memref<17408xf32, #tpu.memory_space<vmem>>[vector<16xi32>], vector<16xf32>,
      %gather3A_166 = tpu.vector_load_idx %arg8[%add3A_153] : memref<17408xf32, #tpu.memory_space<vmem>>[vector<16xi32>], vector<16xf32>,
      %gather3A_167 = tpu.vector_load_idx %arg8[%add3A_156] : memref<17408xf32, #tpu.memory_space<vmem>>[vector<16xi32>], vector<16xf32>,
      %gather3A_168 = tpu.vector_load_idx %arg8[%add3A_159] : memref<17408xf32, #tpu.memory_space<vmem>>[vector<16xi32>], vector<16xf32>,
      %gather3A_169 = tpu.vector_load_idx %arg8[%add3A_162] : memref<17408xf32, #tpu.memory_space<vmem>>[vector<16xi32>], vector<16xf32>,
      %gather3A_170 = tpu.vector_load_idx %arg9[%add3A_141] : memref<17408xf32, #tpu.memory_space<vmem>>[vector<16xi32>], vector<16xf32>,
      %gather3A_171 = tpu.vector_load_idx %arg9[%add3A_144] : memref<17408xf32, #tpu.memory_space<vmem>>[vector<16xi32>], vector<16xf32>,
      %gather3A_172 = tpu.vector_load_idx %arg9[%add3A_147] : memref<17408xf32, #tpu.memory_space<vmem>>[vector<16xi32>], vector<16xf32>,
      %gather3A_173 = tpu.vector_load_idx %arg9[%add3A_150] : memref<17408xf32, #tpu.memory_space<vmem>>[vector<16xi32>], vector<16xf32>,
      %gather3A_174 = tpu.vector_load_idx %arg9[%add3A_153] : memref<17408xf32, #tpu.memory_space<vmem>>[vector<16xi32>], vector<16xf32>,
      %gather3A_175 = tpu.vector_load_idx %arg9[%add3A_156] : memref<17408xf32, #tpu.memory_space<vmem>>[vector<16xi32>], vector<16xf32>,
      %gather3A_176 = tpu.vector_load_idx %arg9[%add3A_159] : memref<17408xf32, #tpu.memory_space<vmem>>[vector<16xi32>], vector<16xf32>,
      %gather3A_177 = tpu.vector_load_idx %arg9[%add3A_162] : memref<17408xf32, #tpu.memory_space<vmem>>[vector<16xi32>], vector<16xf32>,
      %max3A = arith.maximumf %gather3A, %gather3A_163 : vector<16xf32>
      %max3A_178 = arith.maximumf %gather3A_164, %gather3A_165 : vector<16xf32>
      %max3A_179 = arith.maximumf %gather3A_166, %gather3A_167 : vector<16xf32>
      %max3A_180 = arith.maximumf %gather3A_168, %gather3A_169 : vector<16xf32>
      %max3A_181 = arith.maximumf %max3A, %max3A_178 : vector<16xf32>
      %max3A_182 = arith.maximumf %max3A_179, %max3A_180 : vector<16xf32>
      %max3A_183 = arith.maximumf %max3A_181, %max3A_182 : vector<16xf32>
      %mul3A_184 = arith.mulf %gather3A, %gather3A_170 : vector<16xf32>
      %mul3A_185 = arith.mulf %gather3A_163, %gather3A_171 : vector<16xf32>
      %mul3A_186 = arith.mulf %gather3A_164, %gather3A_172 : vector<16xf32>
      %mul3A_187 = arith.mulf %gather3A_165, %gather3A_173 : vector<16xf32>
      %mul3A_188 = arith.mulf %gather3A_166, %gather3A_174 : vector<16xf32>
      %mul3A_189 = arith.mulf %gather3A_167, %gather3A_175 : vector<16xf32>
      %mul3A_190 = arith.mulf %gather3A_168, %gather3A_176 : vector<16xf32>
      %mul3A_191 = arith.mulf %gather3A_169, %gather3A_177 : vector<16xf32>
      %add3A_192 = arith.addf %mul3A_184, %mul3A_185 : vector<16xf32>
      %add3A_193 = arith.addf %mul3A_186, %mul3A_187 : vector<16xf32>
      %add3A_194 = arith.addf %mul3A_188, %mul3A_189 : vector<16xf32>
      %add3A_195 = arith.addf %mul3A_190, %mul3A_191 : vector<16xf32>
      %add3A_196 = arith.addf %add3A_192, %add3A_193 : vector<16xf32>
      %add3A_197 = arith.addf %add3A_194, %add3A_195 : vector<16xf32>
      %add3A_198 = arith.addf %add3A_196, %add3A_197 : vector<16xf32>
      %add3A_199 = arith.addf %gather3A_170, %gather3A_171 : vector<16xf32>
      %add3A_200 = arith.addf %gather3A_172, %gather3A_173 : vector<16xf32>
      %add3A_201 = arith.addf %gather3A_174, %gather3A_175 : vector<16xf32>
      %add3A_202 = arith.addf %gather3A_176, %gather3A_177 : vector<16xf32>
      %add3A_203 = arith.addf %add3A_199, %add3A_200 : vector<16xf32>
      %add3A_204 = arith.addf %add3A_201, %add3A_202 : vector<16xf32>
      %add3A_205 = arith.addf %add3A_203, %add3A_204 : vector<16xf32>
      %sub3A = arith.subf %gather3A, %max3A_183 : vector<16xf32>
      %exp3A = math.exp %sub3A : vector<16xf32>
      %sub3A_206 = arith.subf %gather3A_163, %max3A_183 : vector<16xf32>
      %exp3A_207 = math.exp %sub3A_206 : vector<16xf32>
      %sub3A_208 = arith.subf %gather3A_164, %max3A_183 : vector<16xf32>
      %exp3A_209 = math.exp %sub3A_208 : vector<16xf32>
      %sub3A_210 = arith.subf %gather3A_165, %max3A_183 : vector<16xf32>
      %exp3A_211 = math.exp %sub3A_210 : vector<16xf32>
      %sub3A_212 = arith.subf %gather3A_166, %max3A_183 : vector<16xf32>
      %exp3A_213 = math.exp %sub3A_212 : vector<16xf32>
      %sub3A_214 = arith.subf %gather3A_167, %max3A_183 : vector<16xf32>
      %exp3A_215 = math.exp %sub3A_214 : vector<16xf32>
      %sub3A_216 = arith.subf %gather3A_168, %max3A_183 : vector<16xf32>
      %exp3A_217 = math.exp %sub3A_216 : vector<16xf32>
      %sub3A_218 = arith.subf %gather3A_169, %max3A_183 : vector<16xf32>
      %exp3A_219 = math.exp %sub3A_218 : vector<16xf32>
      %add3A_220 = arith.addf %exp3A, %exp3A_207 : vector<16xf32>
      %add3A_221 = arith.addf %exp3A_209, %exp3A_211 : vector<16xf32>
      %add3A_222 = arith.addf %exp3A_213, %exp3A_215 : vector<16xf32>
      %add3A_223 = arith.addf %exp3A_217, %exp3A_219 : vector<16xf32>
      %add3A_224 = arith.addf %add3A_220, %add3A_221 : vector<16xf32>
      %add3A_225 = arith.addf %add3A_222, %add3A_223 : vector<16xf32>
      %add3A_226 = arith.addf %add3A_224, %add3A_225 : vector<16xf32>
      %bitcast_convert_type3A = tpu.bitcast %add3A_226 : vector<16xf32> -> vector<16xi32>
      %shift_right_logical3A = arith.constant 23 : i32
      %shift_right_logical3A_227 = vector.broadcast %shift_right_logical3A : i32 to vector<16xi32>
      %shift_right_logical3A_228 = arith.shrui %bitcast_convert_type3A, %shift_right_logical3A_227 : vector<16xi32>
      %sub3A_229 = arith.constant 127 : i32
      %sub3A_230 = vector.broadcast %sub3A_229 : i32 to vector<16xi32>
      %sub3A_231 = arith.subi %shift_right_logical3A_228, %sub3A_230 : vector<16xi32>
      %and3A = arith.constant 8388607 : i32
      %and3A_232 = vector.broadcast %and3A : i32 to vector<16xi32>
      %and3A_233 = arith.andi %bitcast_convert_type3A, %and3A_232 : vector<16xi32>
      %or3A = arith.constant 1065353216 : i32
      %or3A_234 = vector.broadcast %or3A : i32 to vector<16xi32>
      %or3A_235 = arith.ori %and3A_233, %or3A_234 : vector<16xi32>
      %bitcast_convert_type3A_236 = tpu.bitcast %or3A_235 : vector<16xi32> -> vector<16xf32>
      %gt3A = arith.constant 1.41421354 : f32
      %gt3A_237 = vector.broadcast %gt3A : f32 to vector<16xf32>
      %gt3A_238 = arith.cmpf ogt, %bitcast_convert_type3A_236, %gt3A_237 : vector<16xf32>
      %mul3A_239 = arith.constant 5.000000e-01 : f32
      %mul3A_240 = vector.broadcast %mul3A_239 : f32 to vector<16xf32>
      %mul3A_241 = arith.mulf %bitcast_convert_type3A_236, %mul3A_240 : vector<16xf32>
      %select_n3A = arith.select %gt3A_238, %mul3A_241, %bitcast_convert_type3A_236 : vector<16xi1>, vector<16xf32>
      %convert_element_type3A = arith.sitofp %sub3A_231 : vector<16xi32> to vector<16xf32>
      %jit3A = arith.constant 1.000000e+00 : f32
      %jit3A_242 = arith.constant 0.000000e+00 : f32
      %broadcast_in_dim3A_243 = vector.broadcast %jit3A : f32 to vector<16xf32>
      %broadcast_in_dim3A_244 = vector.broadcast %jit3A_242 : f32 to vector<16xf32>
      %select_n3A_245 = arith.select %gt3A_238, %broadcast_in_dim3A_243, %broadcast_in_dim3A_244 : vector<16xi1>, vector<16xf32>
      %add3A_246 = arith.addf %convert_element_type3A, %select_n3A_245 : vector<16xf32>
      %sub3A_247 = arith.constant 1.000000e+00 : f32
      %sub3A_248 = vector.broadcast %sub3A_247 : f32 to vector<16xf32>
      %sub3A_249 = arith.subf %select_n3A, %sub3A_248 : vector<16xf32>
      %add3A_250 = arith.constant 1.000000e+00 : f32
      %add3A_251 = vector.broadcast %add3A_250 : f32 to vector<16xf32>
      %add3A_252 = arith.addf %select_n3A, %add3A_251 : vector<16xf32>
      %div3A = arith.divf %sub3A_249, %add3A_252 : vector<16xf32>
      %mul3A_253 = arith.mulf %div3A, %div3A : vector<16xf32>
      %mul3A_254 = arith.constant 0.222222224 : f32
      %mul3A_255 = vector.broadcast %mul3A_254 : f32 to vector<16xf32>
      %mul3A_256 = arith.mulf %mul3A_253, %mul3A_255 : vector<16xf32>
      %add3A_257 = arith.constant 0.285714298 : f32
      %add3A_258 = vector.broadcast %add3A_257 : f32 to vector<16xf32>
      %add3A_259 = arith.addf %add3A_258, %mul3A_256 : vector<16xf32>
      %mul3A_260 = arith.mulf %mul3A_253, %add3A_259 : vector<16xf32>
      %add3A_261 = arith.constant 4.000000e-01 : f32
      %add3A_262 = vector.broadcast %add3A_261 : f32 to vector<16xf32>
      %add3A_263 = arith.addf %add3A_262, %mul3A_260 : vector<16xf32>
      %mul3A_264 = arith.mulf %mul3A_253, %add3A_263 : vector<16xf32>
      %add3A_265 = arith.constant 0.666666686 : f32
      %add3A_266 = vector.broadcast %add3A_265 : f32 to vector<16xf32>
      %add3A_267 = arith.addf %add3A_266, %mul3A_264 : vector<16xf32>
      %mul3A_268 = arith.mulf %mul3A_253, %add3A_267 : vector<16xf32>
      %add3A_269 = arith.constant 2.000000e+00 : f32
      %add3A_270 = vector.broadcast %add3A_269 : f32 to vector<16xf32>
      %add3A_271 = arith.addf %add3A_270, %mul3A_268 : vector<16xf32>
      %mul3A_272 = arith.constant 0.693147182 : f32
      %mul3A_273 = vector.broadcast %mul3A_272 : f32 to vector<16xf32>
      %mul3A_274 = arith.mulf %add3A_246, %mul3A_273 : vector<16xf32>
      %mul3A_275 = arith.mulf %div3A, %add3A_271 : vector<16xf32>
      %add3A_276 = arith.addf %mul3A_274, %mul3A_275 : vector<16xf32>
      %add3A_277 = arith.addf %max3A_183, %add3A_276 : vector<16xf32>
      %sub3A_278 = arith.subf %gather3A, %add3A_277 : vector<16xf32>
      %sub3A_279 = arith.subf %gather3A_163, %add3A_277 : vector<16xf32>
      %sub3A_280 = arith.subf %gather3A_164, %add3A_277 : vector<16xf32>
      %sub3A_281 = arith.subf %gather3A_165, %add3A_277 : vector<16xf32>
      %sub3A_282 = arith.subf %gather3A_166, %add3A_277 : vector<16xf32>
      %sub3A_283 = arith.subf %gather3A_167, %add3A_277 : vector<16xf32>
      %sub3A_284 = arith.subf %gather3A_168, %add3A_277 : vector<16xf32>
      %sub3A_285 = arith.subf %gather3A_169, %add3A_277 : vector<16xf32>
      %mul3A_286 = arith.mulf %add3A_277, %add3A_205 : vector<16xf32>
      %sub3A_287 = arith.subf %add3A_198, %mul3A_286 : vector<16xf32>
      %add3A_288 = arith.addf %scan3A_131, %sub3A_287 : vector<16xf32>
      %div3A_289 = arith.constant 1.000000e+00 : f32
      %div3A_290 = vector.broadcast %div3A_289 : f32 to vector<16xf32>
      %div3A_291 = arith.divf %div3A_290, %add3A_226 : vector<16xf32>
      %mul3A_292 = arith.mulf %exp3A, %div3A_291 : vector<16xf32>
      tpu.vector_store_idx %arg11[%add3A_141], %mul3A_292 : memref<17408xf32, #tpu.memory_space<vmem>>[vector<16xi32>], vector<16xf32>,
      %mul3A_293 = arith.mulf %exp3A_207, %div3A_291 : vector<16xf32>
      tpu.vector_store_idx %arg11[%add3A_144], %mul3A_293 : memref<17408xf32, #tpu.memory_space<vmem>>[vector<16xi32>], vector<16xf32>,
      %mul3A_294 = arith.mulf %exp3A_209, %div3A_291 : vector<16xf32>
      tpu.vector_store_idx %arg11[%add3A_147], %mul3A_294 : memref<17408xf32, #tpu.memory_space<vmem>>[vector<16xi32>], vector<16xf32>,
      %mul3A_295 = arith.mulf %exp3A_211, %div3A_291 : vector<16xf32>
      tpu.vector_store_idx %arg11[%add3A_150], %mul3A_295 : memref<17408xf32, #tpu.memory_space<vmem>>[vector<16xi32>], vector<16xf32>,
      %mul3A_296 = arith.mulf %exp3A_213, %div3A_291 : vector<16xf32>
      tpu.vector_store_idx %arg11[%add3A_153], %mul3A_296 : memref<17408xf32, #tpu.memory_space<vmem>>[vector<16xi32>], vector<16xf32>,
      %mul3A_297 = arith.mulf %exp3A_215, %div3A_291 : vector<16xf32>
      tpu.vector_store_idx %arg11[%add3A_156], %mul3A_297 : memref<17408xf32, #tpu.memory_space<vmem>>[vector<16xi32>], vector<16xf32>,
      %mul3A_298 = arith.mulf %exp3A_217, %div3A_291 : vector<16xf32>
      tpu.vector_store_idx %arg11[%add3A_159], %mul3A_298 : memref<17408xf32, #tpu.memory_space<vmem>>[vector<16xi32>], vector<16xf32>,
      %mul3A_299 = arith.mulf %exp3A_219, %div3A_291 : vector<16xf32>
      tpu.vector_store_idx %arg11[%add3A_162], %mul3A_299 : memref<17408xf32, #tpu.memory_space<vmem>>[vector<16xi32>], vector<16xf32>,
      %swap3A_300 = arith.constant 0 : index
      %swap3A_301 = tpu.vector_load %arg12[%swap3A_300] {strides = array<i32>} : memref<128xf32, #tpu.memory_space<vmem>>, vector<16xf32>,
      tpu.vector_store %arg12[%swap3A_300], %sub3A_278 {strides = array<i32>} : memref<128xf32, #tpu.memory_space<vmem>>, vector<16xf32>,
      %swap3A_302 = arith.constant 16 : index
      %swap3A_303 = tpu.vector_load %arg12[%swap3A_302] {strides = array<i32>} : memref<128xf32, #tpu.memory_space<vmem>>, vector<16xf32>,
      tpu.vector_store %arg12[%swap3A_302], %sub3A_279 {strides = array<i32>} : memref<128xf32, #tpu.memory_space<vmem>>, vector<16xf32>,
      %swap3A_304 = arith.constant 32 : index
      %swap3A_305 = tpu.vector_load %arg12[%swap3A_304] {strides = array<i32>} : memref<128xf32, #tpu.memory_space<vmem>>, vector<16xf32>,
      tpu.vector_store %arg12[%swap3A_304], %sub3A_280 {strides = array<i32>} : memref<128xf32, #tpu.memory_space<vmem>>, vector<16xf32>,
      %swap3A_306 = arith.constant 48 : index
      %swap3A_307 = tpu.vector_load %arg12[%swap3A_306] {strides = array<i32>} : memref<128xf32, #tpu.memory_space<vmem>>, vector<16xf32>,
      tpu.vector_store %arg12[%swap3A_306], %sub3A_281 {strides = array<i32>} : memref<128xf32, #tpu.memory_space<vmem>>, vector<16xf32>,
      %swap3A_308 = arith.constant 64 : index
      %swap3A_309 = tpu.vector_load %arg12[%swap3A_308] {strides = array<i32>} : memref<128xf32, #tpu.memory_space<vmem>>, vector<16xf32>,
      tpu.vector_store %arg12[%swap3A_308], %sub3A_282 {strides = array<i32>} : memref<128xf32, #tpu.memory_space<vmem>>, vector<16xf32>,
      %swap3A_310 = arith.constant 80 : index
      %swap3A_311 = tpu.vector_load %arg12[%swap3A_310] {strides = array<i32>} : memref<128xf32, #tpu.memory_space<vmem>>, vector<16xf32>,
      tpu.vector_store %arg12[%swap3A_310], %sub3A_283 {strides = array<i32>} : memref<128xf32, #tpu.memory_space<vmem>>, vector<16xf32>,
      %swap3A_312 = arith.constant 96 : index
      %swap3A_313 = tpu.vector_load %arg12[%swap3A_312] {strides = array<i32>} : memref<128xf32, #tpu.memory_space<vmem>>, vector<16xf32>,
      tpu.vector_store %arg12[%swap3A_312], %sub3A_284 {strides = array<i32>} : memref<128xf32, #tpu.memory_space<vmem>>, vector<16xf32>,
      %swap3A_314 = arith.constant 112 : index
      %swap3A_315 = tpu.vector_load %arg12[%swap3A_314] {strides = array<i32>} : memref<128xf32, #tpu.memory_space<vmem>>, vector<16xf32>,
      tpu.vector_store %arg12[%swap3A_314], %sub3A_285 {strides = array<i32>} : memref<128xf32, #tpu.memory_space<vmem>>, vector<16xf32>,
      %scan3A_316 = arith.constant 0 : i32
      %scan3A_317 = arith.constant 8 : i32
      %scan3A_318 = arith.addi %scan3A_316, %scan3A_317 : i32
      %scan3A_319 = arith.constant 1 : i32
      %scan3A_320 = scf.for %scan3A_322 = %scan3A_316 to %scan3A_318 step %scan3A_319 iter_args(%scan3A_323 = %add3A_288) -> (vector<16xf32>)  : i32 {
        %mul3A_324 = arith.constant 16 : i32
        %mul3A_325 = arith.muli %scan3A_322, %mul3A_324 : i32
        %add3A_326 = arith.constant 8 : i32
        %add3A_327 = arith.addi %add3A_326, %mul3A_325 : i32
        %add3A_328 = vector.broadcast %add3A_327 : i32 to vector<16xi32>
        %add3A_329 = arith.addi %mul3A_138, %add3A_328 : vector<16xi32>
        %add3A_330 = arith.constant 0 : i32
        %add3A_331 = vector.broadcast %add3A_330 : i32 to vector<16xi32>
        %add3A_332 = arith.addi %add3A_329, %add3A_331 : vector<16xi32>
        %add3A_333 = arith.constant 1 : i32
        %add3A_334 = vector.broadcast %add3A_333 : i32 to vector<16xi32>
        %add3A_335 = arith.addi %add3A_329, %add3A_334 : vector<16xi32>
        %add3A_336 = arith.constant 2 : i32
        %add3A_337 = vector.broadcast %add3A_336 : i32 to vector<16xi32>
        %add3A_338 = arith.addi %add3A_329, %add3A_337 : vector<16xi32>
        %add3A_339 = arith.constant 3 : i32
        %add3A_340 = vector.broadcast %add3A_339 : i32 to vector<16xi32>
        %add3A_341 = arith.addi %add3A_329, %add3A_340 : vector<16xi32>
        %add3A_342 = arith.constant 4 : i32
        %add3A_343 = vector.broadcast %add3A_342 : i32 to vector<16xi32>
        %add3A_344 = arith.addi %add3A_329, %add3A_343 : vector<16xi32>
        %add3A_345 = arith.constant 5 : i32
        %add3A_346 = vector.broadcast %add3A_345 : i32 to vector<16xi32>
        %add3A_347 = arith.addi %add3A_329, %add3A_346 : vector<16xi32>
        %add3A_348 = arith.constant 6 : i32
        %add3A_349 = vector.broadcast %add3A_348 : i32 to vector<16xi32>
        %add3A_350 = arith.addi %add3A_329, %add3A_349 : vector<16xi32>
        %add3A_351 = arith.constant 7 : i32
        %add3A_352 = vector.broadcast %add3A_351 : i32 to vector<16xi32>
        %add3A_353 = arith.addi %add3A_329, %add3A_352 : vector<16xi32>
        %add3A_354 = arith.constant 8 : i32
        %add3A_355 = vector.broadcast %add3A_354 : i32 to vector<16xi32>
        %add3A_356 = arith.addi %add3A_329, %add3A_355 : vector<16xi32>
        %add3A_357 = arith.constant 9 : i32
        %add3A_358 = vector.broadcast %add3A_357 : i32 to vector<16xi32>
        %add3A_359 = arith.addi %add3A_329, %add3A_358 : vector<16xi32>
        %add3A_360 = arith.constant 10 : i32
        %add3A_361 = vector.broadcast %add3A_360 : i32 to vector<16xi32>
        %add3A_362 = arith.addi %add3A_329, %add3A_361 : vector<16xi32>
        %add3A_363 = arith.constant 11 : i32
        %add3A_364 = vector.broadcast %add3A_363 : i32 to vector<16xi32>
        %add3A_365 = arith.addi %add3A_329, %add3A_364 : vector<16xi32>
        %add3A_366 = arith.constant 12 : i32
        %add3A_367 = vector.broadcast %add3A_366 : i32 to vector<16xi32>
        %add3A_368 = arith.addi %add3A_329, %add3A_367 : vector<16xi32>
        %add3A_369 = arith.constant 13 : i32
        %add3A_370 = vector.broadcast %add3A_369 : i32 to vector<16xi32>
        %add3A_371 = arith.addi %add3A_329, %add3A_370 : vector<16xi32>
        %add3A_372 = arith.constant 14 : i32
        %add3A_373 = vector.broadcast %add3A_372 : i32 to vector<16xi32>
        %add3A_374 = arith.addi %add3A_329, %add3A_373 : vector<16xi32>
        %add3A_375 = arith.constant 15 : i32
        %add3A_376 = vector.broadcast %add3A_375 : i32 to vector<16xi32>
        %add3A_377 = arith.addi %add3A_329, %add3A_376 : vector<16xi32>
        %mul3A_378 = arith.constant 16 : i32
        %mul3A_379 = arith.muli %scan3A_322, %mul3A_378 : i32
        %get3A = arith.index_cast %mul3A_379 : i32 to index
        %get3A_380 = tpu.vector_load %arg12[%get3A] {strides = array<i32>} : memref<128xf32, #tpu.memory_space<vmem>>, vector<16xf32>,
        %gather3A_381 = tpu.vector_load_idx %arg8[%add3A_332] : memref<17408xf32, #tpu.memory_space<vmem>>[vector<16xi32>], vector<16xf32>,
        %gather3A_382 = tpu.vector_load_idx %arg8[%add3A_335] : memref<17408xf32, #tpu.memory_space<vmem>>[vector<16xi32>], vector<16xf32>,
        %gather3A_383 = tpu.vector_load_idx %arg8[%add3A_338] : memref<17408xf32, #tpu.memory_space<vmem>>[vector<16xi32>], vector<16xf32>,
        %gather3A_384 = tpu.vector_load_idx %arg8[%add3A_341] : memref<17408xf32, #tpu.memory_space<vmem>>[vector<16xi32>], vector<16xf32>,
        %gather3A_385 = tpu.vector_load_idx %arg8[%add3A_344] : memref<17408xf32, #tpu.memory_space<vmem>>[vector<16xi32>], vector<16xf32>,
        %gather3A_386 = tpu.vector_load_idx %arg8[%add3A_347] : memref<17408xf32, #tpu.memory_space<vmem>>[vector<16xi32>], vector<16xf32>,
        %gather3A_387 = tpu.vector_load_idx %arg8[%add3A_350] : memref<17408xf32, #tpu.memory_space<vmem>>[vector<16xi32>], vector<16xf32>,
        %gather3A_388 = tpu.vector_load_idx %arg8[%add3A_353] : memref<17408xf32, #tpu.memory_space<vmem>>[vector<16xi32>], vector<16xf32>,
        %gather3A_389 = tpu.vector_load_idx %arg8[%add3A_356] : memref<17408xf32, #tpu.memory_space<vmem>>[vector<16xi32>], vector<16xf32>,
        %gather3A_390 = tpu.vector_load_idx %arg8[%add3A_359] : memref<17408xf32, #tpu.memory_space<vmem>>[vector<16xi32>], vector<16xf32>,
        %gather3A_391 = tpu.vector_load_idx %arg8[%add3A_362] : memref<17408xf32, #tpu.memory_space<vmem>>[vector<16xi32>], vector<16xf32>,
        %gather3A_392 = tpu.vector_load_idx %arg8[%add3A_365] : memref<17408xf32, #tpu.memory_space<vmem>>[vector<16xi32>], vector<16xf32>,
        %gather3A_393 = tpu.vector_load_idx %arg8[%add3A_368] : memref<17408xf32, #tpu.memory_space<vmem>>[vector<16xi32>], vector<16xf32>,
        %gather3A_394 = tpu.vector_load_idx %arg8[%add3A_371] : memref<17408xf32, #tpu.memory_space<vmem>>[vector<16xi32>], vector<16xf32>,
        %gather3A_395 = tpu.vector_load_idx %arg8[%add3A_374] : memref<17408xf32, #tpu.memory_space<vmem>>[vector<16xi32>], vector<16xf32>,
        %gather3A_396 = tpu.vector_load_idx %arg8[%add3A_377] : memref<17408xf32, #tpu.memory_space<vmem>>[vector<16xi32>], vector<16xf32>,
        %gather3A_397 = tpu.vector_load_idx %arg9[%add3A_332] : memref<17408xf32, #tpu.memory_space<vmem>>[vector<16xi32>], vector<16xf32>,
        %gather3A_398 = tpu.vector_load_idx %arg9[%add3A_335] : memref<17408xf32, #tpu.memory_space<vmem>>[vector<16xi32>], vector<16xf32>,
        %gather3A_399 = tpu.vector_load_idx %arg9[%add3A_338] : memref<17408xf32, #tpu.memory_space<vmem>>[vector<16xi32>], vector<16xf32>,
        %gather3A_400 = tpu.vector_load_idx %arg9[%add3A_341] : memref<17408xf32, #tpu.memory_space<vmem>>[vector<16xi32>], vector<16xf32>,
        %gather3A_401 = tpu.vector_load_idx %arg9[%add3A_344] : memref<17408xf32, #tpu.memory_space<vmem>>[vector<16xi32>], vector<16xf32>,
        %gather3A_402 = tpu.vector_load_idx %arg9[%add3A_347] : memref<17408xf32, #tpu.memory_space<vmem>>[vector<16xi32>], vector<16xf32>,
        %gather3A_403 = tpu.vector_load_idx %arg9[%add3A_350] : memref<17408xf32, #tpu.memory_space<vmem>>[vector<16xi32>], vector<16xf32>,
        %gather3A_404 = tpu.vector_load_idx %arg9[%add3A_353] : memref<17408xf32, #tpu.memory_space<vmem>>[vector<16xi32>], vector<16xf32>,
        %gather3A_405 = tpu.vector_load_idx %arg9[%add3A_356] : memref<17408xf32, #tpu.memory_space<vmem>>[vector<16xi32>], vector<16xf32>,
        %gather3A_406 = tpu.vector_load_idx %arg9[%add3A_359] : memref<17408xf32, #tpu.memory_space<vmem>>[vector<16xi32>], vector<16xf32>,
        %gather3A_407 = tpu.vector_load_idx %arg9[%add3A_362] : memref<17408xf32, #tpu.memory_space<vmem>>[vector<16xi32>], vector<16xf32>,
        %gather3A_408 = tpu.vector_load_idx %arg9[%add3A_365] : memref<17408xf32, #tpu.memory_space<vmem>>[vector<16xi32>], vector<16xf32>,
        %gather3A_409 = tpu.vector_load_idx %arg9[%add3A_368] : memref<17408xf32, #tpu.memory_space<vmem>>[vector<16xi32>], vector<16xf32>,
        %gather3A_410 = tpu.vector_load_idx %arg9[%add3A_371] : memref<17408xf32, #tpu.memory_space<vmem>>[vector<16xi32>], vector<16xf32>,
        %gather3A_411 = tpu.vector_load_idx %arg9[%add3A_374] : memref<17408xf32, #tpu.memory_space<vmem>>[vector<16xi32>], vector<16xf32>,
        %gather3A_412 = tpu.vector_load_idx %arg9[%add3A_377] : memref<17408xf32, #tpu.memory_space<vmem>>[vector<16xi32>], vector<16xf32>,
        %max3A_413 = arith.maximumf %gather3A_381, %gather3A_382 : vector<16xf32>
        %max3A_414 = arith.maximumf %gather3A_383, %gather3A_384 : vector<16xf32>
        %max3A_415 = arith.maximumf %gather3A_385, %gather3A_386 : vector<16xf32>
        %max3A_416 = arith.maximumf %gather3A_387, %gather3A_388 : vector<16xf32>
        %max3A_417 = arith.maximumf %gather3A_389, %gather3A_390 : vector<16xf32>
        %max3A_418 = arith.maximumf %gather3A_391, %gather3A_392 : vector<16xf32>
        %max3A_419 = arith.maximumf %gather3A_393, %gather3A_394 : vector<16xf32>
        %max3A_420 = arith.maximumf %gather3A_395, %gather3A_396 : vector<16xf32>
        %max3A_421 = arith.maximumf %max3A_413, %max3A_414 : vector<16xf32>
        %max3A_422 = arith.maximumf %max3A_415, %max3A_416 : vector<16xf32>
        %max3A_423 = arith.maximumf %max3A_417, %max3A_418 : vector<16xf32>
        %max3A_424 = arith.maximumf %max3A_419, %max3A_420 : vector<16xf32>
        %max3A_425 = arith.maximumf %max3A_421, %max3A_422 : vector<16xf32>
        %max3A_426 = arith.maximumf %max3A_423, %max3A_424 : vector<16xf32>
        %max3A_427 = arith.maximumf %max3A_425, %max3A_426 : vector<16xf32>
        %mul3A_428 = arith.mulf %gather3A_381, %gather3A_397 : vector<16xf32>
        %mul3A_429 = arith.mulf %gather3A_382, %gather3A_398 : vector<16xf32>
        %mul3A_430 = arith.mulf %gather3A_383, %gather3A_399 : vector<16xf32>
        %mul3A_431 = arith.mulf %gather3A_384, %gather3A_400 : vector<16xf32>
        %mul3A_432 = arith.mulf %gather3A_385, %gather3A_401 : vector<16xf32>
        %mul3A_433 = arith.mulf %gather3A_386, %gather3A_402 : vector<16xf32>
        %mul3A_434 = arith.mulf %gather3A_387, %gather3A_403 : vector<16xf32>
        %mul3A_435 = arith.mulf %gather3A_388, %gather3A_404 : vector<16xf32>
        %mul3A_436 = arith.mulf %gather3A_389, %gather3A_405 : vector<16xf32>
        %mul3A_437 = arith.mulf %gather3A_390, %gather3A_406 : vector<16xf32>
        %mul3A_438 = arith.mulf %gather3A_391, %gather3A_407 : vector<16xf32>
        %mul3A_439 = arith.mulf %gather3A_392, %gather3A_408 : vector<16xf32>
        %mul3A_440 = arith.mulf %gather3A_393, %gather3A_409 : vector<16xf32>
        %mul3A_441 = arith.mulf %gather3A_394, %gather3A_410 : vector<16xf32>
        %mul3A_442 = arith.mulf %gather3A_395, %gather3A_411 : vector<16xf32>
        %mul3A_443 = arith.mulf %gather3A_396, %gather3A_412 : vector<16xf32>
        %add3A_444 = arith.addf %mul3A_428, %mul3A_429 : vector<16xf32>
        %add3A_445 = arith.addf %mul3A_430, %mul3A_431 : vector<16xf32>
        %add3A_446 = arith.addf %mul3A_432, %mul3A_433 : vector<16xf32>
        %add3A_447 = arith.addf %mul3A_434, %mul3A_435 : vector<16xf32>
        %add3A_448 = arith.addf %mul3A_436, %mul3A_437 : vector<16xf32>
        %add3A_449 = arith.addf %mul3A_438, %mul3A_439 : vector<16xf32>
        %add3A_450 = arith.addf %mul3A_440, %mul3A_441 : vector<16xf32>
        %add3A_451 = arith.addf %mul3A_442, %mul3A_443 : vector<16xf32>
        %add3A_452 = arith.addf %add3A_444, %add3A_445 : vector<16xf32>
        %add3A_453 = arith.addf %add3A_446, %add3A_447 : vector<16xf32>
        %add3A_454 = arith.addf %add3A_448, %add3A_449 : vector<16xf32>
        %add3A_455 = arith.addf %add3A_450, %add3A_451 : vector<16xf32>
        %add3A_456 = arith.addf %add3A_452, %add3A_453 : vector<16xf32>
        %add3A_457 = arith.addf %add3A_454, %add3A_455 : vector<16xf32>
        %add3A_458 = arith.addf %add3A_456, %add3A_457 : vector<16xf32>
        %add3A_459 = arith.addf %gather3A_397, %gather3A_398 : vector<16xf32>
        %add3A_460 = arith.addf %gather3A_399, %gather3A_400 : vector<16xf32>
        %add3A_461 = arith.addf %gather3A_401, %gather3A_402 : vector<16xf32>
        %add3A_462 = arith.addf %gather3A_403, %gather3A_404 : vector<16xf32>
        %add3A_463 = arith.addf %gather3A_405, %gather3A_406 : vector<16xf32>
        %add3A_464 = arith.addf %gather3A_407, %gather3A_408 : vector<16xf32>
        %add3A_465 = arith.addf %gather3A_409, %gather3A_410 : vector<16xf32>
        %add3A_466 = arith.addf %gather3A_411, %gather3A_412 : vector<16xf32>
        %add3A_467 = arith.addf %add3A_459, %add3A_460 : vector<16xf32>
        %add3A_468 = arith.addf %add3A_461, %add3A_462 : vector<16xf32>
        %add3A_469 = arith.addf %add3A_463, %add3A_464 : vector<16xf32>
        %add3A_470 = arith.addf %add3A_465, %add3A_466 : vector<16xf32>
        %add3A_471 = arith.addf %add3A_467, %add3A_468 : vector<16xf32>
        %add3A_472 = arith.addf %add3A_469, %add3A_470 : vector<16xf32>
        %add3A_473 = arith.addf %add3A_471, %add3A_472 : vector<16xf32>
        %sub3A_474 = arith.subf %gather3A_381, %max3A_427 : vector<16xf32>
        %exp3A_475 = math.exp %sub3A_474 : vector<16xf32>
        %sub3A_476 = arith.subf %gather3A_382, %max3A_427 : vector<16xf32>
        %exp3A_477 = math.exp %sub3A_476 : vector<16xf32>
        %sub3A_478 = arith.subf %gather3A_383, %max3A_427 : vector<16xf32>
        %exp3A_479 = math.exp %sub3A_478 : vector<16xf32>
        %sub3A_480 = arith.subf %gather3A_384, %max3A_427 : vector<16xf32>
        %exp3A_481 = math.exp %sub3A_480 : vector<16xf32>
        %sub3A_482 = arith.subf %gather3A_385, %max3A_427 : vector<16xf32>
        %exp3A_483 = math.exp %sub3A_482 : vector<16xf32>
        %sub3A_484 = arith.subf %gather3A_386, %max3A_427 : vector<16xf32>
        %exp3A_485 = math.exp %sub3A_484 : vector<16xf32>
        %sub3A_486 = arith.subf %gather3A_387, %max3A_427 : vector<16xf32>
        %exp3A_487 = math.exp %sub3A_486 : vector<16xf32>
        %sub3A_488 = arith.subf %gather3A_388, %max3A_427 : vector<16xf32>
        %exp3A_489 = math.exp %sub3A_488 : vector<16xf32>
        %sub3A_490 = arith.subf %gather3A_389, %max3A_427 : vector<16xf32>
        %exp3A_491 = math.exp %sub3A_490 : vector<16xf32>
        %sub3A_492 = arith.subf %gather3A_390, %max3A_427 : vector<16xf32>
        %exp3A_493 = math.exp %sub3A_492 : vector<16xf32>
        %sub3A_494 = arith.subf %gather3A_391, %max3A_427 : vector<16xf32>
        %exp3A_495 = math.exp %sub3A_494 : vector<16xf32>
        %sub3A_496 = arith.subf %gather3A_392, %max3A_427 : vector<16xf32>
        %exp3A_497 = math.exp %sub3A_496 : vector<16xf32>
        %sub3A_498 = arith.subf %gather3A_393, %max3A_427 : vector<16xf32>
        %exp3A_499 = math.exp %sub3A_498 : vector<16xf32>
        %sub3A_500 = arith.subf %gather3A_394, %max3A_427 : vector<16xf32>
        %exp3A_501 = math.exp %sub3A_500 : vector<16xf32>
        %sub3A_502 = arith.subf %gather3A_395, %max3A_427 : vector<16xf32>
        %exp3A_503 = math.exp %sub3A_502 : vector<16xf32>
        %sub3A_504 = arith.subf %gather3A_396, %max3A_427 : vector<16xf32>
        %exp3A_505 = math.exp %sub3A_504 : vector<16xf32>
        %add3A_506 = arith.addf %exp3A_475, %exp3A_477 : vector<16xf32>
        %add3A_507 = arith.addf %exp3A_479, %exp3A_481 : vector<16xf32>
        %add3A_508 = arith.addf %exp3A_483, %exp3A_485 : vector<16xf32>
        %add3A_509 = arith.addf %exp3A_487, %exp3A_489 : vector<16xf32>
        %add3A_510 = arith.addf %exp3A_491, %exp3A_493 : vector<16xf32>
        %add3A_511 = arith.addf %exp3A_495, %exp3A_497 : vector<16xf32>
        %add3A_512 = arith.addf %exp3A_499, %exp3A_501 : vector<16xf32>
        %add3A_513 = arith.addf %exp3A_503, %exp3A_505 : vector<16xf32>
        %add3A_514 = arith.addf %add3A_506, %add3A_507 : vector<16xf32>
        %add3A_515 = arith.addf %add3A_508, %add3A_509 : vector<16xf32>
        %add3A_516 = arith.addf %add3A_510, %add3A_511 : vector<16xf32>
        %add3A_517 = arith.addf %add3A_512, %add3A_513 : vector<16xf32>
        %add3A_518 = arith.addf %add3A_514, %add3A_515 : vector<16xf32>
        %add3A_519 = arith.addf %add3A_516, %add3A_517 : vector<16xf32>
        %add3A_520 = arith.addf %add3A_518, %add3A_519 : vector<16xf32>
        %bitcast_convert_type3A_521 = tpu.bitcast %add3A_520 : vector<16xf32> -> vector<16xi32>
        %shift_right_logical3A_522 = arith.constant 23 : i32
        %shift_right_logical3A_523 = vector.broadcast %shift_right_logical3A_522 : i32 to vector<16xi32>
        %shift_right_logical3A_524 = arith.shrui %bitcast_convert_type3A_521, %shift_right_logical3A_523 : vector<16xi32>
        %sub3A_525 = arith.constant 127 : i32
        %sub3A_526 = vector.broadcast %sub3A_525 : i32 to vector<16xi32>
        %sub3A_527 = arith.subi %shift_right_logical3A_524, %sub3A_526 : vector<16xi32>
        %and3A_528 = arith.constant 8388607 : i32
        %and3A_529 = vector.broadcast %and3A_528 : i32 to vector<16xi32>
        %and3A_530 = arith.andi %bitcast_convert_type3A_521, %and3A_529 : vector<16xi32>
        %or3A_531 = arith.constant 1065353216 : i32
        %or3A_532 = vector.broadcast %or3A_531 : i32 to vector<16xi32>
        %or3A_533 = arith.ori %and3A_530, %or3A_532 : vector<16xi32>
        %bitcast_convert_type3A_534 = tpu.bitcast %or3A_533 : vector<16xi32> -> vector<16xf32>
        %gt3A_535 = arith.constant 1.41421354 : f32
        %gt3A_536 = vector.broadcast %gt3A_535 : f32 to vector<16xf32>
        %gt3A_537 = arith.cmpf ogt, %bitcast_convert_type3A_534, %gt3A_536 : vector<16xf32>
        %mul3A_538 = arith.constant 5.000000e-01 : f32
        %mul3A_539 = vector.broadcast %mul3A_538 : f32 to vector<16xf32>
        %mul3A_540 = arith.mulf %bitcast_convert_type3A_534, %mul3A_539 : vector<16xf32>
        %select_n3A_541 = arith.select %gt3A_537, %mul3A_540, %bitcast_convert_type3A_534 : vector<16xi1>, vector<16xf32>
        %convert_element_type3A_542 = arith.sitofp %sub3A_527 : vector<16xi32> to vector<16xf32>
        %jit3A_543 = arith.constant 1.000000e+00 : f32
        %jit3A_544 = arith.constant 0.000000e+00 : f32
        %broadcast_in_dim3A_545 = vector.broadcast %jit3A_543 : f32 to vector<16xf32>
        %broadcast_in_dim3A_546 = vector.broadcast %jit3A_544 : f32 to vector<16xf32>
        %select_n3A_547 = arith.select %gt3A_537, %broadcast_in_dim3A_545, %broadcast_in_dim3A_546 : vector<16xi1>, vector<16xf32>
        %add3A_548 = arith.addf %convert_element_type3A_542, %select_n3A_547 : vector<16xf32>
        %sub3A_549 = arith.constant 1.000000e+00 : f32
        %sub3A_550 = vector.broadcast %sub3A_549 : f32 to vector<16xf32>
        %sub3A_551 = arith.subf %select_n3A_541, %sub3A_550 : vector<16xf32>
        %add3A_552 = arith.constant 1.000000e+00 : f32
        %add3A_553 = vector.broadcast %add3A_552 : f32 to vector<16xf32>
        %add3A_554 = arith.addf %select_n3A_541, %add3A_553 : vector<16xf32>
        %div3A_555 = arith.divf %sub3A_551, %add3A_554 : vector<16xf32>
        %mul3A_556 = arith.mulf %div3A_555, %div3A_555 : vector<16xf32>
        %mul3A_557 = arith.constant 0.222222224 : f32
        %mul3A_558 = vector.broadcast %mul3A_557 : f32 to vector<16xf32>
        %mul3A_559 = arith.mulf %mul3A_556, %mul3A_558 : vector<16xf32>
        %add3A_560 = arith.constant 0.285714298 : f32
        %add3A_561 = vector.broadcast %add3A_560 : f32 to vector<16xf32>
        %add3A_562 = arith.addf %add3A_561, %mul3A_559 : vector<16xf32>
        %mul3A_563 = arith.mulf %mul3A_556, %add3A_562 : vector<16xf32>
        %add3A_564 = arith.constant 4.000000e-01 : f32
        %add3A_565 = vector.broadcast %add3A_564 : f32 to vector<16xf32>
        %add3A_566 = arith.addf %add3A_565, %mul3A_563 : vector<16xf32>
        %mul3A_567 = arith.mulf %mul3A_556, %add3A_566 : vector<16xf32>
        %add3A_568 = arith.constant 0.666666686 : f32
        %add3A_569 = vector.broadcast %add3A_568 : f32 to vector<16xf32>
        %add3A_570 = arith.addf %add3A_569, %mul3A_567 : vector<16xf32>
        %mul3A_571 = arith.mulf %mul3A_556, %add3A_570 : vector<16xf32>
        %add3A_572 = arith.constant 2.000000e+00 : f32
        %add3A_573 = vector.broadcast %add3A_572 : f32 to vector<16xf32>
        %add3A_574 = arith.addf %add3A_573, %mul3A_571 : vector<16xf32>
        %mul3A_575 = arith.constant 0.693147182 : f32
        %mul3A_576 = vector.broadcast %mul3A_575 : f32 to vector<16xf32>
        %mul3A_577 = arith.mulf %add3A_548, %mul3A_576 : vector<16xf32>
        %mul3A_578 = arith.mulf %div3A_555, %add3A_574 : vector<16xf32>
        %add3A_579 = arith.addf %mul3A_577, %mul3A_578 : vector<16xf32>
        %add3A_580 = arith.addf %max3A_427, %add3A_579 : vector<16xf32>
        %sub3A_581 = arith.subf %add3A_580, %get3A_380 : vector<16xf32>
        %mul3A_582 = arith.mulf %sub3A_581, %add3A_473 : vector<16xf32>
        %sub3A_583 = arith.subf %add3A_458, %mul3A_582 : vector<16xf32>
        %add3A_584 = arith.addf %scan3A_323, %sub3A_583 : vector<16xf32>
        %exp3A_585 = math.exp %get3A_380 : vector<16xf32>
        %div3A_586 = arith.divf %exp3A_585, %add3A_520 : vector<16xf32>
        %mul3A_587 = arith.mulf %exp3A_475, %div3A_586 : vector<16xf32>
        tpu.vector_store_idx %arg11[%add3A_332], %mul3A_587 : memref<17408xf32, #tpu.memory_space<vmem>>[vector<16xi32>], vector<16xf32>,
        %mul3A_588 = arith.mulf %exp3A_477, %div3A_586 : vector<16xf32>
        tpu.vector_store_idx %arg11[%add3A_335], %mul3A_588 : memref<17408xf32, #tpu.memory_space<vmem>>[vector<16xi32>], vector<16xf32>,
        %mul3A_589 = arith.mulf %exp3A_479, %div3A_586 : vector<16xf32>
        tpu.vector_store_idx %arg11[%add3A_338], %mul3A_589 : memref<17408xf32, #tpu.memory_space<vmem>>[vector<16xi32>], vector<16xf32>,
        %mul3A_590 = arith.mulf %exp3A_481, %div3A_586 : vector<16xf32>
        tpu.vector_store_idx %arg11[%add3A_341], %mul3A_590 : memref<17408xf32, #tpu.memory_space<vmem>>[vector<16xi32>], vector<16xf32>,
        %mul3A_591 = arith.mulf %exp3A_483, %div3A_586 : vector<16xf32>
        tpu.vector_store_idx %arg11[%add3A_344], %mul3A_591 : memref<17408xf32, #tpu.memory_space<vmem>>[vector<16xi32>], vector<16xf32>,
        %mul3A_592 = arith.mulf %exp3A_485, %div3A_586 : vector<16xf32>
        tpu.vector_store_idx %arg11[%add3A_347], %mul3A_592 : memref<17408xf32, #tpu.memory_space<vmem>>[vector<16xi32>], vector<16xf32>,
        %mul3A_593 = arith.mulf %exp3A_487, %div3A_586 : vector<16xf32>
        tpu.vector_store_idx %arg11[%add3A_350], %mul3A_593 : memref<17408xf32, #tpu.memory_space<vmem>>[vector<16xi32>], vector<16xf32>,
        %mul3A_594 = arith.mulf %exp3A_489, %div3A_586 : vector<16xf32>
        tpu.vector_store_idx %arg11[%add3A_353], %mul3A_594 : memref<17408xf32, #tpu.memory_space<vmem>>[vector<16xi32>], vector<16xf32>,
        %mul3A_595 = arith.mulf %exp3A_491, %div3A_586 : vector<16xf32>
        tpu.vector_store_idx %arg11[%add3A_356], %mul3A_595 : memref<17408xf32, #tpu.memory_space<vmem>>[vector<16xi32>], vector<16xf32>,
        %mul3A_596 = arith.mulf %exp3A_493, %div3A_586 : vector<16xf32>
        tpu.vector_store_idx %arg11[%add3A_359], %mul3A_596 : memref<17408xf32, #tpu.memory_space<vmem>>[vector<16xi32>], vector<16xf32>,
        %mul3A_597 = arith.mulf %exp3A_495, %div3A_586 : vector<16xf32>
        tpu.vector_store_idx %arg11[%add3A_362], %mul3A_597 : memref<17408xf32, #tpu.memory_space<vmem>>[vector<16xi32>], vector<16xf32>,
        %mul3A_598 = arith.mulf %exp3A_497, %div3A_586 : vector<16xf32>
        tpu.vector_store_idx %arg11[%add3A_365], %mul3A_598 : memref<17408xf32, #tpu.memory_space<vmem>>[vector<16xi32>], vector<16xf32>,
        %mul3A_599 = arith.mulf %exp3A_499, %div3A_586 : vector<16xf32>
        tpu.vector_store_idx %arg11[%add3A_368], %mul3A_599 : memref<17408xf32, #tpu.memory_space<vmem>>[vector<16xi32>], vector<16xf32>,
        %mul3A_600 = arith.mulf %exp3A_501, %div3A_586 : vector<16xf32>
        tpu.vector_store_idx %arg11[%add3A_371], %mul3A_600 : memref<17408xf32, #tpu.memory_space<vmem>>[vector<16xi32>], vector<16xf32>,
        %mul3A_601 = arith.mulf %exp3A_503, %div3A_586 : vector<16xf32>
        tpu.vector_store_idx %arg11[%add3A_374], %mul3A_601 : memref<17408xf32, #tpu.memory_space<vmem>>[vector<16xi32>], vector<16xf32>,
        %mul3A_602 = arith.mulf %exp3A_505, %div3A_586 : vector<16xf32>
        tpu.vector_store_idx %arg11[%add3A_377], %mul3A_602 : memref<17408xf32, #tpu.memory_space<vmem>>[vector<16xi32>], vector<16xf32>,
        scf.yield %add3A_584 : vector<16xf32>
      }
      %scan3A_321 = arith.constant 8 : i32
      scf.yield %scan3A_320 : vector<16xf32>
    }
    %scan3A_114 = arith.constant 8 : i32
    %add3A_115 = arith.constant 384 : i32
    %add3A_116 = arith.addi %mul3A_2, %add3A_115 : i32
    %mul3A_117 = arith.constant 136 : i32
    %mul3A_118 = arith.muli %add3A_116, %mul3A_117 : i32
    %dma_start3A_119 = tpu.memref_slice %arg4[%mul3A_118] : memref<2228224xf32, #tpu.memory_space<hbm>> -> memref<17408xf32, #tpu.memory_space<hbm>>
    %dma_start3A_120 = tpu.memref_slice %arg4[%mul3A_118] : memref<2228224xf32, #tpu.memory_space<hbm>> -> memref<17408xf32, #tpu.memory_space<hbm>>
    tpu.enqueue_dma source(%arg11 : memref<17408xf32, #tpu.memory_space<vmem>>) target(%dma_start3A_120 : memref<17408xf32, #tpu.memory_space<hbm>>) target_semaphore(%arg17 : memref<!tpu.dma_semaphore, #tpu.memory_space<semaphore_mem>>)
    %dma_wait3A_121 = arith.constant 0 : i32
    %dma_wait3A_122 = tpu.memref_slice %arg4[%dma_wait3A_121] : memref<2228224xf32, #tpu.memory_space<hbm>> -> memref<17408xf32, #tpu.memory_space<hbm>>
    %dma_wait3A_123 = arith.constant 0 : i32
    %dma_wait3A_124 = tpu.memref_slice %arg4[%dma_wait3A_123] : memref<2228224xf32, #tpu.memory_space<hbm>> -> memref<17408xf32, #tpu.memory_space<hbm>>
    tpu.wait_dma2 semaphore(%arg16 : memref<!tpu.dma_semaphore, #tpu.memory_space<semaphore_mem>>) src(%arg10 : memref<17408xf32, #tpu.memory_space<vmem>>) dst(%dma_wait3A_124 : memref<17408xf32, #tpu.memory_space<hbm>>)
    %dma_wait3A_125 = arith.constant 0 : i32
    %dma_wait3A_126 = tpu.memref_slice %arg4[%dma_wait3A_125] : memref<2228224xf32, #tpu.memory_space<hbm>> -> memref<17408xf32, #tpu.memory_space<hbm>>
    %dma_wait3A_127 = arith.constant 0 : i32
    %dma_wait3A_128 = tpu.memref_slice %arg4[%dma_wait3A_127] : memref<2228224xf32, #tpu.memory_space<hbm>> -> memref<17408xf32, #tpu.memory_space<hbm>>
    tpu.wait_dma2 semaphore(%arg17 : memref<!tpu.dma_semaphore, #tpu.memory_space<semaphore_mem>>) src(%arg11 : memref<17408xf32, #tpu.memory_space<vmem>>) dst(%dma_wait3A_128 : memref<17408xf32, #tpu.memory_space<hbm>>)
    %swap3A = arith.constant 0 : index
    %swap3A_129 = tpu.vector_load %arg13[%swap3A] {strides = array<i32>} : memref<16xf32, #tpu.memory_space<vmem>>, vector<16xf32>,
    tpu.vector_store %arg13[%swap3A], %scan3A_113 {strides = array<i32>} : memref<16xf32, #tpu.memory_space<vmem>>, vector<16xf32>,
    "tpu.region"() ({
      %run_scoped3A = tpu.sem_alloc : memref<!tpu.dma_semaphore, #tpu.memory_space<semaphore_mem>>
      %dma_start3A_130 = arith.constant 0 : i32
      %dma_start3A_131 = tpu.memref_slice %arg5[%add3A, %dma_start3A_130] : memref<32x16xf32, #tpu.memory_space<hbm>> -> memref<1x16xf32, #tpu.memory_space<hbm>>
      %dma_start3A_132 = tpu.memref_squeeze %dma_start3A_131 : memref<1x16xf32, #tpu.memory_space<hbm>> -> memref<16xf32, #tpu.memory_space<hbm>>
      %dma_start3A_133 = arith.constant 0 : i32
      %dma_start3A_134 = tpu.memref_slice %arg5[%add3A, %dma_start3A_133] : memref<32x16xf32, #tpu.memory_space<hbm>> -> memref<1x16xf32, #tpu.memory_space<hbm>>
      %dma_start3A_135 = tpu.memref_squeeze %dma_start3A_134 : memref<1x16xf32, #tpu.memory_space<hbm>> -> memref<16xf32, #tpu.memory_space<hbm>>
      tpu.enqueue_dma source(%arg13 : memref<16xf32, #tpu.memory_space<vmem>>) target(%dma_start3A_135 : memref<16xf32, #tpu.memory_space<hbm>>) target_semaphore(%run_scoped3A : memref<!tpu.dma_semaphore, #tpu.memory_space<semaphore_mem>>)
      %dma_wait3A_136 = arith.constant 0 : i32
      %dma_wait3A_137 = tpu.memref_slice %arg5[%add3A, %dma_wait3A_136] : memref<32x16xf32, #tpu.memory_space<hbm>> -> memref<1x16xf32, #tpu.memory_space<hbm>>
      %dma_wait3A_138 = tpu.memref_squeeze %dma_wait3A_137 : memref<1x16xf32, #tpu.memory_space<hbm>> -> memref<16xf32, #tpu.memory_space<hbm>>
      %dma_wait3A_139 = arith.constant 0 : i32
      %dma_wait3A_140 = tpu.memref_slice %arg5[%add3A, %dma_wait3A_139] : memref<32x16xf32, #tpu.memory_space<hbm>> -> memref<1x16xf32, #tpu.memory_space<hbm>>
      %dma_wait3A_141 = tpu.memref_squeeze %dma_wait3A_140 : memref<1x16xf32, #tpu.memory_space<hbm>> -> memref<16xf32, #tpu.memory_space<hbm>>
      tpu.wait_dma2 semaphore(%run_scoped3A : memref<!tpu.dma_semaphore, #tpu.memory_space<semaphore_mem>>) src(%arg13 : memref<16xf32, #tpu.memory_space<vmem>>) dst(%dma_wait3A_141 : memref<16xf32, #tpu.memory_space<hbm>>)
      tpu.yield
    }) : () -> ()
    return
  }
}

</mosaic_0001>

<sc_bundles>
// kernel: kernel.3.cloned.1.call-start
scs
__scs_entry_jumppad:
0x0: {  	(pc) =	sbr.rel $0x88, $3  }
0x1: {  	(tag) =	ssettag $0x0;
	lr =	simm.s32 $0x1  }
0x2: {  	[smem:$0x3F9F] =	sst lr;
	_ =	strace $0xD0000000  }
0x3: {  	_ = 	snop  }
0x4: {  	_ = 	snop  }
0x5: {  	_ = 	snop  }
0x6: {  	_ = 	snop  }
0x7: {  	_ = 	snop  }
__scs_overlays_trampoline_lowered:
0x8: {  	[smem:$0x3FAE] =	sst s0  }
0x9: {  	[smem:$0x3FAF] =	sst s1  }
0xa: {  	[smem:$0x3FB0] =	sst s2  }
0xb: {  	[smem:$0x3FB1] =	sst s3  }
0xc: {  	[smem:$0x3FB2] =	sst s4  }
0xd: {  	[smem:$0x3FB3] =	sst s5  }
0xe: {  	[smem:$0x3FB4] =	sst s6  }
0xf: {  	[smem:$0x3FB5] =	sst s7  }
0x10: {  	[smem:$0x3FB6] =	sst s8  }
0x11: {  	[smem:$0x3FB7] =	sst s9;
	s0 =	simm.s32 @!p0 $0x0  }
0x12: {  	s1 =	sld [smem:$0x3F9D];
	s0 =	simm.s32 @p0 $0x1  }
0x13: {  	[smem:$0x3FB8] =	sst s0;
	s0 =	simm.s32 @!p1 $0x0  }
0x14: {  	s2 =	sld [smem:$0x3F9C];
	s0 =	simm.s32 @p1 $0x1  }
0x15: {  	[smem:$0x3FB9] =	sst s0;
	s0 =	simm.s32 @!p2 $0x0  }
0x16: {  	s3 =	sld [smem:$0x3FDB];
	s0 =	simm.s32 @p2 $0x1  }
0x17: {  	s4 =	simm.s32 $0x1BF5;
	[smem:$0x3FBB] =	sst s0  }
0x18: {  	s0 =	sld [smem:$0x3F9E];
	_ =	swait.ge [sflag:s4], $0x0  }
0x19: {  	s7 =	sld [smem:$0x3F9F]  }
0x1a: {  	s8 =	sadd.s32 $0xFFFFE003, lr  }
0x1b: {  	s9 =	sadd.s32 $0xFFFFFEF7, lr;
	s5 =	simm.s32 $0xFFFFFFFF;
	p2 =	slt.u32 s8, $0xFFFFF086  }
0x1c: {  	p1 =	slt.u32 s9, $0xF7A;
	s5 =	simm.s32 @!p2 $0x0  }
0x1d: {  	s5 =	simm.s32 @p1 $0x1;
	p0 =	seq.s32 s7, s2  }
0x1e: {  	s7 =	smul.u32 @!p0 $0xF7A, s2;
	p2 =	seq.s32 @!p0 s5, $0x0  }
0x1f: {  	s9 =	smul.u32 $0xF7A, s1;
	s8 =	simm.s32 @!p0 $0x1BF5;
	p2 =	por !p2, p0  }
0x20: {  	[sflag:s8] =	ssyncset.s32 @!p0 $0xFFFFF086;
	s6 =	sadd.s32 @!p0 s3, s7;
	s7 =	simm.s32 @!p0 $0x108  }
0x21: {  	s3 =	sadd.s32 s3, s9;
	s6 =	sadd.s32 @!p0 $0x88, s6;
	s7 =	simm.s32 @p2 $0x1082  }
0x22: {  	[simem:s7], [sflag:s8] =	dma.local @!p0 [hbm:s6], $0xF7A  }
0x23: {  	s9 =	sor.u32 $0xD0000000, s2;
	s6 =	simm.s32 $0x108;
	_ =	swait.ge @!p0 [sflag:s8], $0x0  }
0x24: {  	s3 =	sadd.s32 $0x88, s3;
	s6 =	simm.s32 @!p1 $0x1082;
	[sflag:s4] =	ssyncset.s32 $0xFFFFF086  }
0x25: {  	[simem:s6], [sflag:s4] =	dma.local [hbm:s3], $0xF7A  }
0x26: {  	[smem:$0x3F9F] =	sst s1;
	(tag) =	ssettag s2;
	_ =	strace s9  }
0x27: {  	s1 =	sld [smem:$0x3FAF]  }
0x28: {  	s2 =	sld [smem:$0x3FB0]  }
0x29: {  	s4 =	sld [smem:$0x3FB2]  }
0x2a: {  	p0 =	seq.s32 s5, $0x0;
	s5 =	sld [smem:$0x3FB3]  }
0x2b: {  	s6 =	sld [smem:$0x3FB4]  }
0x2c: {  	s7 =	sld [smem:$0x3FB5]  }
0x2d: {  	s3 =	simm.s32 $0x108;
	s8 =	sld [smem:$0x3FB6]  }
0x2e: {  	s3 =	simm.s32 @!p0 $0x1082;
	s9 =	sld [smem:$0x3FB7]  }
0x2f: {  	lr =	sadd.s32 s0, s3;
	s0 =	sld [smem:$0x3FAE]  }
0x30: {  	s3 =	sld [smem:$0x3FB1]  }
0x31: {  	[smem:$0x3FBA] =	sst s10  }
0x32: {  	s10 =	sld [smem:$0x3FB8];
	_ =	sdelay $0x3  }
0x33: {  	p0 =	seq.s32 s10, $0x1;
	s10 =	sld [smem:$0x3FBA];
	_ =	sdelay $0x3  }
0x34: {  	[smem:$0x3FBA] =	sst s10  }
0x35: {  	s10 =	sld [smem:$0x3FB9];
	_ =	sdelay $0x3  }
0x36: {  	p1 =	seq.s32 s10, $0x1;
	s10 =	sld [smem:$0x3FBA];
	_ =	sdelay $0x3  }
0x37: {  	[smem:$0x3FBA] =	sst s10  }
0x38: {  	s10 =	sld [smem:$0x3FBB]  }
0x39: {  	_ = 	snop;
	(pc) =	sbr.ind lr, $3  }
0x3a: {  	_ = 	snop  }
0x3b: {  	_ = 	snop  }
0x3c: {  	p2 =	seq.s32 s10, $0x1;
	s10 =	sld [smem:$0x3FBA]  }
0x3d: {  	_ =	shalt  }
0x3e: {  	_ =	shalt  }
0x3f: {  	_ =	shalt  }
0x40: {  	_ =	shalt  }
0x41: {  	_ =	shalt  }
0x42: {  	_ =	shalt  }
0x43: {  	_ =	shalt  }
0x44: {  	_ =	shalt  }
0x45: {  	_ =	shalt  }
0x46: {  	_ =	shalt  }
0x47: {  	_ =	shalt  }
0x48: {  	_ =	shalt  }
0x49: {  	_ =	shalt  }
0x4a: {  	_ =	shalt  }
0x4b: {  	_ =	shalt  }
0x4c: {  	_ =	shalt  }
0x4d: {  	_ =	shalt  }
0x4e: {  	_ =	shalt  }
0x4f: {  	_ =	shalt  }
0x50: {  	_ =	shalt  }
0x51: {  	_ =	shalt  }
0x52: {  	_ =	shalt  }
0x53: {  	_ =	shalt  }
0x54: {  	_ =	shalt  }
0x55: {  	_ =	shalt  }
0x56: {  	_ =	shalt  }
0x57: {  	_ =	shalt  }
0x58: {  	_ =	shalt  }
0x59: {  	_ =	shalt  }
0x5a: {  	_ =	shalt  }
0x5b: {  	_ =	shalt  }
0x5c: {  	_ =	shalt  }
0x5d: {  	_ =	shalt  }
0x5e: {  	_ =	shalt  }
0x5f: {  	_ =	shalt  }
0x60: {  	_ =	shalt  }
0x61: {  	_ =	shalt  }
0x62: {  	_ =	shalt  }
0x63: {  	_ =	shalt  }
0x64: {  	_ =	shalt  }
0x65: {  	_ =	shalt  }
0x66: {  	_ =	shalt  }
0x67: {  	_ =	shalt  }
0x68: {  	_ =	shalt  }
0x69: {  	_ =	shalt  }
0x6a: {  	_ =	shalt  }
0x6b: {  	_ =	shalt  }
0x6c: {  	_ =	shalt  }
0x6d: {  	_ =	shalt  }
0x6e: {  	_ =	shalt  }
0x6f: {  	_ =	shalt  }
0x70: {  	_ =	shalt  }
0x71: {  	_ =	shalt  }
0x72: {  	_ =	shalt  }
0x73: {  	_ =	shalt  }
0x74: {  	_ =	shalt  }
0x75: {  	_ =	shalt  }
0x76: {  	_ =	shalt  }
0x77: {  	_ =	shalt  }
0x78: {  	_ =	shalt  }
0x79: {  	_ =	shalt  }
0x7a: {  	_ =	shalt  }
0x7b: {  	_ =	shalt  }
0x7c: {  	_ =	shalt  }
0x7d: {  	_ =	shalt  }
0x7e: {  	_ =	shalt  }
0x7f: {  	_ =	shalt  }
0x80: {  	_ =	shalt  }
0x81: {  	_ =	shalt  }
0x82: {  	_ =	shalt  }
0x83: {  	_ =	shalt  }
0x84: {  	_ =	shalt  }
0x85: {  	_ =	shalt  }
0x86: {  	_ =	shalt  }
0x87: {  	_ =	shalt  }
.Lfunc_end0:
.L_simem_size_0:
called_computation_lowered:
.L_overlay_start_0:
0x88: {  	s2 =	sld [smem:$0x3FD9]  }
0x89: {  	s3 =	sld [smem:$0x3FFE];
	_ =	sdelay $0x1  }
0x8a: {  	s1 =	srdreg.scid  }
0x8b: {  	s0 =	sand.u32 $0x1, s1  }
0x8c: {  	s14 =	sshll.u32 s0, $0xA;
	s2 =	sadd.s32 s3, s2  }
0x8d: {  	s2 =	sadd.s32 s2, s14  }
0x8e: {  	[smem:$0x3FC6] =	sst s2  }
0x8f: {  	_ = 	snop  }
0x90: {  	s2 =	sld [smem:$0x3FD0];
	_ =	sdelay $0x2  }
0x91: {  	s15 =	simm.s32 $0xA;
	s4 =	simm.s32 $0x10  }
0x92: {  	[smem:s4], [sflag:s15] =	dma.local [hbm:s2], $0x1  }
0x93: {  	_ =	swait.eq [sflag:s15], $0x1  }
0x94: {  	[sflag:s15] =	ssyncset.done $0x0  }
0x95: {  	[sflag:s15] =	ssyncadd.s32 $0xFFFFFFFF  }
0x96: {  	s16 =	sld [smem:$0x11];
	(tm) =	ssettm $0x1  }
0x97: {  	s17 =	sld [smem:$0x3FFB];
	_ =	sdelay $0x3  }
0x98: {  	_ =	strace s17  }
0x99: {  	s3 =	sld [smem:$0x3FFC];
	_ =	sdelay $0x3  }
0x9a: {  	_ =	strace s3  }
0x9b: {  	s3 =	sld [smem:$0x3FFD];
	_ =	sdelay $0x3  }
0x9c: {  	_ =	strace s3  }
0x9d: {  	_ =	strace $0x8FFFFFFF  }
0x9e: {  	s18 =	sld [smem:$0x3FDB];
	_ =	sdelay $0x1  }
0x9f: {  	s19 =	simm.s32 $_scs_section_size  }
0xa0: {  	s5 =	simm.s32 $_size__tile_overlayer_lowered;
	s6 =	simm.s32 $_tile_overlayer_lowered  }
0xa1: {  	s22 =	simm.s32 $0x1BFF;
	s21 =	sshll.u32 s6, $0x1;
	s3 =	sadd.s32 s19, s18  }
0xa2: {  	s7 =	simm.s32 $0x0;
	s20 =	sshll.u32 s5, $0x1;
	s5 =	sadd.s32 s21, s3  }
0xa3: {  	[timem:s7], [sflag:s22] =	dma.local [hbm:s5], s20  }
0xa4: {  	_ =	swait.ge [sflag:s22], s20  }
0xa5: {  	s4 =	ssub.s32 $0x0, s20;
	[sflag:s22] =	ssyncset.done $0x0  }
0xa6: {  	[sflag:s22] =	ssyncadd.s32 s4;
	_ =	sdelay $0x1  }
0xa7: {  	s23 =	simm.s32 $0x1B8B  }
0xa8: {  	_ =	swait.ge [sflag:s23], $0x1  }
0xa9: {  	[sflag:s23] =	ssyncset.done $0x0  }
0xaa: {  	s25 =	simm.s32 $0x1B8E;
	s24 =	sld [smem:$0x3FFE];
	[sflag:s23] =	ssyncadd.s32 $0xFFFFFFFF  }
0xab: {  	s26 =	simm.s32 $execute0_lowered;
	[smem:$0x3FD2] =	sst s25  }
0xac: {  	s5 =	sshll.u32 s26, $0x1;
	_ =	strace $0x80000046;
	[dreg:$0x1] =	wrdreg $0xFFFFFFFF  }
0xad: {  	s28 =	simm.s32 $_size_execute0_lowered;
	s3 =	sadd.s32 s3, s5;
	[dreg:$0x0] =	wrdreg $0x0  }
0xae: {  	s5 =	sshll.u32 s28, $0x1;
	[dreg:$0x2] =	wrdreg s3  }
0xaf: {  	[dreg:$0x3] =	wrdreg s5  }
0xb0: {  	[dreg:$0x4] =	wrdreg $0xC0  }
0xb1: {  	_ =	task [dreg:s7], $0x5FFFF  }
0xb2: {  	[dreg:$0x1] =	wrdreg $0xFFFFFFFF  }
0xb3: {  	[dreg:$0x0] =	wrdreg $0x60  }
0xb4: {  	[dreg:$0x2] =	wrdreg s16  }
0xb5: {  	[dreg:$0x3] =	wrdreg s24  }
0xb6: {  	[dreg:$0x4] =	wrdreg $0x9  }
0xb7: {  	_ =	task.clear_ibuf [dreg:s7], $0x5FFFF;
	_ =	strace $0x90000046  }
0xb8: {  	s29 =	simm.s32 $0x9;
	_ =	strace $0x80000048  }
0xb9: {  	_ =	swait.ge [sflag:s29], $0x1  }
0xba: {  	[sflag:s29] =	ssyncadd.s32 $0xFFFFFFFF  }
0xbb: {  	_ =	strace $0x90000048  }
0xbc: {  	_ =	sfence  }
0xbd: {  	s30 =	sld [smem:$0x0];
	_ =	sdelay $0x2  }
0xbe: {  	s31 =	sshll.u32 s1, $0xD;
	s1 =	sshrl.u32 s1, $0x2  }
0xbf: {  	s3 =	sand.u32 $0x4000, s31;
	s1 =	sadd.s32 s1, s30  }
0xc0: {  	s0 =	sor.u32 s3, s0;
	s1 =	sshll.u32 s1, $0x11  }
0xc1: {  	s0 =	sor.u32 s1, s0  }
0xc2: {  	s0 =	sadd.s32 $0x8F2B, s0  }
0xc3: {  	[sflag:s0] =	ssyncadd.remote.s32 $0x1  }
0xc4: {  	_ =	sfence.sel $0xFFFF  }
0xc5: {  	[dreg:$0x0] =	wrdreg $0xFFFFFFFF;
	(pc) =	sbr.abs _section_cstart, $3  }
0xc6: {  	[dreg:$0x1] =	wrdreg $0xFFFFFFFF  }
0xc7: {  	_ =	task.clear_ibuf [dreg:s7], $0x2FFFF;
	_ =	strace $0x9FFFFFFF  }
0xc8: {  	(tm) =	ssettm $0x7FFFFFFF  }
0xc9: {  	_ =	shalt  }
tec
execute0_lowered:
.L_overlay_start_1:
0x0: {  	(tag) =	ssettag $0x1  }
0x1: {  	v0 =	vlaneseq.u32  }
0x2: {  	s0 =	rddreg [dreg:$0x0];
	s2 =	simm.s32 $0x0;
	v1 =	vmul.u32 $0x88, v0  }
0x3: {  	[smem:$0x7FF] =	sst s2;
	v0 =	vmul.u32 $0x8, v0  }
0x4: {  	s3 =	rddreg [dreg:$0x1];
	_ =	strace $0x80000047;
	[tilespmem:$0x1FF60] =	vst v1  }
0x5: {  	s4 =	srdreg.scid;
	s1 =	stileid.u32;
	v2 =	vor.u32 $0x1, v1;
	[tilespmem:$0x1FFE0] =	vst v0  }
0x6: {  	s18 =	simm.s32 $0x8800;
	s19 =	simm.s32 $0xCC00;
	s20 =	simm.s32 $0x1;
	v53 =	vor.u32 $0x2, v1;
	[tilespmem:$0x1FF00] =	vst v2  }
0x7: {  	s21 =	simm.s32 $0x11000;
	s22 =	simm.s32 $0x2;
	s23 =	simm.s32 $0x15400;
	v54 =	vor.u32 $0x3, v1;
	[tilespmem:$0x1FF10] =	vst v53  }
0x8: {  	s24 =	simm.s32 $0x3;
	s25 =	simm.s32 $0x4;
	s26 =	simm.s32 $0x19880;
	v55 =	vor.u32 $0x4, v1;
	[tilespmem:$0x1FF20] =	vst v54  }
0x9: {  	s28 =	simm.s32 $0x5;
	s4 =	sand.u32 $0x1, s4;
	s5 =	sshll.u32 s1, $0x1;
	v56 =	vor.u32 $0x5, v1;
	[tilespmem:$0x1FF30] =	vst v55  }
0xa: {  	s29 =	simm.s32 $0x0;
	s12 =	sadd.s32 $0x1000, s3;
	s5 =	sor.u32 s4, s5;
	v57 =	vor.u32 $0x6, v1;
	[tilespmem:$0x1FF40] =	vst v56  }
0xb: {  	s14 =	sadd.s32 $0x45200, s3;
	s4 =	ssub.s32 $0x2, s4;
	s6 =	smul.u32 $0x11000, s5;
	v1 =	vor.u32 $0x7, v1;
	[tilespmem:$0x1FF50] =	vst v57  }
0xc: {  	s7 =	sshll.u32 s5, $0x4;
	s8 =	smul.u32 $0x2200, s5;
	s31 =	sshrl.u32 s4, $0x1;
	v58 =	vor.u32 $0x1, v0;
	[tilespmem:$0x1FF70] =	vst v1  }
0xd: {  	v59 =	vor.u32 $0x2, v0;
	s15 =	sadd.s32 s7, s3;
	s16 =	ssub.s32 s4, s31;
	[tilespmem:$0x1FF80] =	vst v58;
	s11 =	sshrl.u32 s6, $0x3  }
0xe: {  	v60 =	vor.u32 $0x3, v0;
	[tilespmem:$0x1FF90] =	vst v59;
	s3 =	sadd.s32 s0, s8;
	s4 =	sadd.s32 s12, s8;
	s7 =	sadd.s32 s14, s8  }
0xf: {  	v61 =	vor.u32 $0x4, v0;
	[tilespmem:$0x1FFA0] =	vst v60;
	s15 =	sadd.s32 $0x45000, s15;
	s16 =	smax.u32 s16, $0x1;
	s10 =	sadd.s32 $0x880, s11  }
0x10: {  	v62 =	vor.u32 $0x5, v0;
	[tilespmem:$0x1FFB0] =	vst v61;
	s13 =	sadd.s32 $0x1100, s11;
	s17 =	sadd.s32 $0x1980, s11;
	s5 =	sadd.s32 s0, s10  }
0x11: {  	v63 =	vor.u32 $0x6, v0;
	[tilespmem:$0x1FFC0] =	vst v62;
	s6 =	sadd.s32 s12, s10;
	s8 =	sadd.s32 s0, s13;
	s9 =	sadd.s32 s12, s13  }
0x12: {  	v0 =	vor.u32 $0x7, v0;
	[tilespmem:$0x1FFD0] =	vst v63;
	s10 =	sadd.s32 s14, s10;
	s11 =	sadd.s32 s0, s17;
	s12 =	sadd.s32 s12, s17  }
0x13: {  	[tilespmem:$0x1FFF0] =	vst v0;
	v61 =	vimm.f32 $0.0e+00;
	s13 =	sadd.s32 s14, s13;
	s14 =	sadd.s32 s14, s17;
	s17 =	simm.s32 $0x4400  }
.LBB2_1:
0x14: {  	[tilespmem:s2], [sflag:$0x1] =	stream.linear.gather [hbm4b:s3+s2], $0x4400, $0x38;
	[tilespmem:$0x19900] =	vst v63  }
0x15: {  	_ = 	snop  }
0x16: {  	[tilespmem:s17], [sflag:$0x1] =	stream.linear.gather [hbm4b:s4+s2], $0x4400, $0x38;
	[tilespmem:$0x19900] =	vst v63  }
0x17: {  	_ = 	snop  }
0x18: {  	[tilespmem:s18], [sflag:$0x2] =	stream.linear.gather [hbm4b:s5+s2], $0x4400, $0x38;
	[tilespmem:$0x19900] =	vst v63  }
0x19: {  	_ = 	snop  }
0x1a: {  	[tilespmem:s19], [sflag:$0x2] =	stream.linear.gather [hbm4b:s6+s2], $0x4400, $0x38;
	[tilespmem:$0x19900] =	vst v63  }
0x1b: {  	_ =	swait.ge [sflag:s20], $0x4400  }
0x1c: {  	[sflag:s20] =	ssyncset.done $0x0  }
0x1d: {  	[sflag:s20] =	ssyncadd.s32 $0xFFFFBC00  }
0x1e: {  	_ =	swait.ge [sflag:s20], $0x4400  }
0x1f: {  	[sflag:s20] =	ssyncset.done $0x0  }
0x20: {  	v33 =	vimm.f32 $0.0e+00;
	s30 =	simm.s32 $0x0;
	[sflag:s20] =	ssyncadd.s32 $0xFFFFBC00  }
.LBB2_2:
0x21: {  	s0 =	sshll.u32 s30, $0x4  }
0x22: {  	v1 =	vld [tilespmem:$0x1FF60];
	v0 =	vmov s0  }
0x23: {  	v0 =	vmul.u32 $0x88, v0  }
0x24: {  	v4 =	vld [tilespmem:$0x1FFE0]  }
0x25: {  	v0 =	vbroadcast v0, $0x0;
	_ =	sdelay $0x1  }
0x26: {  	v30 =	vadd.s32 v1, v0  }
0x27: {  	v1 =	vld [tilespmem:$0x1FF00];
	v2 =	vand.u32 $0xFFFFFF80, v30  }
0x28: {  	v9 =	vor.u32 v4, v2;
	v2 =	vld [tilespmem:$0x1FF20]  }
0x29: {  	v4 =	vld [tilespmem:$0x1FF80];
	_ =	sdelay $0x1  }
0x2a: {  	v6 =	vld [tilespmem:$0x1FFA0]  }
0x2b: {  	v3 =	vld [tilespmem:$0x1FF10];
	v1 =	vadd.s32 v1, v0  }
0x2c: {  	v5 =	vld [tilespmem:$0x1FF90];
	v1 =	vand.u32 $0xFFFFFF80, v1  }
0x2d: {  	v2 =	vadd.s32 v2, v0;
	v1 =	vor.u32 v4, v1;
	v4 =	vld [tilespmem:$0x1FF30]  }
0x2e: {  	v2 =	vand.u32 $0xFFFFFF80, v2  }
0x2f: {  	v11 =	vor.u32 v6, v2;
	v6 =	vld [tilespmem:$0x1FFB0]  }
0x30: {  	v3 =	vadd.s32 v3, v0  }
0x31: {  	v3 =	vand.u32 $0xFFFFFF80, v3  }
0x32: {  	v3 =	vor.u32 v5, v3;
	v5 =	vld [tilespmem:$0x1FF40];
	v4 =	vadd.s32 v4, v0  }
0x33: {  	v2 =	vand.u32 $0xFFFFFF80, v4  }
0x34: {  	v12 =	vor.u32 v6, v2;
	v6 =	vld [tilespmem:$0x1FFC0];
	_ =	sdelay $0x2  }
0x35: {  	v5 =	vadd.s32 v5, v0;
	v4 =	vld [tilespmem:$0x1FF50]  }
0x36: {  	v5 =	vand.u32 $0xFFFFFF80, v5  }
0x37: {  	v13 =	vor.u32 v6, v5;
	v5 =	vld [tilespmem:$0x1FFD0];
	_ =	sdelay $0x2  }
0x38: {  	v2 =	vld [tilespmem:$0x1FF70];
	v4 =	vadd.s32 v4, v0  }
0x39: {  	v4 =	vand.u32 $0xFFFFFF80, v4  }
0x3a: {  	v14 =	vor.u32 v5, v4;
	v5 =	vld [tilespmem:$0x1FFF0];
	_ =	sdelay $0x2  }
0x3b: {  	v43 =	vld.idx.msk [tilespmem:v11+s2+$0x0], $0xffff;
	v0 =	vadd.s32 v2, v0  }
0x3c: {  	v2 =	vld.idx.msk [tilespmem:v9+s2+$0x0], $0xffff;
	v0 =	vand.u32 $0xFFFFFF80, v0  }
0x3d: {  	v6 =	vld.idx.msk [tilespmem:v1+s2+$0x0], $0xffff;
	v0 =	vor.u32 v5, v0  }
0x3e: {  	v42 =	vld.idx.msk [tilespmem:v12+s2+$0x0], $0xffff  }
0x3f: {  	v4 =	vld.idx.msk [tilespmem:v3+s2+$0x0], $0xffff  }
0x40: {  	v5 =	vld.idx.msk [tilespmem:v13+s2+$0x0], $0xffff  }
0x41: {  	v41 =	vld.idx.msk [tilespmem:v14+s2+$0x0], $0xffff  }
0x42: {  	v40 =	vld.idx.msk [tilespmem:v0+s2+$0x0], $0xffff;
	_ =	sdelay $0x3  }
0x43: {  	v7 =	vmax.f32 v2, v6  }
0x44: {  	v8 =	vmax.f32 v4, v43;
	v10 =	vmax.f32 v42, v5;
	v15 =	vmax.f32 v41, v40  }
0x45: {  	v7 =	vmax.f32 v7, v8;
	v8 =	vmax.f32 v10, v15  }
0x46: {  	v15 =	vmax.f32 v7, v8  }
0x47: {  	v7 =	vsub.f32 v2, v15  }
0x48: {  	v8 =	vsub.f32 v6, v15  }
0x49: {  	v10 =	vsub.f32 v4, v15;
	v7 =	vmul.f32 $1.442695020e+00, v7  }
0x4a: {  	v16 =	vsub.f32 v43, v15;
	v8 =	vmul.f32 $1.442695020e+00, v8  }
0x4b: {  	(erf) = vpow2.f32 v7;
	v7 =	vmul.f32 $1.442695020e+00, v10;
	v10 =	vsub.f32 v42, v15  }
0x4c: {  	(erf) = vpow2.f32 v8;
	v8 =	vmul.f32 $1.442695020e+00, v16;
	v16 =	vsub.f32 v5, v15  }
0x4d: {  	(erf) = vpow2.f32 v7;
	v7 =	vmul.f32 $1.442695020e+00, v10;
	v10 =	vsub.f32 v41, v15  }
0x4e: {  	(erf) = vpow2.f32 v8;
	v8 =	vmul.f32 $1.442695020e+00, v16;
	v16 =	vsub.f32 v40, v15  }
0x4f: {  	(erf) = vpow2.f32 v7;
	v7 =	vmul.f32 $1.442695020e+00, v10  }
0x50: {  	(erf) = vpow2.f32 v8;
	v8 =	vmul.f32 $1.442695020e+00, v16  }
0x51: {  	(erf) = vpow2.f32 v7  }
0x52: {  	(erf) = vpow2.f32 v8;
	_ =	sdelay $0x1  }
0x53: {  	v16 =	vpop (erf)  }
0x54: {  	v18 =	vpop (erf)  }
0x55: {  	v19 =	vpop (erf)  }
0x56: {  	v20 =	vpop (erf)  }
0x57: {  	v21 =	vpop (erf)  }
0x58: {  	v22 =	vpop (erf)  }
0x59: {  	v23 =	vpop (erf)  }
0x5a: {  	v7 =	vadd.f32 v18, v16;
	v8 =	vadd.f32 v20, v19;
	v24 =	vpop (erf)  }
0x5b: {  	v10 =	vadd.f32 v22, v21;
	v25 =	vadd.f32 v24, v23;
	_ =	sdelay $0x1  }
0x5c: {  	v7 =	vadd.f32 v8, v7;
	v8 =	vadd.f32 v25, v10;
	_ =	sdelay $0x1  }
0x5d: {  	v10 =	vadd.f32 v8, v7;
	_ =	sdelay $0x1  }
0x5e: {  	v7 =	vand.u32 $0x7FFFFF, v10  }
0x5f: {  	v7 =	vor.u32 $0x3F800000, v7  }
0x60: {  	v8 =	vmul.f32 $5.000000000e-01, v7  }
0x61: {  	vm0 =	vgt.f32 v7, $1.414213540e+00  }
0x62: {  	v7 =	vsel vm0, v8, v7  }
0x63: {  	v8 =	vadd.f32 $1.000000000e+00, v7;
	_ =	sdelay $0x1  }
0x64: {  	(erf) = vrcp.f32 v8;
	_ =	sdelay $0x7  }
0x65: {  	v7 =	vadd.f32 $-1.000000000e+00, v7  }
0x66: {  	v8 =	vpop (erf)  }
0x67: {  	v25 =	vmul.f32 v8, v7;
	_ =	sdelay $0x1  }
0x68: {  	v26 =	vmul.f32 v25, v25;
	_ =	sdelay $0x1  }
0x69: {  	v7 =	vmul.f32 $2.222222240e-01, v26;
	_ =	sdelay $0x1  }
0x6a: {  	v7 =	vadd.f32 $2.857142980e-01, v7;
	_ =	sdelay $0x1  }
0x6b: {  	(erf) = vrcp.f32 v10;
	v7 =	vmul.f32 v7, v26;
	_ =	sdelay $0x1  }
0x6c: {  	v8 =	vadd.f32 $4.000000060e-01, v7  }
0x6d: {  	v10 =	vshrl.u32 v10, $0x17  }
0x6e: {  	v10 =	vadd.s32 $0xFFFFFF81, v10;
	v27 =	vmul.f32 v8, v26  }
0x6f: {  	v59 =	vld.idx.msk [tilespmem:v3+s17+$0x0], $0xffff;
	v28 =	vcvt.s32.f32 v10  }
0x70: {  	v45 =	vld.idx.msk [tilespmem:v11+s17+$0x0], $0xffff;
	v27 =	vadd.f32 $6.666666860e-01, v27  }
0x71: {  	v46 =	vld.idx.msk [tilespmem:v12+s17+$0x0], $0xffff  }
0x72: {  	v47 =	vld.idx.msk [tilespmem:v14+s17+$0x0], $0xffff;
	v29 =	vsel vm0, $0x3F800000, v61;
	v26 =	vmul.f32 v27, v26  }
0x73: {  	v52 =	vld.idx.msk [tilespmem:v0+s17+$0x0], $0xffff;
	v27 =	vadd.f32 v28, v29;
	v28 =	vpop (erf)  }
0x74: {  	v10 =	vld.idx.msk [tilespmem:v13+s17+$0x0], $0xffff;
	v16 =	vmul.f32 v28, v16;
	v26 =	vadd.f32 $2.000000000e+00, v26  }
0x75: {  	v7 =	vld.idx.msk [tilespmem:v9+s17+$0x0], $0xffff;
	v18 =	vmul.f32 v28, v18;
	v27 =	vmul.f32 $6.931471820e-01, v27  }
0x76: {  	v8 =	vld.idx.msk [tilespmem:v1+s17+$0x0], $0xffff;
	[tilespmem:v9+s21+$0x0] =	vst.idx.msk $0xffff, v16;
	v9 =	vmul.f32 v28, v19;
	v25 =	vmul.f32 v26, v25  }
0x77: {  	[tilespmem:v1+s21+$0x0] =	vst.idx.msk $0xffff, v18;
	v1 =	vmul.f32 v28, v20  }
0x78: {  	[tilespmem:v3+s21+$0x0] =	vst.idx.msk $0xffff, v9;
	v3 =	vmul.f32 v28, v21;
	v16 =	vadd.f32 v25, v27  }
0x79: {  	[tilespmem:v11+s21+$0x0] =	vst.idx.msk $0xffff, v1;
	v1 =	vmul.f32 v28, v22  }
0x7a: {  	[tilespmem:v12+s21+$0x0] =	vst.idx.msk $0xffff, v3;
	v3 =	vmul.f32 v28, v23;
	v56 =	vadd.f32 v16, v15  }
0x7b: {  	[tilespmem:v13+s21+$0x0] =	vst.idx.msk $0xffff, v1;
	v1 =	vmul.f32 v28, v24  }
0x7c: {  	[tilespmem:v14+s21+$0x0] =	vst.idx.msk $0xffff, v3;
	v9 =	vsub.f32 v2, v56  }
0x7d: {  	v3 =	vsub.f32 v6, v56;
	[tilespmem:v0+s21+$0x0] =	vst.idx.msk $0xffff, v1  }
0x7e: {  	v0 =	vsub.f32 v4, v56;
	[tilespmem:$0x19800] =	vst v9  }
0x7f: {  	s1 =	simm.s32 $0x8;
	v1 =	vsub.f32 v43, v56;
	[tilespmem:$0x19810] =	vst v3  }
0x80: {  	v29 =	vadd.s32 s1, v30;
	v3 =	vsub.f32 v42, v56;
	[tilespmem:$0x19820] =	vst v0  }
0x81: {  	v25 =	vor.u32 $0x7, v29;
	v0 =	vsub.f32 v5, v56;
	[tilespmem:$0x19830] =	vst v1  }
0x82: {  	v1 =	vsub.f32 v41, v56;
	[tilespmem:$0x19840] =	vst v3  }
0x83: {  	v36 =	vadd.s32 $0x8, v29;
	v3 =	vsub.f32 v40, v56;
	[tilespmem:$0x19850] =	vst v0  }
0x84: {  	v27 =	vadd.s32 $0xA, v29;
	[tilespmem:$0x19860] =	vst v1  }
0x85: {  	v31 =	vor.u32 $0x1, v29;
	[tilespmem:$0x19870] =	vst v3  }
0x86: {  	v53 =	vor.u32 $0x2, v29;
	v3 =	vld.idx.msk [tilespmem:v25+s2+$0x0], $0xffff  }
0x87: {  	v34 =	vor.u32 $0x4, v29;
	v48 =	vld.idx.msk [tilespmem:v29+s2+$0x0], $0xffff  }
0x88: {  	v35 =	vor.u32 $0x6, v29;
	v37 =	vld.idx.msk [tilespmem:v36+s2+$0x0], $0xffff  }
0x89: {  	v23 =	vadd.s32 $0xE, v29;
	v57 =	vld.idx.msk [tilespmem:v27+s2+$0x0], $0xffff  }
0x8a: {  	v26 =	vadd.s32 $0xB, v29;
	v60 =	vld.idx.msk [tilespmem:v31+s2+$0x0], $0xffff  }
0x8b: {  	v22 =	vadd.s32 $0xF, v29;
	v9 =	vld.idx.msk [tilespmem:v53+s2+$0x0], $0xffff  }
0x8c: {  	v24 =	vadd.s32 $0xD, v29;
	v15 =	vld.idx.msk [tilespmem:v34+s2+$0x0], $0xffff  }
0x8d: {  	[tilespmem:$0x1FE40] =	vst v30;
	v30 =	vadd.s32 $0xC, v29;
	v58 =	vld.idx.msk [tilespmem:v35+s2+$0x0], $0xffff  }
0x8e: {  	v17 =	vor.u32 $0x3, v29;
	v28 =	vld.idx.msk [tilespmem:v23+s2+$0x0], $0xffff  }
0x8f: {  	v1 =	vor.u32 $0x5, v29;
	v11 =	vld.idx.msk [tilespmem:v26+s2+$0x0], $0xffff  }
0x90: {  	v0 =	vadd.s32 $0x9, v29;
	v18 =	vld.idx.msk [tilespmem:v22+s2+$0x0], $0xffff  }
0x91: {  	v62 =	vld.idx.msk [tilespmem:v24+s2+$0x0], $0xffff  }
0x92: {  	v38 =	vld.idx.msk [tilespmem:v30+s2+$0x0], $0xffff  }
0x93: {  	v63 =	vld.idx.msk [tilespmem:v17+s2+$0x0], $0xffff  }
0x94: {  	v39 =	vld.idx.msk [tilespmem:v1+s2+$0x0], $0xffff  }
0x95: {  	v44 =	vld.idx.msk [tilespmem:v0+s2+$0x0], $0xffff;
	_ =	sdelay $0x2  }
0x96: {  	v13 =	vmax.f32 v58, v3;
	v16 =	vmax.f32 v48, v60;
	v19 =	vmax.f32 v57, v11  }
0x97: {  	v20 =	vmax.f32 v38, v62;
	v21 =	vmax.f32 v9, v63;
	v14 =	vmax.f32 v15, v39  }
0x98: {  	v12 =	vmax.f32 v37, v44;
	v13 =	vmax.f32 v14, v13;
	v14 =	vmax.f32 v28, v18  }
0x99: {  	v16 =	vmax.f32 v16, v21;
	v12 =	vmax.f32 v12, v19;
	v14 =	vmax.f32 v20, v14  }
0x9a: {  	v13 =	vmax.f32 v16, v13;
	v12 =	vmax.f32 v12, v14  }
0x9b: {  	v32 =	vmax.f32 v13, v12  }
0x9c: {  	v12 =	vsub.f32 v48, v32  }
0x9d: {  	v2 =	vmul.f32 v7, v2;
	v14 =	vsub.f32 v57, v32;
	v19 =	vsub.f32 v15, v32  }
0x9e: {  	v16 =	vmul.f32 v46, v42;
	v20 =	vsub.f32 v39, v32;
	v12 =	vmul.f32 $1.442695020e+00, v12  }
0x9f: {  	v21 =	vsub.f32 v60, v32;
	v14 =	vmul.f32 $1.442695020e+00, v14;
	v19 =	vmul.f32 $1.442695020e+00, v19  }
0xa0: {  	v20 =	vmul.f32 $1.442695020e+00, v20;
	(erf) = vpow2.f32 v12;
	v12 =	vsub.f32 v9, v32  }
0xa1: {  	(erf) = vpow2.f32 v14;
	v14 =	vmul.f32 $1.442695020e+00, v21;
	v21 =	vsub.f32 v3, v32  }
0xa2: {  	(erf) = vpow2.f32 v19;
	v12 =	vmul.f32 $1.442695020e+00, v12;
	v19 =	vsub.f32 v38, v32  }
0xa3: {  	(erf) = vpow2.f32 v20;
	v20 =	vsub.f32 v44, v32;
	v21 =	vmul.f32 $1.442695020e+00, v21  }
0xa4: {  	(erf) = vpow2.f32 v14;
	v14 =	vsub.f32 v11, v32;
	v19 =	vmul.f32 $1.442695020e+00, v19  }
0xa5: {  	(erf) = vpow2.f32 v12;
	v12 =	vmul.f32 $1.442695020e+00, v20;
	v20 =	vsub.f32 v37, v32  }
0xa6: {  	(erf) = vpow2.f32 v21;
	v21 =	vsub.f32 v62, v32;
	v14 =	vmul.f32 $1.442695020e+00, v14  }
0xa7: {  	(erf) = vpow2.f32 v19;
	v19 =	vsub.f32 v18, v32;
	v20 =	vmul.f32 $1.442695020e+00, v20  }
0xa8: {  	(erf) = vpow2.f32 v12;
	v12 =	vsub.f32 v28, v32;
	v21 =	vmul.f32 $1.442695020e+00, v21  }
0xa9: {  	v51 =	vpop (erf);
	(erf) = vpow2.f32 v14;
	v14 =	vmul.f32 $1.442695020e+00, v19;
	v19 =	vsub.f32 v58, v32  }
0xaa: {  	(erf) = vpow2.f32 v20;
	v42 =	vpop (erf);
	v20 =	vsub.f32 v63, v32;
	v12 =	vmul.f32 $1.442695020e+00, v12  }
0xab: {  	v50 =	vpop (erf);
	(erf) = vpow2.f32 v21;
	v19 =	vmul.f32 $1.442695020e+00, v19  }
0xac: {  	v49 =	vpop (erf);
	(erf) = vpow2.f32 v14;
	v14 =	vmul.f32 $1.442695020e+00, v20  }
0xad: {  	v4 =	vmul.f32 v59, v4;
	v54 =	vpop (erf);
	(erf) = vpow2.f32 v12  }
0xae: {  	v13 =	vmul.f32 v45, v43;
	v55 =	vpop (erf);
	(erf) = vpow2.f32 v19  }
0xaf: {  	v6 =	vmul.f32 v8, v6;
	v7 =	vadd.f32 v8, v7;
	[tilespmem:$0x1FEF0] =	vst v48;
	(erf) = vpow2.f32 v14;
	v48 =	vpop (erf)  }
0xb0: {  	v8 =	vadd.f32 v45, v59;
	v5 =	vmul.f32 v10, v5;
	v4 =	vadd.f32 v13, v4;
	v14 =	vpop (erf)  }
0xb1: {  	v10 =	vadd.f32 v10, v46;
	v13 =	vadd.f32 v52, v47;
	v12 =	vmul.f32 v47, v41;
	v47 =	vpop (erf)  }
0xb2: {  	v2 =	vadd.f32 v6, v2;
	v6 =	vmul.f32 v52, v40;
	v7 =	vadd.f32 v8, v7;
	v45 =	vpop (erf)  }
0xb3: {  	v5 =	vadd.f32 v5, v16;
	v8 =	vadd.f32 v13, v10;
	v52 =	vpop (erf)  }
0xb4: {  	v2 =	vadd.f32 v4, v2;
	v6 =	vadd.f32 v6, v12;
	v4 =	vpop (erf)  }
0xb5: {  	v7 =	vadd.f32 v8, v7;
	v10 =	vadd.f32 v49, v50;
	v16 =	vpop (erf)  }
0xb6: {  	v12 =	vadd.f32 v54, v51;
	v5 =	vadd.f32 v6, v5;
	v46 =	vpop (erf)  }
0xb7: {  	[tilespmem:$0x1FE60] =	vst v14;
	v8 =	vadd.f32 v45, v42;
	v6 =	vadd.f32 v47, v52;
	v59 =	vpop (erf)  }
0xb8: {  	s31 =	simm.s32 $0x19800;
	[tilespmem:$0x1FE70] =	vst v4;
	v13 =	vadd.f32 v4, v14;
	v14 =	vadd.f32 v16, v46;
	v4 =	vpop (erf)  }
0xb9: {  	v43 =	vmov v17;
	v17 =	vld [tilespmem:s31+$0x0];
	[tilespmem:$0x1FE80] =	vst v16;
	v16 =	vadd.f32 v48, v59;
	v19 =	vadd.f32 v4, v55  }
0xba: {  	v21 =	vld.idx.msk [tilespmem:v35+s17+$0x0], $0xffff;
	v20 =	vadd.f32 v8, v6;
	v13 =	vadd.f32 v14, v13  }
0xbb: {  	v6 =	vld.idx.msk [tilespmem:v0+s17+$0x0], $0xffff;
	v10 =	vadd.f32 v16, v10;
	v12 =	vadd.f32 v19, v12  }
0xbc: {  	v2 =	vadd.f32 v5, v2;
	v5 =	vmul.f32 v56, v7;
	v8 =	vld.idx.msk [tilespmem:v24+s17+$0x0], $0xffff  }
0xbd: {  	v14 =	vld.idx.msk [tilespmem:v53+s17+$0x0], $0xffff;
	v7 =	vadd.f32 v13, v20;
	v10 =	vadd.f32 v10, v12  }
0xbe: {  	v2 =	vsub.f32 v2, v5;
	v13 =	vld.idx.msk [tilespmem:v26+s17+$0x0], $0xffff  }
0xbf: {  	v5 =	vmul.f32 $1.442695020e+00, v17;
	v7 =	vadd.f32 v7, v10;
	v10 =	vld.idx.msk [tilespmem:v43+s17+$0x0], $0xffff  }
0xc0: {  	[tilespmem:$0x1FE90] =	vst v0;
	v0 =	vadd.f32 v2, v33;
	v20 =	vld.idx.msk [tilespmem:v25+s17+$0x0], $0xffff  }
0xc1: {  	[tilespmem:$0x1FEC0] =	vst v17;
	(erf) = vpow2.f32 v5;
	v12 =	vld.idx.msk [tilespmem:v27+s17+$0x0], $0xffff;
	v5 =	vshrl.u32 v7, $0x17;
	v19 =	vand.u32 $0x7FFFFF, v7  }
0xc2: {  	v17 =	vmov v53;
	[tilespmem:$0x1FED0] =	vst v0;
	v0 =	vld.idx.msk [tilespmem:v31+s17+$0x0], $0xffff;
	v5 =	vadd.s32 $0xFFFFFF81, v5;
	v53 =	vor.u32 $0x3F800000, v19  }
0xc3: {  	v40 =	vmovc v27;
	v16 =	vld.idx.msk [tilespmem:v29+s17+$0x0], $0xffff;
	v27 =	vmovc v35;
	v2 =	vmul.f32 v13, v11;
	vm15 =	vgt.f32 v53, $1.414213540e+00;
	v35 =	vcvt.s32.f32 v5  }
0xc4: {  	v11 =	vld.idx.msk [tilespmem:v22+s17+$0x0], $0xffff;
	v19 =	vmul.f32 v10, v63;
	v5 =	vadd.f32 v10, v14;
	v10 =	vsel vm15, $0x3F800000, v61  }
0xc5: {  	[tilespmem:$0x1FEB0] =	vst v26;
	v61 =	vmul.f32 v14, v9;
	v9 =	vmul.f32 v20, v3;
	v14 =	vadd.f32 v20, v21;
	v20 =	vld [tilespmem:$0x1FEF0]  }
0xc6: {  	[tilespmem:$0x1FEE0] =	vst v22;
	(erf) = vrcp.f32 v7;
	v7 =	vmul.f32 v12, v57;
	v13 =	vadd.f32 v13, v12;
	v12 =	vld.idx.msk [tilespmem:v34+s17+$0x0], $0xffff  }
0xc7: {  	[tilespmem:$0x1FE50] =	vst v28;
	v28 =	vmovc v31;
	v41 =	vmovc v34;
	v33 =	vmov v25;
	v56 =	vmul.f32 v0, v60;
	v63 =	vmul.f32 $5.000000000e-01, v53  }
0xc8: {  	v31 =	vmovc v30;
	v60 =	vadd.f32 v0, v16;
	v34 =	vmov v23;
	v3 =	vld.idx.msk [tilespmem:v23+s17+$0x0], $0xffff;
	v57 =	vadd.f32 v35, v10  }
0xc9: {  	v10 =	vmul.f32 v21, v58;
	v0 =	vmul.f32 v11, v18;
	v18 =	vld.idx.msk [tilespmem:v36+s17+$0x0], $0xffff;
	v53 =	vsel vm15, v63, v53  }
0xca: {  	[tilespmem:$0x1FEA0] =	vst v24;
	v21 =	vpop (erf);
	v63 =	vmul.f32 v6, v44;
	v44 =	vmov v36;
	v58 =	vmul.f32 v16, v20;
	v20 =	vld.idx.msk [tilespmem:v1+s17+$0x0], $0xffff  }
0xcb: {  	s0 =	simm.s32 $0x18;
	v35 =	vmovc v1;
	v15 =	vmul.f32 v12, v15;
	v1 =	vmul.f32 v8, v62;
	v16 =	vld.idx.msk [tilespmem:v30+s17+$0x0], $0xffff;
	v62 =	vadd.f32 $1.000000000e+00, v53  }
.LBB2_3:
0xcc: {  	_ =	sdelay $0x2  }
0xcd: {  	v39 =	vmul.f32 v20, v39;
	v12 =	vadd.f32 v20, v12;
	v11 =	vadd.f32 v11, v3;
	v20 =	vpop (erf)  }
0xce: {  	v38 =	vmul.f32 v16, v38;
	v8 =	vadd.f32 v8, v16;
	v16 =	vmul.f32 v20, v21  }
0xcf: {  	(erf) = vrcp.f32 v62  }
0xd0: {  	v6 =	vadd.f32 v6, v18;
	v8 =	vadd.f32 v11, v8;
	v11 =	vmul.f32 v16, v51  }
0xd1: {  	v20 =	vmul.f32 v18, v37;
	v18 =	vmul.f32 v16, v54  }
0xd2: {  	v6 =	vadd.f32 v13, v6;
	v21 =	vld [tilespmem:$0x1FE40];
	v13 =	vmul.f32 v16, v55;
	[tilespmem:v29+s21+$0x0] =	vst.idx.msk $0xffff, v11  }
0xd3: {  	v22 =	vld [tilespmem:$0x1FE90];
	v4 =	vmul.f32 v16, v4;
	[tilespmem:v28+s21+$0x0] =	vst.idx.msk $0xffff, v18  }
0xd4: {  	v11 =	vmul.f32 v16, v50;
	[tilespmem:v17+s21+$0x0] =	vst.idx.msk $0xffff, v13  }
0xd5: {  	v12 =	vadd.f32 v14, v12;
	v14 =	vmul.f32 v16, v49;
	v17 =	vld [tilespmem:$0x1FEB0];
	[tilespmem:v43+s21+$0x0] =	vst.idx.msk $0xffff, v4  }
0xd6: {  	s1 =	smov.u32 s0;
	v4 =	vmul.f32 v16, v59;
	[tilespmem:v41+s21+$0x0] =	vst.idx.msk $0xffff, v11  }
0xd7: {  	v2 =	vadd.f32 v2, v7;
	v7 =	vld [tilespmem:$0x1FE60];
	v29 =	vadd.s32 s1, v21;
	v21 =	vmul.f32 v16, v48;
	[tilespmem:v35+s21+$0x0] =	vst.idx.msk $0xffff, v14  }
0xd8: {  	v18 =	vmul.f32 v16, v52;
	[tilespmem:v27+s21+$0x0] =	vst.idx.msk $0xffff, v4  }
0xd9: {  	v6 =	vadd.f32 v8, v6;
	v8 =	vadd.f32 $-1.000000000e+00, v53;
	v11 =	vmul.f32 v16, v47;
	[tilespmem:v33+s21+$0x0] =	vst.idx.msk $0xffff, v21  }
0xda: {  	v30 =	vpop (erf);
	v13 =	vmul.f32 v16, v42;
	[tilespmem:v44+s21+$0x0] =	vst.idx.msk $0xffff, v18  }
0xdb: {  	v8 =	vmul.f32 v30, v8;
	v4 =	vmul.f32 v16, v45;
	[tilespmem:v22+s21+$0x0] =	vst.idx.msk $0xffff, v11  }
0xdc: {  	v7 =	vmul.f32 v16, v7;
	[tilespmem:v40+s21+$0x0] =	vst.idx.msk $0xffff, v13  }
0xdd: {  	v50 =	vmul.f32 v8, v8;
	[tilespmem:v17+s21+$0x0] =	vst.idx.msk $0xffff, v4  }
0xde: {  	[tilespmem:v31+s21+$0x0] =	vst.idx.msk $0xffff, v7;
	v7 =	vld [tilespmem:$0x1FE50]  }
0xdf: {  	v62 =	vmul.f32 $2.222222240e-01, v50;
	_ =	sdelay $0x1  }
0xe0: {  	v9 =	vadd.f32 v9, v10;
	v10 =	vld [tilespmem:$0x1FEA0];
	v13 =	vadd.f32 $2.857142980e-01, v62  }
0xe1: {  	v4 =	vld [tilespmem:$0x1FE70]  }
0xe2: {  	v3 =	vmul.f32 v3, v7;
	v7 =	vmul.f32 v13, v50;
	_ =	sdelay $0x1  }
0xe3: {  	v0 =	vadd.f32 v0, v3;
	v3 =	vadd.f32 $4.000000060e-01, v7;
	v7 =	vld [tilespmem:$0x1FEE0]  }
0xe4: {  	v17 =	vld [tilespmem:$0x1FE80]  }
0xe5: {  	v4 =	vmul.f32 v16, v4  }
0xe6: {  	v19 =	vadd.f32 v19, v61  }
0xe7: {  	v1 =	vadd.f32 v1, v38;
	v24 =	vor.u32 $0x7, v29;
	[tilespmem:v10+s21+$0x0] =	vst.idx.msk $0xffff, v4;
	v4 =	vadd.f32 v63, v20  }
0xe8: {  	v36 =	vadd.s32 $0x8, v29;
	v61 =	vadd.s32 $0x9, v29;
	v18 =	vmul.f32 v16, v46  }
0xe9: {  	v44 =	vmovc v36;
	v16 =	vmul.f32 v16, v17;
	v2 =	vadd.f32 v2, v4;
	v1 =	vadd.f32 v0, v1  }
0xea: {  	v22 =	vmov v61;
	[tilespmem:v34+s21+$0x0] =	vst.idx.msk $0xffff, v18;
	v3 =	vmul.f32 v3, v50  }
0xeb: {  	v15 =	vadd.f32 v39, v15;
	v21 =	vadd.s32 $0xA, v29;
	v1 =	vadd.f32 v1, v2;
	[tilespmem:v7+s21+$0x0] =	vst.idx.msk $0xffff, v16  }
0xec: {  	v35 =	vor.u32 $0x1, v29;
	v2 =	vadd.f32 $6.666666860e-01, v3;
	v7 =	vadd.f32 v56, v58;
	v53 =	vld.idx.msk [tilespmem:v24+s2+$0x0], $0xffff  }
0xed: {  	v5 =	vadd.f32 v5, v60;
	v11 =	vadd.s32 $0xE, v29;
	v58 =	vld.idx.msk [tilespmem:v29+s2+$0x0], $0xffff  }
0xee: {  	v9 =	vadd.f32 v9, v15;
	v2 =	vmul.f32 v2, v50;
	v37 =	vld.idx.msk [tilespmem:v44+s2+$0x0], $0xffff;
	v4 =	vadd.f32 v19, v7  }
0xef: {  	v5 =	vadd.f32 v12, v5;
	v43 =	vor.u32 $0x2, v29;
	v0 =	vld.idx.msk [tilespmem:v22+s2+$0x0], $0xffff  }
0xf0: {  	v30 =	vadd.s32 $0xC, v29;
	v2 =	vadd.f32 $2.000000000e+00, v2;
	v60 =	vld.idx.msk [tilespmem:v21+s2+$0x0], $0xffff;
	v3 =	vadd.f32 v9, v4  }
0xf1: {  	v49 =	vadd.s32 $0xF, v29;
	v14 =	vadd.s32 $0xD, v29;
	v56 =	vld.idx.msk [tilespmem:v35+s2+$0x0], $0xffff;
	v4 =	vadd.f32 v6, v5  }
0xf2: {  	v23 =	vmovc v14;
	v13 =	vld.idx.msk [tilespmem:v11+s2+$0x0], $0xffff;
	v6 =	vadd.f32 v1, v3;
	v1 =	vmul.f32 $6.931471820e-01, v57;
	v3 =	vmul.f32 v2, v8  }
0xf3: {  	v41 =	vor.u32 $0x6, v29;
	v31 =	vmov v11;
	v11 =	vld [tilespmem:$0x1FEC0]  }
0xf4: {  	v36 =	vor.u32 $0x5, v29;
	v61 =	vld.idx.msk [tilespmem:v43+s2+$0x0], $0xffff;
	v5 =	vadd.f32 v3, v1  }
0xf5: {  	v48 =	vadd.s32 $0xB, v29;
	v28 =	vor.u32 $0x4, v29;
	v38 =	vld.idx.msk [tilespmem:v30+s2+$0x0], $0xffff  }
0xf6: {  	v25 =	vmov v48;
	v3 =	vld.idx.msk [tilespmem:v49+s2+$0x0], $0xffff;
	v9 =	vadd.f32 v5, v32  }
0xf7: {  	v27 =	vor.u32 $0x3, v29;
	v1 =	vld.idx.msk [tilespmem:v23+s2+$0x0], $0xffff  }
0xf8: {  	v62 =	vld.idx.msk [tilespmem:v41+s2+$0x0], $0xffff;
	v9 =	vsub.f32 v9, v11  }
0xf9: {  	v39 =	vld.idx.msk [tilespmem:v36+s2+$0x0], $0xffff  }
0xfa: {  	v57 =	vld.idx.msk [tilespmem:v28+s2+$0x0], $0xffff;
	v4 =	vmul.f32 v9, v4  }
0xfb: {  	v2 =	vld.idx.msk [tilespmem:v25+s2+$0x0], $0xffff  }
0xfc: {  	v5 =	vld.idx.msk [tilespmem:v27+s2+$0x0], $0xffff;
	v9 =	vmax.f32 v13, v3;
	v4 =	vsub.f32 v6, v4;
	v6 =	vmax.f32 v38, v1  }
0xfd: {  	v6 =	vmax.f32 v6, v9;
	v9 =	vld [tilespmem:$0x1FED0];
	_ =	sdelay $0x1  }
0xfe: {  	v7 =	vmax.f32 v37, v0  }
0xff: {  	v8 =	vmax.f32 v58, v56;
	v10 =	vmax.f32 v62, v53;
	v11 =	vmax.f32 v57, v39  }
0x100: {  	v12 =	vmax.f32 v60, v2;
	v10 =	vmax.f32 v11, v10;
	v11 =	vmax.f32 v61, v5  }
0x101: {  	v7 =	vmax.f32 v7, v12;
	v9 =	vadd.f32 v4, v9;
	v4 =	vmax.f32 v8, v11  }
0x102: {  	v6 =	vmax.f32 v7, v6;
	v4 =	vmax.f32 v4, v10  }
0x103: {  	v32 =	vmax.f32 v4, v6  }
0x104: {  	[tilespmem:$0x1FED0] =	vst v9;
	v6 =	vsub.f32 v0, v32;
	v9 =	vsub.f32 v58, v32  }
0x105: {  	[tilespmem:$0x1FE50] =	vst v13;
	v12 =	vsub.f32 v13, v32;
	v13 =	vsub.f32 v60, v32  }
0x106: {  	v16 =	vsub.f32 v57, v32;
	v9 =	vmul.f32 $1.442695020e+00, v9  }
0x107: {  	v11 =	vsub.f32 v39, v32;
	v6 =	vmul.f32 $1.442695020e+00, v6;
	v13 =	vmul.f32 $1.442695020e+00, v13  }
0x108: {  	v4 =	vsub.f32 v56, v32;
	v16 =	vmul.f32 $1.442695020e+00, v16;
	(erf) = vpow2.f32 v9  }
0x109: {  	v7 =	vsub.f32 v61, v32;
	v11 =	vmul.f32 $1.442695020e+00, v11;
	(erf) = vpow2.f32 v13  }
0x10a: {  	v4 =	vmul.f32 $1.442695020e+00, v4;
	v13 =	vsub.f32 v53, v32;
	(erf) = vpow2.f32 v16  }
0x10b: {  	v19 =	vsub.f32 v38, v32;
	v7 =	vmul.f32 $1.442695020e+00, v7;
	(erf) = vpow2.f32 v11  }
0x10c: {  	v8 =	vsub.f32 v1, v32;
	v11 =	vmul.f32 $1.442695020e+00, v13;
	(erf) = vpow2.f32 v4  }
0x10d: {  	v14 =	vsub.f32 v2, v32;
	v19 =	vmul.f32 $1.442695020e+00, v19;
	(erf) = vpow2.f32 v7  }
0x10e: {  	v18 =	vsub.f32 v37, v32;
	v8 =	vmul.f32 $1.442695020e+00, v8;
	(erf) = vpow2.f32 v11  }
0x10f: {  	v10 =	vsub.f32 v3, v32;
	v14 =	vmul.f32 $1.442695020e+00, v14;
	(erf) = vpow2.f32 v19  }
0x110: {  	v15 =	vsub.f32 v5, v32;
	v4 =	vmul.f32 $1.442695020e+00, v18;
	(erf) = vpow2.f32 v6  }
0x111: {  	v10 =	vmul.f32 $1.442695020e+00, v10;
	v51 =	vpop (erf);
	(erf) = vpow2.f32 v14  }
0x112: {  	v9 =	vmul.f32 $1.442695020e+00, v15;
	v15 =	vsub.f32 v62, v32;
	(erf) = vpow2.f32 v4;
	v42 =	vpop (erf)  }
0x113: {  	v4 =	vmul.f32 $1.442695020e+00, v12;
	v50 =	vpop (erf);
	(erf) = vpow2.f32 v8  }
0x114: {  	v20 =	vmov v49;
	v15 =	vmul.f32 $1.442695020e+00, v15;
	v49 =	vpop (erf);
	(erf) = vpow2.f32 v10  }
0x115: {  	v54 =	vpop (erf);
	(erf) = vpow2.f32 v4  }
0x116: {  	v55 =	vpop (erf);
	(erf) = vpow2.f32 v15  }
0x117: {  	v26 =	vmov v21;
	(erf) = vpow2.f32 v9;
	v48 =	vpop (erf)  }
0x118: {  	s31 =	sadd.s32 $0x10, s31;
	v11 =	vpop (erf)  }
0x119: {  	v8 =	vld [tilespmem:s31+$0x0];
	v47 =	vpop (erf)  }
0x11a: {  	v45 =	vpop (erf)  }
0x11b: {  	[tilespmem:$0x1FE90] =	vst v22;
	v52 =	vpop (erf)  }
0x11c: {  	v18 =	vld.idx.msk [tilespmem:v26+s17+$0x0], $0xffff;
	[tilespmem:$0x1FE60] =	vst v11;
	v6 =	vadd.f32 v45, v42;
	v4 =	vadd.f32 v47, v52;
	v12 =	vpop (erf)  }
0x11d: {  	v13 =	vpop (erf);
	[tilespmem:$0x1FE70] =	vst v12;
	v12 =	vadd.f32 v12, v11;
	v11 =	vld.idx.msk [tilespmem:v20+s17+$0x0], $0xffff  }
0x11e: {  	[tilespmem:$0x1FEC0] =	vst v8;
	v8 =	vmul.f32 $1.442695020e+00, v8;
	v9 =	vadd.f32 v6, v4;
	v46 =	vpop (erf);
	v6 =	vld.idx.msk [tilespmem:v22+s17+$0x0], $0xffff  }
0x11f: {  	v7 =	vadd.f32 v49, v50;
	[tilespmem:$0x1FE80] =	vst v13;
	v22 =	vld.idx.msk [tilespmem:v29+s17+$0x0], $0xffff;
	v13 =	vadd.f32 v13, v46;
	v59 =	vpop (erf)  }
0x120: {  	v10 =	vadd.f32 v54, v51;
	(erf) = vpow2.f32 v8;
	v8 =	vld.idx.msk [tilespmem:v23+s17+$0x0], $0xffff;
	v14 =	vadd.f32 v48, v59;
	v4 =	vpop (erf)  }
0x121: {  	v15 =	vadd.f32 v4, v55;
	v12 =	vadd.f32 v13, v12;
	v13 =	vld.idx.msk [tilespmem:v25+s17+$0x0], $0xffff  }
0x122: {  	[tilespmem:$0x1FEB0] =	vst v25;
	v25 =	vld.idx.msk [tilespmem:v35+s17+$0x0], $0xffff  }
0x123: {  	v7 =	vadd.f32 v14, v7;
	v14 =	vld.idx.msk [tilespmem:v43+s17+$0x0], $0xffff;
	v10 =	vadd.f32 v15, v10  }
0x124: {  	v9 =	vadd.f32 v12, v9;
	v12 =	vld.idx.msk [tilespmem:v28+s17+$0x0], $0xffff  }
0x125: {  	[tilespmem:$0x1FEA0] =	vst v23;
	v63 =	vmul.f32 v6, v0;
	v7 =	vadd.f32 v7, v10  }
0x126: {  	v33 =	vmovc v24;
	v40 =	vmov v26;
	v0 =	vmul.f32 v11, v3;
	v58 =	vmul.f32 v22, v58;
	v10 =	vld.idx.msk [tilespmem:v27+s17+$0x0], $0xffff  }
0x127: {  	v23 =	vld.idx.msk [tilespmem:v24+s17+$0x0], $0xffff;
	v1 =	vmul.f32 v8, v1;
	v2 =	vmul.f32 v13, v2;
	v3 =	vadd.f32 v9, v7  }
0x128: {  	v24 =	vld.idx.msk [tilespmem:v41+s17+$0x0], $0xffff;
	v13 =	vadd.f32 v13, v18;
	v56 =	vmul.f32 v25, v56;
	v61 =	vmul.f32 v14, v61  }
0x129: {  	v17 =	vmovc v43;
	v43 =	vmovc v27;
	v15 =	vmul.f32 v12, v57;
	v7 =	vshrl.u32 v3, $0x17;
	v9 =	vand.u32 $0x7FFFFF, v3  }
0x12a: {  	p0 =	sne.s32 s0, $0x78;
	v21 =	vpop (erf);
	(erf) = vrcp.f32 v3;
	v7 =	vadd.s32 $0xFFFFFF81, v7;
	v26 =	vor.u32 $0x3F800000, v9  }
.Ltmp0:
0x12b: {  	v27 =	vmovc v41;
	v41 =	vmovc v28;
	v19 =	vmul.f32 v10, v5;
	v5 =	vadd.f32 v10, v14;
	vm0 =	vgt.f32 v26, $1.414213540e+00;
	(pc) =	sbr.rel @p0 .LBB2_3-.Ltmp0, $4  }
0x12c: {  	[tilespmem:$0x1FEE0] =	vst v20;
	v20 =	vld.idx.msk [tilespmem:v36+s17+$0x0], $0xffff;
	v28 =	vmovc v35;
	v35 =	vmovc v36;
	v57 =	vcvt.s32.f32 v7;
	v7 =	vimm.f32 $0.0e+00;
	v36 =	vmul.f32 $5.000000000e-01, v26  }
0x12d: {  	v34 =	vmovc v31;
	v16 =	vld.idx.msk [tilespmem:v30+s17+$0x0], $0xffff;
	v9 =	vmul.f32 v23, v53;
	v14 =	vadd.f32 v23, v24;
	v10 =	vsel vm0, $0x3F800000, v7  }
0x12e: {  	v3 =	vld.idx.msk [tilespmem:v31+s17+$0x0], $0xffff;
	v7 =	vmul.f32 v18, v60;
	v60 =	vadd.f32 v25, v22;
	v53 =	vsel vm0, v36, v26  }
0x12f: {  	s0 =	sadd.s32 $0x10, s0;
	v31 =	vmovc v30;
	v18 =	vld.idx.msk [tilespmem:v44+s17+$0x0], $0xffff;
	v57 =	vadd.f32 v57, v10;
	v10 =	vmul.f32 v24, v62;
	v62 =	vadd.f32 $1.000000000e+00, v53  }
0x130: {  	_ = 	snop  }
0x131: {  	(erf) = vrcp.f32 v62;
	_ =	sdelay $0x7  }
0x132: {  	v22 =	vadd.f32 $-1.000000000e+00, v53;
	v23 =	vpop (erf)  }
0x133: {  	v24 =	vpop (erf)  }
0x134: {  	v22 =	vmul.f32 v24, v22;
	_ =	sdelay $0x1  }
0x135: {  	v24 =	vmul.f32 v22, v22;
	_ =	sdelay $0x1  }
0x136: {  	v36 =	vmul.f32 $2.222222240e-01, v24  }
0x137: {  	v21 =	vmul.f32 v23, v21  }
0x138: {  	v19 =	vadd.f32 v19, v61;
	v23 =	vadd.f32 $2.857142980e-01, v36  }
0x139: {  	v2 =	vadd.f32 v2, v7;
	v5 =	vadd.f32 v5, v60;
	v25 =	vmul.f32 v21, v51  }
0x13a: {  	v12 =	vadd.f32 v20, v12;
	v26 =	vmul.f32 v21, v54;
	v23 =	vmul.f32 v23, v24  }
0x13b: {  	v8 =	vadd.f32 v8, v16;
	v53 =	vmul.f32 v21, v55;
	[tilespmem:v29+s21+$0x0] =	vst.idx.msk $0xffff, v25  }
0x13c: {  	v11 =	vadd.f32 v11, v3;
	v4 =	vmul.f32 v21, v4;
	[tilespmem:v28+s21+$0x0] =	vst.idx.msk $0xffff, v26;
	v54 =	vadd.f32 $4.000000060e-01, v23  }
0x13d: {  	v6 =	vadd.f32 v6, v18;
	v30 =	vmul.f32 v18, v37;
	[tilespmem:v17+s21+$0x0] =	vst.idx.msk $0xffff, v53  }
0x13e: {  	v55 =	vmul.f32 v20, v39;
	[tilespmem:v43+s21+$0x0] =	vst.idx.msk $0xffff, v4;
	v4 =	vmul.f32 v54, v24  }
0x13f: {  	v8 =	vadd.f32 v11, v8;
	v61 =	vmul.f32 v21, v50;
	v62 =	vmul.f32 v21, v49  }
0x140: {  	v6 =	vadd.f32 v13, v6;
	v39 =	vmul.f32 v21, v52;
	v36 =	vld [tilespmem:$0x1FE50];
	v4 =	vadd.f32 $6.666666860e-01, v4  }
0x141: {  	v7 =	vadd.f32 v63, v30;
	v47 =	vmul.f32 v21, v47;
	v52 =	vmul.f32 v21, v42  }
0x142: {  	v15 =	vadd.f32 v55, v15;
	v29 =	vmul.f32 v16, v38;
	v4 =	vmul.f32 v4, v24  }
0x143: {  	v49 =	vld [tilespmem:$0x1FE90];
	v6 =	vadd.f32 v8, v6;
	v38 =	vmul.f32 v21, v48;
	v2 =	vadd.f32 v2, v7  }
0x144: {  	v26 =	vadd.f32 v14, v12;
	v28 =	vmul.f32 v21, v59;
	v4 =	vadd.f32 $2.000000000e+00, v4  }
0x145: {  	v55 =	vld [tilespmem:$0x1FEB0];
	v1 =	vadd.f32 v1, v29;
	v53 =	vmul.f32 v21, v45;
	v37 =	vmul.f32 v3, v36  }
0x146: {  	v60 =	vld [tilespmem:$0x1FEA0];
	v43 =	vadd.f32 v56, v58;
	[tilespmem:v41+s21+$0x0] =	vst.idx.msk $0xffff, v61;
	v41 =	vmul.f32 $6.931471820e-01, v57;
	v4 =	vmul.f32 v4, v22  }
0x147: {  	[tilespmem:v35+s21+$0x0] =	vst.idx.msk $0xffff, v62;
	v35 =	vadd.f32 v9, v10;
	v54 =	vld [tilespmem:$0x1FEC0];
	v0 =	vadd.f32 v0, v37  }
0x148: {  	v56 =	vld [tilespmem:$0x1FE60];
	v50 =	vadd.f32 v19, v43;
	[tilespmem:v27+s21+$0x0] =	vst.idx.msk $0xffff, v28;
	v48 =	vadd.f32 v4, v41  }
0x149: {  	v58 =	vld [tilespmem:$0x1FE70];
	[tilespmem:v33+s21+$0x0] =	vst.idx.msk $0xffff, v38;
	v8 =	vadd.f32 v35, v15;
	v0 =	vadd.f32 v0, v1  }
0x14a: {  	v51 =	vadd.f32 v26, v5;
	v62 =	vld [tilespmem:$0x1FEE0];
	[tilespmem:v44+s21+$0x0] =	vst.idx.msk $0xffff, v39;
	v3 =	vadd.f32 v48, v32  }
0x14b: {  	v61 =	vld [tilespmem:$0x1FE80];
	[tilespmem:v49+s21+$0x0] =	vst.idx.msk $0xffff, v47;
	v1 =	vadd.f32 v8, v50;
	v0 =	vadd.f32 v0, v2  }
0x14c: {  	s30 =	sadd.s32 $0x1, s30;
	[tilespmem:v40+s21+$0x0] =	vst.idx.msk $0xffff, v52;
	v4 =	vadd.f32 v6, v51;
	v3 =	vsub.f32 v3, v54  }
0x14d: {  	p0 =	sne.s32 s30, $0x8;
	v63 =	vld [tilespmem:$0x1FED0];
	[tilespmem:v55+s21+$0x0] =	vst.idx.msk $0xffff, v53;
	v2 =	vmul.f32 v21, v56  }
.Ltmp1:
0x14e: {  	v0 =	vadd.f32 v0, v1;
	v57 =	vmul.f32 v3, v4;
	v3 =	vmul.f32 v21, v58;
	(pc) =	sbr.rel @p0 .LBB2_2-.Ltmp1, $4  }
0x14f: {  	v59 =	vmul.f32 v21, v46;
	[tilespmem:v31+s21+$0x0] =	vst.idx.msk $0xffff, v2  }
0x150: {  	[tilespmem:v60+s21+$0x0] =	vst.idx.msk $0xffff, v3;
	v3 =	vmul.f32 v21, v61;
	v0 =	vsub.f32 v0, v57  }
0x151: {  	[tilespmem:v34+s21+$0x0] =	vst.idx.msk $0xffff, v59  }
0x152: {  	v61 =	vimm.f32 $0.0e+00;
	[tilespmem:v62+s21+$0x0] =	vst.idx.msk $0xffff, v3;
	v33 =	vadd.f32 v0, v63  }
0x153: {  	s30 =	simm.s32 $0x0  }
0x154: {  	[hbm4b:s7+s30] =	stream.linear.scatter [tilespmem:s21], [sflag:$0x3], $0x4400, $0x38;
	[tilespmem:$0x19900] =	vst v63  }
0x155: {  	_ = 	snop  }
0x156: {  	[tilespmem:s30], [sflag:$0x1] =	stream.linear.gather [hbm4b:s8+s30], $0x4400, $0x38;
	[tilespmem:$0x19900] =	vst v63  }
0x157: {  	_ = 	snop  }
0x158: {  	[tilespmem:s17], [sflag:$0x1] =	stream.linear.gather [hbm4b:s9+s30], $0x4400, $0x38;
	[tilespmem:$0x19900] =	vst v63  }
0x159: {  	_ =	swait.ge [sflag:s22], $0x4400  }
0x15a: {  	[sflag:s22] =	ssyncset.done $0x0  }
0x15b: {  	[sflag:s22] =	ssyncadd.s32 $0xFFFFBC00  }
0x15c: {  	_ =	swait.ge [sflag:s22], $0x4400  }
0x15d: {  	[sflag:s22] =	ssyncset.done $0x0  }
0x15e: {  	[sflag:s22] =	ssyncadd.s32 $0xFFFFBC00  }
.LBB2_6:
0x15f: {  	s0 =	sshll.u32 s30, $0x4  }
0x160: {  	v1 =	vld [tilespmem:$0x1FF60];
	v0 =	vmov s0  }
0x161: {  	v0 =	vmul.u32 $0x88, v0  }
0x162: {  	v4 =	vld [tilespmem:$0x1FFE0]  }
0x163: {  	v0 =	vbroadcast v0, $0x0;
	_ =	sdelay $0x1  }
0x164: {  	v30 =	vadd.s32 v1, v0  }
0x165: {  	v1 =	vld [tilespmem:$0x1FF00];
	v2 =	vand.u32 $0xFFFFFF80, v30  }
0x166: {  	v9 =	vor.u32 v4, v2;
	v2 =	vld [tilespmem:$0x1FF20]  }
0x167: {  	v4 =	vld [tilespmem:$0x1FF80];
	_ =	sdelay $0x1  }
0x168: {  	v6 =	vld [tilespmem:$0x1FFA0]  }
0x169: {  	v3 =	vld [tilespmem:$0x1FF10];
	v1 =	vadd.s32 v1, v0  }
0x16a: {  	v5 =	vld [tilespmem:$0x1FF90];
	v1 =	vand.u32 $0xFFFFFF80, v1  }
0x16b: {  	v2 =	vadd.s32 v2, v0;
	v1 =	vor.u32 v4, v1;
	v4 =	vld [tilespmem:$0x1FF30]  }
0x16c: {  	v2 =	vand.u32 $0xFFFFFF80, v2  }
0x16d: {  	v11 =	vor.u32 v6, v2;
	v6 =	vld [tilespmem:$0x1FFB0]  }
0x16e: {  	v3 =	vadd.s32 v3, v0  }
0x16f: {  	v3 =	vand.u32 $0xFFFFFF80, v3  }
0x170: {  	v3 =	vor.u32 v5, v3;
	v5 =	vld [tilespmem:$0x1FF40];
	v4 =	vadd.s32 v4, v0  }
0x171: {  	v2 =	vand.u32 $0xFFFFFF80, v4  }
0x172: {  	v12 =	vor.u32 v6, v2;
	v6 =	vld [tilespmem:$0x1FFC0];
	_ =	sdelay $0x2  }
0x173: {  	v5 =	vadd.s32 v5, v0;
	v4 =	vld [tilespmem:$0x1FF50]  }
0x174: {  	v5 =	vand.u32 $0xFFFFFF80, v5  }
0x175: {  	v13 =	vor.u32 v6, v5;
	v5 =	vld [tilespmem:$0x1FFD0];
	_ =	sdelay $0x2  }
0x176: {  	v2 =	vld [tilespmem:$0x1FF70];
	v4 =	vadd.s32 v4, v0  }
0x177: {  	v4 =	vand.u32 $0xFFFFFF80, v4  }
0x178: {  	v14 =	vor.u32 v5, v4;
	v5 =	vld [tilespmem:$0x1FFF0];
	_ =	sdelay $0x2  }
0x179: {  	v43 =	vld.idx.msk [tilespmem:v11+s18+$0x0], $0xffff;
	v0 =	vadd.s32 v2, v0  }
0x17a: {  	v2 =	vld.idx.msk [tilespmem:v9+s18+$0x0], $0xffff;
	v0 =	vand.u32 $0xFFFFFF80, v0  }
0x17b: {  	v6 =	vld.idx.msk [tilespmem:v1+s18+$0x0], $0xffff;
	v0 =	vor.u32 v5, v0  }
0x17c: {  	v42 =	vld.idx.msk [tilespmem:v12+s18+$0x0], $0xffff  }
0x17d: {  	v4 =	vld.idx.msk [tilespmem:v3+s18+$0x0], $0xffff  }
0x17e: {  	v5 =	vld.idx.msk [tilespmem:v13+s18+$0x0], $0xffff  }
0x17f: {  	v41 =	vld.idx.msk [tilespmem:v14+s18+$0x0], $0xffff  }
0x180: {  	v40 =	vld.idx.msk [tilespmem:v0+s18+$0x0], $0xffff;
	_ =	sdelay $0x3  }
0x181: {  	v7 =	vmax.f32 v2, v6  }
0x182: {  	v8 =	vmax.f32 v4, v43;
	v10 =	vmax.f32 v42, v5;
	v15 =	vmax.f32 v41, v40  }
0x183: {  	v7 =	vmax.f32 v7, v8;
	v8 =	vmax.f32 v10, v15  }
0x184: {  	v15 =	vmax.f32 v7, v8  }
0x185: {  	v7 =	vsub.f32 v2, v15  }
0x186: {  	v8 =	vsub.f32 v6, v15  }
0x187: {  	v10 =	vsub.f32 v4, v15;
	v7 =	vmul.f32 $1.442695020e+00, v7  }
0x188: {  	v16 =	vsub.f32 v43, v15;
	v8 =	vmul.f32 $1.442695020e+00, v8  }
0x189: {  	(erf) = vpow2.f32 v7;
	v7 =	vmul.f32 $1.442695020e+00, v10;
	v10 =	vsub.f32 v42, v15  }
0x18a: {  	(erf) = vpow2.f32 v8;
	v8 =	vmul.f32 $1.442695020e+00, v16;
	v16 =	vsub.f32 v5, v15  }
0x18b: {  	(erf) = vpow2.f32 v7;
	v7 =	vmul.f32 $1.442695020e+00, v10;
	v10 =	vsub.f32 v41, v15  }
0x18c: {  	(erf) = vpow2.f32 v8;
	v8 =	vmul.f32 $1.442695020e+00, v16;
	v16 =	vsub.f32 v40, v15  }
0x18d: {  	(erf) = vpow2.f32 v7;
	v7 =	vmul.f32 $1.442695020e+00, v10  }
0x18e: {  	(erf) = vpow2.f32 v8;
	v8 =	vmul.f32 $1.442695020e+00, v16  }
0x18f: {  	(erf) = vpow2.f32 v7  }
0x190: {  	(erf) = vpow2.f32 v8;
	_ =	sdelay $0x1  }
0x191: {  	v16 =	vpop (erf)  }
0x192: {  	v18 =	vpop (erf)  }
0x193: {  	v19 =	vpop (erf)  }
0x194: {  	v20 =	vpop (erf)  }
0x195: {  	v21 =	vpop (erf)  }
0x196: {  	v22 =	vpop (erf)  }
0x197: {  	v23 =	vpop (erf)  }
0x198: {  	v7 =	vadd.f32 v18, v16;
	v8 =	vadd.f32 v20, v19;
	v24 =	vpop (erf)  }
0x199: {  	v10 =	vadd.f32 v22, v21;
	v25 =	vadd.f32 v24, v23;
	_ =	sdelay $0x1  }
0x19a: {  	v7 =	vadd.f32 v8, v7;
	v8 =	vadd.f32 v25, v10;
	_ =	sdelay $0x1  }
0x19b: {  	v10 =	vadd.f32 v8, v7;
	_ =	sdelay $0x1  }
0x19c: {  	v7 =	vand.u32 $0x7FFFFF, v10  }
0x19d: {  	v7 =	vor.u32 $0x3F800000, v7  }
0x19e: {  	v8 =	vmul.f32 $5.000000000e-01, v7  }
0x19f: {  	vm0 =	vgt.f32 v7, $1.414213540e+00  }
0x1a0: {  	v7 =	vsel vm0, v8, v7  }
0x1a1: {  	v8 =	vadd.f32 $1.000000000e+00, v7;
	_ =	sdelay $0x1  }
0x1a2: {  	(erf) = vrcp.f32 v8;
	_ =	sdelay $0x7  }
0x1a3: {  	v7 =	vadd.f32 $-1.000000000e+00, v7  }
0x1a4: {  	v8 =	vpop (erf)  }
0x1a5: {  	v25 =	vmul.f32 v8, v7;
	_ =	sdelay $0x1  }
0x1a6: {  	v26 =	vmul.f32 v25, v25;
	_ =	sdelay $0x1  }
0x1a7: {  	v7 =	vmul.f32 $2.222222240e-01, v26;
	_ =	sdelay $0x1  }
0x1a8: {  	v7 =	vadd.f32 $2.857142980e-01, v7;
	_ =	sdelay $0x1  }
0x1a9: {  	(erf) = vrcp.f32 v10;
	v7 =	vmul.f32 v7, v26;
	_ =	sdelay $0x1  }
0x1aa: {  	v8 =	vadd.f32 $4.000000060e-01, v7  }
0x1ab: {  	v10 =	vshrl.u32 v10, $0x17  }
0x1ac: {  	v10 =	vadd.s32 $0xFFFFFF81, v10;
	v27 =	vmul.f32 v8, v26  }
0x1ad: {  	v59 =	vld.idx.msk [tilespmem:v3+s19+$0x0], $0xffff;
	v28 =	vcvt.s32.f32 v10  }
0x1ae: {  	v45 =	vld.idx.msk [tilespmem:v11+s19+$0x0], $0xffff;
	v27 =	vadd.f32 $6.666666860e-01, v27  }
0x1af: {  	v46 =	vld.idx.msk [tilespmem:v12+s19+$0x0], $0xffff  }
0x1b0: {  	v47 =	vld.idx.msk [tilespmem:v14+s19+$0x0], $0xffff;
	v29 =	vsel vm0, $0x3F800000, v61;
	v26 =	vmul.f32 v27, v26  }
0x1b1: {  	v52 =	vld.idx.msk [tilespmem:v0+s19+$0x0], $0xffff;
	v27 =	vadd.f32 v28, v29;
	v28 =	vpop (erf)  }
0x1b2: {  	v10 =	vld.idx.msk [tilespmem:v13+s19+$0x0], $0xffff;
	v16 =	vmul.f32 v28, v16;
	v26 =	vadd.f32 $2.000000000e+00, v26  }
0x1b3: {  	v7 =	vld.idx.msk [tilespmem:v9+s19+$0x0], $0xffff;
	v18 =	vmul.f32 v28, v18;
	v27 =	vmul.f32 $6.931471820e-01, v27  }
0x1b4: {  	v8 =	vld.idx.msk [tilespmem:v1+s19+$0x0], $0xffff;
	[tilespmem:v9+s23+$0x0] =	vst.idx.msk $0xffff, v16;
	v9 =	vmul.f32 v28, v19;
	v25 =	vmul.f32 v26, v25  }
0x1b5: {  	[tilespmem:v1+s23+$0x0] =	vst.idx.msk $0xffff, v18;
	v1 =	vmul.f32 v28, v20  }
0x1b6: {  	[tilespmem:v3+s23+$0x0] =	vst.idx.msk $0xffff, v9;
	v3 =	vmul.f32 v28, v21;
	v16 =	vadd.f32 v25, v27  }
0x1b7: {  	[tilespmem:v11+s23+$0x0] =	vst.idx.msk $0xffff, v1;
	v1 =	vmul.f32 v28, v22  }
0x1b8: {  	[tilespmem:v12+s23+$0x0] =	vst.idx.msk $0xffff, v3;
	v3 =	vmul.f32 v28, v23;
	v56 =	vadd.f32 v16, v15  }
0x1b9: {  	[tilespmem:v13+s23+$0x0] =	vst.idx.msk $0xffff, v1;
	v1 =	vmul.f32 v28, v24  }
0x1ba: {  	[tilespmem:v14+s23+$0x0] =	vst.idx.msk $0xffff, v3;
	v9 =	vsub.f32 v2, v56  }
0x1bb: {  	v3 =	vsub.f32 v6, v56;
	[tilespmem:v0+s23+$0x0] =	vst.idx.msk $0xffff, v1  }
0x1bc: {  	v0 =	vsub.f32 v4, v56;
	[tilespmem:$0x19800] =	vst v9  }
0x1bd: {  	s1 =	simm.s32 $0x8;
	v1 =	vsub.f32 v43, v56;
	[tilespmem:$0x19810] =	vst v3  }
0x1be: {  	v29 =	vadd.s32 s1, v30;
	v3 =	vsub.f32 v42, v56;
	[tilespmem:$0x19820] =	vst v0  }
0x1bf: {  	v25 =	vor.u32 $0x7, v29;
	v0 =	vsub.f32 v5, v56;
	[tilespmem:$0x19830] =	vst v1  }
0x1c0: {  	v1 =	vsub.f32 v41, v56;
	[tilespmem:$0x19840] =	vst v3  }
0x1c1: {  	v36 =	vadd.s32 $0x8, v29;
	v3 =	vsub.f32 v40, v56;
	[tilespmem:$0x19850] =	vst v0  }
0x1c2: {  	v27 =	vadd.s32 $0xA, v29;
	[tilespmem:$0x19860] =	vst v1  }
0x1c3: {  	v31 =	vor.u32 $0x1, v29;
	[tilespmem:$0x19870] =	vst v3  }
0x1c4: {  	v53 =	vor.u32 $0x2, v29;
	v3 =	vld.idx.msk [tilespmem:v25+s18+$0x0], $0xffff  }
0x1c5: {  	v34 =	vor.u32 $0x4, v29;
	v48 =	vld.idx.msk [tilespmem:v29+s18+$0x0], $0xffff  }
0x1c6: {  	v35 =	vor.u32 $0x6, v29;
	v37 =	vld.idx.msk [tilespmem:v36+s18+$0x0], $0xffff  }
0x1c7: {  	v23 =	vadd.s32 $0xE, v29;
	v57 =	vld.idx.msk [tilespmem:v27+s18+$0x0], $0xffff  }
0x1c8: {  	v26 =	vadd.s32 $0xB, v29;
	v60 =	vld.idx.msk [tilespmem:v31+s18+$0x0], $0xffff  }
0x1c9: {  	v22 =	vadd.s32 $0xF, v29;
	v9 =	vld.idx.msk [tilespmem:v53+s18+$0x0], $0xffff  }
0x1ca: {  	v24 =	vadd.s32 $0xD, v29;
	v15 =	vld.idx.msk [tilespmem:v34+s18+$0x0], $0xffff  }
0x1cb: {  	[tilespmem:$0x1FD80] =	vst v30;
	v30 =	vadd.s32 $0xC, v29;
	v58 =	vld.idx.msk [tilespmem:v35+s18+$0x0], $0xffff  }
0x1cc: {  	v17 =	vor.u32 $0x3, v29;
	v28 =	vld.idx.msk [tilespmem:v23+s18+$0x0], $0xffff  }
0x1cd: {  	v1 =	vor.u32 $0x5, v29;
	v11 =	vld.idx.msk [tilespmem:v26+s18+$0x0], $0xffff  }
0x1ce: {  	v0 =	vadd.s32 $0x9, v29;
	v18 =	vld.idx.msk [tilespmem:v22+s18+$0x0], $0xffff  }
0x1cf: {  	v62 =	vld.idx.msk [tilespmem:v24+s18+$0x0], $0xffff  }
0x1d0: {  	v38 =	vld.idx.msk [tilespmem:v30+s18+$0x0], $0xffff  }
0x1d1: {  	v63 =	vld.idx.msk [tilespmem:v17+s18+$0x0], $0xffff  }
0x1d2: {  	v39 =	vld.idx.msk [tilespmem:v1+s18+$0x0], $0xffff  }
0x1d3: {  	v44 =	vld.idx.msk [tilespmem:v0+s18+$0x0], $0xffff;
	_ =	sdelay $0x2  }
0x1d4: {  	v13 =	vmax.f32 v58, v3;
	v16 =	vmax.f32 v48, v60;
	v19 =	vmax.f32 v57, v11  }
0x1d5: {  	v20 =	vmax.f32 v38, v62;
	v21 =	vmax.f32 v9, v63;
	v14 =	vmax.f32 v15, v39  }
0x1d6: {  	v12 =	vmax.f32 v37, v44;
	v13 =	vmax.f32 v14, v13;
	v14 =	vmax.f32 v28, v18  }
0x1d7: {  	v16 =	vmax.f32 v16, v21;
	v12 =	vmax.f32 v12, v19;
	v14 =	vmax.f32 v20, v14  }
0x1d8: {  	v13 =	vmax.f32 v16, v13;
	v12 =	vmax.f32 v12, v14  }
0x1d9: {  	v32 =	vmax.f32 v13, v12  }
0x1da: {  	v12 =	vsub.f32 v48, v32  }
0x1db: {  	v2 =	vmul.f32 v7, v2;
	v14 =	vsub.f32 v57, v32;
	v19 =	vsub.f32 v15, v32  }
0x1dc: {  	v16 =	vmul.f32 v46, v42;
	v20 =	vsub.f32 v39, v32;
	v12 =	vmul.f32 $1.442695020e+00, v12  }
0x1dd: {  	v21 =	vsub.f32 v60, v32;
	v14 =	vmul.f32 $1.442695020e+00, v14;
	v19 =	vmul.f32 $1.442695020e+00, v19  }
0x1de: {  	v20 =	vmul.f32 $1.442695020e+00, v20;
	(erf) = vpow2.f32 v12;
	v12 =	vsub.f32 v9, v32  }
0x1df: {  	(erf) = vpow2.f32 v14;
	v14 =	vmul.f32 $1.442695020e+00, v21;
	v21 =	vsub.f32 v3, v32  }
0x1e0: {  	(erf) = vpow2.f32 v19;
	v12 =	vmul.f32 $1.442695020e+00, v12;
	v19 =	vsub.f32 v38, v32  }
0x1e1: {  	(erf) = vpow2.f32 v20;
	v20 =	vsub.f32 v44, v32;
	v21 =	vmul.f32 $1.442695020e+00, v21  }
0x1e2: {  	(erf) = vpow2.f32 v14;
	v14 =	vsub.f32 v11, v32;
	v19 =	vmul.f32 $1.442695020e+00, v19  }
0x1e3: {  	(erf) = vpow2.f32 v12;
	v12 =	vmul.f32 $1.442695020e+00, v20;
	v20 =	vsub.f32 v37, v32  }
0x1e4: {  	(erf) = vpow2.f32 v21;
	v21 =	vsub.f32 v62, v32;
	v14 =	vmul.f32 $1.442695020e+00, v14  }
0x1e5: {  	(erf) = vpow2.f32 v19;
	v19 =	vsub.f32 v18, v32;
	v20 =	vmul.f32 $1.442695020e+00, v20  }
0x1e6: {  	(erf) = vpow2.f32 v12;
	v12 =	vsub.f32 v28, v32;
	v21 =	vmul.f32 $1.442695020e+00, v21  }
0x1e7: {  	v51 =	vpop (erf);
	(erf) = vpow2.f32 v14;
	v14 =	vmul.f32 $1.442695020e+00, v19;
	v19 =	vsub.f32 v58, v32  }
0x1e8: {  	(erf) = vpow2.f32 v20;
	v42 =	vpop (erf);
	v20 =	vsub.f32 v63, v32;
	v12 =	vmul.f32 $1.442695020e+00, v12  }
0x1e9: {  	v50 =	vpop (erf);
	(erf) = vpow2.f32 v21;
	v19 =	vmul.f32 $1.442695020e+00, v19  }
0x1ea: {  	v49 =	vpop (erf);
	(erf) = vpow2.f32 v14;
	v14 =	vmul.f32 $1.442695020e+00, v20  }
0x1eb: {  	v4 =	vmul.f32 v59, v4;
	v54 =	vpop (erf);
	(erf) = vpow2.f32 v12  }
0x1ec: {  	v13 =	vmul.f32 v45, v43;
	v55 =	vpop (erf);
	(erf) = vpow2.f32 v19  }
0x1ed: {  	v6 =	vmul.f32 v8, v6;
	v7 =	vadd.f32 v8, v7;
	[tilespmem:$0x1FE30] =	vst v48;
	(erf) = vpow2.f32 v14;
	v48 =	vpop (erf)  }
0x1ee: {  	v8 =	vadd.f32 v45, v59;
	v5 =	vmul.f32 v10, v5;
	v4 =	vadd.f32 v13, v4;
	v14 =	vpop (erf)  }
0x1ef: {  	v10 =	vadd.f32 v10, v46;
	v13 =	vadd.f32 v52, v47;
	v12 =	vmul.f32 v47, v41;
	v47 =	vpop (erf)  }
0x1f0: {  	v2 =	vadd.f32 v6, v2;
	v6 =	vmul.f32 v52, v40;
	v7 =	vadd.f32 v8, v7;
	v45 =	vpop (erf)  }
0x1f1: {  	v5 =	vadd.f32 v5, v16;
	v8 =	vadd.f32 v13, v10;
	v52 =	vpop (erf)  }
0x1f2: {  	v2 =	vadd.f32 v4, v2;
	v6 =	vadd.f32 v6, v12;
	v4 =	vpop (erf)  }
0x1f3: {  	v7 =	vadd.f32 v8, v7;
	v10 =	vadd.f32 v49, v50;
	v16 =	vpop (erf)  }
0x1f4: {  	v12 =	vadd.f32 v54, v51;
	v5 =	vadd.f32 v6, v5;
	v46 =	vpop (erf)  }
0x1f5: {  	[tilespmem:$0x1FDA0] =	vst v14;
	v8 =	vadd.f32 v45, v42;
	v6 =	vadd.f32 v47, v52;
	v59 =	vpop (erf)  }
0x1f6: {  	s31 =	simm.s32 $0x19800;
	[tilespmem:$0x1FDB0] =	vst v4;
	v13 =	vadd.f32 v4, v14;
	v14 =	vadd.f32 v16, v46;
	v4 =	vpop (erf)  }
0x1f7: {  	v43 =	vmov v17;
	v17 =	vld [tilespmem:s31+$0x0];
	[tilespmem:$0x1FDC0] =	vst v16;
	v16 =	vadd.f32 v48, v59;
	v19 =	vadd.f32 v4, v55  }
0x1f8: {  	v21 =	vld.idx.msk [tilespmem:v35+s19+$0x0], $0xffff;
	v20 =	vadd.f32 v8, v6;
	v13 =	vadd.f32 v14, v13  }
0x1f9: {  	v6 =	vld.idx.msk [tilespmem:v0+s19+$0x0], $0xffff;
	v10 =	vadd.f32 v16, v10;
	v12 =	vadd.f32 v19, v12  }
0x1fa: {  	v2 =	vadd.f32 v5, v2;
	v5 =	vmul.f32 v56, v7;
	v8 =	vld.idx.msk [tilespmem:v24+s19+$0x0], $0xffff  }
0x1fb: {  	v14 =	vld.idx.msk [tilespmem:v53+s19+$0x0], $0xffff;
	v7 =	vadd.f32 v13, v20;
	v10 =	vadd.f32 v10, v12  }
0x1fc: {  	v2 =	vsub.f32 v2, v5;
	v13 =	vld.idx.msk [tilespmem:v26+s19+$0x0], $0xffff  }
0x1fd: {  	v5 =	vmul.f32 $1.442695020e+00, v17;
	v7 =	vadd.f32 v7, v10;
	v10 =	vld.idx.msk [tilespmem:v43+s19+$0x0], $0xffff  }
0x1fe: {  	[tilespmem:$0x1FDD0] =	vst v0;
	v0 =	vadd.f32 v2, v33;
	v20 =	vld.idx.msk [tilespmem:v25+s19+$0x0], $0xffff  }
0x1ff: {  	[tilespmem:$0x1FE00] =	vst v17;
	(erf) = vpow2.f32 v5;
	v12 =	vld.idx.msk [tilespmem:v27+s19+$0x0], $0xffff;
	v5 =	vshrl.u32 v7, $0x17;
	v19 =	vand.u32 $0x7FFFFF, v7  }
0x200: {  	v17 =	vmov v53;
	[tilespmem:$0x1FE10] =	vst v0;
	v0 =	vld.idx.msk [tilespmem:v31+s19+$0x0], $0xffff;
	v5 =	vadd.s32 $0xFFFFFF81, v5;
	v53 =	vor.u32 $0x3F800000, v19  }
0x201: {  	v40 =	vmovc v27;
	v16 =	vld.idx.msk [tilespmem:v29+s19+$0x0], $0xffff;
	v27 =	vmovc v35;
	v2 =	vmul.f32 v13, v11;
	vm15 =	vgt.f32 v53, $1.414213540e+00;
	v35 =	vcvt.s32.f32 v5  }
0x202: {  	v11 =	vld.idx.msk [tilespmem:v22+s19+$0x0], $0xffff;
	v19 =	vmul.f32 v10, v63;
	v5 =	vadd.f32 v10, v14;
	v10 =	vsel vm15, $0x3F800000, v61  }
0x203: {  	[tilespmem:$0x1FDF0] =	vst v26;
	v61 =	vmul.f32 v14, v9;
	v9 =	vmul.f32 v20, v3;
	v14 =	vadd.f32 v20, v21;
	v20 =	vld [tilespmem:$0x1FE30]  }
0x204: {  	[tilespmem:$0x1FE20] =	vst v22;
	(erf) = vrcp.f32 v7;
	v7 =	vmul.f32 v12, v57;
	v13 =	vadd.f32 v13, v12;
	v12 =	vld.idx.msk [tilespmem:v34+s19+$0x0], $0xffff  }
0x205: {  	[tilespmem:$0x1FD90] =	vst v28;
	v28 =	vmovc v31;
	v41 =	vmovc v34;
	v33 =	vmov v25;
	v56 =	vmul.f32 v0, v60;
	v63 =	vmul.f32 $5.000000000e-01, v53  }
0x206: {  	v31 =	vmovc v30;
	v60 =	vadd.f32 v0, v16;
	v34 =	vmov v23;
	v3 =	vld.idx.msk [tilespmem:v23+s19+$0x0], $0xffff;
	v57 =	vadd.f32 v35, v10  }
0x207: {  	v10 =	vmul.f32 v21, v58;
	v0 =	vmul.f32 v11, v18;
	v18 =	vld.idx.msk [tilespmem:v36+s19+$0x0], $0xffff;
	v53 =	vsel vm15, v63, v53  }
0x208: {  	[tilespmem:$0x1FDE0] =	vst v24;
	v21 =	vpop (erf);
	v63 =	vmul.f32 v6, v44;
	v44 =	vmov v36;
	v58 =	vmul.f32 v16, v20;
	v20 =	vld.idx.msk [tilespmem:v1+s19+$0x0], $0xffff  }
0x209: {  	s0 =	simm.s32 $0x18;
	v35 =	vmovc v1;
	v15 =	vmul.f32 v12, v15;
	v1 =	vmul.f32 v8, v62;
	v16 =	vld.idx.msk [tilespmem:v30+s19+$0x0], $0xffff;
	v62 =	vadd.f32 $1.000000000e+00, v53  }
.LBB2_7:
0x20a: {  	_ =	sdelay $0x2  }
0x20b: {  	v39 =	vmul.f32 v20, v39;
	v12 =	vadd.f32 v20, v12;
	v11 =	vadd.f32 v11, v3;
	v20 =	vpop (erf)  }
0x20c: {  	v38 =	vmul.f32 v16, v38;
	v8 =	vadd.f32 v8, v16;
	v16 =	vmul.f32 v20, v21  }
0x20d: {  	(erf) = vrcp.f32 v62  }
0x20e: {  	v6 =	vadd.f32 v6, v18;
	v8 =	vadd.f32 v11, v8;
	v11 =	vmul.f32 v16, v51  }
0x20f: {  	v20 =	vmul.f32 v18, v37;
	v18 =	vmul.f32 v16, v54  }
0x210: {  	v6 =	vadd.f32 v13, v6;
	v21 =	vld [tilespmem:$0x1FD80];
	v13 =	vmul.f32 v16, v55;
	[tilespmem:v29+s23+$0x0] =	vst.idx.msk $0xffff, v11  }
0x211: {  	v22 =	vld [tilespmem:$0x1FDD0];
	v4 =	vmul.f32 v16, v4;
	[tilespmem:v28+s23+$0x0] =	vst.idx.msk $0xffff, v18  }
0x212: {  	v11 =	vmul.f32 v16, v50;
	[tilespmem:v17+s23+$0x0] =	vst.idx.msk $0xffff, v13  }
0x213: {  	v12 =	vadd.f32 v14, v12;
	v14 =	vmul.f32 v16, v49;
	v17 =	vld [tilespmem:$0x1FDF0];
	[tilespmem:v43+s23+$0x0] =	vst.idx.msk $0xffff, v4  }
0x214: {  	s1 =	smov.u32 s0;
	v4 =	vmul.f32 v16, v59;
	[tilespmem:v41+s23+$0x0] =	vst.idx.msk $0xffff, v11  }
0x215: {  	v2 =	vadd.f32 v2, v7;
	v7 =	vld [tilespmem:$0x1FDA0];
	v29 =	vadd.s32 s1, v21;
	v21 =	vmul.f32 v16, v48;
	[tilespmem:v35+s23+$0x0] =	vst.idx.msk $0xffff, v14  }
0x216: {  	v18 =	vmul.f32 v16, v52;
	[tilespmem:v27+s23+$0x0] =	vst.idx.msk $0xffff, v4  }
0x217: {  	v6 =	vadd.f32 v8, v6;
	v8 =	vadd.f32 $-1.000000000e+00, v53;
	v11 =	vmul.f32 v16, v47;
	[tilespmem:v33+s23+$0x0] =	vst.idx.msk $0xffff, v21  }
0x218: {  	v30 =	vpop (erf);
	v13 =	vmul.f32 v16, v42;
	[tilespmem:v44+s23+$0x0] =	vst.idx.msk $0xffff, v18  }
0x219: {  	v8 =	vmul.f32 v30, v8;
	v4 =	vmul.f32 v16, v45;
	[tilespmem:v22+s23+$0x0] =	vst.idx.msk $0xffff, v11  }
0x21a: {  	v7 =	vmul.f32 v16, v7;
	[tilespmem:v40+s23+$0x0] =	vst.idx.msk $0xffff, v13  }
0x21b: {  	v50 =	vmul.f32 v8, v8;
	[tilespmem:v17+s23+$0x0] =	vst.idx.msk $0xffff, v4  }
0x21c: {  	[tilespmem:v31+s23+$0x0] =	vst.idx.msk $0xffff, v7;
	v7 =	vld [tilespmem:$0x1FD90]  }
0x21d: {  	v62 =	vmul.f32 $2.222222240e-01, v50;
	_ =	sdelay $0x1  }
0x21e: {  	v9 =	vadd.f32 v9, v10;
	v10 =	vld [tilespmem:$0x1FDE0];
	v13 =	vadd.f32 $2.857142980e-01, v62  }
0x21f: {  	v4 =	vld [tilespmem:$0x1FDB0]  }
0x220: {  	v3 =	vmul.f32 v3, v7;
	v7 =	vmul.f32 v13, v50;
	_ =	sdelay $0x1  }
0x221: {  	v0 =	vadd.f32 v0, v3;
	v3 =	vadd.f32 $4.000000060e-01, v7;
	v7 =	vld [tilespmem:$0x1FE20]  }
0x222: {  	v17 =	vld [tilespmem:$0x1FDC0]  }
0x223: {  	v4 =	vmul.f32 v16, v4  }
0x224: {  	v19 =	vadd.f32 v19, v61  }
0x225: {  	v1 =	vadd.f32 v1, v38;
	v24 =	vor.u32 $0x7, v29;
	[tilespmem:v10+s23+$0x0] =	vst.idx.msk $0xffff, v4;
	v4 =	vadd.f32 v63, v20  }
0x226: {  	v36 =	vadd.s32 $0x8, v29;
	v61 =	vadd.s32 $0x9, v29;
	v18 =	vmul.f32 v16, v46  }
0x227: {  	v44 =	vmovc v36;
	v16 =	vmul.f32 v16, v17;
	v2 =	vadd.f32 v2, v4;
	v1 =	vadd.f32 v0, v1  }
0x228: {  	v22 =	vmov v61;
	[tilespmem:v34+s23+$0x0] =	vst.idx.msk $0xffff, v18;
	v3 =	vmul.f32 v3, v50  }
0x229: {  	v15 =	vadd.f32 v39, v15;
	v21 =	vadd.s32 $0xA, v29;
	v1 =	vadd.f32 v1, v2;
	[tilespmem:v7+s23+$0x0] =	vst.idx.msk $0xffff, v16  }
0x22a: {  	v35 =	vor.u32 $0x1, v29;
	v2 =	vadd.f32 $6.666666860e-01, v3;
	v7 =	vadd.f32 v56, v58;
	v53 =	vld.idx.msk [tilespmem:v24+s18+$0x0], $0xffff  }
0x22b: {  	v5 =	vadd.f32 v5, v60;
	v11 =	vadd.s32 $0xE, v29;
	v58 =	vld.idx.msk [tilespmem:v29+s18+$0x0], $0xffff  }
0x22c: {  	v9 =	vadd.f32 v9, v15;
	v2 =	vmul.f32 v2, v50;
	v37 =	vld.idx.msk [tilespmem:v44+s18+$0x0], $0xffff;
	v4 =	vadd.f32 v19, v7  }
0x22d: {  	v5 =	vadd.f32 v12, v5;
	v43 =	vor.u32 $0x2, v29;
	v0 =	vld.idx.msk [tilespmem:v22+s18+$0x0], $0xffff  }
0x22e: {  	v30 =	vadd.s32 $0xC, v29;
	v2 =	vadd.f32 $2.000000000e+00, v2;
	v60 =	vld.idx.msk [tilespmem:v21+s18+$0x0], $0xffff;
	v3 =	vadd.f32 v9, v4  }
0x22f: {  	v49 =	vadd.s32 $0xF, v29;
	v14 =	vadd.s32 $0xD, v29;
	v56 =	vld.idx.msk [tilespmem:v35+s18+$0x0], $0xffff;
	v4 =	vadd.f32 v6, v5  }
0x230: {  	v23 =	vmovc v14;
	v13 =	vld.idx.msk [tilespmem:v11+s18+$0x0], $0xffff;
	v6 =	vadd.f32 v1, v3;
	v1 =	vmul.f32 $6.931471820e-01, v57;
	v3 =	vmul.f32 v2, v8  }
0x231: {  	v41 =	vor.u32 $0x6, v29;
	v31 =	vmov v11;
	v11 =	vld [tilespmem:$0x1FE00]  }
0x232: {  	v36 =	vor.u32 $0x5, v29;
	v61 =	vld.idx.msk [tilespmem:v43+s18+$0x0], $0xffff;
	v5 =	vadd.f32 v3, v1  }
0x233: {  	v48 =	vadd.s32 $0xB, v29;
	v28 =	vor.u32 $0x4, v29;
	v38 =	vld.idx.msk [tilespmem:v30+s18+$0x0], $0xffff  }
0x234: {  	v25 =	vmov v48;
	v3 =	vld.idx.msk [tilespmem:v49+s18+$0x0], $0xffff;
	v9 =	vadd.f32 v5, v32  }
0x235: {  	v27 =	vor.u32 $0x3, v29;
	v1 =	vld.idx.msk [tilespmem:v23+s18+$0x0], $0xffff  }
0x236: {  	v62 =	vld.idx.msk [tilespmem:v41+s18+$0x0], $0xffff;
	v9 =	vsub.f32 v9, v11  }
0x237: {  	v39 =	vld.idx.msk [tilespmem:v36+s18+$0x0], $0xffff  }
0x238: {  	v57 =	vld.idx.msk [tilespmem:v28+s18+$0x0], $0xffff;
	v4 =	vmul.f32 v9, v4  }
0x239: {  	v2 =	vld.idx.msk [tilespmem:v25+s18+$0x0], $0xffff  }
0x23a: {  	v5 =	vld.idx.msk [tilespmem:v27+s18+$0x0], $0xffff;
	v9 =	vmax.f32 v13, v3;
	v4 =	vsub.f32 v6, v4;
	v6 =	vmax.f32 v38, v1  }
0x23b: {  	v6 =	vmax.f32 v6, v9;
	v9 =	vld [tilespmem:$0x1FE10];
	_ =	sdelay $0x1  }
0x23c: {  	v7 =	vmax.f32 v37, v0  }
0x23d: {  	v8 =	vmax.f32 v58, v56;
	v10 =	vmax.f32 v62, v53;
	v11 =	vmax.f32 v57, v39  }
0x23e: {  	v12 =	vmax.f32 v60, v2;
	v10 =	vmax.f32 v11, v10;
	v11 =	vmax.f32 v61, v5  }
0x23f: {  	v7 =	vmax.f32 v7, v12;
	v9 =	vadd.f32 v4, v9;
	v4 =	vmax.f32 v8, v11  }
0x240: {  	v6 =	vmax.f32 v7, v6;
	v4 =	vmax.f32 v4, v10  }
0x241: {  	v32 =	vmax.f32 v4, v6  }
0x242: {  	[tilespmem:$0x1FE10] =	vst v9;
	v6 =	vsub.f32 v0, v32;
	v9 =	vsub.f32 v58, v32  }
0x243: {  	[tilespmem:$0x1FD90] =	vst v13;
	v12 =	vsub.f32 v13, v32;
	v13 =	vsub.f32 v60, v32  }
0x244: {  	v16 =	vsub.f32 v57, v32;
	v9 =	vmul.f32 $1.442695020e+00, v9  }
0x245: {  	v11 =	vsub.f32 v39, v32;
	v6 =	vmul.f32 $1.442695020e+00, v6;
	v13 =	vmul.f32 $1.442695020e+00, v13  }
0x246: {  	v4 =	vsub.f32 v56, v32;
	v16 =	vmul.f32 $1.442695020e+00, v16;
	(erf) = vpow2.f32 v9  }
0x247: {  	v7 =	vsub.f32 v61, v32;
	v11 =	vmul.f32 $1.442695020e+00, v11;
	(erf) = vpow2.f32 v13  }
0x248: {  	v4 =	vmul.f32 $1.442695020e+00, v4;
	v13 =	vsub.f32 v53, v32;
	(erf) = vpow2.f32 v16  }
0x249: {  	v19 =	vsub.f32 v38, v32;
	v7 =	vmul.f32 $1.442695020e+00, v7;
	(erf) = vpow2.f32 v11  }
0x24a: {  	v8 =	vsub.f32 v1, v32;
	v11 =	vmul.f32 $1.442695020e+00, v13;
	(erf) = vpow2.f32 v4  }
0x24b: {  	v14 =	vsub.f32 v2, v32;
	v19 =	vmul.f32 $1.442695020e+00, v19;
	(erf) = vpow2.f32 v7  }
0x24c: {  	v18 =	vsub.f32 v37, v32;
	v8 =	vmul.f32 $1.442695020e+00, v8;
	(erf) = vpow2.f32 v11  }
0x24d: {  	v10 =	vsub.f32 v3, v32;
	v14 =	vmul.f32 $1.442695020e+00, v14;
	(erf) = vpow2.f32 v19  }
0x24e: {  	v15 =	vsub.f32 v5, v32;
	v4 =	vmul.f32 $1.442695020e+00, v18;
	(erf) = vpow2.f32 v6  }
0x24f: {  	v10 =	vmul.f32 $1.442695020e+00, v10;
	v51 =	vpop (erf);
	(erf) = vpow2.f32 v14  }
0x250: {  	v9 =	vmul.f32 $1.442695020e+00, v15;
	v15 =	vsub.f32 v62, v32;
	(erf) = vpow2.f32 v4;
	v42 =	vpop (erf)  }
0x251: {  	v4 =	vmul.f32 $1.442695020e+00, v12;
	v50 =	vpop (erf);
	(erf) = vpow2.f32 v8  }
0x252: {  	v20 =	vmov v49;
	v15 =	vmul.f32 $1.442695020e+00, v15;
	v49 =	vpop (erf);
	(erf) = vpow2.f32 v10  }
0x253: {  	v54 =	vpop (erf);
	(erf) = vpow2.f32 v4  }
0x254: {  	v55 =	vpop (erf);
	(erf) = vpow2.f32 v15  }
0x255: {  	v26 =	vmov v21;
	(erf) = vpow2.f32 v9;
	v48 =	vpop (erf)  }
0x256: {  	s31 =	sadd.s32 $0x10, s31;
	v11 =	vpop (erf)  }
0x257: {  	v8 =	vld [tilespmem:s31+$0x0];
	v47 =	vpop (erf)  }
0x258: {  	v45 =	vpop (erf)  }
0x259: {  	[tilespmem:$0x1FDD0] =	vst v22;
	v52 =	vpop (erf)  }
0x25a: {  	v18 =	vld.idx.msk [tilespmem:v26+s19+$0x0], $0xffff;
	[tilespmem:$0x1FDA0] =	vst v11;
	v6 =	vadd.f32 v45, v42;
	v4 =	vadd.f32 v47, v52;
	v12 =	vpop (erf)  }
0x25b: {  	v13 =	vpop (erf);
	[tilespmem:$0x1FDB0] =	vst v12;
	v12 =	vadd.f32 v12, v11;
	v11 =	vld.idx.msk [tilespmem:v20+s19+$0x0], $0xffff  }
0x25c: {  	[tilespmem:$0x1FE00] =	vst v8;
	v8 =	vmul.f32 $1.442695020e+00, v8;
	v9 =	vadd.f32 v6, v4;
	v46 =	vpop (erf);
	v6 =	vld.idx.msk [tilespmem:v22+s19+$0x0], $0xffff  }
0x25d: {  	v7 =	vadd.f32 v49, v50;
	[tilespmem:$0x1FDC0] =	vst v13;
	v22 =	vld.idx.msk [tilespmem:v29+s19+$0x0], $0xffff;
	v13 =	vadd.f32 v13, v46;
	v59 =	vpop (erf)  }
0x25e: {  	v10 =	vadd.f32 v54, v51;
	(erf) = vpow2.f32 v8;
	v8 =	vld.idx.msk [tilespmem:v23+s19+$0x0], $0xffff;
	v14 =	vadd.f32 v48, v59;
	v4 =	vpop (erf)  }
0x25f: {  	v15 =	vadd.f32 v4, v55;
	v12 =	vadd.f32 v13, v12;
	v13 =	vld.idx.msk [tilespmem:v25+s19+$0x0], $0xffff  }
0x260: {  	[tilespmem:$0x1FDF0] =	vst v25;
	v25 =	vld.idx.msk [tilespmem:v35+s19+$0x0], $0xffff  }
0x261: {  	v7 =	vadd.f32 v14, v7;
	v14 =	vld.idx.msk [tilespmem:v43+s19+$0x0], $0xffff;
	v10 =	vadd.f32 v15, v10  }
0x262: {  	v9 =	vadd.f32 v12, v9;
	v12 =	vld.idx.msk [tilespmem:v28+s19+$0x0], $0xffff  }
0x263: {  	[tilespmem:$0x1FDE0] =	vst v23;
	v63 =	vmul.f32 v6, v0;
	v7 =	vadd.f32 v7, v10  }
0x264: {  	v33 =	vmovc v24;
	v40 =	vmov v26;
	v0 =	vmul.f32 v11, v3;
	v58 =	vmul.f32 v22, v58;
	v10 =	vld.idx.msk [tilespmem:v27+s19+$0x0], $0xffff  }
0x265: {  	v23 =	vld.idx.msk [tilespmem:v24+s19+$0x0], $0xffff;
	v1 =	vmul.f32 v8, v1;
	v2 =	vmul.f32 v13, v2;
	v3 =	vadd.f32 v9, v7  }
0x266: {  	v24 =	vld.idx.msk [tilespmem:v41+s19+$0x0], $0xffff;
	v13 =	vadd.f32 v13, v18;
	v56 =	vmul.f32 v25, v56;
	v61 =	vmul.f32 v14, v61  }
0x267: {  	v17 =	vmovc v43;
	v43 =	vmovc v27;
	v15 =	vmul.f32 v12, v57;
	v7 =	vshrl.u32 v3, $0x17;
	v9 =	vand.u32 $0x7FFFFF, v3  }
0x268: {  	p0 =	sne.s32 s0, $0x78;
	v21 =	vpop (erf);
	(erf) = vrcp.f32 v3;
	v7 =	vadd.s32 $0xFFFFFF81, v7;
	v26 =	vor.u32 $0x3F800000, v9  }
.Ltmp2:
0x269: {  	v27 =	vmovc v41;
	v41 =	vmovc v28;
	v19 =	vmul.f32 v10, v5;
	v5 =	vadd.f32 v10, v14;
	vm0 =	vgt.f32 v26, $1.414213540e+00;
	(pc) =	sbr.rel @p0 .LBB2_7-.Ltmp2, $4  }
0x26a: {  	[tilespmem:$0x1FE20] =	vst v20;
	v20 =	vld.idx.msk [tilespmem:v36+s19+$0x0], $0xffff;
	v28 =	vmovc v35;
	v35 =	vmovc v36;
	v57 =	vcvt.s32.f32 v7;
	v7 =	vimm.f32 $0.0e+00;
	v36 =	vmul.f32 $5.000000000e-01, v26  }
0x26b: {  	v34 =	vmovc v31;
	v16 =	vld.idx.msk [tilespmem:v30+s19+$0x0], $0xffff;
	v9 =	vmul.f32 v23, v53;
	v14 =	vadd.f32 v23, v24;
	v10 =	vsel vm0, $0x3F800000, v7  }
0x26c: {  	v3 =	vld.idx.msk [tilespmem:v31+s19+$0x0], $0xffff;
	v7 =	vmul.f32 v18, v60;
	v60 =	vadd.f32 v25, v22;
	v53 =	vsel vm0, v36, v26  }
0x26d: {  	s0 =	sadd.s32 $0x10, s0;
	v31 =	vmovc v30;
	v18 =	vld.idx.msk [tilespmem:v44+s19+$0x0], $0xffff;
	v57 =	vadd.f32 v57, v10;
	v10 =	vmul.f32 v24, v62;
	v62 =	vadd.f32 $1.000000000e+00, v53  }
0x26e: {  	_ = 	snop  }
0x26f: {  	(erf) = vrcp.f32 v62;
	_ =	sdelay $0x7  }
0x270: {  	v22 =	vadd.f32 $-1.000000000e+00, v53;
	v23 =	vpop (erf)  }
0x271: {  	v24 =	vpop (erf)  }
0x272: {  	v22 =	vmul.f32 v24, v22;
	_ =	sdelay $0x1  }
0x273: {  	v24 =	vmul.f32 v22, v22;
	_ =	sdelay $0x1  }
0x274: {  	v36 =	vmul.f32 $2.222222240e-01, v24  }
0x275: {  	v21 =	vmul.f32 v23, v21  }
0x276: {  	v19 =	vadd.f32 v19, v61;
	v23 =	vadd.f32 $2.857142980e-01, v36  }
0x277: {  	v2 =	vadd.f32 v2, v7;
	v5 =	vadd.f32 v5, v60;
	v25 =	vmul.f32 v21, v51  }
0x278: {  	v12 =	vadd.f32 v20, v12;
	v26 =	vmul.f32 v21, v54;
	v23 =	vmul.f32 v23, v24  }
0x279: {  	v8 =	vadd.f32 v8, v16;
	v53 =	vmul.f32 v21, v55;
	[tilespmem:v29+s23+$0x0] =	vst.idx.msk $0xffff, v25  }
0x27a: {  	v11 =	vadd.f32 v11, v3;
	v4 =	vmul.f32 v21, v4;
	[tilespmem:v28+s23+$0x0] =	vst.idx.msk $0xffff, v26;
	v54 =	vadd.f32 $4.000000060e-01, v23  }
0x27b: {  	v6 =	vadd.f32 v6, v18;
	v30 =	vmul.f32 v18, v37;
	[tilespmem:v17+s23+$0x0] =	vst.idx.msk $0xffff, v53  }
0x27c: {  	v55 =	vmul.f32 v20, v39;
	[tilespmem:v43+s23+$0x0] =	vst.idx.msk $0xffff, v4;
	v4 =	vmul.f32 v54, v24  }
0x27d: {  	v8 =	vadd.f32 v11, v8;
	v61 =	vmul.f32 v21, v50;
	v62 =	vmul.f32 v21, v49  }
0x27e: {  	v6 =	vadd.f32 v13, v6;
	v39 =	vmul.f32 v21, v52;
	v36 =	vld [tilespmem:$0x1FD90];
	v4 =	vadd.f32 $6.666666860e-01, v4  }
0x27f: {  	v7 =	vadd.f32 v63, v30;
	v47 =	vmul.f32 v21, v47;
	v52 =	vmul.f32 v21, v42  }
0x280: {  	v15 =	vadd.f32 v55, v15;
	v29 =	vmul.f32 v16, v38;
	v4 =	vmul.f32 v4, v24  }
0x281: {  	v49 =	vld [tilespmem:$0x1FDD0];
	v6 =	vadd.f32 v8, v6;
	v38 =	vmul.f32 v21, v48;
	v2 =	vadd.f32 v2, v7  }
0x282: {  	v26 =	vadd.f32 v14, v12;
	v28 =	vmul.f32 v21, v59;
	v4 =	vadd.f32 $2.000000000e+00, v4  }
0x283: {  	v55 =	vld [tilespmem:$0x1FDF0];
	v1 =	vadd.f32 v1, v29;
	v53 =	vmul.f32 v21, v45;
	v37 =	vmul.f32 v3, v36  }
0x284: {  	v60 =	vld [tilespmem:$0x1FDE0];
	v43 =	vadd.f32 v56, v58;
	[tilespmem:v41+s23+$0x0] =	vst.idx.msk $0xffff, v61;
	v41 =	vmul.f32 $6.931471820e-01, v57;
	v4 =	vmul.f32 v4, v22  }
0x285: {  	[tilespmem:v35+s23+$0x0] =	vst.idx.msk $0xffff, v62;
	v35 =	vadd.f32 v9, v10;
	v54 =	vld [tilespmem:$0x1FE00];
	v0 =	vadd.f32 v0, v37  }
0x286: {  	v56 =	vld [tilespmem:$0x1FDA0];
	v50 =	vadd.f32 v19, v43;
	[tilespmem:v27+s23+$0x0] =	vst.idx.msk $0xffff, v28;
	v48 =	vadd.f32 v4, v41  }
0x287: {  	v58 =	vld [tilespmem:$0x1FDB0];
	[tilespmem:v33+s23+$0x0] =	vst.idx.msk $0xffff, v38;
	v8 =	vadd.f32 v35, v15;
	v0 =	vadd.f32 v0, v1  }
0x288: {  	v51 =	vadd.f32 v26, v5;
	v62 =	vld [tilespmem:$0x1FE20];
	[tilespmem:v44+s23+$0x0] =	vst.idx.msk $0xffff, v39;
	v3 =	vadd.f32 v48, v32  }
0x289: {  	v61 =	vld [tilespmem:$0x1FDC0];
	[tilespmem:v49+s23+$0x0] =	vst.idx.msk $0xffff, v47;
	v1 =	vadd.f32 v8, v50;
	v0 =	vadd.f32 v0, v2  }
0x28a: {  	s30 =	sadd.s32 $0x1, s30;
	[tilespmem:v40+s23+$0x0] =	vst.idx.msk $0xffff, v52;
	v4 =	vadd.f32 v6, v51;
	v3 =	vsub.f32 v3, v54  }
0x28b: {  	p0 =	sne.s32 s30, $0x8;
	v63 =	vld [tilespmem:$0x1FE10];
	[tilespmem:v55+s23+$0x0] =	vst.idx.msk $0xffff, v53;
	v2 =	vmul.f32 v21, v56  }
.Ltmp3:
0x28c: {  	v0 =	vadd.f32 v0, v1;
	v57 =	vmul.f32 v3, v4;
	v3 =	vmul.f32 v21, v58;
	(pc) =	sbr.rel @p0 .LBB2_6-.Ltmp3, $4  }
0x28d: {  	v59 =	vmul.f32 v21, v46;
	[tilespmem:v31+s23+$0x0] =	vst.idx.msk $0xffff, v2  }
0x28e: {  	[tilespmem:v60+s23+$0x0] =	vst.idx.msk $0xffff, v3;
	v3 =	vmul.f32 v21, v61;
	v0 =	vsub.f32 v0, v57  }
0x28f: {  	[tilespmem:v34+s23+$0x0] =	vst.idx.msk $0xffff, v59  }
0x290: {  	v61 =	vimm.f32 $0.0e+00;
	[tilespmem:v62+s23+$0x0] =	vst.idx.msk $0xffff, v3;
	v33 =	vadd.f32 v0, v63  }
0x291: {  	s30 =	simm.s32 $0x0  }
0x292: {  	[hbm4b:s10+s30] =	stream.linear.scatter [tilespmem:s23], [sflag:$0x4], $0x4400, $0x38;
	[tilespmem:$0x19900] =	vst v63  }
0x293: {  	_ = 	snop  }
0x294: {  	[tilespmem:s18], [sflag:$0x2] =	stream.linear.gather [hbm4b:s11+s30], $0x4400, $0x38;
	[tilespmem:$0x19900] =	vst v63  }
0x295: {  	_ = 	snop  }
0x296: {  	[tilespmem:s19], [sflag:$0x2] =	stream.linear.gather [hbm4b:s12+s30], $0x4400, $0x38;
	[tilespmem:$0x19900] =	vst v63  }
0x297: {  	_ =	swait.ge [sflag:s24], $0x4400  }
0x298: {  	[sflag:s24] =	ssyncset.done $0x0  }
0x299: {  	[sflag:s24] =	ssyncadd.s32 $0xFFFFBC00  }
0x29a: {  	_ =	swait.ge [sflag:s20], $0x4400  }
0x29b: {  	[sflag:s20] =	ssyncset.done $0x0  }
0x29c: {  	[sflag:s20] =	ssyncadd.s32 $0xFFFFBC00  }
0x29d: {  	_ =	swait.ge [sflag:s20], $0x4400  }
0x29e: {  	[sflag:s20] =	ssyncset.done $0x0  }
0x29f: {  	[sflag:s20] =	ssyncadd.s32 $0xFFFFBC00  }
.LBB2_10:
0x2a0: {  	s0 =	sshll.u32 s30, $0x4  }
0x2a1: {  	v1 =	vld [tilespmem:$0x1FF60];
	v0 =	vmov s0  }
0x2a2: {  	v0 =	vmul.u32 $0x88, v0  }
0x2a3: {  	v4 =	vld [tilespmem:$0x1FFE0]  }
0x2a4: {  	v0 =	vbroadcast v0, $0x0;
	_ =	sdelay $0x1  }
0x2a5: {  	v30 =	vadd.s32 v1, v0  }
0x2a6: {  	v1 =	vld [tilespmem:$0x1FF00];
	v2 =	vand.u32 $0xFFFFFF80, v30  }
0x2a7: {  	v9 =	vor.u32 v4, v2;
	v2 =	vld [tilespmem:$0x1FF20]  }
0x2a8: {  	v4 =	vld [tilespmem:$0x1FF80];
	_ =	sdelay $0x1  }
0x2a9: {  	v6 =	vld [tilespmem:$0x1FFA0]  }
0x2aa: {  	v3 =	vld [tilespmem:$0x1FF10];
	v1 =	vadd.s32 v1, v0  }
0x2ab: {  	v5 =	vld [tilespmem:$0x1FF90];
	v1 =	vand.u32 $0xFFFFFF80, v1  }
0x2ac: {  	v2 =	vadd.s32 v2, v0;
	v1 =	vor.u32 v4, v1;
	v4 =	vld [tilespmem:$0x1FF30]  }
0x2ad: {  	v2 =	vand.u32 $0xFFFFFF80, v2  }
0x2ae: {  	v11 =	vor.u32 v6, v2;
	v6 =	vld [tilespmem:$0x1FFB0]  }
0x2af: {  	v3 =	vadd.s32 v3, v0  }
0x2b0: {  	v3 =	vand.u32 $0xFFFFFF80, v3  }
0x2b1: {  	v3 =	vor.u32 v5, v3;
	v5 =	vld [tilespmem:$0x1FF40];
	v4 =	vadd.s32 v4, v0  }
0x2b2: {  	v2 =	vand.u32 $0xFFFFFF80, v4  }
0x2b3: {  	v12 =	vor.u32 v6, v2;
	v6 =	vld [tilespmem:$0x1FFC0];
	_ =	sdelay $0x2  }
0x2b4: {  	v5 =	vadd.s32 v5, v0;
	v4 =	vld [tilespmem:$0x1FF50]  }
0x2b5: {  	v5 =	vand.u32 $0xFFFFFF80, v5  }
0x2b6: {  	v13 =	vor.u32 v6, v5;
	v5 =	vld [tilespmem:$0x1FFD0];
	_ =	sdelay $0x2  }
0x2b7: {  	v2 =	vld [tilespmem:$0x1FF70];
	v4 =	vadd.s32 v4, v0  }
0x2b8: {  	v4 =	vand.u32 $0xFFFFFF80, v4  }
0x2b9: {  	v14 =	vor.u32 v5, v4;
	v5 =	vld [tilespmem:$0x1FFF0];
	_ =	sdelay $0x2  }
0x2ba: {  	v43 =	vld.idx.msk [tilespmem:v11+s2+$0x0], $0xffff;
	v0 =	vadd.s32 v2, v0  }
0x2bb: {  	v2 =	vld.idx.msk [tilespmem:v9+s2+$0x0], $0xffff;
	v0 =	vand.u32 $0xFFFFFF80, v0  }
0x2bc: {  	v6 =	vld.idx.msk [tilespmem:v1+s2+$0x0], $0xffff;
	v0 =	vor.u32 v5, v0  }
0x2bd: {  	v42 =	vld.idx.msk [tilespmem:v12+s2+$0x0], $0xffff  }
0x2be: {  	v4 =	vld.idx.msk [tilespmem:v3+s2+$0x0], $0xffff  }
0x2bf: {  	v5 =	vld.idx.msk [tilespmem:v13+s2+$0x0], $0xffff  }
0x2c0: {  	v41 =	vld.idx.msk [tilespmem:v14+s2+$0x0], $0xffff  }
0x2c1: {  	v40 =	vld.idx.msk [tilespmem:v0+s2+$0x0], $0xffff;
	_ =	sdelay $0x3  }
0x2c2: {  	v7 =	vmax.f32 v2, v6  }
0x2c3: {  	v8 =	vmax.f32 v4, v43;
	v10 =	vmax.f32 v42, v5;
	v15 =	vmax.f32 v41, v40  }
0x2c4: {  	v7 =	vmax.f32 v7, v8;
	v8 =	vmax.f32 v10, v15  }
0x2c5: {  	v15 =	vmax.f32 v7, v8  }
0x2c6: {  	v7 =	vsub.f32 v2, v15  }
0x2c7: {  	v8 =	vsub.f32 v6, v15  }
0x2c8: {  	v10 =	vsub.f32 v4, v15;
	v7 =	vmul.f32 $1.442695020e+00, v7  }
0x2c9: {  	v16 =	vsub.f32 v43, v15;
	v8 =	vmul.f32 $1.442695020e+00, v8  }
0x2ca: {  	(erf) = vpow2.f32 v7;
	v7 =	vmul.f32 $1.442695020e+00, v10;
	v10 =	vsub.f32 v42, v15  }
0x2cb: {  	(erf) = vpow2.f32 v8;
	v8 =	vmul.f32 $1.442695020e+00, v16;
	v16 =	vsub.f32 v5, v15  }
0x2cc: {  	(erf) = vpow2.f32 v7;
	v7 =	vmul.f32 $1.442695020e+00, v10;
	v10 =	vsub.f32 v41, v15  }
0x2cd: {  	(erf) = vpow2.f32 v8;
	v8 =	vmul.f32 $1.442695020e+00, v16;
	v16 =	vsub.f32 v40, v15  }
0x2ce: {  	(erf) = vpow2.f32 v7;
	v7 =	vmul.f32 $1.442695020e+00, v10  }
0x2cf: {  	(erf) = vpow2.f32 v8;
	v8 =	vmul.f32 $1.442695020e+00, v16  }
0x2d0: {  	(erf) = vpow2.f32 v7  }
0x2d1: {  	(erf) = vpow2.f32 v8;
	_ =	sdelay $0x1  }
0x2d2: {  	v16 =	vpop (erf)  }
0x2d3: {  	v18 =	vpop (erf)  }
0x2d4: {  	v19 =	vpop (erf)  }
0x2d5: {  	v20 =	vpop (erf)  }
0x2d6: {  	v21 =	vpop (erf)  }
0x2d7: {  	v22 =	vpop (erf)  }
0x2d8: {  	v23 =	vpop (erf)  }
0x2d9: {  	v7 =	vadd.f32 v18, v16;
	v8 =	vadd.f32 v20, v19;
	v24 =	vpop (erf)  }
0x2da: {  	v10 =	vadd.f32 v22, v21;
	v25 =	vadd.f32 v24, v23;
	_ =	sdelay $0x1  }
0x2db: {  	v7 =	vadd.f32 v8, v7;
	v8 =	vadd.f32 v25, v10;
	_ =	sdelay $0x1  }
0x2dc: {  	v10 =	vadd.f32 v8, v7;
	_ =	sdelay $0x1  }
0x2dd: {  	v7 =	vand.u32 $0x7FFFFF, v10  }
0x2de: {  	v7 =	vor.u32 $0x3F800000, v7  }
0x2df: {  	v8 =	vmul.f32 $5.000000000e-01, v7  }
0x2e0: {  	vm0 =	vgt.f32 v7, $1.414213540e+00  }
0x2e1: {  	v7 =	vsel vm0, v8, v7  }
0x2e2: {  	v8 =	vadd.f32 $1.000000000e+00, v7;
	_ =	sdelay $0x1  }
0x2e3: {  	(erf) = vrcp.f32 v8;
	_ =	sdelay $0x7  }
0x2e4: {  	v7 =	vadd.f32 $-1.000000000e+00, v7  }
0x2e5: {  	v8 =	vpop (erf)  }
0x2e6: {  	v25 =	vmul.f32 v8, v7;
	_ =	sdelay $0x1  }
0x2e7: {  	v26 =	vmul.f32 v25, v25;
	_ =	sdelay $0x1  }
0x2e8: {  	v7 =	vmul.f32 $2.222222240e-01, v26;
	_ =	sdelay $0x1  }
0x2e9: {  	v7 =	vadd.f32 $2.857142980e-01, v7;
	_ =	sdelay $0x1  }
0x2ea: {  	(erf) = vrcp.f32 v10;
	v7 =	vmul.f32 v7, v26;
	_ =	sdelay $0x1  }
0x2eb: {  	v8 =	vadd.f32 $4.000000060e-01, v7  }
0x2ec: {  	v10 =	vshrl.u32 v10, $0x17  }
0x2ed: {  	v10 =	vadd.s32 $0xFFFFFF81, v10;
	v27 =	vmul.f32 v8, v26  }
0x2ee: {  	v59 =	vld.idx.msk [tilespmem:v3+s17+$0x0], $0xffff;
	v28 =	vcvt.s32.f32 v10  }
0x2ef: {  	v45 =	vld.idx.msk [tilespmem:v11+s17+$0x0], $0xffff;
	v27 =	vadd.f32 $6.666666860e-01, v27  }
0x2f0: {  	v46 =	vld.idx.msk [tilespmem:v12+s17+$0x0], $0xffff  }
0x2f1: {  	v47 =	vld.idx.msk [tilespmem:v14+s17+$0x0], $0xffff;
	v29 =	vsel vm0, $0x3F800000, v61;
	v26 =	vmul.f32 v27, v26  }
0x2f2: {  	v52 =	vld.idx.msk [tilespmem:v0+s17+$0x0], $0xffff;
	v27 =	vadd.f32 v28, v29;
	v28 =	vpop (erf)  }
0x2f3: {  	v10 =	vld.idx.msk [tilespmem:v13+s17+$0x0], $0xffff;
	v16 =	vmul.f32 v28, v16;
	v26 =	vadd.f32 $2.000000000e+00, v26  }
0x2f4: {  	v7 =	vld.idx.msk [tilespmem:v9+s17+$0x0], $0xffff;
	v18 =	vmul.f32 v28, v18;
	v27 =	vmul.f32 $6.931471820e-01, v27  }
0x2f5: {  	v8 =	vld.idx.msk [tilespmem:v1+s17+$0x0], $0xffff;
	[tilespmem:v9+s21+$0x0] =	vst.idx.msk $0xffff, v16;
	v9 =	vmul.f32 v28, v19;
	v25 =	vmul.f32 v26, v25  }
0x2f6: {  	[tilespmem:v1+s21+$0x0] =	vst.idx.msk $0xffff, v18;
	v1 =	vmul.f32 v28, v20  }
0x2f7: {  	[tilespmem:v3+s21+$0x0] =	vst.idx.msk $0xffff, v9;
	v3 =	vmul.f32 v28, v21;
	v16 =	vadd.f32 v25, v27  }
0x2f8: {  	[tilespmem:v11+s21+$0x0] =	vst.idx.msk $0xffff, v1;
	v1 =	vmul.f32 v28, v22  }
0x2f9: {  	[tilespmem:v12+s21+$0x0] =	vst.idx.msk $0xffff, v3;
	v3 =	vmul.f32 v28, v23;
	v56 =	vadd.f32 v16, v15  }
0x2fa: {  	[tilespmem:v13+s21+$0x0] =	vst.idx.msk $0xffff, v1;
	v1 =	vmul.f32 v28, v24  }
0x2fb: {  	[tilespmem:v14+s21+$0x0] =	vst.idx.msk $0xffff, v3;
	v9 =	vsub.f32 v2, v56  }
0x2fc: {  	v3 =	vsub.f32 v6, v56;
	[tilespmem:v0+s21+$0x0] =	vst.idx.msk $0xffff, v1  }
0x2fd: {  	v0 =	vsub.f32 v4, v56;
	[tilespmem:$0x19800] =	vst v9  }
0x2fe: {  	s1 =	simm.s32 $0x8;
	v1 =	vsub.f32 v43, v56;
	[tilespmem:$0x19810] =	vst v3  }
0x2ff: {  	v29 =	vadd.s32 s1, v30;
	v3 =	vsub.f32 v42, v56;
	[tilespmem:$0x19820] =	vst v0  }
0x300: {  	v25 =	vor.u32 $0x7, v29;
	v0 =	vsub.f32 v5, v56;
	[tilespmem:$0x19830] =	vst v1  }
0x301: {  	v1 =	vsub.f32 v41, v56;
	[tilespmem:$0x19840] =	vst v3  }
0x302: {  	v36 =	vadd.s32 $0x8, v29;
	v3 =	vsub.f32 v40, v56;
	[tilespmem:$0x19850] =	vst v0  }
0x303: {  	v27 =	vadd.s32 $0xA, v29;
	[tilespmem:$0x19860] =	vst v1  }
0x304: {  	v31 =	vor.u32 $0x1, v29;
	[tilespmem:$0x19870] =	vst v3  }
0x305: {  	v53 =	vor.u32 $0x2, v29;
	v3 =	vld.idx.msk [tilespmem:v25+s2+$0x0], $0xffff  }
0x306: {  	v34 =	vor.u32 $0x4, v29;
	v48 =	vld.idx.msk [tilespmem:v29+s2+$0x0], $0xffff  }
0x307: {  	v35 =	vor.u32 $0x6, v29;
	v37 =	vld.idx.msk [tilespmem:v36+s2+$0x0], $0xffff  }
0x308: {  	v23 =	vadd.s32 $0xE, v29;
	v57 =	vld.idx.msk [tilespmem:v27+s2+$0x0], $0xffff  }
0x309: {  	v26 =	vadd.s32 $0xB, v29;
	v60 =	vld.idx.msk [tilespmem:v31+s2+$0x0], $0xffff  }
0x30a: {  	v22 =	vadd.s32 $0xF, v29;
	v9 =	vld.idx.msk [tilespmem:v53+s2+$0x0], $0xffff  }
0x30b: {  	v24 =	vadd.s32 $0xD, v29;
	v15 =	vld.idx.msk [tilespmem:v34+s2+$0x0], $0xffff  }
0x30c: {  	[tilespmem:$0x1FCC0] =	vst v30;
	v30 =	vadd.s32 $0xC, v29;
	v58 =	vld.idx.msk [tilespmem:v35+s2+$0x0], $0xffff  }
0x30d: {  	v17 =	vor.u32 $0x3, v29;
	v28 =	vld.idx.msk [tilespmem:v23+s2+$0x0], $0xffff  }
0x30e: {  	v1 =	vor.u32 $0x5, v29;
	v11 =	vld.idx.msk [tilespmem:v26+s2+$0x0], $0xffff  }
0x30f: {  	v0 =	vadd.s32 $0x9, v29;
	v18 =	vld.idx.msk [tilespmem:v22+s2+$0x0], $0xffff  }
0x310: {  	v62 =	vld.idx.msk [tilespmem:v24+s2+$0x0], $0xffff  }
0x311: {  	v38 =	vld.idx.msk [tilespmem:v30+s2+$0x0], $0xffff  }
0x312: {  	v63 =	vld.idx.msk [tilespmem:v17+s2+$0x0], $0xffff  }
0x313: {  	v39 =	vld.idx.msk [tilespmem:v1+s2+$0x0], $0xffff  }
0x314: {  	v44 =	vld.idx.msk [tilespmem:v0+s2+$0x0], $0xffff;
	_ =	sdelay $0x2  }
0x315: {  	v13 =	vmax.f32 v58, v3;
	v16 =	vmax.f32 v48, v60;
	v19 =	vmax.f32 v57, v11  }
0x316: {  	v20 =	vmax.f32 v38, v62;
	v21 =	vmax.f32 v9, v63;
	v14 =	vmax.f32 v15, v39  }
0x317: {  	v12 =	vmax.f32 v37, v44;
	v13 =	vmax.f32 v14, v13;
	v14 =	vmax.f32 v28, v18  }
0x318: {  	v16 =	vmax.f32 v16, v21;
	v12 =	vmax.f32 v12, v19;
	v14 =	vmax.f32 v20, v14  }
0x319: {  	v13 =	vmax.f32 v16, v13;
	v12 =	vmax.f32 v12, v14  }
0x31a: {  	v32 =	vmax.f32 v13, v12  }
0x31b: {  	v12 =	vsub.f32 v48, v32  }
0x31c: {  	v2 =	vmul.f32 v7, v2;
	v14 =	vsub.f32 v57, v32;
	v19 =	vsub.f32 v15, v32  }
0x31d: {  	v16 =	vmul.f32 v46, v42;
	v20 =	vsub.f32 v39, v32;
	v12 =	vmul.f32 $1.442695020e+00, v12  }
0x31e: {  	v21 =	vsub.f32 v60, v32;
	v14 =	vmul.f32 $1.442695020e+00, v14;
	v19 =	vmul.f32 $1.442695020e+00, v19  }
0x31f: {  	v20 =	vmul.f32 $1.442695020e+00, v20;
	(erf) = vpow2.f32 v12;
	v12 =	vsub.f32 v9, v32  }
0x320: {  	(erf) = vpow2.f32 v14;
	v14 =	vmul.f32 $1.442695020e+00, v21;
	v21 =	vsub.f32 v3, v32  }
0x321: {  	(erf) = vpow2.f32 v19;
	v12 =	vmul.f32 $1.442695020e+00, v12;
	v19 =	vsub.f32 v38, v32  }
0x322: {  	(erf) = vpow2.f32 v20;
	v20 =	vsub.f32 v44, v32;
	v21 =	vmul.f32 $1.442695020e+00, v21  }
0x323: {  	(erf) = vpow2.f32 v14;
	v14 =	vsub.f32 v11, v32;
	v19 =	vmul.f32 $1.442695020e+00, v19  }
0x324: {  	(erf) = vpow2.f32 v12;
	v12 =	vmul.f32 $1.442695020e+00, v20;
	v20 =	vsub.f32 v37, v32  }
0x325: {  	(erf) = vpow2.f32 v21;
	v21 =	vsub.f32 v62, v32;
	v14 =	vmul.f32 $1.442695020e+00, v14  }
0x326: {  	(erf) = vpow2.f32 v19;
	v19 =	vsub.f32 v18, v32;
	v20 =	vmul.f32 $1.442695020e+00, v20  }
0x327: {  	(erf) = vpow2.f32 v12;
	v12 =	vsub.f32 v28, v32;
	v21 =	vmul.f32 $1.442695020e+00, v21  }
0x328: {  	v51 =	vpop (erf);
	(erf) = vpow2.f32 v14;
	v14 =	vmul.f32 $1.442695020e+00, v19;
	v19 =	vsub.f32 v58, v32  }
0x329: {  	(erf) = vpow2.f32 v20;
	v42 =	vpop (erf);
	v20 =	vsub.f32 v63, v32;
	v12 =	vmul.f32 $1.442695020e+00, v12  }
0x32a: {  	v50 =	vpop (erf);
	(erf) = vpow2.f32 v21;
	v19 =	vmul.f32 $1.442695020e+00, v19  }
0x32b: {  	v49 =	vpop (erf);
	(erf) = vpow2.f32 v14;
	v14 =	vmul.f32 $1.442695020e+00, v20  }
0x32c: {  	v4 =	vmul.f32 v59, v4;
	v54 =	vpop (erf);
	(erf) = vpow2.f32 v12  }
0x32d: {  	v13 =	vmul.f32 v45, v43;
	v55 =	vpop (erf);
	(erf) = vpow2.f32 v19  }
0x32e: {  	v6 =	vmul.f32 v8, v6;
	v7 =	vadd.f32 v8, v7;
	[tilespmem:$0x1FD70] =	vst v48;
	(erf) = vpow2.f32 v14;
	v48 =	vpop (erf)  }
0x32f: {  	v8 =	vadd.f32 v45, v59;
	v5 =	vmul.f32 v10, v5;
	v4 =	vadd.f32 v13, v4;
	v14 =	vpop (erf)  }
0x330: {  	v10 =	vadd.f32 v10, v46;
	v13 =	vadd.f32 v52, v47;
	v12 =	vmul.f32 v47, v41;
	v47 =	vpop (erf)  }
0x331: {  	v2 =	vadd.f32 v6, v2;
	v6 =	vmul.f32 v52, v40;
	v7 =	vadd.f32 v8, v7;
	v45 =	vpop (erf)  }
0x332: {  	v5 =	vadd.f32 v5, v16;
	v8 =	vadd.f32 v13, v10;
	v52 =	vpop (erf)  }
0x333: {  	v2 =	vadd.f32 v4, v2;
	v6 =	vadd.f32 v6, v12;
	v4 =	vpop (erf)  }
0x334: {  	v7 =	vadd.f32 v8, v7;
	v10 =	vadd.f32 v49, v50;
	v16 =	vpop (erf)  }
0x335: {  	v12 =	vadd.f32 v54, v51;
	v5 =	vadd.f32 v6, v5;
	v46 =	vpop (erf)  }
0x336: {  	[tilespmem:$0x1FCE0] =	vst v14;
	v8 =	vadd.f32 v45, v42;
	v6 =	vadd.f32 v47, v52;
	v59 =	vpop (erf)  }
0x337: {  	s31 =	simm.s32 $0x19800;
	[tilespmem:$0x1FCF0] =	vst v4;
	v13 =	vadd.f32 v4, v14;
	v14 =	vadd.f32 v16, v46;
	v4 =	vpop (erf)  }
0x338: {  	v43 =	vmov v17;
	v17 =	vld [tilespmem:s31+$0x0];
	[tilespmem:$0x1FD00] =	vst v16;
	v16 =	vadd.f32 v48, v59;
	v19 =	vadd.f32 v4, v55  }
0x339: {  	v21 =	vld.idx.msk [tilespmem:v35+s17+$0x0], $0xffff;
	v20 =	vadd.f32 v8, v6;
	v13 =	vadd.f32 v14, v13  }
0x33a: {  	v6 =	vld.idx.msk [tilespmem:v0+s17+$0x0], $0xffff;
	v10 =	vadd.f32 v16, v10;
	v12 =	vadd.f32 v19, v12  }
0x33b: {  	v2 =	vadd.f32 v5, v2;
	v5 =	vmul.f32 v56, v7;
	v8 =	vld.idx.msk [tilespmem:v24+s17+$0x0], $0xffff  }
0x33c: {  	v14 =	vld.idx.msk [tilespmem:v53+s17+$0x0], $0xffff;
	v7 =	vadd.f32 v13, v20;
	v10 =	vadd.f32 v10, v12  }
0x33d: {  	v2 =	vsub.f32 v2, v5;
	v13 =	vld.idx.msk [tilespmem:v26+s17+$0x0], $0xffff  }
0x33e: {  	v5 =	vmul.f32 $1.442695020e+00, v17;
	v7 =	vadd.f32 v7, v10;
	v10 =	vld.idx.msk [tilespmem:v43+s17+$0x0], $0xffff  }
0x33f: {  	[tilespmem:$0x1FD10] =	vst v0;
	v0 =	vadd.f32 v2, v33;
	v20 =	vld.idx.msk [tilespmem:v25+s17+$0x0], $0xffff  }
0x340: {  	[tilespmem:$0x1FD40] =	vst v17;
	(erf) = vpow2.f32 v5;
	v12 =	vld.idx.msk [tilespmem:v27+s17+$0x0], $0xffff;
	v5 =	vshrl.u32 v7, $0x17;
	v19 =	vand.u32 $0x7FFFFF, v7  }
0x341: {  	v17 =	vmov v53;
	[tilespmem:$0x1FD50] =	vst v0;
	v0 =	vld.idx.msk [tilespmem:v31+s17+$0x0], $0xffff;
	v5 =	vadd.s32 $0xFFFFFF81, v5;
	v53 =	vor.u32 $0x3F800000, v19  }
0x342: {  	v40 =	vmovc v27;
	v16 =	vld.idx.msk [tilespmem:v29+s17+$0x0], $0xffff;
	v27 =	vmovc v35;
	v2 =	vmul.f32 v13, v11;
	vm15 =	vgt.f32 v53, $1.414213540e+00;
	v35 =	vcvt.s32.f32 v5  }
0x343: {  	v11 =	vld.idx.msk [tilespmem:v22+s17+$0x0], $0xffff;
	v19 =	vmul.f32 v10, v63;
	v5 =	vadd.f32 v10, v14;
	v10 =	vsel vm15, $0x3F800000, v61  }
0x344: {  	[tilespmem:$0x1FD30] =	vst v26;
	v61 =	vmul.f32 v14, v9;
	v9 =	vmul.f32 v20, v3;
	v14 =	vadd.f32 v20, v21;
	v20 =	vld [tilespmem:$0x1FD70]  }
0x345: {  	[tilespmem:$0x1FD60] =	vst v22;
	(erf) = vrcp.f32 v7;
	v7 =	vmul.f32 v12, v57;
	v13 =	vadd.f32 v13, v12;
	v12 =	vld.idx.msk [tilespmem:v34+s17+$0x0], $0xffff  }
0x346: {  	[tilespmem:$0x1FCD0] =	vst v28;
	v28 =	vmovc v31;
	v41 =	vmovc v34;
	v33 =	vmov v25;
	v56 =	vmul.f32 v0, v60;
	v63 =	vmul.f32 $5.000000000e-01, v53  }
0x347: {  	v31 =	vmovc v30;
	v60 =	vadd.f32 v0, v16;
	v34 =	vmov v23;
	v3 =	vld.idx.msk [tilespmem:v23+s17+$0x0], $0xffff;
	v57 =	vadd.f32 v35, v10  }
0x348: {  	v10 =	vmul.f32 v21, v58;
	v0 =	vmul.f32 v11, v18;
	v18 =	vld.idx.msk [tilespmem:v36+s17+$0x0], $0xffff;
	v53 =	vsel vm15, v63, v53  }
0x349: {  	[tilespmem:$0x1FD20] =	vst v24;
	v21 =	vpop (erf);
	v63 =	vmul.f32 v6, v44;
	v44 =	vmov v36;
	v58 =	vmul.f32 v16, v20;
	v20 =	vld.idx.msk [tilespmem:v1+s17+$0x0], $0xffff  }
0x34a: {  	s0 =	simm.s32 $0x18;
	v35 =	vmovc v1;
	v15 =	vmul.f32 v12, v15;
	v1 =	vmul.f32 v8, v62;
	v16 =	vld.idx.msk [tilespmem:v30+s17+$0x0], $0xffff;
	v62 =	vadd.f32 $1.000000000e+00, v53  }
.LBB2_11:
0x34b: {  	_ =	sdelay $0x2  }
0x34c: {  	v39 =	vmul.f32 v20, v39;
	v12 =	vadd.f32 v20, v12;
	v11 =	vadd.f32 v11, v3;
	v20 =	vpop (erf)  }
0x34d: {  	v38 =	vmul.f32 v16, v38;
	v8 =	vadd.f32 v8, v16;
	v16 =	vmul.f32 v20, v21  }
0x34e: {  	(erf) = vrcp.f32 v62  }
0x34f: {  	v6 =	vadd.f32 v6, v18;
	v8 =	vadd.f32 v11, v8;
	v11 =	vmul.f32 v16, v51  }
0x350: {  	v20 =	vmul.f32 v18, v37;
	v18 =	vmul.f32 v16, v54  }
0x351: {  	v6 =	vadd.f32 v13, v6;
	v21 =	vld [tilespmem:$0x1FCC0];
	v13 =	vmul.f32 v16, v55;
	[tilespmem:v29+s21+$0x0] =	vst.idx.msk $0xffff, v11  }
0x352: {  	v22 =	vld [tilespmem:$0x1FD10];
	v4 =	vmul.f32 v16, v4;
	[tilespmem:v28+s21+$0x0] =	vst.idx.msk $0xffff, v18  }
0x353: {  	v11 =	vmul.f32 v16, v50;
	[tilespmem:v17+s21+$0x0] =	vst.idx.msk $0xffff, v13  }
0x354: {  	v12 =	vadd.f32 v14, v12;
	v14 =	vmul.f32 v16, v49;
	v17 =	vld [tilespmem:$0x1FD30];
	[tilespmem:v43+s21+$0x0] =	vst.idx.msk $0xffff, v4  }
0x355: {  	s1 =	smov.u32 s0;
	v4 =	vmul.f32 v16, v59;
	[tilespmem:v41+s21+$0x0] =	vst.idx.msk $0xffff, v11  }
0x356: {  	v2 =	vadd.f32 v2, v7;
	v7 =	vld [tilespmem:$0x1FCE0];
	v29 =	vadd.s32 s1, v21;
	v21 =	vmul.f32 v16, v48;
	[tilespmem:v35+s21+$0x0] =	vst.idx.msk $0xffff, v14  }
0x357: {  	v18 =	vmul.f32 v16, v52;
	[tilespmem:v27+s21+$0x0] =	vst.idx.msk $0xffff, v4  }
0x358: {  	v6 =	vadd.f32 v8, v6;
	v8 =	vadd.f32 $-1.000000000e+00, v53;
	v11 =	vmul.f32 v16, v47;
	[tilespmem:v33+s21+$0x0] =	vst.idx.msk $0xffff, v21  }
0x359: {  	v30 =	vpop (erf);
	v13 =	vmul.f32 v16, v42;
	[tilespmem:v44+s21+$0x0] =	vst.idx.msk $0xffff, v18  }
0x35a: {  	v8 =	vmul.f32 v30, v8;
	v4 =	vmul.f32 v16, v45;
	[tilespmem:v22+s21+$0x0] =	vst.idx.msk $0xffff, v11  }
0x35b: {  	v7 =	vmul.f32 v16, v7;
	[tilespmem:v40+s21+$0x0] =	vst.idx.msk $0xffff, v13  }
0x35c: {  	v50 =	vmul.f32 v8, v8;
	[tilespmem:v17+s21+$0x0] =	vst.idx.msk $0xffff, v4  }
0x35d: {  	[tilespmem:v31+s21+$0x0] =	vst.idx.msk $0xffff, v7;
	v7 =	vld [tilespmem:$0x1FCD0]  }
0x35e: {  	v62 =	vmul.f32 $2.222222240e-01, v50;
	_ =	sdelay $0x1  }
0x35f: {  	v9 =	vadd.f32 v9, v10;
	v10 =	vld [tilespmem:$0x1FD20];
	v13 =	vadd.f32 $2.857142980e-01, v62  }
0x360: {  	v4 =	vld [tilespmem:$0x1FCF0]  }
0x361: {  	v3 =	vmul.f32 v3, v7;
	v7 =	vmul.f32 v13, v50;
	_ =	sdelay $0x1  }
0x362: {  	v0 =	vadd.f32 v0, v3;
	v3 =	vadd.f32 $4.000000060e-01, v7;
	v7 =	vld [tilespmem:$0x1FD60]  }
0x363: {  	v17 =	vld [tilespmem:$0x1FD00]  }
0x364: {  	v4 =	vmul.f32 v16, v4  }
0x365: {  	v19 =	vadd.f32 v19, v61  }
0x366: {  	v1 =	vadd.f32 v1, v38;
	v24 =	vor.u32 $0x7, v29;
	[tilespmem:v10+s21+$0x0] =	vst.idx.msk $0xffff, v4;
	v4 =	vadd.f32 v63, v20  }
0x367: {  	v36 =	vadd.s32 $0x8, v29;
	v61 =	vadd.s32 $0x9, v29;
	v18 =	vmul.f32 v16, v46  }
0x368: {  	v44 =	vmovc v36;
	v16 =	vmul.f32 v16, v17;
	v2 =	vadd.f32 v2, v4;
	v1 =	vadd.f32 v0, v1  }
0x369: {  	v22 =	vmov v61;
	[tilespmem:v34+s21+$0x0] =	vst.idx.msk $0xffff, v18;
	v3 =	vmul.f32 v3, v50  }
0x36a: {  	v15 =	vadd.f32 v39, v15;
	v21 =	vadd.s32 $0xA, v29;
	v1 =	vadd.f32 v1, v2;
	[tilespmem:v7+s21+$0x0] =	vst.idx.msk $0xffff, v16  }
0x36b: {  	v35 =	vor.u32 $0x1, v29;
	v2 =	vadd.f32 $6.666666860e-01, v3;
	v7 =	vadd.f32 v56, v58;
	v53 =	vld.idx.msk [tilespmem:v24+s2+$0x0], $0xffff  }
0x36c: {  	v5 =	vadd.f32 v5, v60;
	v11 =	vadd.s32 $0xE, v29;
	v58 =	vld.idx.msk [tilespmem:v29+s2+$0x0], $0xffff  }
0x36d: {  	v9 =	vadd.f32 v9, v15;
	v2 =	vmul.f32 v2, v50;
	v37 =	vld.idx.msk [tilespmem:v44+s2+$0x0], $0xffff;
	v4 =	vadd.f32 v19, v7  }
0x36e: {  	v5 =	vadd.f32 v12, v5;
	v43 =	vor.u32 $0x2, v29;
	v0 =	vld.idx.msk [tilespmem:v22+s2+$0x0], $0xffff  }
0x36f: {  	v30 =	vadd.s32 $0xC, v29;
	v2 =	vadd.f32 $2.000000000e+00, v2;
	v60 =	vld.idx.msk [tilespmem:v21+s2+$0x0], $0xffff;
	v3 =	vadd.f32 v9, v4  }
0x370: {  	v49 =	vadd.s32 $0xF, v29;
	v14 =	vadd.s32 $0xD, v29;
	v56 =	vld.idx.msk [tilespmem:v35+s2+$0x0], $0xffff;
	v4 =	vadd.f32 v6, v5  }
0x371: {  	v23 =	vmovc v14;
	v13 =	vld.idx.msk [tilespmem:v11+s2+$0x0], $0xffff;
	v6 =	vadd.f32 v1, v3;
	v1 =	vmul.f32 $6.931471820e-01, v57;
	v3 =	vmul.f32 v2, v8  }
0x372: {  	v41 =	vor.u32 $0x6, v29;
	v31 =	vmov v11;
	v11 =	vld [tilespmem:$0x1FD40]  }
0x373: {  	v36 =	vor.u32 $0x5, v29;
	v61 =	vld.idx.msk [tilespmem:v43+s2+$0x0], $0xffff;
	v5 =	vadd.f32 v3, v1  }
0x374: {  	v48 =	vadd.s32 $0xB, v29;
	v28 =	vor.u32 $0x4, v29;
	v38 =	vld.idx.msk [tilespmem:v30+s2+$0x0], $0xffff  }
0x375: {  	v25 =	vmov v48;
	v3 =	vld.idx.msk [tilespmem:v49+s2+$0x0], $0xffff;
	v9 =	vadd.f32 v5, v32  }
0x376: {  	v27 =	vor.u32 $0x3, v29;
	v1 =	vld.idx.msk [tilespmem:v23+s2+$0x0], $0xffff  }
0x377: {  	v62 =	vld.idx.msk [tilespmem:v41+s2+$0x0], $0xffff;
	v9 =	vsub.f32 v9, v11  }
0x378: {  	v39 =	vld.idx.msk [tilespmem:v36+s2+$0x0], $0xffff  }
0x379: {  	v57 =	vld.idx.msk [tilespmem:v28+s2+$0x0], $0xffff;
	v4 =	vmul.f32 v9, v4  }
0x37a: {  	v2 =	vld.idx.msk [tilespmem:v25+s2+$0x0], $0xffff  }
0x37b: {  	v5 =	vld.idx.msk [tilespmem:v27+s2+$0x0], $0xffff;
	v9 =	vmax.f32 v13, v3;
	v4 =	vsub.f32 v6, v4;
	v6 =	vmax.f32 v38, v1  }
0x37c: {  	v6 =	vmax.f32 v6, v9;
	v9 =	vld [tilespmem:$0x1FD50];
	_ =	sdelay $0x1  }
0x37d: {  	v7 =	vmax.f32 v37, v0  }
0x37e: {  	v8 =	vmax.f32 v58, v56;
	v10 =	vmax.f32 v62, v53;
	v11 =	vmax.f32 v57, v39  }
0x37f: {  	v12 =	vmax.f32 v60, v2;
	v10 =	vmax.f32 v11, v10;
	v11 =	vmax.f32 v61, v5  }
0x380: {  	v7 =	vmax.f32 v7, v12;
	v9 =	vadd.f32 v4, v9;
	v4 =	vmax.f32 v8, v11  }
0x381: {  	v6 =	vmax.f32 v7, v6;
	v4 =	vmax.f32 v4, v10  }
0x382: {  	v32 =	vmax.f32 v4, v6  }
0x383: {  	[tilespmem:$0x1FD50] =	vst v9;
	v6 =	vsub.f32 v0, v32;
	v9 =	vsub.f32 v58, v32  }
0x384: {  	[tilespmem:$0x1FCD0] =	vst v13;
	v12 =	vsub.f32 v13, v32;
	v13 =	vsub.f32 v60, v32  }
0x385: {  	v16 =	vsub.f32 v57, v32;
	v9 =	vmul.f32 $1.442695020e+00, v9  }
0x386: {  	v11 =	vsub.f32 v39, v32;
	v6 =	vmul.f32 $1.442695020e+00, v6;
	v13 =	vmul.f32 $1.442695020e+00, v13  }
0x387: {  	v4 =	vsub.f32 v56, v32;
	v16 =	vmul.f32 $1.442695020e+00, v16;
	(erf) = vpow2.f32 v9  }
0x388: {  	v7 =	vsub.f32 v61, v32;
	v11 =	vmul.f32 $1.442695020e+00, v11;
	(erf) = vpow2.f32 v13  }
0x389: {  	v4 =	vmul.f32 $1.442695020e+00, v4;
	v13 =	vsub.f32 v53, v32;
	(erf) = vpow2.f32 v16  }
0x38a: {  	v19 =	vsub.f32 v38, v32;
	v7 =	vmul.f32 $1.442695020e+00, v7;
	(erf) = vpow2.f32 v11  }
0x38b: {  	v8 =	vsub.f32 v1, v32;
	v11 =	vmul.f32 $1.442695020e+00, v13;
	(erf) = vpow2.f32 v4  }
0x38c: {  	v14 =	vsub.f32 v2, v32;
	v19 =	vmul.f32 $1.442695020e+00, v19;
	(erf) = vpow2.f32 v7  }
0x38d: {  	v18 =	vsub.f32 v37, v32;
	v8 =	vmul.f32 $1.442695020e+00, v8;
	(erf) = vpow2.f32 v11  }
0x38e: {  	v10 =	vsub.f32 v3, v32;
	v14 =	vmul.f32 $1.442695020e+00, v14;
	(erf) = vpow2.f32 v19  }
0x38f: {  	v15 =	vsub.f32 v5, v32;
	v4 =	vmul.f32 $1.442695020e+00, v18;
	(erf) = vpow2.f32 v6  }
0x390: {  	v10 =	vmul.f32 $1.442695020e+00, v10;
	v51 =	vpop (erf);
	(erf) = vpow2.f32 v14  }
0x391: {  	v9 =	vmul.f32 $1.442695020e+00, v15;
	v15 =	vsub.f32 v62, v32;
	(erf) = vpow2.f32 v4;
	v42 =	vpop (erf)  }
0x392: {  	v4 =	vmul.f32 $1.442695020e+00, v12;
	v50 =	vpop (erf);
	(erf) = vpow2.f32 v8  }
0x393: {  	v20 =	vmov v49;
	v15 =	vmul.f32 $1.442695020e+00, v15;
	v49 =	vpop (erf);
	(erf) = vpow2.f32 v10  }
0x394: {  	v54 =	vpop (erf);
	(erf) = vpow2.f32 v4  }
0x395: {  	v55 =	vpop (erf);
	(erf) = vpow2.f32 v15  }
0x396: {  	v26 =	vmov v21;
	(erf) = vpow2.f32 v9;
	v48 =	vpop (erf)  }
0x397: {  	s31 =	sadd.s32 $0x10, s31;
	v11 =	vpop (erf)  }
0x398: {  	v8 =	vld [tilespmem:s31+$0x0];
	v47 =	vpop (erf)  }
0x399: {  	v45 =	vpop (erf)  }
0x39a: {  	[tilespmem:$0x1FD10] =	vst v22;
	v52 =	vpop (erf)  }
0x39b: {  	v18 =	vld.idx.msk [tilespmem:v26+s17+$0x0], $0xffff;
	[tilespmem:$0x1FCE0] =	vst v11;
	v6 =	vadd.f32 v45, v42;
	v4 =	vadd.f32 v47, v52;
	v12 =	vpop (erf)  }
0x39c: {  	v13 =	vpop (erf);
	[tilespmem:$0x1FCF0] =	vst v12;
	v12 =	vadd.f32 v12, v11;
	v11 =	vld.idx.msk [tilespmem:v20+s17+$0x0], $0xffff  }
0x39d: {  	[tilespmem:$0x1FD40] =	vst v8;
	v8 =	vmul.f32 $1.442695020e+00, v8;
	v9 =	vadd.f32 v6, v4;
	v46 =	vpop (erf);
	v6 =	vld.idx.msk [tilespmem:v22+s17+$0x0], $0xffff  }
0x39e: {  	v7 =	vadd.f32 v49, v50;
	[tilespmem:$0x1FD00] =	vst v13;
	v22 =	vld.idx.msk [tilespmem:v29+s17+$0x0], $0xffff;
	v13 =	vadd.f32 v13, v46;
	v59 =	vpop (erf)  }
0x39f: {  	v10 =	vadd.f32 v54, v51;
	(erf) = vpow2.f32 v8;
	v8 =	vld.idx.msk [tilespmem:v23+s17+$0x0], $0xffff;
	v14 =	vadd.f32 v48, v59;
	v4 =	vpop (erf)  }
0x3a0: {  	v15 =	vadd.f32 v4, v55;
	v12 =	vadd.f32 v13, v12;
	v13 =	vld.idx.msk [tilespmem:v25+s17+$0x0], $0xffff  }
0x3a1: {  	[tilespmem:$0x1FD30] =	vst v25;
	v25 =	vld.idx.msk [tilespmem:v35+s17+$0x0], $0xffff  }
0x3a2: {  	v7 =	vadd.f32 v14, v7;
	v14 =	vld.idx.msk [tilespmem:v43+s17+$0x0], $0xffff;
	v10 =	vadd.f32 v15, v10  }
0x3a3: {  	v9 =	vadd.f32 v12, v9;
	v12 =	vld.idx.msk [tilespmem:v28+s17+$0x0], $0xffff  }
0x3a4: {  	[tilespmem:$0x1FD20] =	vst v23;
	v63 =	vmul.f32 v6, v0;
	v7 =	vadd.f32 v7, v10  }
0x3a5: {  	v33 =	vmovc v24;
	v40 =	vmov v26;
	v0 =	vmul.f32 v11, v3;
	v58 =	vmul.f32 v22, v58;
	v10 =	vld.idx.msk [tilespmem:v27+s17+$0x0], $0xffff  }
0x3a6: {  	v23 =	vld.idx.msk [tilespmem:v24+s17+$0x0], $0xffff;
	v1 =	vmul.f32 v8, v1;
	v2 =	vmul.f32 v13, v2;
	v3 =	vadd.f32 v9, v7  }
0x3a7: {  	v24 =	vld.idx.msk [tilespmem:v41+s17+$0x0], $0xffff;
	v13 =	vadd.f32 v13, v18;
	v56 =	vmul.f32 v25, v56;
	v61 =	vmul.f32 v14, v61  }
0x3a8: {  	v17 =	vmovc v43;
	v43 =	vmovc v27;
	v15 =	vmul.f32 v12, v57;
	v7 =	vshrl.u32 v3, $0x17;
	v9 =	vand.u32 $0x7FFFFF, v3  }
0x3a9: {  	p0 =	sne.s32 s0, $0x78;
	v21 =	vpop (erf);
	(erf) = vrcp.f32 v3;
	v7 =	vadd.s32 $0xFFFFFF81, v7;
	v26 =	vor.u32 $0x3F800000, v9  }
.Ltmp4:
0x3aa: {  	v27 =	vmovc v41;
	v41 =	vmovc v28;
	v19 =	vmul.f32 v10, v5;
	v5 =	vadd.f32 v10, v14;
	vm0 =	vgt.f32 v26, $1.414213540e+00;
	(pc) =	sbr.rel @p0 .LBB2_11-.Ltmp4, $4  }
0x3ab: {  	[tilespmem:$0x1FD60] =	vst v20;
	v20 =	vld.idx.msk [tilespmem:v36+s17+$0x0], $0xffff;
	v28 =	vmovc v35;
	v35 =	vmovc v36;
	v57 =	vcvt.s32.f32 v7;
	v7 =	vimm.f32 $0.0e+00;
	v36 =	vmul.f32 $5.000000000e-01, v26  }
0x3ac: {  	v34 =	vmovc v31;
	v16 =	vld.idx.msk [tilespmem:v30+s17+$0x0], $0xffff;
	v9 =	vmul.f32 v23, v53;
	v14 =	vadd.f32 v23, v24;
	v10 =	vsel vm0, $0x3F800000, v7  }
0x3ad: {  	v3 =	vld.idx.msk [tilespmem:v31+s17+$0x0], $0xffff;
	v7 =	vmul.f32 v18, v60;
	v60 =	vadd.f32 v25, v22;
	v53 =	vsel vm0, v36, v26  }
0x3ae: {  	s0 =	sadd.s32 $0x10, s0;
	v31 =	vmovc v30;
	v18 =	vld.idx.msk [tilespmem:v44+s17+$0x0], $0xffff;
	v57 =	vadd.f32 v57, v10;
	v10 =	vmul.f32 v24, v62;
	v62 =	vadd.f32 $1.000000000e+00, v53  }
0x3af: {  	_ = 	snop  }
0x3b0: {  	(erf) = vrcp.f32 v62;
	_ =	sdelay $0x7  }
0x3b1: {  	v22 =	vadd.f32 $-1.000000000e+00, v53;
	v23 =	vpop (erf)  }
0x3b2: {  	v24 =	vpop (erf)  }
0x3b3: {  	v22 =	vmul.f32 v24, v22;
	_ =	sdelay $0x1  }
0x3b4: {  	v24 =	vmul.f32 v22, v22;
	_ =	sdelay $0x1  }
0x3b5: {  	v36 =	vmul.f32 $2.222222240e-01, v24  }
0x3b6: {  	v21 =	vmul.f32 v23, v21  }
0x3b7: {  	v19 =	vadd.f32 v19, v61;
	v23 =	vadd.f32 $2.857142980e-01, v36  }
0x3b8: {  	v2 =	vadd.f32 v2, v7;
	v5 =	vadd.f32 v5, v60;
	v25 =	vmul.f32 v21, v51  }
0x3b9: {  	v12 =	vadd.f32 v20, v12;
	v26 =	vmul.f32 v21, v54;
	v23 =	vmul.f32 v23, v24  }
0x3ba: {  	v8 =	vadd.f32 v8, v16;
	v53 =	vmul.f32 v21, v55;
	[tilespmem:v29+s21+$0x0] =	vst.idx.msk $0xffff, v25  }
0x3bb: {  	v11 =	vadd.f32 v11, v3;
	v4 =	vmul.f32 v21, v4;
	[tilespmem:v28+s21+$0x0] =	vst.idx.msk $0xffff, v26;
	v54 =	vadd.f32 $4.000000060e-01, v23  }
0x3bc: {  	v6 =	vadd.f32 v6, v18;
	v30 =	vmul.f32 v18, v37;
	[tilespmem:v17+s21+$0x0] =	vst.idx.msk $0xffff, v53  }
0x3bd: {  	v55 =	vmul.f32 v20, v39;
	[tilespmem:v43+s21+$0x0] =	vst.idx.msk $0xffff, v4;
	v4 =	vmul.f32 v54, v24  }
0x3be: {  	v8 =	vadd.f32 v11, v8;
	v61 =	vmul.f32 v21, v50;
	v62 =	vmul.f32 v21, v49  }
0x3bf: {  	v6 =	vadd.f32 v13, v6;
	v39 =	vmul.f32 v21, v52;
	v36 =	vld [tilespmem:$0x1FCD0];
	v4 =	vadd.f32 $6.666666860e-01, v4  }
0x3c0: {  	v7 =	vadd.f32 v63, v30;
	v47 =	vmul.f32 v21, v47;
	v52 =	vmul.f32 v21, v42  }
0x3c1: {  	v15 =	vadd.f32 v55, v15;
	v29 =	vmul.f32 v16, v38;
	v4 =	vmul.f32 v4, v24  }
0x3c2: {  	v49 =	vld [tilespmem:$0x1FD10];
	v6 =	vadd.f32 v8, v6;
	v38 =	vmul.f32 v21, v48;
	v2 =	vadd.f32 v2, v7  }
0x3c3: {  	v26 =	vadd.f32 v14, v12;
	v28 =	vmul.f32 v21, v59;
	v4 =	vadd.f32 $2.000000000e+00, v4  }
0x3c4: {  	v55 =	vld [tilespmem:$0x1FD30];
	v1 =	vadd.f32 v1, v29;
	v53 =	vmul.f32 v21, v45;
	v37 =	vmul.f32 v3, v36  }
0x3c5: {  	v60 =	vld [tilespmem:$0x1FD20];
	v43 =	vadd.f32 v56, v58;
	[tilespmem:v41+s21+$0x0] =	vst.idx.msk $0xffff, v61;
	v41 =	vmul.f32 $6.931471820e-01, v57;
	v4 =	vmul.f32 v4, v22  }
0x3c6: {  	[tilespmem:v35+s21+$0x0] =	vst.idx.msk $0xffff, v62;
	v35 =	vadd.f32 v9, v10;
	v54 =	vld [tilespmem:$0x1FD40];
	v0 =	vadd.f32 v0, v37  }
0x3c7: {  	v56 =	vld [tilespmem:$0x1FCE0];
	v50 =	vadd.f32 v19, v43;
	[tilespmem:v27+s21+$0x0] =	vst.idx.msk $0xffff, v28;
	v48 =	vadd.f32 v4, v41  }
0x3c8: {  	v58 =	vld [tilespmem:$0x1FCF0];
	[tilespmem:v33+s21+$0x0] =	vst.idx.msk $0xffff, v38;
	v8 =	vadd.f32 v35, v15;
	v0 =	vadd.f32 v0, v1  }
0x3c9: {  	v51 =	vadd.f32 v26, v5;
	v62 =	vld [tilespmem:$0x1FD60];
	[tilespmem:v44+s21+$0x0] =	vst.idx.msk $0xffff, v39;
	v3 =	vadd.f32 v48, v32  }
0x3ca: {  	v61 =	vld [tilespmem:$0x1FD00];
	[tilespmem:v49+s21+$0x0] =	vst.idx.msk $0xffff, v47;
	v1 =	vadd.f32 v8, v50;
	v0 =	vadd.f32 v0, v2  }
0x3cb: {  	s30 =	sadd.s32 $0x1, s30;
	[tilespmem:v40+s21+$0x0] =	vst.idx.msk $0xffff, v52;
	v4 =	vadd.f32 v6, v51;
	v3 =	vsub.f32 v3, v54  }
0x3cc: {  	p0 =	sne.s32 s30, $0x8;
	v63 =	vld [tilespmem:$0x1FD50];
	[tilespmem:v55+s21+$0x0] =	vst.idx.msk $0xffff, v53;
	v2 =	vmul.f32 v21, v56  }
.Ltmp5:
0x3cd: {  	v0 =	vadd.f32 v0, v1;
	v57 =	vmul.f32 v3, v4;
	v3 =	vmul.f32 v21, v58;
	(pc) =	sbr.rel @p0 .LBB2_10-.Ltmp5, $4  }
0x3ce: {  	v59 =	vmul.f32 v21, v46;
	[tilespmem:v31+s21+$0x0] =	vst.idx.msk $0xffff, v2  }
0x3cf: {  	[tilespmem:v60+s21+$0x0] =	vst.idx.msk $0xffff, v3;
	v3 =	vmul.f32 v21, v61;
	v0 =	vsub.f32 v0, v57  }
0x3d0: {  	[tilespmem:v34+s21+$0x0] =	vst.idx.msk $0xffff, v59  }
0x3d1: {  	v61 =	vimm.f32 $0.0e+00;
	[tilespmem:v62+s21+$0x0] =	vst.idx.msk $0xffff, v3;
	v33 =	vadd.f32 v0, v63  }
0x3d2: {  	s30 =	simm.s32 $0x0  }
0x3d3: {  	[hbm4b:s13+s30] =	stream.linear.scatter [tilespmem:s21], [sflag:$0x3], $0x4400, $0x38;
	[tilespmem:$0x19900] =	vst v63  }
0x3d4: {  	_ =	swait.ge [sflag:s25], $0x4400  }
0x3d5: {  	[sflag:s25] =	ssyncset.done $0x0  }
0x3d6: {  	[sflag:s25] =	ssyncadd.s32 $0xFFFFBC00  }
0x3d7: {  	_ =	swait.ge [sflag:s22], $0x4400  }
0x3d8: {  	[sflag:s22] =	ssyncset.done $0x0  }
0x3d9: {  	[sflag:s22] =	ssyncadd.s32 $0xFFFFBC00  }
0x3da: {  	_ =	swait.ge [sflag:s22], $0x4400  }
0x3db: {  	[sflag:s22] =	ssyncset.done $0x0  }
0x3dc: {  	[sflag:s22] =	ssyncadd.s32 $0xFFFFBC00  }
.LBB2_14:
0x3dd: {  	s0 =	sshll.u32 s30, $0x4  }
0x3de: {  	v1 =	vld [tilespmem:$0x1FF60];
	v0 =	vmov s0  }
0x3df: {  	v0 =	vmul.u32 $0x88, v0  }
0x3e0: {  	v4 =	vld [tilespmem:$0x1FFE0]  }
0x3e1: {  	v0 =	vbroadcast v0, $0x0;
	_ =	sdelay $0x1  }
0x3e2: {  	v30 =	vadd.s32 v1, v0  }
0x3e3: {  	v1 =	vld [tilespmem:$0x1FF00];
	v2 =	vand.u32 $0xFFFFFF80, v30  }
0x3e4: {  	v9 =	vor.u32 v4, v2;
	v2 =	vld [tilespmem:$0x1FF20]  }
0x3e5: {  	v4 =	vld [tilespmem:$0x1FF80];
	_ =	sdelay $0x1  }
0x3e6: {  	v6 =	vld [tilespmem:$0x1FFA0]  }
0x3e7: {  	v3 =	vld [tilespmem:$0x1FF10];
	v1 =	vadd.s32 v1, v0  }
0x3e8: {  	v5 =	vld [tilespmem:$0x1FF90];
	v1 =	vand.u32 $0xFFFFFF80, v1  }
0x3e9: {  	v2 =	vadd.s32 v2, v0;
	v1 =	vor.u32 v4, v1;
	v4 =	vld [tilespmem:$0x1FF30]  }
0x3ea: {  	v2 =	vand.u32 $0xFFFFFF80, v2  }
0x3eb: {  	v11 =	vor.u32 v6, v2;
	v6 =	vld [tilespmem:$0x1FFB0]  }
0x3ec: {  	v3 =	vadd.s32 v3, v0  }
0x3ed: {  	v3 =	vand.u32 $0xFFFFFF80, v3  }
0x3ee: {  	v3 =	vor.u32 v5, v3;
	v5 =	vld [tilespmem:$0x1FF40];
	v4 =	vadd.s32 v4, v0  }
0x3ef: {  	v2 =	vand.u32 $0xFFFFFF80, v4  }
0x3f0: {  	v12 =	vor.u32 v6, v2;
	v6 =	vld [tilespmem:$0x1FFC0];
	_ =	sdelay $0x2  }
0x3f1: {  	v5 =	vadd.s32 v5, v0;
	v4 =	vld [tilespmem:$0x1FF50]  }
0x3f2: {  	v5 =	vand.u32 $0xFFFFFF80, v5  }
0x3f3: {  	v13 =	vor.u32 v6, v5;
	v5 =	vld [tilespmem:$0x1FFD0];
	_ =	sdelay $0x2  }
0x3f4: {  	v2 =	vld [tilespmem:$0x1FF70];
	v4 =	vadd.s32 v4, v0  }
0x3f5: {  	v4 =	vand.u32 $0xFFFFFF80, v4  }
0x3f6: {  	v14 =	vor.u32 v5, v4;
	v5 =	vld [tilespmem:$0x1FFF0];
	_ =	sdelay $0x2  }
0x3f7: {  	v43 =	vld.idx.msk [tilespmem:v11+s18+$0x0], $0xffff;
	v0 =	vadd.s32 v2, v0  }
0x3f8: {  	v2 =	vld.idx.msk [tilespmem:v9+s18+$0x0], $0xffff;
	v0 =	vand.u32 $0xFFFFFF80, v0  }
0x3f9: {  	v6 =	vld.idx.msk [tilespmem:v1+s18+$0x0], $0xffff;
	v0 =	vor.u32 v5, v0  }
0x3fa: {  	v42 =	vld.idx.msk [tilespmem:v12+s18+$0x0], $0xffff  }
0x3fb: {  	v4 =	vld.idx.msk [tilespmem:v3+s18+$0x0], $0xffff  }
0x3fc: {  	v5 =	vld.idx.msk [tilespmem:v13+s18+$0x0], $0xffff  }
0x3fd: {  	v41 =	vld.idx.msk [tilespmem:v14+s18+$0x0], $0xffff  }
0x3fe: {  	v40 =	vld.idx.msk [tilespmem:v0+s18+$0x0], $0xffff;
	_ =	sdelay $0x3  }
0x3ff: {  	v7 =	vmax.f32 v2, v6  }
0x400: {  	v8 =	vmax.f32 v4, v43;
	v10 =	vmax.f32 v42, v5;
	v15 =	vmax.f32 v41, v40  }
0x401: {  	v7 =	vmax.f32 v7, v8;
	v8 =	vmax.f32 v10, v15  }
0x402: {  	v15 =	vmax.f32 v7, v8  }
0x403: {  	v7 =	vsub.f32 v2, v15  }
0x404: {  	v8 =	vsub.f32 v6, v15  }
0x405: {  	v10 =	vsub.f32 v4, v15;
	v7 =	vmul.f32 $1.442695020e+00, v7  }
0x406: {  	v16 =	vsub.f32 v43, v15;
	v8 =	vmul.f32 $1.442695020e+00, v8  }
0x407: {  	(erf) = vpow2.f32 v7;
	v7 =	vmul.f32 $1.442695020e+00, v10;
	v10 =	vsub.f32 v42, v15  }
0x408: {  	(erf) = vpow2.f32 v8;
	v8 =	vmul.f32 $1.442695020e+00, v16;
	v16 =	vsub.f32 v5, v15  }
0x409: {  	(erf) = vpow2.f32 v7;
	v7 =	vmul.f32 $1.442695020e+00, v10;
	v10 =	vsub.f32 v41, v15  }
0x40a: {  	(erf) = vpow2.f32 v8;
	v8 =	vmul.f32 $1.442695020e+00, v16;
	v16 =	vsub.f32 v40, v15  }
0x40b: {  	(erf) = vpow2.f32 v7;
	v7 =	vmul.f32 $1.442695020e+00, v10  }
0x40c: {  	(erf) = vpow2.f32 v8;
	v8 =	vmul.f32 $1.442695020e+00, v16  }
0x40d: {  	(erf) = vpow2.f32 v7  }
0x40e: {  	(erf) = vpow2.f32 v8;
	_ =	sdelay $0x1  }
0x40f: {  	v16 =	vpop (erf)  }
0x410: {  	v18 =	vpop (erf)  }
0x411: {  	v19 =	vpop (erf)  }
0x412: {  	v20 =	vpop (erf)  }
0x413: {  	v21 =	vpop (erf)  }
0x414: {  	v22 =	vpop (erf)  }
0x415: {  	v23 =	vpop (erf)  }
0x416: {  	v7 =	vadd.f32 v18, v16;
	v8 =	vadd.f32 v20, v19;
	v24 =	vpop (erf)  }
0x417: {  	v10 =	vadd.f32 v22, v21;
	v25 =	vadd.f32 v24, v23;
	_ =	sdelay $0x1  }
0x418: {  	v7 =	vadd.f32 v8, v7;
	v8 =	vadd.f32 v25, v10;
	_ =	sdelay $0x1  }
0x419: {  	v10 =	vadd.f32 v8, v7;
	_ =	sdelay $0x1  }
0x41a: {  	v7 =	vand.u32 $0x7FFFFF, v10  }
0x41b: {  	v7 =	vor.u32 $0x3F800000, v7  }
0x41c: {  	v8 =	vmul.f32 $5.000000000e-01, v7  }
0x41d: {  	vm0 =	vgt.f32 v7, $1.414213540e+00  }
0x41e: {  	v7 =	vsel vm0, v8, v7  }
0x41f: {  	v8 =	vadd.f32 $1.000000000e+00, v7;
	_ =	sdelay $0x1  }
0x420: {  	(erf) = vrcp.f32 v8;
	_ =	sdelay $0x7  }
0x421: {  	v7 =	vadd.f32 $-1.000000000e+00, v7  }
0x422: {  	v8 =	vpop (erf)  }
0x423: {  	v25 =	vmul.f32 v8, v7;
	_ =	sdelay $0x1  }
0x424: {  	v26 =	vmul.f32 v25, v25;
	_ =	sdelay $0x1  }
0x425: {  	v7 =	vmul.f32 $2.222222240e-01, v26;
	_ =	sdelay $0x1  }
0x426: {  	v7 =	vadd.f32 $2.857142980e-01, v7;
	_ =	sdelay $0x1  }
0x427: {  	(erf) = vrcp.f32 v10;
	v7 =	vmul.f32 v7, v26;
	_ =	sdelay $0x1  }
0x428: {  	v8 =	vadd.f32 $4.000000060e-01, v7  }
0x429: {  	v10 =	vshrl.u32 v10, $0x17  }
0x42a: {  	v10 =	vadd.s32 $0xFFFFFF81, v10;
	v27 =	vmul.f32 v8, v26  }
0x42b: {  	v59 =	vld.idx.msk [tilespmem:v3+s19+$0x0], $0xffff;
	v28 =	vcvt.s32.f32 v10  }
0x42c: {  	v45 =	vld.idx.msk [tilespmem:v11+s19+$0x0], $0xffff;
	v27 =	vadd.f32 $6.666666860e-01, v27  }
0x42d: {  	v46 =	vld.idx.msk [tilespmem:v12+s19+$0x0], $0xffff  }
0x42e: {  	v47 =	vld.idx.msk [tilespmem:v14+s19+$0x0], $0xffff;
	v29 =	vsel vm0, $0x3F800000, v61;
	v26 =	vmul.f32 v27, v26  }
0x42f: {  	v52 =	vld.idx.msk [tilespmem:v0+s19+$0x0], $0xffff;
	v27 =	vadd.f32 v28, v29;
	v28 =	vpop (erf)  }
0x430: {  	v10 =	vld.idx.msk [tilespmem:v13+s19+$0x0], $0xffff;
	v16 =	vmul.f32 v28, v16;
	v26 =	vadd.f32 $2.000000000e+00, v26  }
0x431: {  	v7 =	vld.idx.msk [tilespmem:v9+s19+$0x0], $0xffff;
	v18 =	vmul.f32 v28, v18;
	v27 =	vmul.f32 $6.931471820e-01, v27  }
0x432: {  	v8 =	vld.idx.msk [tilespmem:v1+s19+$0x0], $0xffff;
	[tilespmem:v9+s23+$0x0] =	vst.idx.msk $0xffff, v16;
	v9 =	vmul.f32 v28, v19;
	v25 =	vmul.f32 v26, v25  }
0x433: {  	[tilespmem:v1+s23+$0x0] =	vst.idx.msk $0xffff, v18;
	v1 =	vmul.f32 v28, v20  }
0x434: {  	[tilespmem:v3+s23+$0x0] =	vst.idx.msk $0xffff, v9;
	v3 =	vmul.f32 v28, v21;
	v16 =	vadd.f32 v25, v27  }
0x435: {  	[tilespmem:v11+s23+$0x0] =	vst.idx.msk $0xffff, v1;
	v1 =	vmul.f32 v28, v22  }
0x436: {  	[tilespmem:v12+s23+$0x0] =	vst.idx.msk $0xffff, v3;
	v3 =	vmul.f32 v28, v23;
	v56 =	vadd.f32 v16, v15  }
0x437: {  	[tilespmem:v13+s23+$0x0] =	vst.idx.msk $0xffff, v1;
	v1 =	vmul.f32 v28, v24  }
0x438: {  	[tilespmem:v14+s23+$0x0] =	vst.idx.msk $0xffff, v3;
	v9 =	vsub.f32 v2, v56  }
0x439: {  	v3 =	vsub.f32 v6, v56;
	[tilespmem:v0+s23+$0x0] =	vst.idx.msk $0xffff, v1  }
0x43a: {  	v0 =	vsub.f32 v4, v56;
	[tilespmem:$0x19800] =	vst v9  }
0x43b: {  	s1 =	simm.s32 $0x8;
	v1 =	vsub.f32 v43, v56;
	[tilespmem:$0x19810] =	vst v3  }
0x43c: {  	v29 =	vadd.s32 s1, v30;
	v3 =	vsub.f32 v42, v56;
	[tilespmem:$0x19820] =	vst v0  }
0x43d: {  	v25 =	vor.u32 $0x7, v29;
	v0 =	vsub.f32 v5, v56;
	[tilespmem:$0x19830] =	vst v1  }
0x43e: {  	v1 =	vsub.f32 v41, v56;
	[tilespmem:$0x19840] =	vst v3  }
0x43f: {  	v36 =	vadd.s32 $0x8, v29;
	v3 =	vsub.f32 v40, v56;
	[tilespmem:$0x19850] =	vst v0  }
0x440: {  	v27 =	vadd.s32 $0xA, v29;
	[tilespmem:$0x19860] =	vst v1  }
0x441: {  	v31 =	vor.u32 $0x1, v29;
	[tilespmem:$0x19870] =	vst v3  }
0x442: {  	v53 =	vor.u32 $0x2, v29;
	v3 =	vld.idx.msk [tilespmem:v25+s18+$0x0], $0xffff  }
0x443: {  	v34 =	vor.u32 $0x4, v29;
	v48 =	vld.idx.msk [tilespmem:v29+s18+$0x0], $0xffff  }
0x444: {  	v35 =	vor.u32 $0x6, v29;
	v37 =	vld.idx.msk [tilespmem:v36+s18+$0x0], $0xffff  }
0x445: {  	v23 =	vadd.s32 $0xE, v29;
	v57 =	vld.idx.msk [tilespmem:v27+s18+$0x0], $0xffff  }
0x446: {  	v26 =	vadd.s32 $0xB, v29;
	v60 =	vld.idx.msk [tilespmem:v31+s18+$0x0], $0xffff  }
0x447: {  	v22 =	vadd.s32 $0xF, v29;
	v9 =	vld.idx.msk [tilespmem:v53+s18+$0x0], $0xffff  }
0x448: {  	v24 =	vadd.s32 $0xD, v29;
	v15 =	vld.idx.msk [tilespmem:v34+s18+$0x0], $0xffff  }
0x449: {  	[tilespmem:$0x1FC00] =	vst v30;
	v30 =	vadd.s32 $0xC, v29;
	v58 =	vld.idx.msk [tilespmem:v35+s18+$0x0], $0xffff  }
0x44a: {  	v17 =	vor.u32 $0x3, v29;
	v28 =	vld.idx.msk [tilespmem:v23+s18+$0x0], $0xffff  }
0x44b: {  	v1 =	vor.u32 $0x5, v29;
	v11 =	vld.idx.msk [tilespmem:v26+s18+$0x0], $0xffff  }
0x44c: {  	v0 =	vadd.s32 $0x9, v29;
	v18 =	vld.idx.msk [tilespmem:v22+s18+$0x0], $0xffff  }
0x44d: {  	v62 =	vld.idx.msk [tilespmem:v24+s18+$0x0], $0xffff  }
0x44e: {  	v38 =	vld.idx.msk [tilespmem:v30+s18+$0x0], $0xffff  }
0x44f: {  	v63 =	vld.idx.msk [tilespmem:v17+s18+$0x0], $0xffff  }
0x450: {  	v39 =	vld.idx.msk [tilespmem:v1+s18+$0x0], $0xffff  }
0x451: {  	v44 =	vld.idx.msk [tilespmem:v0+s18+$0x0], $0xffff;
	_ =	sdelay $0x2  }
0x452: {  	v13 =	vmax.f32 v58, v3;
	v16 =	vmax.f32 v48, v60;
	v19 =	vmax.f32 v57, v11  }
0x453: {  	v20 =	vmax.f32 v38, v62;
	v21 =	vmax.f32 v9, v63;
	v14 =	vmax.f32 v15, v39  }
0x454: {  	v12 =	vmax.f32 v37, v44;
	v13 =	vmax.f32 v14, v13;
	v14 =	vmax.f32 v28, v18  }
0x455: {  	v16 =	vmax.f32 v16, v21;
	v12 =	vmax.f32 v12, v19;
	v14 =	vmax.f32 v20, v14  }
0x456: {  	v13 =	vmax.f32 v16, v13;
	v12 =	vmax.f32 v12, v14  }
0x457: {  	v32 =	vmax.f32 v13, v12  }
0x458: {  	v12 =	vsub.f32 v48, v32  }
0x459: {  	v2 =	vmul.f32 v7, v2;
	v14 =	vsub.f32 v57, v32;
	v19 =	vsub.f32 v15, v32  }
0x45a: {  	v16 =	vmul.f32 v46, v42;
	v20 =	vsub.f32 v39, v32;
	v12 =	vmul.f32 $1.442695020e+00, v12  }
0x45b: {  	v21 =	vsub.f32 v60, v32;
	v14 =	vmul.f32 $1.442695020e+00, v14;
	v19 =	vmul.f32 $1.442695020e+00, v19  }
0x45c: {  	v20 =	vmul.f32 $1.442695020e+00, v20;
	(erf) = vpow2.f32 v12;
	v12 =	vsub.f32 v9, v32  }
0x45d: {  	(erf) = vpow2.f32 v14;
	v14 =	vmul.f32 $1.442695020e+00, v21;
	v21 =	vsub.f32 v3, v32  }
0x45e: {  	(erf) = vpow2.f32 v19;
	v12 =	vmul.f32 $1.442695020e+00, v12;
	v19 =	vsub.f32 v38, v32  }
0x45f: {  	(erf) = vpow2.f32 v20;
	v20 =	vsub.f32 v44, v32;
	v21 =	vmul.f32 $1.442695020e+00, v21  }
0x460: {  	(erf) = vpow2.f32 v14;
	v14 =	vsub.f32 v11, v32;
	v19 =	vmul.f32 $1.442695020e+00, v19  }
0x461: {  	(erf) = vpow2.f32 v12;
	v12 =	vmul.f32 $1.442695020e+00, v20;
	v20 =	vsub.f32 v37, v32  }
0x462: {  	(erf) = vpow2.f32 v21;
	v21 =	vsub.f32 v62, v32;
	v14 =	vmul.f32 $1.442695020e+00, v14  }
0x463: {  	(erf) = vpow2.f32 v19;
	v19 =	vsub.f32 v18, v32;
	v20 =	vmul.f32 $1.442695020e+00, v20  }
0x464: {  	(erf) = vpow2.f32 v12;
	v12 =	vsub.f32 v28, v32;
	v21 =	vmul.f32 $1.442695020e+00, v21  }
0x465: {  	v51 =	vpop (erf);
	(erf) = vpow2.f32 v14;
	v14 =	vmul.f32 $1.442695020e+00, v19;
	v19 =	vsub.f32 v58, v32  }
0x466: {  	(erf) = vpow2.f32 v20;
	v42 =	vpop (erf);
	v20 =	vsub.f32 v63, v32;
	v12 =	vmul.f32 $1.442695020e+00, v12  }
0x467: {  	v50 =	vpop (erf);
	(erf) = vpow2.f32 v21;
	v19 =	vmul.f32 $1.442695020e+00, v19  }
0x468: {  	v49 =	vpop (erf);
	(erf) = vpow2.f32 v14;
	v14 =	vmul.f32 $1.442695020e+00, v20  }
0x469: {  	v4 =	vmul.f32 v59, v4;
	v54 =	vpop (erf);
	(erf) = vpow2.f32 v12  }
0x46a: {  	v13 =	vmul.f32 v45, v43;
	v55 =	vpop (erf);
	(erf) = vpow2.f32 v19  }
0x46b: {  	v6 =	vmul.f32 v8, v6;
	v7 =	vadd.f32 v8, v7;
	[tilespmem:$0x1FCB0] =	vst v48;
	(erf) = vpow2.f32 v14;
	v48 =	vpop (erf)  }
0x46c: {  	v8 =	vadd.f32 v45, v59;
	v5 =	vmul.f32 v10, v5;
	v4 =	vadd.f32 v13, v4;
	v14 =	vpop (erf)  }
0x46d: {  	v10 =	vadd.f32 v10, v46;
	v13 =	vadd.f32 v52, v47;
	v12 =	vmul.f32 v47, v41;
	v47 =	vpop (erf)  }
0x46e: {  	v2 =	vadd.f32 v6, v2;
	v6 =	vmul.f32 v52, v40;
	v7 =	vadd.f32 v8, v7;
	v45 =	vpop (erf)  }
0x46f: {  	v5 =	vadd.f32 v5, v16;
	v8 =	vadd.f32 v13, v10;
	v52 =	vpop (erf)  }
0x470: {  	v2 =	vadd.f32 v4, v2;
	v6 =	vadd.f32 v6, v12;
	v4 =	vpop (erf)  }
0x471: {  	v7 =	vadd.f32 v8, v7;
	v10 =	vadd.f32 v49, v50;
	v16 =	vpop (erf)  }
0x472: {  	v12 =	vadd.f32 v54, v51;
	v5 =	vadd.f32 v6, v5;
	v46 =	vpop (erf)  }
0x473: {  	[tilespmem:$0x1FC20] =	vst v14;
	v8 =	vadd.f32 v45, v42;
	v6 =	vadd.f32 v47, v52;
	v59 =	vpop (erf)  }
0x474: {  	s31 =	simm.s32 $0x19800;
	[tilespmem:$0x1FC30] =	vst v4;
	v13 =	vadd.f32 v4, v14;
	v14 =	vadd.f32 v16, v46;
	v4 =	vpop (erf)  }
0x475: {  	v43 =	vmov v17;
	v17 =	vld [tilespmem:s31+$0x0];
	[tilespmem:$0x1FC40] =	vst v16;
	v16 =	vadd.f32 v48, v59;
	v19 =	vadd.f32 v4, v55  }
0x476: {  	v21 =	vld.idx.msk [tilespmem:v35+s19+$0x0], $0xffff;
	v20 =	vadd.f32 v8, v6;
	v13 =	vadd.f32 v14, v13  }
0x477: {  	v6 =	vld.idx.msk [tilespmem:v0+s19+$0x0], $0xffff;
	v10 =	vadd.f32 v16, v10;
	v12 =	vadd.f32 v19, v12  }
0x478: {  	v2 =	vadd.f32 v5, v2;
	v5 =	vmul.f32 v56, v7;
	v8 =	vld.idx.msk [tilespmem:v24+s19+$0x0], $0xffff  }
0x479: {  	v14 =	vld.idx.msk [tilespmem:v53+s19+$0x0], $0xffff;
	v7 =	vadd.f32 v13, v20;
	v10 =	vadd.f32 v10, v12  }
0x47a: {  	v2 =	vsub.f32 v2, v5;
	v13 =	vld.idx.msk [tilespmem:v26+s19+$0x0], $0xffff  }
0x47b: {  	v5 =	vmul.f32 $1.442695020e+00, v17;
	v7 =	vadd.f32 v7, v10;
	v10 =	vld.idx.msk [tilespmem:v43+s19+$0x0], $0xffff  }
0x47c: {  	[tilespmem:$0x1FC50] =	vst v0;
	v0 =	vadd.f32 v2, v33;
	v20 =	vld.idx.msk [tilespmem:v25+s19+$0x0], $0xffff  }
0x47d: {  	[tilespmem:$0x1FC80] =	vst v17;
	(erf) = vpow2.f32 v5;
	v12 =	vld.idx.msk [tilespmem:v27+s19+$0x0], $0xffff;
	v5 =	vshrl.u32 v7, $0x17;
	v19 =	vand.u32 $0x7FFFFF, v7  }
0x47e: {  	v17 =	vmov v53;
	[tilespmem:$0x1FC90] =	vst v0;
	v0 =	vld.idx.msk [tilespmem:v31+s19+$0x0], $0xffff;
	v5 =	vadd.s32 $0xFFFFFF81, v5;
	v53 =	vor.u32 $0x3F800000, v19  }
0x47f: {  	v40 =	vmovc v27;
	v16 =	vld.idx.msk [tilespmem:v29+s19+$0x0], $0xffff;
	v27 =	vmovc v35;
	v2 =	vmul.f32 v13, v11;
	vm15 =	vgt.f32 v53, $1.414213540e+00;
	v35 =	vcvt.s32.f32 v5  }
0x480: {  	v11 =	vld.idx.msk [tilespmem:v22+s19+$0x0], $0xffff;
	v19 =	vmul.f32 v10, v63;
	v5 =	vadd.f32 v10, v14;
	v10 =	vsel vm15, $0x3F800000, v61  }
0x481: {  	[tilespmem:$0x1FC70] =	vst v26;
	v61 =	vmul.f32 v14, v9;
	v9 =	vmul.f32 v20, v3;
	v14 =	vadd.f32 v20, v21;
	v20 =	vld [tilespmem:$0x1FCB0]  }
0x482: {  	[tilespmem:$0x1FCA0] =	vst v22;
	(erf) = vrcp.f32 v7;
	v7 =	vmul.f32 v12, v57;
	v13 =	vadd.f32 v13, v12;
	v12 =	vld.idx.msk [tilespmem:v34+s19+$0x0], $0xffff  }
0x483: {  	[tilespmem:$0x1FC10] =	vst v28;
	v28 =	vmovc v31;
	v41 =	vmovc v34;
	v33 =	vmov v25;
	v56 =	vmul.f32 v0, v60;
	v63 =	vmul.f32 $5.000000000e-01, v53  }
0x484: {  	v31 =	vmovc v30;
	v60 =	vadd.f32 v0, v16;
	v34 =	vmov v23;
	v3 =	vld.idx.msk [tilespmem:v23+s19+$0x0], $0xffff;
	v57 =	vadd.f32 v35, v10  }
0x485: {  	v10 =	vmul.f32 v21, v58;
	v0 =	vmul.f32 v11, v18;
	v18 =	vld.idx.msk [tilespmem:v36+s19+$0x0], $0xffff;
	v53 =	vsel vm15, v63, v53  }
0x486: {  	[tilespmem:$0x1FC60] =	vst v24;
	v21 =	vpop (erf);
	v63 =	vmul.f32 v6, v44;
	v44 =	vmov v36;
	v58 =	vmul.f32 v16, v20;
	v20 =	vld.idx.msk [tilespmem:v1+s19+$0x0], $0xffff  }
0x487: {  	s0 =	simm.s32 $0x18;
	v35 =	vmovc v1;
	v15 =	vmul.f32 v12, v15;
	v1 =	vmul.f32 v8, v62;
	v16 =	vld.idx.msk [tilespmem:v30+s19+$0x0], $0xffff;
	v62 =	vadd.f32 $1.000000000e+00, v53  }
.LBB2_15:
0x488: {  	_ =	sdelay $0x2  }
0x489: {  	v39 =	vmul.f32 v20, v39;
	v12 =	vadd.f32 v20, v12;
	v11 =	vadd.f32 v11, v3;
	v20 =	vpop (erf)  }
0x48a: {  	v38 =	vmul.f32 v16, v38;
	v8 =	vadd.f32 v8, v16;
	v16 =	vmul.f32 v20, v21  }
0x48b: {  	(erf) = vrcp.f32 v62  }
0x48c: {  	v6 =	vadd.f32 v6, v18;
	v8 =	vadd.f32 v11, v8;
	v11 =	vmul.f32 v16, v51  }
0x48d: {  	v20 =	vmul.f32 v18, v37;
	v18 =	vmul.f32 v16, v54  }
0x48e: {  	v6 =	vadd.f32 v13, v6;
	v21 =	vld [tilespmem:$0x1FC00];
	v13 =	vmul.f32 v16, v55;
	[tilespmem:v29+s23+$0x0] =	vst.idx.msk $0xffff, v11  }
0x48f: {  	v22 =	vld [tilespmem:$0x1FC50];
	v4 =	vmul.f32 v16, v4;
	[tilespmem:v28+s23+$0x0] =	vst.idx.msk $0xffff, v18  }
0x490: {  	v11 =	vmul.f32 v16, v50;
	[tilespmem:v17+s23+$0x0] =	vst.idx.msk $0xffff, v13  }
0x491: {  	v12 =	vadd.f32 v14, v12;
	v14 =	vmul.f32 v16, v49;
	v17 =	vld [tilespmem:$0x1FC70];
	[tilespmem:v43+s23+$0x0] =	vst.idx.msk $0xffff, v4  }
0x492: {  	s1 =	smov.u32 s0;
	v4 =	vmul.f32 v16, v59;
	[tilespmem:v41+s23+$0x0] =	vst.idx.msk $0xffff, v11  }
0x493: {  	v2 =	vadd.f32 v2, v7;
	v7 =	vld [tilespmem:$0x1FC20];
	v29 =	vadd.s32 s1, v21;
	v21 =	vmul.f32 v16, v48;
	[tilespmem:v35+s23+$0x0] =	vst.idx.msk $0xffff, v14  }
0x494: {  	v18 =	vmul.f32 v16, v52;
	[tilespmem:v27+s23+$0x0] =	vst.idx.msk $0xffff, v4  }
0x495: {  	v6 =	vadd.f32 v8, v6;
	v8 =	vadd.f32 $-1.000000000e+00, v53;
	v11 =	vmul.f32 v16, v47;
	[tilespmem:v33+s23+$0x0] =	vst.idx.msk $0xffff, v21  }
0x496: {  	v30 =	vpop (erf);
	v13 =	vmul.f32 v16, v42;
	[tilespmem:v44+s23+$0x0] =	vst.idx.msk $0xffff, v18  }
0x497: {  	v8 =	vmul.f32 v30, v8;
	v4 =	vmul.f32 v16, v45;
	[tilespmem:v22+s23+$0x0] =	vst.idx.msk $0xffff, v11  }
0x498: {  	v7 =	vmul.f32 v16, v7;
	[tilespmem:v40+s23+$0x0] =	vst.idx.msk $0xffff, v13  }
0x499: {  	v50 =	vmul.f32 v8, v8;
	[tilespmem:v17+s23+$0x0] =	vst.idx.msk $0xffff, v4  }
0x49a: {  	[tilespmem:v31+s23+$0x0] =	vst.idx.msk $0xffff, v7;
	v7 =	vld [tilespmem:$0x1FC10]  }
0x49b: {  	v62 =	vmul.f32 $2.222222240e-01, v50;
	_ =	sdelay $0x1  }
0x49c: {  	v9 =	vadd.f32 v9, v10;
	v10 =	vld [tilespmem:$0x1FC60];
	v13 =	vadd.f32 $2.857142980e-01, v62  }
0x49d: {  	v4 =	vld [tilespmem:$0x1FC30]  }
0x49e: {  	v3 =	vmul.f32 v3, v7;
	v7 =	vmul.f32 v13, v50;
	_ =	sdelay $0x1  }
0x49f: {  	v0 =	vadd.f32 v0, v3;
	v3 =	vadd.f32 $4.000000060e-01, v7;
	v7 =	vld [tilespmem:$0x1FCA0]  }
0x4a0: {  	v17 =	vld [tilespmem:$0x1FC40]  }
0x4a1: {  	v4 =	vmul.f32 v16, v4  }
0x4a2: {  	v19 =	vadd.f32 v19, v61  }
0x4a3: {  	v1 =	vadd.f32 v1, v38;
	v24 =	vor.u32 $0x7, v29;
	[tilespmem:v10+s23+$0x0] =	vst.idx.msk $0xffff, v4;
	v4 =	vadd.f32 v63, v20  }
0x4a4: {  	v36 =	vadd.s32 $0x8, v29;
	v61 =	vadd.s32 $0x9, v29;
	v18 =	vmul.f32 v16, v46  }
0x4a5: {  	v44 =	vmovc v36;
	v16 =	vmul.f32 v16, v17;
	v2 =	vadd.f32 v2, v4;
	v1 =	vadd.f32 v0, v1  }
0x4a6: {  	v22 =	vmov v61;
	[tilespmem:v34+s23+$0x0] =	vst.idx.msk $0xffff, v18;
	v3 =	vmul.f32 v3, v50  }
0x4a7: {  	v15 =	vadd.f32 v39, v15;
	v21 =	vadd.s32 $0xA, v29;
	v1 =	vadd.f32 v1, v2;
	[tilespmem:v7+s23+$0x0] =	vst.idx.msk $0xffff, v16  }
0x4a8: {  	v35 =	vor.u32 $0x1, v29;
	v2 =	vadd.f32 $6.666666860e-01, v3;
	v7 =	vadd.f32 v56, v58;
	v53 =	vld.idx.msk [tilespmem:v24+s18+$0x0], $0xffff  }
0x4a9: {  	v5 =	vadd.f32 v5, v60;
	v11 =	vadd.s32 $0xE, v29;
	v58 =	vld.idx.msk [tilespmem:v29+s18+$0x0], $0xffff  }
0x4aa: {  	v9 =	vadd.f32 v9, v15;
	v2 =	vmul.f32 v2, v50;
	v37 =	vld.idx.msk [tilespmem:v44+s18+$0x0], $0xffff;
	v4 =	vadd.f32 v19, v7  }
0x4ab: {  	v5 =	vadd.f32 v12, v5;
	v43 =	vor.u32 $0x2, v29;
	v0 =	vld.idx.msk [tilespmem:v22+s18+$0x0], $0xffff  }
0x4ac: {  	v30 =	vadd.s32 $0xC, v29;
	v2 =	vadd.f32 $2.000000000e+00, v2;
	v60 =	vld.idx.msk [tilespmem:v21+s18+$0x0], $0xffff;
	v3 =	vadd.f32 v9, v4  }
0x4ad: {  	v49 =	vadd.s32 $0xF, v29;
	v14 =	vadd.s32 $0xD, v29;
	v56 =	vld.idx.msk [tilespmem:v35+s18+$0x0], $0xffff;
	v4 =	vadd.f32 v6, v5  }
0x4ae: {  	v23 =	vmovc v14;
	v13 =	vld.idx.msk [tilespmem:v11+s18+$0x0], $0xffff;
	v6 =	vadd.f32 v1, v3;
	v1 =	vmul.f32 $6.931471820e-01, v57;
	v3 =	vmul.f32 v2, v8  }
0x4af: {  	v41 =	vor.u32 $0x6, v29;
	v31 =	vmov v11;
	v11 =	vld [tilespmem:$0x1FC80]  }
0x4b0: {  	v36 =	vor.u32 $0x5, v29;
	v61 =	vld.idx.msk [tilespmem:v43+s18+$0x0], $0xffff;
	v5 =	vadd.f32 v3, v1  }
0x4b1: {  	v48 =	vadd.s32 $0xB, v29;
	v28 =	vor.u32 $0x4, v29;
	v38 =	vld.idx.msk [tilespmem:v30+s18+$0x0], $0xffff  }
0x4b2: {  	v25 =	vmov v48;
	v3 =	vld.idx.msk [tilespmem:v49+s18+$0x0], $0xffff;
	v9 =	vadd.f32 v5, v32  }
0x4b3: {  	v27 =	vor.u32 $0x3, v29;
	v1 =	vld.idx.msk [tilespmem:v23+s18+$0x0], $0xffff  }
0x4b4: {  	v62 =	vld.idx.msk [tilespmem:v41+s18+$0x0], $0xffff;
	v9 =	vsub.f32 v9, v11  }
0x4b5: {  	v39 =	vld.idx.msk [tilespmem:v36+s18+$0x0], $0xffff  }
0x4b6: {  	v57 =	vld.idx.msk [tilespmem:v28+s18+$0x0], $0xffff;
	v4 =	vmul.f32 v9, v4  }
0x4b7: {  	v2 =	vld.idx.msk [tilespmem:v25+s18+$0x0], $0xffff  }
0x4b8: {  	v5 =	vld.idx.msk [tilespmem:v27+s18+$0x0], $0xffff;
	v9 =	vmax.f32 v13, v3;
	v4 =	vsub.f32 v6, v4;
	v6 =	vmax.f32 v38, v1  }
0x4b9: {  	v6 =	vmax.f32 v6, v9;
	v9 =	vld [tilespmem:$0x1FC90];
	_ =	sdelay $0x1  }
0x4ba: {  	v7 =	vmax.f32 v37, v0  }
0x4bb: {  	v8 =	vmax.f32 v58, v56;
	v10 =	vmax.f32 v62, v53;
	v11 =	vmax.f32 v57, v39  }
0x4bc: {  	v12 =	vmax.f32 v60, v2;
	v10 =	vmax.f32 v11, v10;
	v11 =	vmax.f32 v61, v5  }
0x4bd: {  	v7 =	vmax.f32 v7, v12;
	v9 =	vadd.f32 v4, v9;
	v4 =	vmax.f32 v8, v11  }
0x4be: {  	v6 =	vmax.f32 v7, v6;
	v4 =	vmax.f32 v4, v10  }
0x4bf: {  	v32 =	vmax.f32 v4, v6  }
0x4c0: {  	[tilespmem:$0x1FC90] =	vst v9;
	v6 =	vsub.f32 v0, v32;
	v9 =	vsub.f32 v58, v32  }
0x4c1: {  	[tilespmem:$0x1FC10] =	vst v13;
	v12 =	vsub.f32 v13, v32;
	v13 =	vsub.f32 v60, v32  }
0x4c2: {  	v16 =	vsub.f32 v57, v32;
	v9 =	vmul.f32 $1.442695020e+00, v9  }
0x4c3: {  	v11 =	vsub.f32 v39, v32;
	v6 =	vmul.f32 $1.442695020e+00, v6;
	v13 =	vmul.f32 $1.442695020e+00, v13  }
0x4c4: {  	v4 =	vsub.f32 v56, v32;
	v16 =	vmul.f32 $1.442695020e+00, v16;
	(erf) = vpow2.f32 v9  }
0x4c5: {  	v7 =	vsub.f32 v61, v32;
	v11 =	vmul.f32 $1.442695020e+00, v11;
	(erf) = vpow2.f32 v13  }
0x4c6: {  	v4 =	vmul.f32 $1.442695020e+00, v4;
	v13 =	vsub.f32 v53, v32;
	(erf) = vpow2.f32 v16  }
0x4c7: {  	v19 =	vsub.f32 v38, v32;
	v7 =	vmul.f32 $1.442695020e+00, v7;
	(erf) = vpow2.f32 v11  }
0x4c8: {  	v8 =	vsub.f32 v1, v32;
	v11 =	vmul.f32 $1.442695020e+00, v13;
	(erf) = vpow2.f32 v4  }
0x4c9: {  	v14 =	vsub.f32 v2, v32;
	v19 =	vmul.f32 $1.442695020e+00, v19;
	(erf) = vpow2.f32 v7  }
0x4ca: {  	v18 =	vsub.f32 v37, v32;
	v8 =	vmul.f32 $1.442695020e+00, v8;
	(erf) = vpow2.f32 v11  }
0x4cb: {  	v10 =	vsub.f32 v3, v32;
	v14 =	vmul.f32 $1.442695020e+00, v14;
	(erf) = vpow2.f32 v19  }
0x4cc: {  	v15 =	vsub.f32 v5, v32;
	v4 =	vmul.f32 $1.442695020e+00, v18;
	(erf) = vpow2.f32 v6  }
0x4cd: {  	v10 =	vmul.f32 $1.442695020e+00, v10;
	v51 =	vpop (erf);
	(erf) = vpow2.f32 v14  }
0x4ce: {  	v9 =	vmul.f32 $1.442695020e+00, v15;
	v15 =	vsub.f32 v62, v32;
	(erf) = vpow2.f32 v4;
	v42 =	vpop (erf)  }
0x4cf: {  	v4 =	vmul.f32 $1.442695020e+00, v12;
	v50 =	vpop (erf);
	(erf) = vpow2.f32 v8  }
0x4d0: {  	v20 =	vmov v49;
	v15 =	vmul.f32 $1.442695020e+00, v15;
	v49 =	vpop (erf);
	(erf) = vpow2.f32 v10  }
0x4d1: {  	v54 =	vpop (erf);
	(erf) = vpow2.f32 v4  }
0x4d2: {  	v55 =	vpop (erf);
	(erf) = vpow2.f32 v15  }
0x4d3: {  	v26 =	vmov v21;
	(erf) = vpow2.f32 v9;
	v48 =	vpop (erf)  }
0x4d4: {  	s31 =	sadd.s32 $0x10, s31;
	v11 =	vpop (erf)  }
0x4d5: {  	v8 =	vld [tilespmem:s31+$0x0];
	v47 =	vpop (erf)  }
0x4d6: {  	v45 =	vpop (erf)  }
0x4d7: {  	[tilespmem:$0x1FC50] =	vst v22;
	v52 =	vpop (erf)  }
0x4d8: {  	v18 =	vld.idx.msk [tilespmem:v26+s19+$0x0], $0xffff;
	[tilespmem:$0x1FC20] =	vst v11;
	v6 =	vadd.f32 v45, v42;
	v4 =	vadd.f32 v47, v52;
	v12 =	vpop (erf)  }
0x4d9: {  	v13 =	vpop (erf);
	[tilespmem:$0x1FC30] =	vst v12;
	v12 =	vadd.f32 v12, v11;
	v11 =	vld.idx.msk [tilespmem:v20+s19+$0x0], $0xffff  }
0x4da: {  	[tilespmem:$0x1FC80] =	vst v8;
	v8 =	vmul.f32 $1.442695020e+00, v8;
	v9 =	vadd.f32 v6, v4;
	v46 =	vpop (erf);
	v6 =	vld.idx.msk [tilespmem:v22+s19+$0x0], $0xffff  }
0x4db: {  	v7 =	vadd.f32 v49, v50;
	[tilespmem:$0x1FC40] =	vst v13;
	v22 =	vld.idx.msk [tilespmem:v29+s19+$0x0], $0xffff;
	v13 =	vadd.f32 v13, v46;
	v59 =	vpop (erf)  }
0x4dc: {  	v10 =	vadd.f32 v54, v51;
	(erf) = vpow2.f32 v8;
	v8 =	vld.idx.msk [tilespmem:v23+s19+$0x0], $0xffff;
	v14 =	vadd.f32 v48, v59;
	v4 =	vpop (erf)  }
0x4dd: {  	v15 =	vadd.f32 v4, v55;
	v12 =	vadd.f32 v13, v12;
	v13 =	vld.idx.msk [tilespmem:v25+s19+$0x0], $0xffff  }
0x4de: {  	[tilespmem:$0x1FC70] =	vst v25;
	v25 =	vld.idx.msk [tilespmem:v35+s19+$0x0], $0xffff  }
0x4df: {  	v7 =	vadd.f32 v14, v7;
	v14 =	vld.idx.msk [tilespmem:v43+s19+$0x0], $0xffff;
	v10 =	vadd.f32 v15, v10  }
0x4e0: {  	v9 =	vadd.f32 v12, v9;
	v12 =	vld.idx.msk [tilespmem:v28+s19+$0x0], $0xffff  }
0x4e1: {  	[tilespmem:$0x1FC60] =	vst v23;
	v63 =	vmul.f32 v6, v0;
	v7 =	vadd.f32 v7, v10  }
0x4e2: {  	v33 =	vmovc v24;
	v40 =	vmov v26;
	v0 =	vmul.f32 v11, v3;
	v58 =	vmul.f32 v22, v58;
	v10 =	vld.idx.msk [tilespmem:v27+s19+$0x0], $0xffff  }
0x4e3: {  	v23 =	vld.idx.msk [tilespmem:v24+s19+$0x0], $0xffff;
	v1 =	vmul.f32 v8, v1;
	v2 =	vmul.f32 v13, v2;
	v3 =	vadd.f32 v9, v7  }
0x4e4: {  	v24 =	vld.idx.msk [tilespmem:v41+s19+$0x0], $0xffff;
	v13 =	vadd.f32 v13, v18;
	v56 =	vmul.f32 v25, v56;
	v61 =	vmul.f32 v14, v61  }
0x4e5: {  	v17 =	vmovc v43;
	v43 =	vmovc v27;
	v15 =	vmul.f32 v12, v57;
	v7 =	vshrl.u32 v3, $0x17;
	v9 =	vand.u32 $0x7FFFFF, v3  }
0x4e6: {  	p0 =	sne.s32 s0, $0x78;
	v21 =	vpop (erf);
	(erf) = vrcp.f32 v3;
	v7 =	vadd.s32 $0xFFFFFF81, v7;
	v26 =	vor.u32 $0x3F800000, v9  }
.Ltmp6:
0x4e7: {  	v27 =	vmovc v41;
	v41 =	vmovc v28;
	v19 =	vmul.f32 v10, v5;
	v5 =	vadd.f32 v10, v14;
	vm0 =	vgt.f32 v26, $1.414213540e+00;
	(pc) =	sbr.rel @p0 .LBB2_15-.Ltmp6, $4  }
0x4e8: {  	[tilespmem:$0x1FCA0] =	vst v20;
	v20 =	vld.idx.msk [tilespmem:v36+s19+$0x0], $0xffff;
	v28 =	vmovc v35;
	v35 =	vmovc v36;
	v57 =	vcvt.s32.f32 v7;
	v7 =	vimm.f32 $0.0e+00;
	v36 =	vmul.f32 $5.000000000e-01, v26  }
0x4e9: {  	v34 =	vmovc v31;
	v16 =	vld.idx.msk [tilespmem:v30+s19+$0x0], $0xffff;
	v9 =	vmul.f32 v23, v53;
	v14 =	vadd.f32 v23, v24;
	v10 =	vsel vm0, $0x3F800000, v7  }
0x4ea: {  	v3 =	vld.idx.msk [tilespmem:v31+s19+$0x0], $0xffff;
	v7 =	vmul.f32 v18, v60;
	v60 =	vadd.f32 v25, v22;
	v53 =	vsel vm0, v36, v26  }
0x4eb: {  	s0 =	sadd.s32 $0x10, s0;
	v31 =	vmovc v30;
	v18 =	vld.idx.msk [tilespmem:v44+s19+$0x0], $0xffff;
	v57 =	vadd.f32 v57, v10;
	v10 =	vmul.f32 v24, v62;
	v62 =	vadd.f32 $1.000000000e+00, v53  }
0x4ec: {  	_ = 	snop  }
0x4ed: {  	(erf) = vrcp.f32 v62;
	_ =	sdelay $0x7  }
0x4ee: {  	v22 =	vadd.f32 $-1.000000000e+00, v53;
	v23 =	vpop (erf)  }
0x4ef: {  	v24 =	vpop (erf)  }
0x4f0: {  	v22 =	vmul.f32 v24, v22;
	_ =	sdelay $0x1  }
0x4f1: {  	v24 =	vmul.f32 v22, v22;
	_ =	sdelay $0x1  }
0x4f2: {  	v36 =	vmul.f32 $2.222222240e-01, v24  }
0x4f3: {  	v21 =	vmul.f32 v23, v21  }
0x4f4: {  	v19 =	vadd.f32 v19, v61;
	v23 =	vadd.f32 $2.857142980e-01, v36  }
0x4f5: {  	v2 =	vadd.f32 v2, v7;
	v5 =	vadd.f32 v5, v60;
	v25 =	vmul.f32 v21, v51  }
0x4f6: {  	v12 =	vadd.f32 v20, v12;
	v26 =	vmul.f32 v21, v54;
	v23 =	vmul.f32 v23, v24  }
0x4f7: {  	v8 =	vadd.f32 v8, v16;
	v53 =	vmul.f32 v21, v55;
	[tilespmem:v29+s23+$0x0] =	vst.idx.msk $0xffff, v25  }
0x4f8: {  	v11 =	vadd.f32 v11, v3;
	v4 =	vmul.f32 v21, v4;
	[tilespmem:v28+s23+$0x0] =	vst.idx.msk $0xffff, v26;
	v54 =	vadd.f32 $4.000000060e-01, v23  }
0x4f9: {  	v6 =	vadd.f32 v6, v18;
	v30 =	vmul.f32 v18, v37;
	[tilespmem:v17+s23+$0x0] =	vst.idx.msk $0xffff, v53  }
0x4fa: {  	v55 =	vmul.f32 v20, v39;
	[tilespmem:v43+s23+$0x0] =	vst.idx.msk $0xffff, v4;
	v4 =	vmul.f32 v54, v24  }
0x4fb: {  	v8 =	vadd.f32 v11, v8;
	v61 =	vmul.f32 v21, v50;
	v62 =	vmul.f32 v21, v49  }
0x4fc: {  	v6 =	vadd.f32 v13, v6;
	v39 =	vmul.f32 v21, v52;
	v36 =	vld [tilespmem:$0x1FC10];
	v4 =	vadd.f32 $6.666666860e-01, v4  }
0x4fd: {  	v7 =	vadd.f32 v63, v30;
	v47 =	vmul.f32 v21, v47;
	v52 =	vmul.f32 v21, v42  }
0x4fe: {  	v15 =	vadd.f32 v55, v15;
	v29 =	vmul.f32 v16, v38;
	v4 =	vmul.f32 v4, v24  }
0x4ff: {  	v49 =	vld [tilespmem:$0x1FC50];
	v6 =	vadd.f32 v8, v6;
	v38 =	vmul.f32 v21, v48;
	v2 =	vadd.f32 v2, v7  }
0x500: {  	v26 =	vadd.f32 v14, v12;
	v28 =	vmul.f32 v21, v59;
	v4 =	vadd.f32 $2.000000000e+00, v4  }
0x501: {  	v55 =	vld [tilespmem:$0x1FC70];
	v1 =	vadd.f32 v1, v29;
	v53 =	vmul.f32 v21, v45;
	v37 =	vmul.f32 v3, v36  }
0x502: {  	v60 =	vld [tilespmem:$0x1FC60];
	v43 =	vadd.f32 v56, v58;
	[tilespmem:v41+s23+$0x0] =	vst.idx.msk $0xffff, v61;
	v41 =	vmul.f32 $6.931471820e-01, v57;
	v4 =	vmul.f32 v4, v22  }
0x503: {  	[tilespmem:v35+s23+$0x0] =	vst.idx.msk $0xffff, v62;
	v35 =	vadd.f32 v9, v10;
	v54 =	vld [tilespmem:$0x1FC80];
	v0 =	vadd.f32 v0, v37  }
0x504: {  	v56 =	vld [tilespmem:$0x1FC20];
	v50 =	vadd.f32 v19, v43;
	[tilespmem:v27+s23+$0x0] =	vst.idx.msk $0xffff, v28;
	v48 =	vadd.f32 v4, v41  }
0x505: {  	v58 =	vld [tilespmem:$0x1FC30];
	[tilespmem:v33+s23+$0x0] =	vst.idx.msk $0xffff, v38;
	v8 =	vadd.f32 v35, v15;
	v0 =	vadd.f32 v0, v1  }
0x506: {  	v51 =	vadd.f32 v26, v5;
	v62 =	vld [tilespmem:$0x1FCA0];
	[tilespmem:v44+s23+$0x0] =	vst.idx.msk $0xffff, v39;
	v3 =	vadd.f32 v48, v32  }
0x507: {  	v61 =	vld [tilespmem:$0x1FC40];
	[tilespmem:v49+s23+$0x0] =	vst.idx.msk $0xffff, v47;
	v1 =	vadd.f32 v8, v50;
	v0 =	vadd.f32 v0, v2  }
0x508: {  	s30 =	sadd.s32 $0x1, s30;
	[tilespmem:v40+s23+$0x0] =	vst.idx.msk $0xffff, v52;
	v4 =	vadd.f32 v6, v51;
	v3 =	vsub.f32 v3, v54  }
0x509: {  	p0 =	sne.s32 s30, $0x8;
	v63 =	vld [tilespmem:$0x1FC90];
	[tilespmem:v55+s23+$0x0] =	vst.idx.msk $0xffff, v53;
	v2 =	vmul.f32 v21, v56  }
.Ltmp7:
0x50a: {  	v0 =	vadd.f32 v0, v1;
	v57 =	vmul.f32 v3, v4;
	v3 =	vmul.f32 v21, v58;
	(pc) =	sbr.rel @p0 .LBB2_14-.Ltmp7, $4  }
0x50b: {  	v59 =	vmul.f32 v21, v46;
	[tilespmem:v31+s23+$0x0] =	vst.idx.msk $0xffff, v2  }
0x50c: {  	[tilespmem:v60+s23+$0x0] =	vst.idx.msk $0xffff, v3;
	v3 =	vmul.f32 v21, v61;
	v0 =	vsub.f32 v0, v57  }
0x50d: {  	[tilespmem:v34+s23+$0x0] =	vst.idx.msk $0xffff, v59  }
0x50e: {  	v61 =	vimm.f32 $0.0e+00;
	[tilespmem:v62+s23+$0x0] =	vst.idx.msk $0xffff, v3;
	v33 =	vadd.f32 v0, v63  }
0x50f: {  	[hbm4b:s14+s2] =	stream.linear.scatter [tilespmem:s23], [sflag:$0x4], $0x4400, $0x38;
	[tilespmem:$0x19900] =	vst v63  }
0x510: {  	_ =	swait.ge [sflag:s24], $0x4400  }
0x511: {  	[sflag:s24] =	ssyncset.done $0x0  }
0x512: {  	[sflag:s24] =	ssyncadd.s32 $0xFFFFBC00  }
0x513: {  	_ =	swait.ge [sflag:s25], $0x4400  }
0x514: {  	s29 =	sadd.s32 $0x1, s29;
	[sflag:s25] =	ssyncset.done $0x0  }
0x515: {  	p0 =	sne.s32 s29, s16;
	[sflag:s25] =	ssyncadd.s32 $0xFFFFBC00  }
.Ltmp8:
0x516: {  	[tilespmem:$0x19880] =	vst v33;
	(pc) =	sbr.rel @p0 .LBB2_1-.Ltmp8, $4  }
0x517: {  	[hbm4b:s15+s2] =	stream.linear.scatter [tilespmem:s26], [sflag:$0x5], $0x80, $0x38;
	[tilespmem:$0x19900] =	vst v63  }
0x518: {  	_ =	swait.ge [sflag:s28], $0x80  }
0x519: {  	[sflag:s28] =	ssyncset.done $0x0  }
0x51a: {  	[sflag:s28] =	ssyncadd.s32 $0xFFFFFF80  }
0x51b: {  	_ =	sfence.sel $0x180000  }
0x51c: {  	[bflag:$0x0] =	sbarrier.arrive $0xFFFF  }
0x51d: {  	_ =	strace $0x90000047  }
0x51e: {  	s0 =	stileid.u32;
	[bflag:$0x2] =	sbarrier.arrive $0xFFFF  }
0x51f: {  	p0 =	sne.s32 s0, $0x0;
	s0 =	rddreg [dreg:$0x2]  }
0x520: {  	s0 =	sadd.s32 @!p0 $0x100000, s0  }
0x521: {  	[sflag:s0] =	ssyncadd.tile.s32 @!p0 $0x1;
	_ =	shalt  }
.Lfunc_end2:
_tile_overlayer_lowered:
.L_overlay_start_2:
0x522: {  	(tag) =	ssettag $0x2  }
0x523: {  	s0 =	rddreg [dreg:$0x0];
	s2 =	stileid.u32  }
0x524: {  	s1 =	rddreg [dreg:$0x1];
	p0 =	sne.s32 s2, $0x0  }
0x525: {  	s3 =	rddreg [dreg:$0x2];
	[bflag:$0x3] =	sbarrier.arrive $0xFFFF;
	s2 =	simm.s32 @!p0 $0x1C05  }
0x526: {  	[timem:s3], [sflag:s2] =	dma.local @!p0 [hbm:s0], s1  }
0x527: {  	s0 =	simm.s32 @!p0 $0x5  }
0x528: {  	_ =	swait.ge @!p0 [sflag:s0], s1  }
0x529: {  	s1 =	ssub.s32 @!p0 $0x0, s1;
	[sflag:s0] =	ssyncset.done @!p0 $0x0  }
0x52a: {  	[sflag:s0] =	ssyncadd.s32 @!p0 s1  }
0x52b: {  	[bflag:$0x3] =	sbarrier.arrive $0xFFFF  }
0x52c: {  	_ =	shalt  }

</sc_bundles>
